<compile_context>
chip_gen: v7x
topology: tpu7x:2x2x1
jax: 0.10.2.dev20260603
libtpu: 0.0.44.dev20260713+nightly
codegen_flags: <defaults>
</compile_context>

<pallas_src>
import jax
import jax.numpy as jnp
from jax import lax
from jax.experimental import pallas as pl
from jax.experimental.pallas import tpu as pltpu
from jax.experimental.pallas import tpu_sc as plsc

_N = 10000
_E = 160000
_CH = 128
_NCH = _E // _CH
_NC, _NS = 2, 16
_NW = _NC * _NS
_ITERS = -(-_NCH // _NW)
_ZR = 40
_TROWS = 640


def _sc_agg(nslab, gather, tail, dtype):
    mesh = plsc.VectorSubcoreMesh(core_axis_name="c", subcore_axis_name="s")
    out_type = [jax.ShapeDtypeStruct((_NC, _N) + tail, dtype)
                for _ in range(nslab)]
    scratch = [
        pltpu.VMEM_SHARED((_N,) + tail, dtype),
        pltpu.VMEM((_ZR,) + tail, dtype),
        pltpu.VMEM((_CH,) + tail, dtype),
        pltpu.VMEM((_CH,) + tail, dtype),
        pltpu.VMEM((_ITERS, _CH), jnp.int32),
        pltpu.VMEM((_ITERS, _CH), jnp.int32),
        pltpu.SemaphoreType.DMA,
        pltpu.SemaphoreType.DMA,
        pltpu.SemaphoreType.DMA,
    ]

    def body(*refs):
        n_in = (3 if gather else 2) + nslab
        ins, outs = refs[:n_in], refs[n_in:n_in + nslab]
        (acc, zbuf, rows0, rows1, srci, dsti,
         gsem0, gsem1, fsem) = refs[n_in + nslab:]
        if gather:
            src_h, dst_h, fill_h = ins[0], ins[1], ins[2]
            tbls = ins[3:]
        else:
            dst_h, fill_h, ones_h = ins[0], ins[1], ins[2]
            tbls = ()

        c = lax.axis_index("c")
        t = lax.axis_index("s")
        w = t * _NC + c
        c0 = _ITERS * w
        nv = lax.min(_ITERS, _NCH - c0)

        pltpu.sync_copy(fill_h, zbuf)

        def zero_fire(j, carry):
            r = _TROWS * t + _ZR * j

            @pl.when(r < _N)
            def _():
                pltpu.async_copy(zbuf, acc.at[pl.ds(r, _ZR)], fsem)
            return carry

        def zero_drain(j, carry):
            r = _TROWS * t + _ZR * j

            @pl.when(r < _N)
            def _():
                pltpu.make_async_copy(zbuf, acc.at[pl.ds(r, _ZR)],
                                      fsem).wait()
            return carry

        lax.fori_loop(0, _TROWS // _ZR, zero_fire, 0)
        pltpu.sync_copy(dst_h.at[pl.ds(c0, _ITERS)], dsti)
        if gather:
            pltpu.sync_copy(src_h.at[pl.ds(c0, _ITERS)], srci)
        else:
            pltpu.sync_copy(ones_h, rows0)

        rbufs = (rows0, rows1)
        gsems = (gsem0, gsem1)

        for s in range(nslab):
            lax.fori_loop(0, _TROWS // _ZR, zero_drain, 0)
            plsc.subcore_barrier()

            if gather:
                def start(j, b, tb=s):
                    pltpu.async_copy(tbls[tb].at[srci.at[j]], rbufs[b],
                                     gsems[b])

                def finish(j, b):
                    pltpu.make_async_copy(tbls[s].at[srci.at[j]], rbufs[b],
                                          gsems[b]).wait()
                    pltpu.sync_copy(rbufs[b], acc.at[dsti.at[j]], add=True)

                if s == 0:
                    start(0, 0)

                def edge_body(i, carry):
                    j0 = 2 * i
                    j1 = 2 * i + 1
                    j2 = 2 * i + 2

                    @pl.when(j1 < nv)
                    def _():
                        start(j1, 1)

                    @pl.when(j0 < nv)
                    def _():
                        finish(j0, 0)

                    @pl.when(j2 < nv)
                    def _():
                        start(j2, 0)

                    @pl.when(j1 < nv)
                    def _():
                        finish(j1, 1)
                    return carry
                lax.fori_loop(0, _ITERS // 2, edge_body, 0)
                if s + 1 < nslab:
                    start(0, 0, tb=s + 1)
            else:
                def edge_body(i, carry):
                    @pl.when(i < nv)
                    def _():
                        pltpu.sync_copy(rows0, acc.at[dsti.at[i]], add=True)
                    return carry
                lax.fori_loop(0, _ITERS, edge_body, 0)
            plsc.subcore_barrier()

            r0 = _TROWS * t

            @pl.when(t < _NS - 1)
            def _():
                pltpu.sync_copy(acc.at[pl.ds(r0, _TROWS)],
                                outs[s].at[c, pl.ds(r0, _TROWS)])

            @pl.when(t == _NS - 1)
            def _():
                pltpu.sync_copy(acc.at[pl.ds(r0, _N - (_NS - 1) * _TROWS)],
                                outs[s].at[c, pl.ds(r0, _N - (_NS - 1)
                                                    * _TROWS)])

            if s + 1 < nslab:
                lax.fori_loop(0, _TROWS // _ZR, zero_fire, 0)

    return pl.kernel(body, out_type=out_type, mesh=mesh,
                     scratch_types=scratch)


def _pad2d(idx):
    return jnp.pad(idx, (0, _ITERS * _NW * _CH - _E)).reshape(-1, _CH)


def _agg_deg(dst2d):
    fill = jnp.zeros((_ZR, 128), jnp.float32)
    ones = jnp.ones((_CH, 128), jnp.float32)
    (degp,) = _sc_agg(1, False, (128,), jnp.float32)(dst2d, fill, ones)
    return degp


def _agg_f32(src2d, dst2d, tables):
    fill = jnp.zeros((_ZR, 128), jnp.float32)
    return _sc_agg(len(tables), True, (128,), jnp.float32)(
        src2d, dst2d, fill, *tables)


_R = 1000


def _tc_scale_x(degp, x):
    def body(degp_ref, x_ref, xp0_ref, xp1_ref, s16_ref):
        deg = degp_ref[0, :, 0:1] + degp_ref[1, :, 0:1] + 1.0
        s = lax.rsqrt(deg)
        xs = x_ref[...] * s
        xp0_ref[...] = xs[:, :128]
        xp1_ref[...] = xs[:, 128:]
        s16_ref[...] = jnp.broadcast_to(s, (_R, 16))

    return pl.pallas_call(
        body,
        grid=(_N // _R,),
        in_specs=[pl.BlockSpec((2, _R, 128), lambda i: (0, i, 0)),
                  pl.BlockSpec((_R, 256), lambda i: (i, 0))],
        out_specs=[pl.BlockSpec((_R, 128), lambda i: (i, 0)),
                   pl.BlockSpec((_R, 128), lambda i: (i, 0)),
                   pl.BlockSpec((_R, 16), lambda i: (i, 0))],
        out_shape=[jax.ShapeDtypeStruct((_N, 128), jnp.float32),
                   jax.ShapeDtypeStruct((_N, 128), jnp.float32),
                   jax.ShapeDtypeStruct((_N, 16), jnp.float32)],
    )(degp, x)


def _tc_mm1(s16, xps, qs, W1, b1):
    def body(s16_ref, xp0, xp1, q0, q1, w_ref, b_ref, o0, o1, o2, o3):
        s = s16_ref[:, 0:1]
        a0 = s * (q0[0] + q0[1] + xp0[...])
        a1 = s * (q1[0] + q1[1] + xp1[...])
        a = jnp.concatenate([a0, a1], axis=1)
        h = jnp.dot(a, w_ref[...], preferred_element_type=jnp.float32)
        h = jnp.maximum(h + b_ref[...], 0.0) * s
        o0[...] = h[:, 0:128]
        o1[...] = h[:, 128:256]
        o2[...] = h[:, 256:384]
        o3[...] = h[:, 384:512]

    slab = pl.BlockSpec((_R, 128), lambda i: (i, 0))
    part = pl.BlockSpec((2, _R, 128), lambda i: (0, i, 0))
    return pl.pallas_call(
        body,
        grid=(_N // _R,),
        in_specs=[pl.BlockSpec((_R, 16), lambda i: (i, 0)),
                  slab, slab, part, part,
                  pl.BlockSpec((256, 512), lambda i: (0, 0)),
                  pl.BlockSpec((1, 512), lambda i: (0, 0))],
        out_specs=[slab, slab, slab, slab],
        out_shape=[jax.ShapeDtypeStruct((_N, 128), jnp.float32)
                   for _ in range(4)],
    )(s16, xps[0], xps[1], qs[0], qs[1], W1, b1.reshape(1, 512))


def _tc_mm23(s16, hps, rs, W2, b2, W3p):
    def body(s16_ref, h0, h1, h2r, h3, r0, r1, r2, r3, w2_ref, b2_ref,
             w3_ref, out_ref):
        s = s16_ref[:, 0:1]
        hs = (h0, h1, h2r, h3)
        rsl = (r0, r1, r2, r3)
        a = jnp.concatenate(
            [s * (rsl[k][0] + rsl[k][1] + hs[k][...]) for k in range(4)],
            axis=1)
        h = jnp.dot(a, w2_ref[...], preferred_element_type=jnp.float32)
        h = jnp.maximum(h + b2_ref[...], 0.0)
        t = jnp.dot(h, w3_ref[...], preferred_element_type=jnp.float32)
        out_ref[...] = t * s

    slab = pl.BlockSpec((_R, 128), lambda i: (i, 0))
    part = pl.BlockSpec((2, _R, 128), lambda i: (0, i, 0))
    return pl.pallas_call(
        body,
        grid=(_N // _R,),
        in_specs=[pl.BlockSpec((_R, 16), lambda i: (i, 0)),
                  slab, slab, slab, slab, part, part, part, part,
                  pl.BlockSpec((512, 512), lambda i: (0, 0)),
                  pl.BlockSpec((1, 512), lambda i: (0, 0)),
                  pl.BlockSpec((512, 128), lambda i: (0, 0))],
        out_specs=pl.BlockSpec((_R, 128), lambda i: (i, 0)),
        out_shape=jax.ShapeDtypeStruct((_N, 128), jnp.float32),
    )(s16, hps[0], hps[1], hps[2], hps[3], rs[0], rs[1], rs[2], rs[3],
      W2, b2.reshape(1, 512), W3p)


def _tc_final(s16, tp, u, b3p):
    def body(s16_ref, tp_ref, u_ref, b_ref, out_ref):
        s = s16_ref[:, 0:1]
        out_ref[...] = s * (u_ref[0] + u_ref[1] + tp_ref[...]) + b_ref[...]

    return pl.pallas_call(
        body,
        grid=(_N // _R,),
        in_specs=[pl.BlockSpec((_R, 16), lambda i: (i, 0)),
                  pl.BlockSpec((_R, 128), lambda i: (i, 0)),
                  pl.BlockSpec((2, _R, 128), lambda i: (0, i, 0)),
                  pl.BlockSpec((1, 128), lambda i: (0, 0))],
        out_specs=pl.BlockSpec((_R, 128), lambda i: (i, 0)),
        out_shape=jax.ShapeDtypeStruct((_N, 128), jnp.float32),
    )(s16, tp, u, b3p)


def kernel(x, edge_index, W1, b1, W2, b2, W3, b3):
    src = _pad2d(edge_index[0])
    dst = _pad2d(edge_index[1])
    W3p = jnp.pad(W3, ((0, 0), (0, 88)))
    b3p = jnp.pad(b3, (0, 88)).reshape(1, 128)

    degp = _agg_deg(dst)
    xp0, xp1, s16 = _tc_scale_x(degp, x)
    qs = _agg_f32(src, dst, [xp0, xp1])
    hps = _tc_mm1(s16, (xp0, xp1), qs, W1, b1)
    rs = _agg_f32(src, dst, hps)
    tp = _tc_mm23(s16, hps, rs, W2, b2, W3p)
    (u,) = _agg_f32(src, dst, [tp])
    out = _tc_final(s16, tp, u, b3p)
    return out[:, :40]

# --- scband reference (transcript-rebuilt; emitter-appended) ---
"""Pipeline reference for scband-gcnclassifier-44676249813702 (READ-ONLY COPY).

The authoritative reference and input builder live on the scoring server;
editing this copy changes nothing except your own understanding.
"""

import jax, jax.numpy as jnp
import numpy as np

N = 10000
E = 160000
D_IN = 256
D_HID = 512
D_OUT = 40


def setup_inputs(seed: int = 0) -> dict:
    key = jax.random.key(seed)
    ks = jax.random.split(key, 9)
    x = jax.random.normal(ks[0], (N, D_IN), dtype=jnp.float32)
    edge_index = jax.random.randint(ks[1], (2, E), 0, N, dtype=jnp.int32)
    W1 = jax.random.normal(ks[2], (D_IN, D_HID), dtype=jnp.float32) * (1.0 / np.sqrt(D_IN))
    b1 = jnp.zeros((D_HID,), dtype=jnp.float32)
    W2 = jax.random.normal(ks[3], (D_HID, D_HID), dtype=jnp.float32) * (1.0 / np.sqrt(D_HID))
    b2 = jnp.zeros((D_HID,), dtype=jnp.float32)
    W3 = jax.random.normal(ks[4], (D_HID, D_OUT), dtype=jnp.float32) * (1.0 / np.sqrt(D_HID))
    b3 = jnp.zeros((D_OUT,), dtype=jnp.float32)
    return {"x": x, "edge_index": edge_index, "W1": W1, "b1": b1, "W2": W2, "b2": b2, "W3": W3, "b3": b3}


def _gcn_conv(x, src, dst, norm, W, b, n_nodes):
    # PyG GCNConv: linear transform first, then normalized aggregation, then bias
    h = x @ W
    msgs = h[src] * norm[:, None]
    out = jax.ops.segment_sum(msgs, dst, num_segments=n_nodes)
    return out + b


def _build_norm(edge_index, n_nodes):
    # add self loops
    loop = jnp.arange(n_nodes, dtype=edge_index.dtype)
    src = jnp.concatenate([edge_index[0], loop])
    dst = jnp.concatenate([edge_index[1], loop])
    # symmetric normalization D^{-1/2} (A+I) D^{-1/2}
    ones = jnp.ones(src.shape[0], dtype=jnp.float32)
    deg = jax.ops.segment_sum(ones, dst, num_segments=n_nodes)
    deg_inv_sqrt = jnp.where(deg > 0, 1.0 / jnp.sqrt(deg), 0.0)
    norm = deg_inv_sqrt[src] * deg_inv_sqrt[dst]
    return src, dst, norm


def reference(x, edge_index, W1, b1, W2, b2, W3, b3):
    src, dst, norm = _build_norm(edge_index, N)
    h = _gcn_conv(x, src, dst, norm, W1, b1, N)
    h = jax.nn.relu(h)
    h = _gcn_conv(h, src, dst, norm, W2, b2, N)
    h = jax.nn.relu(h)
    out = _gcn_conv(h, src, dst, norm, W3, b3, N)
    return out

if __name__ == "__main__":
    import jax
    _d = setup_inputs()
    print(jax.jit(kernel)(*tuple(_d.values())))

</pallas_src>

<mosaic_0001>
#map = affine_map<(d0, d1) -> (0, 0)>
#map1 = affine_map<(d0, d1) -> (0, 0, 0)>
module attributes {stable_mosaic.version = 14 : i64} {
  func.func @body(%arg0: i32, %arg1: i32, %arg2: memref<1280x128xi32, #tpu.memory_space<hbm>>, %arg3: memref<1280x128xi32, #tpu.memory_space<hbm>>, %arg4: memref<40x128xf32, #tpu.memory_space<hbm>>, %arg5: memref<10000x128xf32, #tpu.memory_space<hbm>>, %arg6: memref<10000x128xf32, #tpu.memory_space<hbm>>, %arg7: memref<2x10000x128xf32, #tpu.memory_space<hbm>>, %arg8: memref<2x10000x128xf32, #tpu.memory_space<hbm>>, %arg9: memref<10000x128xf32, #tpu.memory_space<vmem_shared>>, %arg10: memref<40x128xf32, #tpu.memory_space<vmem>>, %arg11: memref<128x128xf32, #tpu.memory_space<vmem>>, %arg12: memref<128x128xf32, #tpu.memory_space<vmem>>, %arg13: memref<40x128xi32, #tpu.memory_space<vmem>>, %arg14: memref<40x128xi32, #tpu.memory_space<vmem>>, %arg15: memref<!tpu.dma_semaphore, #tpu.memory_space<semaphore_mem>>, %arg16: memref<!tpu.dma_semaphore, #tpu.memory_space<semaphore_mem>>, %arg17: memref<!tpu.dma_semaphore, #tpu.memory_space<semaphore_mem>>) attributes {dimension_semantics = [#tpu.dimension_semantics<core_parallel>, #tpu.dimension_semantics<subcore_parallel>], iteration_bounds = array<i64: 2, 16>, scalar_prefetch = 0 : i64, scratch_operands = 9 : i64, tpu.core_type = #tpu.core_type<sc_vector_subcore>, window_params = [{transform_indices = #map}, {transform_indices = #map}, {transform_indices = #map}, {transform_indices = #map}, {transform_indices = #map}, {transform_indices = #map1}, {transform_indices = #map1}]} {
    %mul3A = arith.constant 2 : i32
    %mul3A_0 = arith.muli %arg1, %mul3A : i32
    %add3A = arith.addi %mul3A_0, %arg0 : i32
    %mul3A_1 = arith.constant 40 : i32
    %mul3A_2 = arith.muli %mul3A_1, %add3A : i32
    %sub3A = arith.constant 1250 : i32
    %sub3A_3 = arith.subi %sub3A, %mul3A_2 : i32
    %min3A = arith.constant 40 : i32
    %min3A_4 = arith.minsi %min3A, %sub3A_3 : i32
    "tpu.region"() ({
      %run_scoped3A = tpu.sem_alloc : memref<!tpu.dma_semaphore, #tpu.memory_space<semaphore_mem>>
      tpu.enqueue_dma source(%arg4 : memref<40x128xf32, #tpu.memory_space<hbm>>) target(%arg10 : memref<40x128xf32, #tpu.memory_space<vmem>>) target_semaphore(%run_scoped3A : memref<!tpu.dma_semaphore, #tpu.memory_space<semaphore_mem>>)
      tpu.wait_dma2 semaphore(%run_scoped3A : memref<!tpu.dma_semaphore, #tpu.memory_space<semaphore_mem>>) src(%arg4 : memref<40x128xf32, #tpu.memory_space<hbm>>) dst(%arg10 : memref<40x128xf32, #tpu.memory_space<vmem>>)
      tpu.yield
    }) : () -> ()
    %scan3A = arith.constant 0 : i32
    %scan3A_5 = arith.constant 0 : i32
    %scan3A_6 = arith.constant 16 : i32
    %scan3A_7 = arith.addi %scan3A_5, %scan3A_6 : i32
    %scan3A_8 = arith.constant 1 : i32
    scf.for %scan3A_76 = %scan3A_5 to %scan3A_7 step %scan3A_8  : i32 {
      %mul3A_77 = arith.constant 640 : i32
      %mul3A_78 = arith.muli %mul3A_77, %arg1 : i32
      %mul3A_79 = arith.constant 40 : i32
      %mul3A_80 = arith.muli %mul3A_79, %scan3A_76 : i32
      %add3A_81 = arith.addi %mul3A_78, %mul3A_80 : i32
      %lt3A_82 = arith.constant 10000 : i32
      %lt3A_83 = arith.cmpi slt, %add3A_81, %lt3A_82 : i32
      %convert_element_type3A_84 = arith.extui %lt3A_83 : i1 to i32
      %cond3A_85 = arith.constant 0 : i32
      %cond3A_86 = arith.cmpi ne, %convert_element_type3A_84, %cond3A_85 : i32
      scf.if %cond3A_86 {
        %dma_start3A_87 = arith.constant 0 : i32
        %dma_start3A_88 = tpu.memref_slice %arg9[%add3A_81, %dma_start3A_87] : memref<10000x128xf32, #tpu.memory_space<vmem_shared>> -> memref<40x128xf32, #tpu.memory_space<vmem_shared>>
        %dma_start3A_89 = arith.constant 0 : i32
        %dma_start3A_90 = tpu.memref_slice %arg9[%add3A_81, %dma_start3A_89] : memref<10000x128xf32, #tpu.memory_space<vmem_shared>> -> memref<40x128xf32, #tpu.memory_space<vmem_shared>>
        tpu.enqueue_dma source(%arg10 : memref<40x128xf32, #tpu.memory_space<vmem>>) target(%dma_start3A_90 : memref<40x128xf32, #tpu.memory_space<vmem_shared>>) target_semaphore(%arg17 : memref<!tpu.dma_semaphore, #tpu.memory_space<semaphore_mem>>)
      } else {
      }
    }
    %scan3A_9 = arith.constant 16 : i32
    "tpu.region"() ({
      %run_scoped3A = tpu.sem_alloc : memref<!tpu.dma_semaphore, #tpu.memory_space<semaphore_mem>>
      %dma_start3A_76 = arith.constant 0 : i32
      %dma_start3A_77 = tpu.memref_slice %arg3[%mul3A_2, %dma_start3A_76] : memref<1280x128xi32, #tpu.memory_space<hbm>> -> memref<40x128xi32, #tpu.memory_space<hbm>>
      %dma_start3A_78 = arith.constant 0 : i32
      %dma_start3A_79 = tpu.memref_slice %arg3[%mul3A_2, %dma_start3A_78] : memref<1280x128xi32, #tpu.memory_space<hbm>> -> memref<40x128xi32, #tpu.memory_space<hbm>>
      tpu.enqueue_dma source(%dma_start3A_79 : memref<40x128xi32, #tpu.memory_space<hbm>>) target(%arg14 : memref<40x128xi32, #tpu.memory_space<vmem>>) target_semaphore(%run_scoped3A : memref<!tpu.dma_semaphore, #tpu.memory_space<semaphore_mem>>)
      %dma_wait3A = arith.constant 0 : i32
      %dma_wait3A_80 = tpu.memref_slice %arg3[%mul3A_2, %dma_wait3A] : memref<1280x128xi32, #tpu.memory_space<hbm>> -> memref<40x128xi32, #tpu.memory_space<hbm>>
      %dma_wait3A_81 = arith.constant 0 : i32
      %dma_wait3A_82 = tpu.memref_slice %arg3[%mul3A_2, %dma_wait3A_81] : memref<1280x128xi32, #tpu.memory_space<hbm>> -> memref<40x128xi32, #tpu.memory_space<hbm>>
      tpu.wait_dma2 semaphore(%run_scoped3A : memref<!tpu.dma_semaphore, #tpu.memory_space<semaphore_mem>>) src(%dma_wait3A_82 : memref<40x128xi32, #tpu.memory_space<hbm>>) dst(%arg14 : memref<40x128xi32, #tpu.memory_space<vmem>>)
      tpu.yield
    }) : () -> ()
    "tpu.region"() ({
      %run_scoped3A = tpu.sem_alloc : memref<!tpu.dma_semaphore, #tpu.memory_space<semaphore_mem>>
      %dma_start3A_76 = arith.constant 0 : i32
      %dma_start3A_77 = tpu.memref_slice %arg2[%mul3A_2, %dma_start3A_76] : memref<1280x128xi32, #tpu.memory_space<hbm>> -> memref<40x128xi32, #tpu.memory_space<hbm>>
      %dma_start3A_78 = arith.constant 0 : i32
      %dma_start3A_79 = tpu.memref_slice %arg2[%mul3A_2, %dma_start3A_78] : memref<1280x128xi32, #tpu.memory_space<hbm>> -> memref<40x128xi32, #tpu.memory_space<hbm>>
      tpu.enqueue_dma source(%dma_start3A_79 : memref<40x128xi32, #tpu.memory_space<hbm>>) target(%arg13 : memref<40x128xi32, #tpu.memory_space<vmem>>) target_semaphore(%run_scoped3A : memref<!tpu.dma_semaphore, #tpu.memory_space<semaphore_mem>>)
      %dma_wait3A = arith.constant 0 : i32
      %dma_wait3A_80 = tpu.memref_slice %arg2[%mul3A_2, %dma_wait3A] : memref<1280x128xi32, #tpu.memory_space<hbm>> -> memref<40x128xi32, #tpu.memory_space<hbm>>
      %dma_wait3A_81 = arith.constant 0 : i32
      %dma_wait3A_82 = tpu.memref_slice %arg2[%mul3A_2, %dma_wait3A_81] : memref<1280x128xi32, #tpu.memory_space<hbm>> -> memref<40x128xi32, #tpu.memory_space<hbm>>
      tpu.wait_dma2 semaphore(%run_scoped3A : memref<!tpu.dma_semaphore, #tpu.memory_space<semaphore_mem>>) src(%dma_wait3A_82 : memref<40x128xi32, #tpu.memory_space<hbm>>) dst(%arg13 : memref<40x128xi32, #tpu.memory_space<vmem>>)
      tpu.yield
    }) : () -> ()
    %scan3A_10 = arith.constant 0 : i32
    %scan3A_11 = arith.constant 0 : i32
    %scan3A_12 = arith.constant 16 : i32
    %scan3A_13 = arith.addi %scan3A_11, %scan3A_12 : i32
    %scan3A_14 = arith.constant 1 : i32
    scf.for %scan3A_76 = %scan3A_11 to %scan3A_13 step %scan3A_14  : i32 {
      %mul3A_77 = arith.constant 640 : i32
      %mul3A_78 = arith.muli %mul3A_77, %arg1 : i32
      %mul3A_79 = arith.constant 40 : i32
      %mul3A_80 = arith.muli %mul3A_79, %scan3A_76 : i32
      %add3A_81 = arith.addi %mul3A_78, %mul3A_80 : i32
      %lt3A_82 = arith.constant 10000 : i32
      %lt3A_83 = arith.cmpi slt, %add3A_81, %lt3A_82 : i32
      %convert_element_type3A_84 = arith.extui %lt3A_83 : i1 to i32
      %cond3A_85 = arith.constant 0 : i32
      %cond3A_86 = arith.cmpi ne, %convert_element_type3A_84, %cond3A_85 : i32
      scf.if %cond3A_86 {
        %dma_wait3A = arith.constant 0 : i32
        %dma_wait3A_87 = tpu.memref_slice %arg9[%add3A_81, %dma_wait3A] : memref<10000x128xf32, #tpu.memory_space<vmem_shared>> -> memref<40x128xf32, #tpu.memory_space<vmem_shared>>
        %dma_wait3A_88 = arith.constant 0 : i32
        %dma_wait3A_89 = tpu.memref_slice %arg9[%add3A_81, %dma_wait3A_88] : memref<10000x128xf32, #tpu.memory_space<vmem_shared>> -> memref<40x128xf32, #tpu.memory_space<vmem_shared>>
        tpu.wait_dma2 semaphore(%arg17 : memref<!tpu.dma_semaphore, #tpu.memory_space<semaphore_mem>>) src(%arg10 : memref<40x128xf32, #tpu.memory_space<vmem>>) dst(%dma_wait3A_89 : memref<40x128xf32, #tpu.memory_space<vmem_shared>>)
      } else {
      }
    }
    %scan3A_15 = arith.constant 16 : i32
    %barrier3A = arith.constant 0 : index
    tpu.barrier barrier_id(%barrier3A)
    %dma_start3A = arith.constant 0 : i32
    %dma_start3A_16 = arith.constant 0 : i32
    %dma_start3A_17 = tpu.memref_slice %arg13[%dma_start3A, %dma_start3A_16] : memref<40x128xi32, #tpu.memory_space<vmem>> -> memref<1x128xi32, #tpu.memory_space<vmem>>
    %dma_start3A_18 = tpu.memref_squeeze %dma_start3A_17 : memref<1x128xi32, #tpu.memory_space<vmem>> -> memref<128xi32, #tpu.memory_space<vmem>>
    %dma_start3A_19 = arith.constant 0 : i32
    %dma_start3A_20 = arith.constant 0 : i32
    %dma_start3A_21 = tpu.memref_slice %arg5[%dma_start3A_19, %dma_start3A_20] : memref<10000x128xf32, #tpu.memory_space<hbm>> -> memref<10000x128xf32, #tpu.memory_space<hbm>>
    tpu.enqueue_indirect_dma source(%dma_start3A_21 : memref<10000x128xf32, #tpu.memory_space<hbm>>) target(%arg11 : memref<128x128xf32, #tpu.memory_space<vmem>>) offsets(%dma_start3A_18 : memref<128xi32, #tpu.memory_space<vmem>>) semaphore(%arg15 : memref<!tpu.dma_semaphore, #tpu.memory_space<semaphore_mem>>)
    %scan3A_22 = arith.constant 0 : i32
    %scan3A_23 = arith.constant 0 : i32
    %scan3A_24 = arith.constant 20 : i32
    %scan3A_25 = arith.addi %scan3A_23, %scan3A_24 : i32
    %scan3A_26 = arith.constant 1 : i32
    scf.for %scan3A_76 = %scan3A_23 to %scan3A_25 step %scan3A_26  : i32 {
      %mul3A_77 = arith.constant 2 : i32
      %mul3A_78 = arith.muli %mul3A_77, %scan3A_76 : i32
      %mul3A_79 = arith.constant 2 : i32
      %mul3A_80 = arith.muli %mul3A_79, %scan3A_76 : i32
      %add3A_81 = arith.constant 1 : i32
      %add3A_82 = arith.addi %mul3A_80, %add3A_81 : i32
      %mul3A_83 = arith.constant 2 : i32
      %mul3A_84 = arith.muli %mul3A_83, %scan3A_76 : i32
      %add3A_85 = arith.constant 2 : i32
      %add3A_86 = arith.addi %mul3A_84, %add3A_85 : i32
      %lt3A_87 = arith.cmpi slt, %add3A_82, %min3A_4 : i32
      %convert_element_type3A_88 = arith.extui %lt3A_87 : i1 to i32
      %cond3A_89 = arith.constant 0 : i32
      %cond3A_90 = arith.cmpi ne, %convert_element_type3A_88, %cond3A_89 : i32
      scf.if %cond3A_90 {
        %dma_start3A_103 = arith.constant 0 : i32
        %dma_start3A_104 = tpu.memref_slice %arg13[%add3A_82, %dma_start3A_103] : memref<40x128xi32, #tpu.memory_space<vmem>> -> memref<1x128xi32, #tpu.memory_space<vmem>>
        %dma_start3A_105 = tpu.memref_squeeze %dma_start3A_104 : memref<1x128xi32, #tpu.memory_space<vmem>> -> memref<128xi32, #tpu.memory_space<vmem>>
        %dma_start3A_106 = arith.constant 0 : i32
        %dma_start3A_107 = arith.constant 0 : i32
        %dma_start3A_108 = tpu.memref_slice %arg5[%dma_start3A_106, %dma_start3A_107] : memref<10000x128xf32, #tpu.memory_space<hbm>> -> memref<10000x128xf32, #tpu.memory_space<hbm>>
        tpu.enqueue_indirect_dma source(%dma_start3A_108 : memref<10000x128xf32, #tpu.memory_space<hbm>>) target(%arg12 : memref<128x128xf32, #tpu.memory_space<vmem>>) offsets(%dma_start3A_105 : memref<128xi32, #tpu.memory_space<vmem>>) semaphore(%arg16 : memref<!tpu.dma_semaphore, #tpu.memory_space<semaphore_mem>>)
      } else {
      }
      %lt3A_91 = arith.cmpi slt, %mul3A_78, %min3A_4 : i32
      %convert_element_type3A_92 = arith.extui %lt3A_91 : i1 to i32
      %cond3A_93 = arith.constant 0 : i32
      %cond3A_94 = arith.cmpi ne, %convert_element_type3A_92, %cond3A_93 : i32
      scf.if %cond3A_94 {
        %dma_wait3A = arith.constant 0 : i32
        %dma_wait3A_103 = tpu.memref_slice %arg13[%mul3A_78, %dma_wait3A] : memref<40x128xi32, #tpu.memory_space<vmem>> -> memref<1x128xi32, #tpu.memory_space<vmem>>
        %dma_wait3A_104 = tpu.memref_squeeze %dma_wait3A_103 : memref<1x128xi32, #tpu.memory_space<vmem>> -> memref<128xi32, #tpu.memory_space<vmem>>
        %dma_wait3A_105 = arith.constant 0 : i32
        %dma_wait3A_106 = arith.constant 0 : i32
        %dma_wait3A_107 = tpu.memref_slice %arg5[%dma_wait3A_105, %dma_wait3A_106] : memref<10000x128xf32, #tpu.memory_space<hbm>> -> memref<10000x128xf32, #tpu.memory_space<hbm>>
        tpu.wait_indirect_dma semaphore(%arg15 : memref<!tpu.dma_semaphore, #tpu.memory_space<semaphore_mem>>) src(%dma_wait3A_107 : memref<10000x128xf32, #tpu.memory_space<hbm>>) dst(%arg11 : memref<128x128xf32, #tpu.memory_space<vmem>>)
        "tpu.region"() ({
          %run_scoped3A = tpu.sem_alloc : memref<!tpu.dma_semaphore, #tpu.memory_space<semaphore_mem>>
          %dma_start3A_108 = arith.constant 0 : i32
          %dma_start3A_109 = tpu.memref_slice %arg14[%mul3A_78, %dma_start3A_108] : memref<40x128xi32, #tpu.memory_space<vmem>> -> memref<1x128xi32, #tpu.memory_space<vmem>>
          %dma_start3A_110 = tpu.memref_squeeze %dma_start3A_109 : memref<1x128xi32, #tpu.memory_space<vmem>> -> memref<128xi32, #tpu.memory_space<vmem>>
          %dma_start3A_111 = arith.constant 0 : i32
          %dma_start3A_112 = arith.constant 0 : i32
          %dma_start3A_113 = tpu.memref_slice %arg9[%dma_start3A_111, %dma_start3A_112] : memref<10000x128xf32, #tpu.memory_space<vmem_shared>> -> memref<10000x128xf32, #tpu.memory_space<vmem_shared>>
          tpu.enqueue_indirect_dma source(%arg11 : memref<128x128xf32, #tpu.memory_space<vmem>>) target(%dma_start3A_113 : memref<10000x128xf32, #tpu.memory_space<vmem_shared>>) offsets(%dma_start3A_110 : memref<128xi32, #tpu.memory_space<vmem>>) semaphore(%run_scoped3A : memref<!tpu.dma_semaphore, #tpu.memory_space<semaphore_mem>>) {add = true}
          %dma_wait3A_114 = arith.constant 0 : i32
          %dma_wait3A_115 = tpu.memref_slice %arg14[%mul3A_78, %dma_wait3A_114] : memref<40x128xi32, #tpu.memory_space<vmem>> -> memref<1x128xi32, #tpu.memory_space<vmem>>
          %dma_wait3A_116 = tpu.memref_squeeze %dma_wait3A_115 : memref<1x128xi32, #tpu.memory_space<vmem>> -> memref<128xi32, #tpu.memory_space<vmem>>
          %dma_wait3A_117 = arith.constant 0 : i32
          %dma_wait3A_118 = arith.constant 0 : i32
          %dma_wait3A_119 = tpu.memref_slice %arg9[%dma_wait3A_117, %dma_wait3A_118] : memref<10000x128xf32, #tpu.memory_space<vmem_shared>> -> memref<10000x128xf32, #tpu.memory_space<vmem_shared>>
          tpu.wait_indirect_dma semaphore(%run_scoped3A : memref<!tpu.dma_semaphore, #tpu.memory_space<semaphore_mem>>) src(%arg11 : memref<128x128xf32, #tpu.memory_space<vmem>>) dst(%dma_wait3A_119 : memref<10000x128xf32, #tpu.memory_space<vmem_shared>>)
          tpu.yield
        }) : () -> ()
      } else {
      }
      %lt3A_95 = arith.cmpi slt, %add3A_86, %min3A_4 : i32
      %convert_element_type3A_96 = arith.extui %lt3A_95 : i1 to i32
      %cond3A_97 = arith.constant 0 : i32
      %cond3A_98 = arith.cmpi ne, %convert_element_type3A_96, %cond3A_97 : i32
      scf.if %cond3A_98 {
        %dma_start3A_103 = arith.constant 0 : i32
        %dma_start3A_104 = tpu.memref_slice %arg13[%add3A_86, %dma_start3A_103] : memref<40x128xi32, #tpu.memory_space<vmem>> -> memref<1x128xi32, #tpu.memory_space<vmem>>
        %dma_start3A_105 = tpu.memref_squeeze %dma_start3A_104 : memref<1x128xi32, #tpu.memory_space<vmem>> -> memref<128xi32, #tpu.memory_space<vmem>>
        %dma_start3A_106 = arith.constant 0 : i32
        %dma_start3A_107 = arith.constant 0 : i32
        %dma_start3A_108 = tpu.memref_slice %arg5[%dma_start3A_106, %dma_start3A_107] : memref<10000x128xf32, #tpu.memory_space<hbm>> -> memref<10000x128xf32, #tpu.memory_space<hbm>>
        tpu.enqueue_indirect_dma source(%dma_start3A_108 : memref<10000x128xf32, #tpu.memory_space<hbm>>) target(%arg11 : memref<128x128xf32, #tpu.memory_space<vmem>>) offsets(%dma_start3A_105 : memref<128xi32, #tpu.memory_space<vmem>>) semaphore(%arg15 : memref<!tpu.dma_semaphore, #tpu.memory_space<semaphore_mem>>)
      } else {
      }
      %lt3A_99 = arith.cmpi slt, %add3A_82, %min3A_4 : i32
      %convert_element_type3A_100 = arith.extui %lt3A_99 : i1 to i32
      %cond3A_101 = arith.constant 0 : i32
      %cond3A_102 = arith.cmpi ne, %convert_element_type3A_100, %cond3A_101 : i32
      scf.if %cond3A_102 {
        %dma_wait3A = arith.constant 0 : i32
        %dma_wait3A_103 = tpu.memref_slice %arg13[%add3A_82, %dma_wait3A] : memref<40x128xi32, #tpu.memory_space<vmem>> -> memref<1x128xi32, #tpu.memory_space<vmem>>
        %dma_wait3A_104 = tpu.memref_squeeze %dma_wait3A_103 : memref<1x128xi32, #tpu.memory_space<vmem>> -> memref<128xi32, #tpu.memory_space<vmem>>
        %dma_wait3A_105 = arith.constant 0 : i32
        %dma_wait3A_106 = arith.constant 0 : i32
        %dma_wait3A_107 = tpu.memref_slice %arg5[%dma_wait3A_105, %dma_wait3A_106] : memref<10000x128xf32, #tpu.memory_space<hbm>> -> memref<10000x128xf32, #tpu.memory_space<hbm>>
        tpu.wait_indirect_dma semaphore(%arg16 : memref<!tpu.dma_semaphore, #tpu.memory_space<semaphore_mem>>) src(%dma_wait3A_107 : memref<10000x128xf32, #tpu.memory_space<hbm>>) dst(%arg12 : memref<128x128xf32, #tpu.memory_space<vmem>>)
        "tpu.region"() ({
          %run_scoped3A = tpu.sem_alloc : memref<!tpu.dma_semaphore, #tpu.memory_space<semaphore_mem>>
          %dma_start3A_108 = arith.constant 0 : i32
          %dma_start3A_109 = tpu.memref_slice %arg14[%add3A_82, %dma_start3A_108] : memref<40x128xi32, #tpu.memory_space<vmem>> -> memref<1x128xi32, #tpu.memory_space<vmem>>
          %dma_start3A_110 = tpu.memref_squeeze %dma_start3A_109 : memref<1x128xi32, #tpu.memory_space<vmem>> -> memref<128xi32, #tpu.memory_space<vmem>>
          %dma_start3A_111 = arith.constant 0 : i32
          %dma_start3A_112 = arith.constant 0 : i32
          %dma_start3A_113 = tpu.memref_slice %arg9[%dma_start3A_111, %dma_start3A_112] : memref<10000x128xf32, #tpu.memory_space<vmem_shared>> -> memref<10000x128xf32, #tpu.memory_space<vmem_shared>>
          tpu.enqueue_indirect_dma source(%arg12 : memref<128x128xf32, #tpu.memory_space<vmem>>) target(%dma_start3A_113 : memref<10000x128xf32, #tpu.memory_space<vmem_shared>>) offsets(%dma_start3A_110 : memref<128xi32, #tpu.memory_space<vmem>>) semaphore(%run_scoped3A : memref<!tpu.dma_semaphore, #tpu.memory_space<semaphore_mem>>) {add = true}
          %dma_wait3A_114 = arith.constant 0 : i32
          %dma_wait3A_115 = tpu.memref_slice %arg14[%add3A_82, %dma_wait3A_114] : memref<40x128xi32, #tpu.memory_space<vmem>> -> memref<1x128xi32, #tpu.memory_space<vmem>>
          %dma_wait3A_116 = tpu.memref_squeeze %dma_wait3A_115 : memref<1x128xi32, #tpu.memory_space<vmem>> -> memref<128xi32, #tpu.memory_space<vmem>>
          %dma_wait3A_117 = arith.constant 0 : i32
          %dma_wait3A_118 = arith.constant 0 : i32
          %dma_wait3A_119 = tpu.memref_slice %arg9[%dma_wait3A_117, %dma_wait3A_118] : memref<10000x128xf32, #tpu.memory_space<vmem_shared>> -> memref<10000x128xf32, #tpu.memory_space<vmem_shared>>
          tpu.wait_indirect_dma semaphore(%run_scoped3A : memref<!tpu.dma_semaphore, #tpu.memory_space<semaphore_mem>>) src(%arg12 : memref<128x128xf32, #tpu.memory_space<vmem>>) dst(%dma_wait3A_119 : memref<10000x128xf32, #tpu.memory_space<vmem_shared>>)
          tpu.yield
        }) : () -> ()
      } else {
      }
    }
    %scan3A_27 = arith.constant 20 : i32
    %dma_start3A_28 = arith.constant 0 : i32
    %dma_start3A_29 = arith.constant 0 : i32
    %dma_start3A_30 = tpu.memref_slice %arg13[%dma_start3A_28, %dma_start3A_29] : memref<40x128xi32, #tpu.memory_space<vmem>> -> memref<1x128xi32, #tpu.memory_space<vmem>>
    %dma_start3A_31 = tpu.memref_squeeze %dma_start3A_30 : memref<1x128xi32, #tpu.memory_space<vmem>> -> memref<128xi32, #tpu.memory_space<vmem>>
    %dma_start3A_32 = arith.constant 0 : i32
    %dma_start3A_33 = arith.constant 0 : i32
    %dma_start3A_34 = tpu.memref_slice %arg6[%dma_start3A_32, %dma_start3A_33] : memref<10000x128xf32, #tpu.memory_space<hbm>> -> memref<10000x128xf32, #tpu.memory_space<hbm>>
    tpu.enqueue_indirect_dma source(%dma_start3A_34 : memref<10000x128xf32, #tpu.memory_space<hbm>>) target(%arg11 : memref<128x128xf32, #tpu.memory_space<vmem>>) offsets(%dma_start3A_31 : memref<128xi32, #tpu.memory_space<vmem>>) semaphore(%arg15 : memref<!tpu.dma_semaphore, #tpu.memory_space<semaphore_mem>>)
    %barrier3A_35 = arith.constant 0 : index
    tpu.barrier barrier_id(%barrier3A_35)
    %mul3A_36 = arith.constant 640 : i32
    %mul3A_37 = arith.muli %mul3A_36, %arg1 : i32
    %lt3A = arith.constant 15 : i32
    %lt3A_38 = arith.cmpi slt, %arg1, %lt3A : i32
    %convert_element_type3A = arith.extui %lt3A_38 : i1 to i32
    %cond3A = arith.constant 0 : i32
    %cond3A_39 = arith.cmpi ne, %convert_element_type3A, %cond3A : i32
    scf.if %cond3A_39 {
      "tpu.region"() ({
        %run_scoped3A = tpu.sem_alloc : memref<!tpu.dma_semaphore, #tpu.memory_space<semaphore_mem>>
        %dma_start3A_76 = arith.constant 0 : i32
        %dma_start3A_77 = tpu.memref_slice %arg7[%arg0, %mul3A_37, %dma_start3A_76] : memref<2x10000x128xf32, #tpu.memory_space<hbm>> -> memref<1x640x128xf32, #tpu.memory_space<hbm>>
        %dma_start3A_78 = tpu.memref_squeeze %dma_start3A_77 : memref<1x640x128xf32, #tpu.memory_space<hbm>> -> memref<640x128xf32, #tpu.memory_space<hbm>>
        %dma_start3A_79 = arith.constant 0 : i32
        %dma_start3A_80 = tpu.memref_slice %arg9[%mul3A_37, %dma_start3A_79] : memref<10000x128xf32, #tpu.memory_space<vmem_shared>> -> memref<640x128xf32, #tpu.memory_space<vmem_shared>>
        tpu.enqueue_dma source(%dma_start3A_80 : memref<640x128xf32, #tpu.memory_space<vmem_shared>>) target(%dma_start3A_78 : memref<640x128xf32, #tpu.memory_space<hbm>>) target_semaphore(%run_scoped3A : memref<!tpu.dma_semaphore, #tpu.memory_space<semaphore_mem>>)
        %dma_wait3A = arith.constant 0 : i32
        %dma_wait3A_81 = tpu.memref_slice %arg7[%arg0, %mul3A_37, %dma_wait3A] : memref<2x10000x128xf32, #tpu.memory_space<hbm>> -> memref<1x640x128xf32, #tpu.memory_space<hbm>>
        %dma_wait3A_82 = tpu.memref_squeeze %dma_wait3A_81 : memref<1x640x128xf32, #tpu.memory_space<hbm>> -> memref<640x128xf32, #tpu.memory_space<hbm>>
        %dma_wait3A_83 = arith.constant 0 : i32
        %dma_wait3A_84 = tpu.memref_slice %arg9[%mul3A_37, %dma_wait3A_83] : memref<10000x128xf32, #tpu.memory_space<vmem_shared>> -> memref<640x128xf32, #tpu.memory_space<vmem_shared>>
        tpu.wait_dma2 semaphore(%run_scoped3A : memref<!tpu.dma_semaphore, #tpu.memory_space<semaphore_mem>>) src(%dma_wait3A_84 : memref<640x128xf32, #tpu.memory_space<vmem_shared>>) dst(%dma_wait3A_82 : memref<640x128xf32, #tpu.memory_space<hbm>>)
        tpu.yield
      }) : () -> ()
    } else {
    }
    %eq3A = arith.constant 15 : i32
    %eq3A_40 = arith.cmpi eq, %arg1, %eq3A : i32
    %convert_element_type3A_41 = arith.extui %eq3A_40 : i1 to i32
    %cond3A_42 = arith.constant 0 : i32
    %cond3A_43 = arith.cmpi ne, %convert_element_type3A_41, %cond3A_42 : i32
    scf.if %cond3A_43 {
      "tpu.region"() ({
        %run_scoped3A = tpu.sem_alloc : memref<!tpu.dma_semaphore, #tpu.memory_space<semaphore_mem>>
        %dma_start3A_76 = arith.constant 0 : i32
        %dma_start3A_77 = tpu.memref_slice %arg7[%arg0, %mul3A_37, %dma_start3A_76] : memref<2x10000x128xf32, #tpu.memory_space<hbm>> -> memref<1x400x128xf32, #tpu.memory_space<hbm>>
        %dma_start3A_78 = tpu.memref_squeeze %dma_start3A_77 : memref<1x400x128xf32, #tpu.memory_space<hbm>> -> memref<400x128xf32, #tpu.memory_space<hbm>>
        %dma_start3A_79 = arith.constant 0 : i32
        %dma_start3A_80 = tpu.memref_slice %arg9[%mul3A_37, %dma_start3A_79] : memref<10000x128xf32, #tpu.memory_space<vmem_shared>> -> memref<400x128xf32, #tpu.memory_space<vmem_shared>>
        tpu.enqueue_dma source(%dma_start3A_80 : memref<400x128xf32, #tpu.memory_space<vmem_shared>>) target(%dma_start3A_78 : memref<400x128xf32, #tpu.memory_space<hbm>>) target_semaphore(%run_scoped3A : memref<!tpu.dma_semaphore, #tpu.memory_space<semaphore_mem>>)
        %dma_wait3A = arith.constant 0 : i32
        %dma_wait3A_81 = tpu.memref_slice %arg7[%arg0, %mul3A_37, %dma_wait3A] : memref<2x10000x128xf32, #tpu.memory_space<hbm>> -> memref<1x400x128xf32, #tpu.memory_space<hbm>>
        %dma_wait3A_82 = tpu.memref_squeeze %dma_wait3A_81 : memref<1x400x128xf32, #tpu.memory_space<hbm>> -> memref<400x128xf32, #tpu.memory_space<hbm>>
        %dma_wait3A_83 = arith.constant 0 : i32
        %dma_wait3A_84 = tpu.memref_slice %arg9[%mul3A_37, %dma_wait3A_83] : memref<10000x128xf32, #tpu.memory_space<vmem_shared>> -> memref<400x128xf32, #tpu.memory_space<vmem_shared>>
        tpu.wait_dma2 semaphore(%run_scoped3A : memref<!tpu.dma_semaphore, #tpu.memory_space<semaphore_mem>>) src(%dma_wait3A_84 : memref<400x128xf32, #tpu.memory_space<vmem_shared>>) dst(%dma_wait3A_82 : memref<400x128xf32, #tpu.memory_space<hbm>>)
        tpu.yield
      }) : () -> ()
    } else {
    }
    %scan3A_44 = arith.constant 0 : i32
    %scan3A_45 = arith.constant 0 : i32
    %scan3A_46 = arith.constant 16 : i32
    %scan3A_47 = arith.addi %scan3A_45, %scan3A_46 : i32
    %scan3A_48 = arith.constant 1 : i32
    scf.for %scan3A_76 = %scan3A_45 to %scan3A_47 step %scan3A_48  : i32 {
      %mul3A_77 = arith.constant 640 : i32
      %mul3A_78 = arith.muli %mul3A_77, %arg1 : i32
      %mul3A_79 = arith.constant 40 : i32
      %mul3A_80 = arith.muli %mul3A_79, %scan3A_76 : i32
      %add3A_81 = arith.addi %mul3A_78, %mul3A_80 : i32
      %lt3A_82 = arith.constant 10000 : i32
      %lt3A_83 = arith.cmpi slt, %add3A_81, %lt3A_82 : i32
      %convert_element_type3A_84 = arith.extui %lt3A_83 : i1 to i32
      %cond3A_85 = arith.constant 0 : i32
      %cond3A_86 = arith.cmpi ne, %convert_element_type3A_84, %cond3A_85 : i32
      scf.if %cond3A_86 {
        %dma_start3A_87 = arith.constant 0 : i32
        %dma_start3A_88 = tpu.memref_slice %arg9[%add3A_81, %dma_start3A_87] : memref<10000x128xf32, #tpu.memory_space<vmem_shared>> -> memref<40x128xf32, #tpu.memory_space<vmem_shared>>
        %dma_start3A_89 = arith.constant 0 : i32
        %dma_start3A_90 = tpu.memref_slice %arg9[%add3A_81, %dma_start3A_89] : memref<10000x128xf32, #tpu.memory_space<vmem_shared>> -> memref<40x128xf32, #tpu.memory_space<vmem_shared>>
        tpu.enqueue_dma source(%arg10 : memref<40x128xf32, #tpu.memory_space<vmem>>) target(%dma_start3A_90 : memref<40x128xf32, #tpu.memory_space<vmem_shared>>) target_semaphore(%arg17 : memref<!tpu.dma_semaphore, #tpu.memory_space<semaphore_mem>>)
      } else {
      }
    }
    %scan3A_49 = arith.constant 16 : i32
    %scan3A_50 = arith.constant 0 : i32
    %scan3A_51 = arith.constant 0 : i32
    %scan3A_52 = arith.constant 16 : i32
    %scan3A_53 = arith.addi %scan3A_51, %scan3A_52 : i32
    %scan3A_54 = arith.constant 1 : i32
    scf.for %scan3A_76 = %scan3A_51 to %scan3A_53 step %scan3A_54  : i32 {
      %mul3A_77 = arith.constant 640 : i32
      %mul3A_78 = arith.muli %mul3A_77, %arg1 : i32
      %mul3A_79 = arith.constant 40 : i32
      %mul3A_80 = arith.muli %mul3A_79, %scan3A_76 : i32
      %add3A_81 = arith.addi %mul3A_78, %mul3A_80 : i32
      %lt3A_82 = arith.constant 10000 : i32
      %lt3A_83 = arith.cmpi slt, %add3A_81, %lt3A_82 : i32
      %convert_element_type3A_84 = arith.extui %lt3A_83 : i1 to i32
      %cond3A_85 = arith.constant 0 : i32
      %cond3A_86 = arith.cmpi ne, %convert_element_type3A_84, %cond3A_85 : i32
      scf.if %cond3A_86 {
        %dma_wait3A = arith.constant 0 : i32
        %dma_wait3A_87 = tpu.memref_slice %arg9[%add3A_81, %dma_wait3A] : memref<10000x128xf32, #tpu.memory_space<vmem_shared>> -> memref<40x128xf32, #tpu.memory_space<vmem_shared>>
        %dma_wait3A_88 = arith.constant 0 : i32
        %dma_wait3A_89 = tpu.memref_slice %arg9[%add3A_81, %dma_wait3A_88] : memref<10000x128xf32, #tpu.memory_space<vmem_shared>> -> memref<40x128xf32, #tpu.memory_space<vmem_shared>>
        tpu.wait_dma2 semaphore(%arg17 : memref<!tpu.dma_semaphore, #tpu.memory_space<semaphore_mem>>) src(%arg10 : memref<40x128xf32, #tpu.memory_space<vmem>>) dst(%dma_wait3A_89 : memref<40x128xf32, #tpu.memory_space<vmem_shared>>)
      } else {
      }
    }
    %scan3A_55 = arith.constant 16 : i32
    %barrier3A_56 = arith.constant 0 : index
    tpu.barrier barrier_id(%barrier3A_56)
    %scan3A_57 = arith.constant 0 : i32
    %scan3A_58 = arith.constant 0 : i32
    %scan3A_59 = arith.constant 20 : i32
    %scan3A_60 = arith.addi %scan3A_58, %scan3A_59 : i32
    %scan3A_61 = arith.constant 1 : i32
    scf.for %scan3A_76 = %scan3A_58 to %scan3A_60 step %scan3A_61  : i32 {
      %mul3A_77 = arith.constant 2 : i32
      %mul3A_78 = arith.muli %mul3A_77, %scan3A_76 : i32
      %mul3A_79 = arith.constant 2 : i32
      %mul3A_80 = arith.muli %mul3A_79, %scan3A_76 : i32
      %add3A_81 = arith.constant 1 : i32
      %add3A_82 = arith.addi %mul3A_80, %add3A_81 : i32
      %mul3A_83 = arith.constant 2 : i32
      %mul3A_84 = arith.muli %mul3A_83, %scan3A_76 : i32
      %add3A_85 = arith.constant 2 : i32
      %add3A_86 = arith.addi %mul3A_84, %add3A_85 : i32
      %lt3A_87 = arith.cmpi slt, %add3A_82, %min3A_4 : i32
      %convert_element_type3A_88 = arith.extui %lt3A_87 : i1 to i32
      %cond3A_89 = arith.constant 0 : i32
      %cond3A_90 = arith.cmpi ne, %convert_element_type3A_88, %cond3A_89 : i32
      scf.if %cond3A_90 {
        %dma_start3A_103 = arith.constant 0 : i32
        %dma_start3A_104 = tpu.memref_slice %arg13[%add3A_82, %dma_start3A_103] : memref<40x128xi32, #tpu.memory_space<vmem>> -> memref<1x128xi32, #tpu.memory_space<vmem>>
        %dma_start3A_105 = tpu.memref_squeeze %dma_start3A_104 : memref<1x128xi32, #tpu.memory_space<vmem>> -> memref<128xi32, #tpu.memory_space<vmem>>
        %dma_start3A_106 = arith.constant 0 : i32
        %dma_start3A_107 = arith.constant 0 : i32
        %dma_start3A_108 = tpu.memref_slice %arg6[%dma_start3A_106, %dma_start3A_107] : memref<10000x128xf32, #tpu.memory_space<hbm>> -> memref<10000x128xf32, #tpu.memory_space<hbm>>
        tpu.enqueue_indirect_dma source(%dma_start3A_108 : memref<10000x128xf32, #tpu.memory_space<hbm>>) target(%arg12 : memref<128x128xf32, #tpu.memory_space<vmem>>) offsets(%dma_start3A_105 : memref<128xi32, #tpu.memory_space<vmem>>) semaphore(%arg16 : memref<!tpu.dma_semaphore, #tpu.memory_space<semaphore_mem>>)
      } else {
      }
      %lt3A_91 = arith.cmpi slt, %mul3A_78, %min3A_4 : i32
      %convert_element_type3A_92 = arith.extui %lt3A_91 : i1 to i32
      %cond3A_93 = arith.constant 0 : i32
      %cond3A_94 = arith.cmpi ne, %convert_element_type3A_92, %cond3A_93 : i32
      scf.if %cond3A_94 {
        %dma_wait3A = arith.constant 0 : i32
        %dma_wait3A_103 = tpu.memref_slice %arg13[%mul3A_78, %dma_wait3A] : memref<40x128xi32, #tpu.memory_space<vmem>> -> memref<1x128xi32, #tpu.memory_space<vmem>>
        %dma_wait3A_104 = tpu.memref_squeeze %dma_wait3A_103 : memref<1x128xi32, #tpu.memory_space<vmem>> -> memref<128xi32, #tpu.memory_space<vmem>>
        %dma_wait3A_105 = arith.constant 0 : i32
        %dma_wait3A_106 = arith.constant 0 : i32
        %dma_wait3A_107 = tpu.memref_slice %arg6[%dma_wait3A_105, %dma_wait3A_106] : memref<10000x128xf32, #tpu.memory_space<hbm>> -> memref<10000x128xf32, #tpu.memory_space<hbm>>
        tpu.wait_indirect_dma semaphore(%arg15 : memref<!tpu.dma_semaphore, #tpu.memory_space<semaphore_mem>>) src(%dma_wait3A_107 : memref<10000x128xf32, #tpu.memory_space<hbm>>) dst(%arg11 : memref<128x128xf32, #tpu.memory_space<vmem>>)
        "tpu.region"() ({
          %run_scoped3A = tpu.sem_alloc : memref<!tpu.dma_semaphore, #tpu.memory_space<semaphore_mem>>
          %dma_start3A_108 = arith.constant 0 : i32
          %dma_start3A_109 = tpu.memref_slice %arg14[%mul3A_78, %dma_start3A_108] : memref<40x128xi32, #tpu.memory_space<vmem>> -> memref<1x128xi32, #tpu.memory_space<vmem>>
          %dma_start3A_110 = tpu.memref_squeeze %dma_start3A_109 : memref<1x128xi32, #tpu.memory_space<vmem>> -> memref<128xi32, #tpu.memory_space<vmem>>
          %dma_start3A_111 = arith.constant 0 : i32
          %dma_start3A_112 = arith.constant 0 : i32
          %dma_start3A_113 = tpu.memref_slice %arg9[%dma_start3A_111, %dma_start3A_112] : memref<10000x128xf32, #tpu.memory_space<vmem_shared>> -> memref<10000x128xf32, #tpu.memory_space<vmem_shared>>
          tpu.enqueue_indirect_dma source(%arg11 : memref<128x128xf32, #tpu.memory_space<vmem>>) target(%dma_start3A_113 : memref<10000x128xf32, #tpu.memory_space<vmem_shared>>) offsets(%dma_start3A_110 : memref<128xi32, #tpu.memory_space<vmem>>) semaphore(%run_scoped3A : memref<!tpu.dma_semaphore, #tpu.memory_space<semaphore_mem>>) {add = true}
          %dma_wait3A_114 = arith.constant 0 : i32
          %dma_wait3A_115 = tpu.memref_slice %arg14[%mul3A_78, %dma_wait3A_114] : memref<40x128xi32, #tpu.memory_space<vmem>> -> memref<1x128xi32, #tpu.memory_space<vmem>>
          %dma_wait3A_116 = tpu.memref_squeeze %dma_wait3A_115 : memref<1x128xi32, #tpu.memory_space<vmem>> -> memref<128xi32, #tpu.memory_space<vmem>>
          %dma_wait3A_117 = arith.constant 0 : i32
          %dma_wait3A_118 = arith.constant 0 : i32
          %dma_wait3A_119 = tpu.memref_slice %arg9[%dma_wait3A_117, %dma_wait3A_118] : memref<10000x128xf32, #tpu.memory_space<vmem_shared>> -> memref<10000x128xf32, #tpu.memory_space<vmem_shared>>
          tpu.wait_indirect_dma semaphore(%run_scoped3A : memref<!tpu.dma_semaphore, #tpu.memory_space<semaphore_mem>>) src(%arg11 : memref<128x128xf32, #tpu.memory_space<vmem>>) dst(%dma_wait3A_119 : memref<10000x128xf32, #tpu.memory_space<vmem_shared>>)
          tpu.yield
        }) : () -> ()
      } else {
      }
      %lt3A_95 = arith.cmpi slt, %add3A_86, %min3A_4 : i32
      %convert_element_type3A_96 = arith.extui %lt3A_95 : i1 to i32
      %cond3A_97 = arith.constant 0 : i32
      %cond3A_98 = arith.cmpi ne, %convert_element_type3A_96, %cond3A_97 : i32
      scf.if %cond3A_98 {
        %dma_start3A_103 = arith.constant 0 : i32
        %dma_start3A_104 = tpu.memref_slice %arg13[%add3A_86, %dma_start3A_103] : memref<40x128xi32, #tpu.memory_space<vmem>> -> memref<1x128xi32, #tpu.memory_space<vmem>>
        %dma_start3A_105 = tpu.memref_squeeze %dma_start3A_104 : memref<1x128xi32, #tpu.memory_space<vmem>> -> memref<128xi32, #tpu.memory_space<vmem>>
        %dma_start3A_106 = arith.constant 0 : i32
        %dma_start3A_107 = arith.constant 0 : i32
        %dma_start3A_108 = tpu.memref_slice %arg6[%dma_start3A_106, %dma_start3A_107] : memref<10000x128xf32, #tpu.memory_space<hbm>> -> memref<10000x128xf32, #tpu.memory_space<hbm>>
        tpu.enqueue_indirect_dma source(%dma_start3A_108 : memref<10000x128xf32, #tpu.memory_space<hbm>>) target(%arg11 : memref<128x128xf32, #tpu.memory_space<vmem>>) offsets(%dma_start3A_105 : memref<128xi32, #tpu.memory_space<vmem>>) semaphore(%arg15 : memref<!tpu.dma_semaphore, #tpu.memory_space<semaphore_mem>>)
      } else {
      }
      %lt3A_99 = arith.cmpi slt, %add3A_82, %min3A_4 : i32
      %convert_element_type3A_100 = arith.extui %lt3A_99 : i1 to i32
      %cond3A_101 = arith.constant 0 : i32
      %cond3A_102 = arith.cmpi ne, %convert_element_type3A_100, %cond3A_101 : i32
      scf.if %cond3A_102 {
        %dma_wait3A = arith.constant 0 : i32
        %dma_wait3A_103 = tpu.memref_slice %arg13[%add3A_82, %dma_wait3A] : memref<40x128xi32, #tpu.memory_space<vmem>> -> memref<1x128xi32, #tpu.memory_space<vmem>>
        %dma_wait3A_104 = tpu.memref_squeeze %dma_wait3A_103 : memref<1x128xi32, #tpu.memory_space<vmem>> -> memref<128xi32, #tpu.memory_space<vmem>>
        %dma_wait3A_105 = arith.constant 0 : i32
        %dma_wait3A_106 = arith.constant 0 : i32
        %dma_wait3A_107 = tpu.memref_slice %arg6[%dma_wait3A_105, %dma_wait3A_106] : memref<10000x128xf32, #tpu.memory_space<hbm>> -> memref<10000x128xf32, #tpu.memory_space<hbm>>
        tpu.wait_indirect_dma semaphore(%arg16 : memref<!tpu.dma_semaphore, #tpu.memory_space<semaphore_mem>>) src(%dma_wait3A_107 : memref<10000x128xf32, #tpu.memory_space<hbm>>) dst(%arg12 : memref<128x128xf32, #tpu.memory_space<vmem>>)
        "tpu.region"() ({
          %run_scoped3A = tpu.sem_alloc : memref<!tpu.dma_semaphore, #tpu.memory_space<semaphore_mem>>
          %dma_start3A_108 = arith.constant 0 : i32
          %dma_start3A_109 = tpu.memref_slice %arg14[%add3A_82, %dma_start3A_108] : memref<40x128xi32, #tpu.memory_space<vmem>> -> memref<1x128xi32, #tpu.memory_space<vmem>>
          %dma_start3A_110 = tpu.memref_squeeze %dma_start3A_109 : memref<1x128xi32, #tpu.memory_space<vmem>> -> memref<128xi32, #tpu.memory_space<vmem>>
          %dma_start3A_111 = arith.constant 0 : i32
          %dma_start3A_112 = arith.constant 0 : i32
          %dma_start3A_113 = tpu.memref_slice %arg9[%dma_start3A_111, %dma_start3A_112] : memref<10000x128xf32, #tpu.memory_space<vmem_shared>> -> memref<10000x128xf32, #tpu.memory_space<vmem_shared>>
          tpu.enqueue_indirect_dma source(%arg12 : memref<128x128xf32, #tpu.memory_space<vmem>>) target(%dma_start3A_113 : memref<10000x128xf32, #tpu.memory_space<vmem_shared>>) offsets(%dma_start3A_110 : memref<128xi32, #tpu.memory_space<vmem>>) semaphore(%run_scoped3A : memref<!tpu.dma_semaphore, #tpu.memory_space<semaphore_mem>>) {add = true}
          %dma_wait3A_114 = arith.constant 0 : i32
          %dma_wait3A_115 = tpu.memref_slice %arg14[%add3A_82, %dma_wait3A_114] : memref<40x128xi32, #tpu.memory_space<vmem>> -> memref<1x128xi32, #tpu.memory_space<vmem>>
          %dma_wait3A_116 = tpu.memref_squeeze %dma_wait3A_115 : memref<1x128xi32, #tpu.memory_space<vmem>> -> memref<128xi32, #tpu.memory_space<vmem>>
          %dma_wait3A_117 = arith.constant 0 : i32
          %dma_wait3A_118 = arith.constant 0 : i32
          %dma_wait3A_119 = tpu.memref_slice %arg9[%dma_wait3A_117, %dma_wait3A_118] : memref<10000x128xf32, #tpu.memory_space<vmem_shared>> -> memref<10000x128xf32, #tpu.memory_space<vmem_shared>>
          tpu.wait_indirect_dma semaphore(%run_scoped3A : memref<!tpu.dma_semaphore, #tpu.memory_space<semaphore_mem>>) src(%arg12 : memref<128x128xf32, #tpu.memory_space<vmem>>) dst(%dma_wait3A_119 : memref<10000x128xf32, #tpu.memory_space<vmem_shared>>)
          tpu.yield
        }) : () -> ()
      } else {
      }
    }
    %scan3A_62 = arith.constant 20 : i32
    %barrier3A_63 = arith.constant 0 : index
    tpu.barrier barrier_id(%barrier3A_63)
    %mul3A_64 = arith.constant 640 : i32
    %mul3A_65 = arith.muli %mul3A_64, %arg1 : i32
    %lt3A_66 = arith.constant 15 : i32
    %lt3A_67 = arith.cmpi slt, %arg1, %lt3A_66 : i32
    %convert_element_type3A_68 = arith.extui %lt3A_67 : i1 to i32
    %cond3A_69 = arith.constant 0 : i32
    %cond3A_70 = arith.cmpi ne, %convert_element_type3A_68, %cond3A_69 : i32
    scf.if %cond3A_70 {
      "tpu.region"() ({
        %run_scoped3A = tpu.sem_alloc : memref<!tpu.dma_semaphore, #tpu.memory_space<semaphore_mem>>
        %dma_start3A_76 = arith.constant 0 : i32
        %dma_start3A_77 = tpu.memref_slice %arg8[%arg0, %mul3A_65, %dma_start3A_76] : memref<2x10000x128xf32, #tpu.memory_space<hbm>> -> memref<1x640x128xf32, #tpu.memory_space<hbm>>
        %dma_start3A_78 = tpu.memref_squeeze %dma_start3A_77 : memref<1x640x128xf32, #tpu.memory_space<hbm>> -> memref<640x128xf32, #tpu.memory_space<hbm>>
        %dma_start3A_79 = arith.constant 0 : i32
        %dma_start3A_80 = tpu.memref_slice %arg9[%mul3A_65, %dma_start3A_79] : memref<10000x128xf32, #tpu.memory_space<vmem_shared>> -> memref<640x128xf32, #tpu.memory_space<vmem_shared>>
        tpu.enqueue_dma source(%dma_start3A_80 : memref<640x128xf32, #tpu.memory_space<vmem_shared>>) target(%dma_start3A_78 : memref<640x128xf32, #tpu.memory_space<hbm>>) target_semaphore(%run_scoped3A : memref<!tpu.dma_semaphore, #tpu.memory_space<semaphore_mem>>)
        %dma_wait3A = arith.constant 0 : i32
        %dma_wait3A_81 = tpu.memref_slice %arg8[%arg0, %mul3A_65, %dma_wait3A] : memref<2x10000x128xf32, #tpu.memory_space<hbm>> -> memref<1x640x128xf32, #tpu.memory_space<hbm>>
        %dma_wait3A_82 = tpu.memref_squeeze %dma_wait3A_81 : memref<1x640x128xf32, #tpu.memory_space<hbm>> -> memref<640x128xf32, #tpu.memory_space<hbm>>
        %dma_wait3A_83 = arith.constant 0 : i32
        %dma_wait3A_84 = tpu.memref_slice %arg9[%mul3A_65, %dma_wait3A_83] : memref<10000x128xf32, #tpu.memory_space<vmem_shared>> -> memref<640x128xf32, #tpu.memory_space<vmem_shared>>
        tpu.wait_dma2 semaphore(%run_scoped3A : memref<!tpu.dma_semaphore, #tpu.memory_space<semaphore_mem>>) src(%dma_wait3A_84 : memref<640x128xf32, #tpu.memory_space<vmem_shared>>) dst(%dma_wait3A_82 : memref<640x128xf32, #tpu.memory_space<hbm>>)
        tpu.yield
      }) : () -> ()
    } else {
    }
    %eq3A_71 = arith.constant 15 : i32
    %eq3A_72 = arith.cmpi eq, %arg1, %eq3A_71 : i32
    %convert_element_type3A_73 = arith.extui %eq3A_72 : i1 to i32
    %cond3A_74 = arith.constant 0 : i32
    %cond3A_75 = arith.cmpi ne, %convert_element_type3A_73, %cond3A_74 : i32
    scf.if %cond3A_75 {
      "tpu.region"() ({
        %run_scoped3A = tpu.sem_alloc : memref<!tpu.dma_semaphore, #tpu.memory_space<semaphore_mem>>
        %dma_start3A_76 = arith.constant 0 : i32
        %dma_start3A_77 = tpu.memref_slice %arg8[%arg0, %mul3A_65, %dma_start3A_76] : memref<2x10000x128xf32, #tpu.memory_space<hbm>> -> memref<1x400x128xf32, #tpu.memory_space<hbm>>
        %dma_start3A_78 = tpu.memref_squeeze %dma_start3A_77 : memref<1x400x128xf32, #tpu.memory_space<hbm>> -> memref<400x128xf32, #tpu.memory_space<hbm>>
        %dma_start3A_79 = arith.constant 0 : i32
        %dma_start3A_80 = tpu.memref_slice %arg9[%mul3A_65, %dma_start3A_79] : memref<10000x128xf32, #tpu.memory_space<vmem_shared>> -> memref<400x128xf32, #tpu.memory_space<vmem_shared>>
        tpu.enqueue_dma source(%dma_start3A_80 : memref<400x128xf32, #tpu.memory_space<vmem_shared>>) target(%dma_start3A_78 : memref<400x128xf32, #tpu.memory_space<hbm>>) target_semaphore(%run_scoped3A : memref<!tpu.dma_semaphore, #tpu.memory_space<semaphore_mem>>)
        %dma_wait3A = arith.constant 0 : i32
        %dma_wait3A_81 = tpu.memref_slice %arg8[%arg0, %mul3A_65, %dma_wait3A] : memref<2x10000x128xf32, #tpu.memory_space<hbm>> -> memref<1x400x128xf32, #tpu.memory_space<hbm>>
        %dma_wait3A_82 = tpu.memref_squeeze %dma_wait3A_81 : memref<1x400x128xf32, #tpu.memory_space<hbm>> -> memref<400x128xf32, #tpu.memory_space<hbm>>
        %dma_wait3A_83 = arith.constant 0 : i32
        %dma_wait3A_84 = tpu.memref_slice %arg9[%mul3A_65, %dma_wait3A_83] : memref<10000x128xf32, #tpu.memory_space<vmem_shared>> -> memref<400x128xf32, #tpu.memory_space<vmem_shared>>
        tpu.wait_dma2 semaphore(%run_scoped3A : memref<!tpu.dma_semaphore, #tpu.memory_space<semaphore_mem>>) src(%dma_wait3A_84 : memref<400x128xf32, #tpu.memory_space<vmem_shared>>) dst(%dma_wait3A_82 : memref<400x128xf32, #tpu.memory_space<hbm>>)
        tpu.yield
      }) : () -> ()
    } else {
    }
    return
  }
}

#map = affine_map<(d0, d1) -> (0, 0)>
#map1 = affine_map<(d0, d1) -> (0, 0, 0)>
module attributes {stable_mosaic.version = 14 : i64} {
  func.func @body(%arg0: i32, %arg1: i32, %arg2: memref<1280x128xi32, #tpu.memory_space<hbm>>, %arg3: memref<40x128xf32, #tpu.memory_space<hbm>>, %arg4: memref<128x128xf32, #tpu.memory_space<hbm>>, %arg5: memref<2x10000x128xf32, #tpu.memory_space<hbm>>, %arg6: memref<10000x128xf32, #tpu.memory_space<vmem_shared>>, %arg7: memref<40x128xf32, #tpu.memory_space<vmem>>, %arg8: memref<128x128xf32, #tpu.memory_space<vmem>>, %arg9: memref<128x128xf32, #tpu.memory_space<vmem>>, %arg10: memref<40x128xi32, #tpu.memory_space<vmem>>, %arg11: memref<40x128xi32, #tpu.memory_space<vmem>>, %arg12: memref<!tpu.dma_semaphore, #tpu.memory_space<semaphore_mem>>, %arg13: memref<!tpu.dma_semaphore, #tpu.memory_space<semaphore_mem>>, %arg14: memref<!tpu.dma_semaphore, #tpu.memory_space<semaphore_mem>>) attributes {dimension_semantics = [#tpu.dimension_semantics<core_parallel>, #tpu.dimension_semantics<subcore_parallel>], iteration_bounds = array<i64: 2, 16>, scalar_prefetch = 0 : i64, scratch_operands = 9 : i64, tpu.core_type = #tpu.core_type<sc_vector_subcore>, window_params = [{transform_indices = #map}, {transform_indices = #map}, {transform_indices = #map}, {transform_indices = #map1}]} {
    %mul3A = arith.constant 2 : i32
    %mul3A_0 = arith.muli %arg1, %mul3A : i32
    %add3A = arith.addi %mul3A_0, %arg0 : i32
    %mul3A_1 = arith.constant 40 : i32
    %mul3A_2 = arith.muli %mul3A_1, %add3A : i32
    %sub3A = arith.constant 1250 : i32
    %sub3A_3 = arith.subi %sub3A, %mul3A_2 : i32
    %min3A = arith.constant 40 : i32
    %min3A_4 = arith.minsi %min3A, %sub3A_3 : i32
    "tpu.region"() ({
      %run_scoped3A = tpu.sem_alloc : memref<!tpu.dma_semaphore, #tpu.memory_space<semaphore_mem>>
      tpu.enqueue_dma source(%arg3 : memref<40x128xf32, #tpu.memory_space<hbm>>) target(%arg7 : memref<40x128xf32, #tpu.memory_space<vmem>>) target_semaphore(%run_scoped3A : memref<!tpu.dma_semaphore, #tpu.memory_space<semaphore_mem>>)
      tpu.wait_dma2 semaphore(%run_scoped3A : memref<!tpu.dma_semaphore, #tpu.memory_space<semaphore_mem>>) src(%arg3 : memref<40x128xf32, #tpu.memory_space<hbm>>) dst(%arg7 : memref<40x128xf32, #tpu.memory_space<vmem>>)
      tpu.yield
    }) : () -> ()
    %scan3A = arith.constant 0 : i32
    %scan3A_5 = arith.constant 0 : i32
    %scan3A_6 = arith.constant 16 : i32
    %scan3A_7 = arith.addi %scan3A_5, %scan3A_6 : i32
    %scan3A_8 = arith.constant 1 : i32
    scf.for %scan3A_31 = %scan3A_5 to %scan3A_7 step %scan3A_8  : i32 {
      %mul3A_32 = arith.constant 640 : i32
      %mul3A_33 = arith.muli %mul3A_32, %arg1 : i32
      %mul3A_34 = arith.constant 40 : i32
      %mul3A_35 = arith.muli %mul3A_34, %scan3A_31 : i32
      %add3A_36 = arith.addi %mul3A_33, %mul3A_35 : i32
      %lt3A_37 = arith.constant 10000 : i32
      %lt3A_38 = arith.cmpi slt, %add3A_36, %lt3A_37 : i32
      %convert_element_type3A_39 = arith.extui %lt3A_38 : i1 to i32
      %cond3A_40 = arith.constant 0 : i32
      %cond3A_41 = arith.cmpi ne, %convert_element_type3A_39, %cond3A_40 : i32
      scf.if %cond3A_41 {
        %dma_start3A = arith.constant 0 : i32
        %dma_start3A_42 = tpu.memref_slice %arg6[%add3A_36, %dma_start3A] : memref<10000x128xf32, #tpu.memory_space<vmem_shared>> -> memref<40x128xf32, #tpu.memory_space<vmem_shared>>
        %dma_start3A_43 = arith.constant 0 : i32
        %dma_start3A_44 = tpu.memref_slice %arg6[%add3A_36, %dma_start3A_43] : memref<10000x128xf32, #tpu.memory_space<vmem_shared>> -> memref<40x128xf32, #tpu.memory_space<vmem_shared>>
        tpu.enqueue_dma source(%arg7 : memref<40x128xf32, #tpu.memory_space<vmem>>) target(%dma_start3A_44 : memref<40x128xf32, #tpu.memory_space<vmem_shared>>) target_semaphore(%arg14 : memref<!tpu.dma_semaphore, #tpu.memory_space<semaphore_mem>>)
      } else {
      }
    }
    %scan3A_9 = arith.constant 16 : i32
    "tpu.region"() ({
      %run_scoped3A = tpu.sem_alloc : memref<!tpu.dma_semaphore, #tpu.memory_space<semaphore_mem>>
      %dma_start3A = arith.constant 0 : i32
      %dma_start3A_31 = tpu.memref_slice %arg2[%mul3A_2, %dma_start3A] : memref<1280x128xi32, #tpu.memory_space<hbm>> -> memref<40x128xi32, #tpu.memory_space<hbm>>
      %dma_start3A_32 = arith.constant 0 : i32
      %dma_start3A_33 = tpu.memref_slice %arg2[%mul3A_2, %dma_start3A_32] : memref<1280x128xi32, #tpu.memory_space<hbm>> -> memref<40x128xi32, #tpu.memory_space<hbm>>
      tpu.enqueue_dma source(%dma_start3A_33 : memref<40x128xi32, #tpu.memory_space<hbm>>) target(%arg11 : memref<40x128xi32, #tpu.memory_space<vmem>>) target_semaphore(%run_scoped3A : memref<!tpu.dma_semaphore, #tpu.memory_space<semaphore_mem>>)
      %dma_wait3A = arith.constant 0 : i32
      %dma_wait3A_34 = tpu.memref_slice %arg2[%mul3A_2, %dma_wait3A] : memref<1280x128xi32, #tpu.memory_space<hbm>> -> memref<40x128xi32, #tpu.memory_space<hbm>>
      %dma_wait3A_35 = arith.constant 0 : i32
      %dma_wait3A_36 = tpu.memref_slice %arg2[%mul3A_2, %dma_wait3A_35] : memref<1280x128xi32, #tpu.memory_space<hbm>> -> memref<40x128xi32, #tpu.memory_space<hbm>>
      tpu.wait_dma2 semaphore(%run_scoped3A : memref<!tpu.dma_semaphore, #tpu.memory_space<semaphore_mem>>) src(%dma_wait3A_36 : memref<40x128xi32, #tpu.memory_space<hbm>>) dst(%arg11 : memref<40x128xi32, #tpu.memory_space<vmem>>)
      tpu.yield
    }) : () -> ()
    "tpu.region"() ({
      %run_scoped3A = tpu.sem_alloc : memref<!tpu.dma_semaphore, #tpu.memory_space<semaphore_mem>>
      tpu.enqueue_dma source(%arg4 : memref<128x128xf32, #tpu.memory_space<hbm>>) target(%arg8 : memref<128x128xf32, #tpu.memory_space<vmem>>) target_semaphore(%run_scoped3A : memref<!tpu.dma_semaphore, #tpu.memory_space<semaphore_mem>>)
      tpu.wait_dma2 semaphore(%run_scoped3A : memref<!tpu.dma_semaphore, #tpu.memory_space<semaphore_mem>>) src(%arg4 : memref<128x128xf32, #tpu.memory_space<hbm>>) dst(%arg8 : memref<128x128xf32, #tpu.memory_space<vmem>>)
      tpu.yield
    }) : () -> ()
    %scan3A_10 = arith.constant 0 : i32
    %scan3A_11 = arith.constant 0 : i32
    %scan3A_12 = arith.constant 16 : i32
    %scan3A_13 = arith.addi %scan3A_11, %scan3A_12 : i32
    %scan3A_14 = arith.constant 1 : i32
    scf.for %scan3A_31 = %scan3A_11 to %scan3A_13 step %scan3A_14  : i32 {
      %mul3A_32 = arith.constant 640 : i32
      %mul3A_33 = arith.muli %mul3A_32, %arg1 : i32
      %mul3A_34 = arith.constant 40 : i32
      %mul3A_35 = arith.muli %mul3A_34, %scan3A_31 : i32
      %add3A_36 = arith.addi %mul3A_33, %mul3A_35 : i32
      %lt3A_37 = arith.constant 10000 : i32
      %lt3A_38 = arith.cmpi slt, %add3A_36, %lt3A_37 : i32
      %convert_element_type3A_39 = arith.extui %lt3A_38 : i1 to i32
      %cond3A_40 = arith.constant 0 : i32
      %cond3A_41 = arith.cmpi ne, %convert_element_type3A_39, %cond3A_40 : i32
      scf.if %cond3A_41 {
        %dma_wait3A = arith.constant 0 : i32
        %dma_wait3A_42 = tpu.memref_slice %arg6[%add3A_36, %dma_wait3A] : memref<10000x128xf32, #tpu.memory_space<vmem_shared>> -> memref<40x128xf32, #tpu.memory_space<vmem_shared>>
        %dma_wait3A_43 = arith.constant 0 : i32
        %dma_wait3A_44 = tpu.memref_slice %arg6[%add3A_36, %dma_wait3A_43] : memref<10000x128xf32, #tpu.memory_space<vmem_shared>> -> memref<40x128xf32, #tpu.memory_space<vmem_shared>>
        tpu.wait_dma2 semaphore(%arg14 : memref<!tpu.dma_semaphore, #tpu.memory_space<semaphore_mem>>) src(%arg7 : memref<40x128xf32, #tpu.memory_space<vmem>>) dst(%dma_wait3A_44 : memref<40x128xf32, #tpu.memory_space<vmem_shared>>)
      } else {
      }
    }
    %scan3A_15 = arith.constant 16 : i32
    %barrier3A = arith.constant 0 : index
    tpu.barrier barrier_id(%barrier3A)
    %scan3A_16 = arith.constant 0 : i32
    %scan3A_17 = arith.constant 0 : i32
    %scan3A_18 = arith.constant 40 : i32
    %scan3A_19 = arith.addi %scan3A_17, %scan3A_18 : i32
    %scan3A_20 = arith.constant 1 : i32
    scf.for %scan3A_31 = %scan3A_17 to %scan3A_19 step %scan3A_20  : i32 {
      %lt3A_32 = arith.cmpi slt, %scan3A_31, %min3A_4 : i32
      %convert_element_type3A_33 = arith.extui %lt3A_32 : i1 to i32
      %cond3A_34 = arith.constant 0 : i32
      %cond3A_35 = arith.cmpi ne, %convert_element_type3A_33, %cond3A_34 : i32
      scf.if %cond3A_35 {
        "tpu.region"() ({
          %run_scoped3A = tpu.sem_alloc : memref<!tpu.dma_semaphore, #tpu.memory_space<semaphore_mem>>
          %dma_start3A = arith.constant 0 : i32
          %dma_start3A_36 = tpu.memref_slice %arg11[%scan3A_31, %dma_start3A] : memref<40x128xi32, #tpu.memory_space<vmem>> -> memref<1x128xi32, #tpu.memory_space<vmem>>
          %dma_start3A_37 = tpu.memref_squeeze %dma_start3A_36 : memref<1x128xi32, #tpu.memory_space<vmem>> -> memref<128xi32, #tpu.memory_space<vmem>>
          %dma_start3A_38 = arith.constant 0 : i32
          %dma_start3A_39 = arith.constant 0 : i32
          %dma_start3A_40 = tpu.memref_slice %arg6[%dma_start3A_38, %dma_start3A_39] : memref<10000x128xf32, #tpu.memory_space<vmem_shared>> -> memref<10000x128xf32, #tpu.memory_space<vmem_shared>>
          tpu.enqueue_indirect_dma source(%arg8 : memref<128x128xf32, #tpu.memory_space<vmem>>) target(%dma_start3A_40 : memref<10000x128xf32, #tpu.memory_space<vmem_shared>>) offsets(%dma_start3A_37 : memref<128xi32, #tpu.memory_space<vmem>>) semaphore(%run_scoped3A : memref<!tpu.dma_semaphore, #tpu.memory_space<semaphore_mem>>) {add = true}
          %dma_wait3A = arith.constant 0 : i32
          %dma_wait3A_41 = tpu.memref_slice %arg11[%scan3A_31, %dma_wait3A] : memref<40x128xi32, #tpu.memory_space<vmem>> -> memref<1x128xi32, #tpu.memory_space<vmem>>
          %dma_wait3A_42 = tpu.memref_squeeze %dma_wait3A_41 : memref<1x128xi32, #tpu.memory_space<vmem>> -> memref<128xi32, #tpu.memory_space<vmem>>
          %dma_wait3A_43 = arith.constant 0 : i32
          %dma_wait3A_44 = arith.constant 0 : i32
          %dma_wait3A_45 = tpu.memref_slice %arg6[%dma_wait3A_43, %dma_wait3A_44] : memref<10000x128xf32, #tpu.memory_space<vmem_shared>> -> memref<10000x128xf32, #tpu.memory_space<vmem_shared>>
          tpu.wait_indirect_dma semaphore(%run_scoped3A : memref<!tpu.dma_semaphore, #tpu.memory_space<semaphore_mem>>) src(%arg8 : memref<128x128xf32, #tpu.memory_space<vmem>>) dst(%dma_wait3A_45 : memref<10000x128xf32, #tpu.memory_space<vmem_shared>>)
          tpu.yield
        }) : () -> ()
      } else {
      }
    }
    %scan3A_21 = arith.constant 40 : i32
    %barrier3A_22 = arith.constant 0 : index
    tpu.barrier barrier_id(%barrier3A_22)
    %mul3A_23 = arith.constant 640 : i32
    %mul3A_24 = arith.muli %mul3A_23, %arg1 : i32
    %lt3A = arith.constant 15 : i32
    %lt3A_25 = arith.cmpi slt, %arg1, %lt3A : i32
    %convert_element_type3A = arith.extui %lt3A_25 : i1 to i32
    %cond3A = arith.constant 0 : i32
    %cond3A_26 = arith.cmpi ne, %convert_element_type3A, %cond3A : i32
    scf.if %cond3A_26 {
      "tpu.region"() ({
        %run_scoped3A = tpu.sem_alloc : memref<!tpu.dma_semaphore, #tpu.memory_space<semaphore_mem>>
        %dma_start3A = arith.constant 0 : i32
        %dma_start3A_31 = tpu.memref_slice %arg5[%arg0, %mul3A_24, %dma_start3A] : memref<2x10000x128xf32, #tpu.memory_space<hbm>> -> memref<1x640x128xf32, #tpu.memory_space<hbm>>
        %dma_start3A_32 = tpu.memref_squeeze %dma_start3A_31 : memref<1x640x128xf32, #tpu.memory_space<hbm>> -> memref<640x128xf32, #tpu.memory_space<hbm>>
        %dma_start3A_33 = arith.constant 0 : i32
        %dma_start3A_34 = tpu.memref_slice %arg6[%mul3A_24, %dma_start3A_33] : memref<10000x128xf32, #tpu.memory_space<vmem_shared>> -> memref<640x128xf32, #tpu.memory_space<vmem_shared>>
        tpu.enqueue_dma source(%dma_start3A_34 : memref<640x128xf32, #tpu.memory_space<vmem_shared>>) target(%dma_start3A_32 : memref<640x128xf32, #tpu.memory_space<hbm>>) target_semaphore(%run_scoped3A : memref<!tpu.dma_semaphore, #tpu.memory_space<semaphore_mem>>)
        %dma_wait3A = arith.constant 0 : i32
        %dma_wait3A_35 = tpu.memref_slice %arg5[%arg0, %mul3A_24, %dma_wait3A] : memref<2x10000x128xf32, #tpu.memory_space<hbm>> -> memref<1x640x128xf32, #tpu.memory_space<hbm>>
        %dma_wait3A_36 = tpu.memref_squeeze %dma_wait3A_35 : memref<1x640x128xf32, #tpu.memory_space<hbm>> -> memref<640x128xf32, #tpu.memory_space<hbm>>
        %dma_wait3A_37 = arith.constant 0 : i32
        %dma_wait3A_38 = tpu.memref_slice %arg6[%mul3A_24, %dma_wait3A_37] : memref<10000x128xf32, #tpu.memory_space<vmem_shared>> -> memref<640x128xf32, #tpu.memory_space<vmem_shared>>
        tpu.wait_dma2 semaphore(%run_scoped3A : memref<!tpu.dma_semaphore, #tpu.memory_space<semaphore_mem>>) src(%dma_wait3A_38 : memref<640x128xf32, #tpu.memory_space<vmem_shared>>) dst(%dma_wait3A_36 : memref<640x128xf32, #tpu.memory_space<hbm>>)
        tpu.yield
      }) : () -> ()
    } else {
    }
    %eq3A = arith.constant 15 : i32
    %eq3A_27 = arith.cmpi eq, %arg1, %eq3A : i32
    %convert_element_type3A_28 = arith.extui %eq3A_27 : i1 to i32
    %cond3A_29 = arith.constant 0 : i32
    %cond3A_30 = arith.cmpi ne, %convert_element_type3A_28, %cond3A_29 : i32
    scf.if %cond3A_30 {
      "tpu.region"() ({
        %run_scoped3A = tpu.sem_alloc : memref<!tpu.dma_semaphore, #tpu.memory_space<semaphore_mem>>
        %dma_start3A = arith.constant 0 : i32
        %dma_start3A_31 = tpu.memref_slice %arg5[%arg0, %mul3A_24, %dma_start3A] : memref<2x10000x128xf32, #tpu.memory_space<hbm>> -> memref<1x400x128xf32, #tpu.memory_space<hbm>>
        %dma_start3A_32 = tpu.memref_squeeze %dma_start3A_31 : memref<1x400x128xf32, #tpu.memory_space<hbm>> -> memref<400x128xf32, #tpu.memory_space<hbm>>
        %dma_start3A_33 = arith.constant 0 : i32
        %dma_start3A_34 = tpu.memref_slice %arg6[%mul3A_24, %dma_start3A_33] : memref<10000x128xf32, #tpu.memory_space<vmem_shared>> -> memref<400x128xf32, #tpu.memory_space<vmem_shared>>
        tpu.enqueue_dma source(%dma_start3A_34 : memref<400x128xf32, #tpu.memory_space<vmem_shared>>) target(%dma_start3A_32 : memref<400x128xf32, #tpu.memory_space<hbm>>) target_semaphore(%run_scoped3A : memref<!tpu.dma_semaphore, #tpu.memory_space<semaphore_mem>>)
        %dma_wait3A = arith.constant 0 : i32
        %dma_wait3A_35 = tpu.memref_slice %arg5[%arg0, %mul3A_24, %dma_wait3A] : memref<2x10000x128xf32, #tpu.memory_space<hbm>> -> memref<1x400x128xf32, #tpu.memory_space<hbm>>
        %dma_wait3A_36 = tpu.memref_squeeze %dma_wait3A_35 : memref<1x400x128xf32, #tpu.memory_space<hbm>> -> memref<400x128xf32, #tpu.memory_space<hbm>>
        %dma_wait3A_37 = arith.constant 0 : i32
        %dma_wait3A_38 = tpu.memref_slice %arg6[%mul3A_24, %dma_wait3A_37] : memref<10000x128xf32, #tpu.memory_space<vmem_shared>> -> memref<400x128xf32, #tpu.memory_space<vmem_shared>>
        tpu.wait_dma2 semaphore(%run_scoped3A : memref<!tpu.dma_semaphore, #tpu.memory_space<semaphore_mem>>) src(%dma_wait3A_38 : memref<400x128xf32, #tpu.memory_space<vmem_shared>>) dst(%dma_wait3A_36 : memref<400x128xf32, #tpu.memory_space<hbm>>)
        tpu.yield
      }) : () -> ()
    } else {
    }
    return
  }
}

#map = affine_map<(d0, d1) -> (0, 0)>
#map1 = affine_map<(d0, d1) -> (0, 0, 0)>
module attributes {stable_mosaic.version = 14 : i64} {
  func.func @body(%arg0: i32, %arg1: i32, %arg2: memref<1280x128xi32, #tpu.memory_space<hbm>>, %arg3: memref<1280x128xi32, #tpu.memory_space<hbm>>, %arg4: memref<40x128xf32, #tpu.memory_space<hbm>>, %arg5: memref<10000x128xf32, #tpu.memory_space<hbm>>, %arg6: memref<10000x128xf32, #tpu.memory_space<hbm>>, %arg7: memref<10000x128xf32, #tpu.memory_space<hbm>>, %arg8: memref<10000x128xf32, #tpu.memory_space<hbm>>, %arg9: memref<2x10000x128xf32, #tpu.memory_space<hbm>>, %arg10: memref<2x10000x128xf32, #tpu.memory_space<hbm>>, %arg11: memref<2x10000x128xf32, #tpu.memory_space<hbm>>, %arg12: memref<2x10000x128xf32, #tpu.memory_space<hbm>>, %arg13: memref<10000x128xf32, #tpu.memory_space<vmem_shared>>, %arg14: memref<40x128xf32, #tpu.memory_space<vmem>>, %arg15: memref<128x128xf32, #tpu.memory_space<vmem>>, %arg16: memref<128x128xf32, #tpu.memory_space<vmem>>, %arg17: memref<40x128xi32, #tpu.memory_space<vmem>>, %arg18: memref<40x128xi32, #tpu.memory_space<vmem>>, %arg19: memref<!tpu.dma_semaphore, #tpu.memory_space<semaphore_mem>>, %arg20: memref<!tpu.dma_semaphore, #tpu.memory_space<semaphore_mem>>, %arg21: memref<!tpu.dma_semaphore, #tpu.memory_space<semaphore_mem>>) attributes {dimension_semantics = [#tpu.dimension_semantics<core_parallel>, #tpu.dimension_semantics<subcore_parallel>], iteration_bounds = array<i64: 2, 16>, scalar_prefetch = 0 : i64, scratch_operands = 9 : i64, tpu.core_type = #tpu.core_type<sc_vector_subcore>, window_params = [{transform_indices = #map}, {transform_indices = #map}, {transform_indices = #map}, {transform_indices = #map}, {transform_indices = #map}, {transform_indices = #map}, {transform_indices = #map}, {transform_indices = #map1}, {transform_indices = #map1}, {transform_indices = #map1}, {transform_indices = #map1}]} {
    %mul3A = arith.constant 2 : i32
    %mul3A_0 = arith.muli %arg1, %mul3A : i32
    %add3A = arith.addi %mul3A_0, %arg0 : i32
    %mul3A_1 = arith.constant 40 : i32
    %mul3A_2 = arith.muli %mul3A_1, %add3A : i32
    %sub3A = arith.constant 1250 : i32
    %sub3A_3 = arith.subi %sub3A, %mul3A_2 : i32
    %min3A = arith.constant 40 : i32
    %min3A_4 = arith.minsi %min3A, %sub3A_3 : i32
    "tpu.region"() ({
      %run_scoped3A = tpu.sem_alloc : memref<!tpu.dma_semaphore, #tpu.memory_space<semaphore_mem>>
      tpu.enqueue_dma source(%arg4 : memref<40x128xf32, #tpu.memory_space<hbm>>) target(%arg14 : memref<40x128xf32, #tpu.memory_space<vmem>>) target_semaphore(%run_scoped3A : memref<!tpu.dma_semaphore, #tpu.memory_space<semaphore_mem>>)
      tpu.wait_dma2 semaphore(%run_scoped3A : memref<!tpu.dma_semaphore, #tpu.memory_space<semaphore_mem>>) src(%arg4 : memref<40x128xf32, #tpu.memory_space<hbm>>) dst(%arg14 : memref<40x128xf32, #tpu.memory_space<vmem>>)
      tpu.yield
    }) : () -> ()
    %scan3A = arith.constant 0 : i32
    %scan3A_5 = arith.constant 0 : i32
    %scan3A_6 = arith.constant 16 : i32
    %scan3A_7 = arith.addi %scan3A_5, %scan3A_6 : i32
    %scan3A_8 = arith.constant 1 : i32
    scf.for %scan3A_154 = %scan3A_5 to %scan3A_7 step %scan3A_8  : i32 {
      %mul3A_155 = arith.constant 640 : i32
      %mul3A_156 = arith.muli %mul3A_155, %arg1 : i32
      %mul3A_157 = arith.constant 40 : i32
      %mul3A_158 = arith.muli %mul3A_157, %scan3A_154 : i32
      %add3A_159 = arith.addi %mul3A_156, %mul3A_158 : i32
      %lt3A_160 = arith.constant 10000 : i32
      %lt3A_161 = arith.cmpi slt, %add3A_159, %lt3A_160 : i32
      %convert_element_type3A_162 = arith.extui %lt3A_161 : i1 to i32
      %cond3A_163 = arith.constant 0 : i32
      %cond3A_164 = arith.cmpi ne, %convert_element_type3A_162, %cond3A_163 : i32
      scf.if %cond3A_164 {
        %dma_start3A_165 = arith.constant 0 : i32
        %dma_start3A_166 = tpu.memref_slice %arg13[%add3A_159, %dma_start3A_165] : memref<10000x128xf32, #tpu.memory_space<vmem_shared>> -> memref<40x128xf32, #tpu.memory_space<vmem_shared>>
        %dma_start3A_167 = arith.constant 0 : i32
        %dma_start3A_168 = tpu.memref_slice %arg13[%add3A_159, %dma_start3A_167] : memref<10000x128xf32, #tpu.memory_space<vmem_shared>> -> memref<40x128xf32, #tpu.memory_space<vmem_shared>>
        tpu.enqueue_dma source(%arg14 : memref<40x128xf32, #tpu.memory_space<vmem>>) target(%dma_start3A_168 : memref<40x128xf32, #tpu.memory_space<vmem_shared>>) target_semaphore(%arg21 : memref<!tpu.dma_semaphore, #tpu.memory_space<semaphore_mem>>)
      } else {
      }
    }
    %scan3A_9 = arith.constant 16 : i32
    "tpu.region"() ({
      %run_scoped3A = tpu.sem_alloc : memref<!tpu.dma_semaphore, #tpu.memory_space<semaphore_mem>>
      %dma_start3A_154 = arith.constant 0 : i32
      %dma_start3A_155 = tpu.memref_slice %arg3[%mul3A_2, %dma_start3A_154] : memref<1280x128xi32, #tpu.memory_space<hbm>> -> memref<40x128xi32, #tpu.memory_space<hbm>>
      %dma_start3A_156 = arith.constant 0 : i32
      %dma_start3A_157 = tpu.memref_slice %arg3[%mul3A_2, %dma_start3A_156] : memref<1280x128xi32, #tpu.memory_space<hbm>> -> memref<40x128xi32, #tpu.memory_space<hbm>>
      tpu.enqueue_dma source(%dma_start3A_157 : memref<40x128xi32, #tpu.memory_space<hbm>>) target(%arg18 : memref<40x128xi32, #tpu.memory_space<vmem>>) target_semaphore(%run_scoped3A : memref<!tpu.dma_semaphore, #tpu.memory_space<semaphore_mem>>)
      %dma_wait3A = arith.constant 0 : i32
      %dma_wait3A_158 = tpu.memref_slice %arg3[%mul3A_2, %dma_wait3A] : memref<1280x128xi32, #tpu.memory_space<hbm>> -> memref<40x128xi32, #tpu.memory_space<hbm>>
      %dma_wait3A_159 = arith.constant 0 : i32
      %dma_wait3A_160 = tpu.memref_slice %arg3[%mul3A_2, %dma_wait3A_159] : memref<1280x128xi32, #tpu.memory_space<hbm>> -> memref<40x128xi32, #tpu.memory_space<hbm>>
      tpu.wait_dma2 semaphore(%run_scoped3A : memref<!tpu.dma_semaphore, #tpu.memory_space<semaphore_mem>>) src(%dma_wait3A_160 : memref<40x128xi32, #tpu.memory_space<hbm>>) dst(%arg18 : memref<40x128xi32, #tpu.memory_space<vmem>>)
      tpu.yield
    }) : () -> ()
    "tpu.region"() ({
      %run_scoped3A = tpu.sem_alloc : memref<!tpu.dma_semaphore, #tpu.memory_space<semaphore_mem>>
      %dma_start3A_154 = arith.constant 0 : i32
      %dma_start3A_155 = tpu.memref_slice %arg2[%mul3A_2, %dma_start3A_154] : memref<1280x128xi32, #tpu.memory_space<hbm>> -> memref<40x128xi32, #tpu.memory_space<hbm>>
      %dma_start3A_156 = arith.constant 0 : i32
      %dma_start3A_157 = tpu.memref_slice %arg2[%mul3A_2, %dma_start3A_156] : memref<1280x128xi32, #tpu.memory_space<hbm>> -> memref<40x128xi32, #tpu.memory_space<hbm>>
      tpu.enqueue_dma source(%dma_start3A_157 : memref<40x128xi32, #tpu.memory_space<hbm>>) target(%arg17 : memref<40x128xi32, #tpu.memory_space<vmem>>) target_semaphore(%run_scoped3A : memref<!tpu.dma_semaphore, #tpu.memory_space<semaphore_mem>>)
      %dma_wait3A = arith.constant 0 : i32
      %dma_wait3A_158 = tpu.memref_slice %arg2[%mul3A_2, %dma_wait3A] : memref<1280x128xi32, #tpu.memory_space<hbm>> -> memref<40x128xi32, #tpu.memory_space<hbm>>
      %dma_wait3A_159 = arith.constant 0 : i32
      %dma_wait3A_160 = tpu.memref_slice %arg2[%mul3A_2, %dma_wait3A_159] : memref<1280x128xi32, #tpu.memory_space<hbm>> -> memref<40x128xi32, #tpu.memory_space<hbm>>
      tpu.wait_dma2 semaphore(%run_scoped3A : memref<!tpu.dma_semaphore, #tpu.memory_space<semaphore_mem>>) src(%dma_wait3A_160 : memref<40x128xi32, #tpu.memory_space<hbm>>) dst(%arg17 : memref<40x128xi32, #tpu.memory_space<vmem>>)
      tpu.yield
    }) : () -> ()
    %scan3A_10 = arith.constant 0 : i32
    %scan3A_11 = arith.constant 0 : i32
    %scan3A_12 = arith.constant 16 : i32
    %scan3A_13 = arith.addi %scan3A_11, %scan3A_12 : i32
    %scan3A_14 = arith.constant 1 : i32
    scf.for %scan3A_154 = %scan3A_11 to %scan3A_13 step %scan3A_14  : i32 {
      %mul3A_155 = arith.constant 640 : i32
      %mul3A_156 = arith.muli %mul3A_155, %arg1 : i32
      %mul3A_157 = arith.constant 40 : i32
      %mul3A_158 = arith.muli %mul3A_157, %scan3A_154 : i32
      %add3A_159 = arith.addi %mul3A_156, %mul3A_158 : i32
      %lt3A_160 = arith.constant 10000 : i32
      %lt3A_161 = arith.cmpi slt, %add3A_159, %lt3A_160 : i32
      %convert_element_type3A_162 = arith.extui %lt3A_161 : i1 to i32
      %cond3A_163 = arith.constant 0 : i32
      %cond3A_164 = arith.cmpi ne, %convert_element_type3A_162, %cond3A_163 : i32
      scf.if %cond3A_164 {
        %dma_wait3A = arith.constant 0 : i32
        %dma_wait3A_165 = tpu.memref_slice %arg13[%add3A_159, %dma_wait3A] : memref<10000x128xf32, #tpu.memory_space<vmem_shared>> -> memref<40x128xf32, #tpu.memory_space<vmem_shared>>
        %dma_wait3A_166 = arith.constant 0 : i32
        %dma_wait3A_167 = tpu.memref_slice %arg13[%add3A_159, %dma_wait3A_166] : memref<10000x128xf32, #tpu.memory_space<vmem_shared>> -> memref<40x128xf32, #tpu.memory_space<vmem_shared>>
        tpu.wait_dma2 semaphore(%arg21 : memref<!tpu.dma_semaphore, #tpu.memory_space<semaphore_mem>>) src(%arg14 : memref<40x128xf32, #tpu.memory_space<vmem>>) dst(%dma_wait3A_167 : memref<40x128xf32, #tpu.memory_space<vmem_shared>>)
      } else {
      }
    }
    %scan3A_15 = arith.constant 16 : i32
    %barrier3A = arith.constant 0 : index
    tpu.barrier barrier_id(%barrier3A)
    %dma_start3A = arith.constant 0 : i32
    %dma_start3A_16 = arith.constant 0 : i32
    %dma_start3A_17 = tpu.memref_slice %arg17[%dma_start3A, %dma_start3A_16] : memref<40x128xi32, #tpu.memory_space<vmem>> -> memref<1x128xi32, #tpu.memory_space<vmem>>
    %dma_start3A_18 = tpu.memref_squeeze %dma_start3A_17 : memref<1x128xi32, #tpu.memory_space<vmem>> -> memref<128xi32, #tpu.memory_space<vmem>>
    %dma_start3A_19 = arith.constant 0 : i32
    %dma_start3A_20 = arith.constant 0 : i32
    %dma_start3A_21 = tpu.memref_slice %arg5[%dma_start3A_19, %dma_start3A_20] : memref<10000x128xf32, #tpu.memory_space<hbm>> -> memref<10000x128xf32, #tpu.memory_space<hbm>>
    tpu.enqueue_indirect_dma source(%dma_start3A_21 : memref<10000x128xf32, #tpu.memory_space<hbm>>) target(%arg15 : memref<128x128xf32, #tpu.memory_space<vmem>>) offsets(%dma_start3A_18 : memref<128xi32, #tpu.memory_space<vmem>>) semaphore(%arg19 : memref<!tpu.dma_semaphore, #tpu.memory_space<semaphore_mem>>)
    %scan3A_22 = arith.constant 0 : i32
    %scan3A_23 = arith.constant 0 : i32
    %scan3A_24 = arith.constant 20 : i32
    %scan3A_25 = arith.addi %scan3A_23, %scan3A_24 : i32
    %scan3A_26 = arith.constant 1 : i32
    scf.for %scan3A_154 = %scan3A_23 to %scan3A_25 step %scan3A_26  : i32 {
      %mul3A_155 = arith.constant 2 : i32
      %mul3A_156 = arith.muli %mul3A_155, %scan3A_154 : i32
      %mul3A_157 = arith.constant 2 : i32
      %mul3A_158 = arith.muli %mul3A_157, %scan3A_154 : i32
      %add3A_159 = arith.constant 1 : i32
      %add3A_160 = arith.addi %mul3A_158, %add3A_159 : i32
      %mul3A_161 = arith.constant 2 : i32
      %mul3A_162 = arith.muli %mul3A_161, %scan3A_154 : i32
      %add3A_163 = arith.constant 2 : i32
      %add3A_164 = arith.addi %mul3A_162, %add3A_163 : i32
      %lt3A_165 = arith.cmpi slt, %add3A_160, %min3A_4 : i32
      %convert_element_type3A_166 = arith.extui %lt3A_165 : i1 to i32
      %cond3A_167 = arith.constant 0 : i32
      %cond3A_168 = arith.cmpi ne, %convert_element_type3A_166, %cond3A_167 : i32
      scf.if %cond3A_168 {
        %dma_start3A_181 = arith.constant 0 : i32
        %dma_start3A_182 = tpu.memref_slice %arg17[%add3A_160, %dma_start3A_181] : memref<40x128xi32, #tpu.memory_space<vmem>> -> memref<1x128xi32, #tpu.memory_space<vmem>>
        %dma_start3A_183 = tpu.memref_squeeze %dma_start3A_182 : memref<1x128xi32, #tpu.memory_space<vmem>> -> memref<128xi32, #tpu.memory_space<vmem>>
        %dma_start3A_184 = arith.constant 0 : i32
        %dma_start3A_185 = arith.constant 0 : i32
        %dma_start3A_186 = tpu.memref_slice %arg5[%dma_start3A_184, %dma_start3A_185] : memref<10000x128xf32, #tpu.memory_space<hbm>> -> memref<10000x128xf32, #tpu.memory_space<hbm>>
        tpu.enqueue_indirect_dma source(%dma_start3A_186 : memref<10000x128xf32, #tpu.memory_space<hbm>>) target(%arg16 : memref<128x128xf32, #tpu.memory_space<vmem>>) offsets(%dma_start3A_183 : memref<128xi32, #tpu.memory_space<vmem>>) semaphore(%arg20 : memref<!tpu.dma_semaphore, #tpu.memory_space<semaphore_mem>>)
      } else {
      }
      %lt3A_169 = arith.cmpi slt, %mul3A_156, %min3A_4 : i32
      %convert_element_type3A_170 = arith.extui %lt3A_169 : i1 to i32
      %cond3A_171 = arith.constant 0 : i32
      %cond3A_172 = arith.cmpi ne, %convert_element_type3A_170, %cond3A_171 : i32
      scf.if %cond3A_172 {
        %dma_wait3A = arith.constant 0 : i32
        %dma_wait3A_181 = tpu.memref_slice %arg17[%mul3A_156, %dma_wait3A] : memref<40x128xi32, #tpu.memory_space<vmem>> -> memref<1x128xi32, #tpu.memory_space<vmem>>
        %dma_wait3A_182 = tpu.memref_squeeze %dma_wait3A_181 : memref<1x128xi32, #tpu.memory_space<vmem>> -> memref<128xi32, #tpu.memory_space<vmem>>
        %dma_wait3A_183 = arith.constant 0 : i32
        %dma_wait3A_184 = arith.constant 0 : i32
        %dma_wait3A_185 = tpu.memref_slice %arg5[%dma_wait3A_183, %dma_wait3A_184] : memref<10000x128xf32, #tpu.memory_space<hbm>> -> memref<10000x128xf32, #tpu.memory_space<hbm>>
        tpu.wait_indirect_dma semaphore(%arg19 : memref<!tpu.dma_semaphore, #tpu.memory_space<semaphore_mem>>) src(%dma_wait3A_185 : memref<10000x128xf32, #tpu.memory_space<hbm>>) dst(%arg15 : memref<128x128xf32, #tpu.memory_space<vmem>>)
        "tpu.region"() ({
          %run_scoped3A = tpu.sem_alloc : memref<!tpu.dma_semaphore, #tpu.memory_space<semaphore_mem>>
          %dma_start3A_186 = arith.constant 0 : i32
          %dma_start3A_187 = tpu.memref_slice %arg18[%mul3A_156, %dma_start3A_186] : memref<40x128xi32, #tpu.memory_space<vmem>> -> memref<1x128xi32, #tpu.memory_space<vmem>>
          %dma_start3A_188 = tpu.memref_squeeze %dma_start3A_187 : memref<1x128xi32, #tpu.memory_space<vmem>> -> memref<128xi32, #tpu.memory_space<vmem>>
          %dma_start3A_189 = arith.constant 0 : i32
          %dma_start3A_190 = arith.constant 0 : i32
          %dma_start3A_191 = tpu.memref_slice %arg13[%dma_start3A_189, %dma_start3A_190] : memref<10000x128xf32, #tpu.memory_space<vmem_shared>> -> memref<10000x128xf32, #tpu.memory_space<vmem_shared>>
          tpu.enqueue_indirect_dma source(%arg15 : memref<128x128xf32, #tpu.memory_space<vmem>>) target(%dma_start3A_191 : memref<10000x128xf32, #tpu.memory_space<vmem_shared>>) offsets(%dma_start3A_188 : memref<128xi32, #tpu.memory_space<vmem>>) semaphore(%run_scoped3A : memref<!tpu.dma_semaphore, #tpu.memory_space<semaphore_mem>>) {add = true}
          %dma_wait3A_192 = arith.constant 0 : i32
          %dma_wait3A_193 = tpu.memref_slice %arg18[%mul3A_156, %dma_wait3A_192] : memref<40x128xi32, #tpu.memory_space<vmem>> -> memref<1x128xi32, #tpu.memory_space<vmem>>
          %dma_wait3A_194 = tpu.memref_squeeze %dma_wait3A_193 : memref<1x128xi32, #tpu.memory_space<vmem>> -> memref<128xi32, #tpu.memory_space<vmem>>
          %dma_wait3A_195 = arith.constant 0 : i32
          %dma_wait3A_196 = arith.constant 0 : i32
          %dma_wait3A_197 = tpu.memref_slice %arg13[%dma_wait3A_195, %dma_wait3A_196] : memref<10000x128xf32, #tpu.memory_space<vmem_shared>> -> memref<10000x128xf32, #tpu.memory_space<vmem_shared>>
          tpu.wait_indirect_dma semaphore(%run_scoped3A : memref<!tpu.dma_semaphore, #tpu.memory_space<semaphore_mem>>) src(%arg15 : memref<128x128xf32, #tpu.memory_space<vmem>>) dst(%dma_wait3A_197 : memref<10000x128xf32, #tpu.memory_space<vmem_shared>>)
          tpu.yield
        }) : () -> ()
      } else {
      }
      %lt3A_173 = arith.cmpi slt, %add3A_164, %min3A_4 : i32
      %convert_element_type3A_174 = arith.extui %lt3A_173 : i1 to i32
      %cond3A_175 = arith.constant 0 : i32
      %cond3A_176 = arith.cmpi ne, %convert_element_type3A_174, %cond3A_175 : i32
      scf.if %cond3A_176 {
        %dma_start3A_181 = arith.constant 0 : i32
        %dma_start3A_182 = tpu.memref_slice %arg17[%add3A_164, %dma_start3A_181] : memref<40x128xi32, #tpu.memory_space<vmem>> -> memref<1x128xi32, #tpu.memory_space<vmem>>
        %dma_start3A_183 = tpu.memref_squeeze %dma_start3A_182 : memref<1x128xi32, #tpu.memory_space<vmem>> -> memref<128xi32, #tpu.memory_space<vmem>>
        %dma_start3A_184 = arith.constant 0 : i32
        %dma_start3A_185 = arith.constant 0 : i32
        %dma_start3A_186 = tpu.memref_slice %arg5[%dma_start3A_184, %dma_start3A_185] : memref<10000x128xf32, #tpu.memory_space<hbm>> -> memref<10000x128xf32, #tpu.memory_space<hbm>>
        tpu.enqueue_indirect_dma source(%dma_start3A_186 : memref<10000x128xf32, #tpu.memory_space<hbm>>) target(%arg15 : memref<128x128xf32, #tpu.memory_space<vmem>>) offsets(%dma_start3A_183 : memref<128xi32, #tpu.memory_space<vmem>>) semaphore(%arg19 : memref<!tpu.dma_semaphore, #tpu.memory_space<semaphore_mem>>)
      } else {
      }
      %lt3A_177 = arith.cmpi slt, %add3A_160, %min3A_4 : i32
      %convert_element_type3A_178 = arith.extui %lt3A_177 : i1 to i32
      %cond3A_179 = arith.constant 0 : i32
      %cond3A_180 = arith.cmpi ne, %convert_element_type3A_178, %cond3A_179 : i32
      scf.if %cond3A_180 {
        %dma_wait3A = arith.constant 0 : i32
        %dma_wait3A_181 = tpu.memref_slice %arg17[%add3A_160, %dma_wait3A] : memref<40x128xi32, #tpu.memory_space<vmem>> -> memref<1x128xi32, #tpu.memory_space<vmem>>
        %dma_wait3A_182 = tpu.memref_squeeze %dma_wait3A_181 : memref<1x128xi32, #tpu.memory_space<vmem>> -> memref<128xi32, #tpu.memory_space<vmem>>
        %dma_wait3A_183 = arith.constant 0 : i32
        %dma_wait3A_184 = arith.constant 0 : i32
        %dma_wait3A_185 = tpu.memref_slice %arg5[%dma_wait3A_183, %dma_wait3A_184] : memref<10000x128xf32, #tpu.memory_space<hbm>> -> memref<10000x128xf32, #tpu.memory_space<hbm>>
        tpu.wait_indirect_dma semaphore(%arg20 : memref<!tpu.dma_semaphore, #tpu.memory_space<semaphore_mem>>) src(%dma_wait3A_185 : memref<10000x128xf32, #tpu.memory_space<hbm>>) dst(%arg16 : memref<128x128xf32, #tpu.memory_space<vmem>>)
        "tpu.region"() ({
          %run_scoped3A = tpu.sem_alloc : memref<!tpu.dma_semaphore, #tpu.memory_space<semaphore_mem>>
          %dma_start3A_186 = arith.constant 0 : i32
          %dma_start3A_187 = tpu.memref_slice %arg18[%add3A_160, %dma_start3A_186] : memref<40x128xi32, #tpu.memory_space<vmem>> -> memref<1x128xi32, #tpu.memory_space<vmem>>
          %dma_start3A_188 = tpu.memref_squeeze %dma_start3A_187 : memref<1x128xi32, #tpu.memory_space<vmem>> -> memref<128xi32, #tpu.memory_space<vmem>>
          %dma_start3A_189 = arith.constant 0 : i32
          %dma_start3A_190 = arith.constant 0 : i32
          %dma_start3A_191 = tpu.memref_slice %arg13[%dma_start3A_189, %dma_start3A_190] : memref<10000x128xf32, #tpu.memory_space<vmem_shared>> -> memref<10000x128xf32, #tpu.memory_space<vmem_shared>>
          tpu.enqueue_indirect_dma source(%arg16 : memref<128x128xf32, #tpu.memory_space<vmem>>) target(%dma_start3A_191 : memref<10000x128xf32, #tpu.memory_space<vmem_shared>>) offsets(%dma_start3A_188 : memref<128xi32, #tpu.memory_space<vmem>>) semaphore(%run_scoped3A : memref<!tpu.dma_semaphore, #tpu.memory_space<semaphore_mem>>) {add = true}
          %dma_wait3A_192 = arith.constant 0 : i32
          %dma_wait3A_193 = tpu.memref_slice %arg18[%add3A_160, %dma_wait3A_192] : memref<40x128xi32, #tpu.memory_space<vmem>> -> memref<1x128xi32, #tpu.memory_space<vmem>>
          %dma_wait3A_194 = tpu.memref_squeeze %dma_wait3A_193 : memref<1x128xi32, #tpu.memory_space<vmem>> -> memref<128xi32, #tpu.memory_space<vmem>>
          %dma_wait3A_195 = arith.constant 0 : i32
          %dma_wait3A_196 = arith.constant 0 : i32
          %dma_wait3A_197 = tpu.memref_slice %arg13[%dma_wait3A_195, %dma_wait3A_196] : memref<10000x128xf32, #tpu.memory_space<vmem_shared>> -> memref<10000x128xf32, #tpu.memory_space<vmem_shared>>
          tpu.wait_indirect_dma semaphore(%run_scoped3A : memref<!tpu.dma_semaphore, #tpu.memory_space<semaphore_mem>>) src(%arg16 : memref<128x128xf32, #tpu.memory_space<vmem>>) dst(%dma_wait3A_197 : memref<10000x128xf32, #tpu.memory_space<vmem_shared>>)
          tpu.yield
        }) : () -> ()
      } else {
      }
    }
    %scan3A_27 = arith.constant 20 : i32
    %dma_start3A_28 = arith.constant 0 : i32
    %dma_start3A_29 = arith.constant 0 : i32
    %dma_start3A_30 = tpu.memref_slice %arg17[%dma_start3A_28, %dma_start3A_29] : memref<40x128xi32, #tpu.memory_space<vmem>> -> memref<1x128xi32, #tpu.memory_space<vmem>>
    %dma_start3A_31 = tpu.memref_squeeze %dma_start3A_30 : memref<1x128xi32, #tpu.memory_space<vmem>> -> memref<128xi32, #tpu.memory_space<vmem>>
    %dma_start3A_32 = arith.constant 0 : i32
    %dma_start3A_33 = arith.constant 0 : i32
    %dma_start3A_34 = tpu.memref_slice %arg6[%dma_start3A_32, %dma_start3A_33] : memref<10000x128xf32, #tpu.memory_space<hbm>> -> memref<10000x128xf32, #tpu.memory_space<hbm>>
    tpu.enqueue_indirect_dma source(%dma_start3A_34 : memref<10000x128xf32, #tpu.memory_space<hbm>>) target(%arg15 : memref<128x128xf32, #tpu.memory_space<vmem>>) offsets(%dma_start3A_31 : memref<128xi32, #tpu.memory_space<vmem>>) semaphore(%arg19 : memref<!tpu.dma_semaphore, #tpu.memory_space<semaphore_mem>>)
    %barrier3A_35 = arith.constant 0 : index
    tpu.barrier barrier_id(%barrier3A_35)
    %mul3A_36 = arith.constant 640 : i32
    %mul3A_37 = arith.muli %mul3A_36, %arg1 : i32
    %lt3A = arith.constant 15 : i32
    %lt3A_38 = arith.cmpi slt, %arg1, %lt3A : i32
    %convert_element_type3A = arith.extui %lt3A_38 : i1 to i32
    %cond3A = arith.constant 0 : i32
    %cond3A_39 = arith.cmpi ne, %convert_element_type3A, %cond3A : i32
    scf.if %cond3A_39 {
      "tpu.region"() ({
        %run_scoped3A = tpu.sem_alloc : memref<!tpu.dma_semaphore, #tpu.memory_space<semaphore_mem>>
        %dma_start3A_154 = arith.constant 0 : i32
        %dma_start3A_155 = tpu.memref_slice %arg9[%arg0, %mul3A_37, %dma_start3A_154] : memref<2x10000x128xf32, #tpu.memory_space<hbm>> -> memref<1x640x128xf32, #tpu.memory_space<hbm>>
        %dma_start3A_156 = tpu.memref_squeeze %dma_start3A_155 : memref<1x640x128xf32, #tpu.memory_space<hbm>> -> memref<640x128xf32, #tpu.memory_space<hbm>>
        %dma_start3A_157 = arith.constant 0 : i32
        %dma_start3A_158 = tpu.memref_slice %arg13[%mul3A_37, %dma_start3A_157] : memref<10000x128xf32, #tpu.memory_space<vmem_shared>> -> memref<640x128xf32, #tpu.memory_space<vmem_shared>>
        tpu.enqueue_dma source(%dma_start3A_158 : memref<640x128xf32, #tpu.memory_space<vmem_shared>>) target(%dma_start3A_156 : memref<640x128xf32, #tpu.memory_space<hbm>>) target_semaphore(%run_scoped3A : memref<!tpu.dma_semaphore, #tpu.memory_space<semaphore_mem>>)
        %dma_wait3A = arith.constant 0 : i32
        %dma_wait3A_159 = tpu.memref_slice %arg9[%arg0, %mul3A_37, %dma_wait3A] : memref<2x10000x128xf32, #tpu.memory_space<hbm>> -> memref<1x640x128xf32, #tpu.memory_space<hbm>>
        %dma_wait3A_160 = tpu.memref_squeeze %dma_wait3A_159 : memref<1x640x128xf32, #tpu.memory_space<hbm>> -> memref<640x128xf32, #tpu.memory_space<hbm>>
        %dma_wait3A_161 = arith.constant 0 : i32
        %dma_wait3A_162 = tpu.memref_slice %arg13[%mul3A_37, %dma_wait3A_161] : memref<10000x128xf32, #tpu.memory_space<vmem_shared>> -> memref<640x128xf32, #tpu.memory_space<vmem_shared>>
        tpu.wait_dma2 semaphore(%run_scoped3A : memref<!tpu.dma_semaphore, #tpu.memory_space<semaphore_mem>>) src(%dma_wait3A_162 : memref<640x128xf32, #tpu.memory_space<vmem_shared>>) dst(%dma_wait3A_160 : memref<640x128xf32, #tpu.memory_space<hbm>>)
        tpu.yield
      }) : () -> ()
    } else {
    }
    %eq3A = arith.constant 15 : i32
    %eq3A_40 = arith.cmpi eq, %arg1, %eq3A : i32
    %convert_element_type3A_41 = arith.extui %eq3A_40 : i1 to i32
    %cond3A_42 = arith.constant 0 : i32
    %cond3A_43 = arith.cmpi ne, %convert_element_type3A_41, %cond3A_42 : i32
    scf.if %cond3A_43 {
      "tpu.region"() ({
        %run_scoped3A = tpu.sem_alloc : memref<!tpu.dma_semaphore, #tpu.memory_space<semaphore_mem>>
        %dma_start3A_154 = arith.constant 0 : i32
        %dma_start3A_155 = tpu.memref_slice %arg9[%arg0, %mul3A_37, %dma_start3A_154] : memref<2x10000x128xf32, #tpu.memory_space<hbm>> -> memref<1x400x128xf32, #tpu.memory_space<hbm>>
        %dma_start3A_156 = tpu.memref_squeeze %dma_start3A_155 : memref<1x400x128xf32, #tpu.memory_space<hbm>> -> memref<400x128xf32, #tpu.memory_space<hbm>>
        %dma_start3A_157 = arith.constant 0 : i32
        %dma_start3A_158 = tpu.memref_slice %arg13[%mul3A_37, %dma_start3A_157] : memref<10000x128xf32, #tpu.memory_space<vmem_shared>> -> memref<400x128xf32, #tpu.memory_space<vmem_shared>>
        tpu.enqueue_dma source(%dma_start3A_158 : memref<400x128xf32, #tpu.memory_space<vmem_shared>>) target(%dma_start3A_156 : memref<400x128xf32, #tpu.memory_space<hbm>>) target_semaphore(%run_scoped3A : memref<!tpu.dma_semaphore, #tpu.memory_space<semaphore_mem>>)
        %dma_wait3A = arith.constant 0 : i32
        %dma_wait3A_159 = tpu.memref_slice %arg9[%arg0, %mul3A_37, %dma_wait3A] : memref<2x10000x128xf32, #tpu.memory_space<hbm>> -> memref<1x400x128xf32, #tpu.memory_space<hbm>>
        %dma_wait3A_160 = tpu.memref_squeeze %dma_wait3A_159 : memref<1x400x128xf32, #tpu.memory_space<hbm>> -> memref<400x128xf32, #tpu.memory_space<hbm>>
        %dma_wait3A_161 = arith.constant 0 : i32
        %dma_wait3A_162 = tpu.memref_slice %arg13[%mul3A_37, %dma_wait3A_161] : memref<10000x128xf32, #tpu.memory_space<vmem_shared>> -> memref<400x128xf32, #tpu.memory_space<vmem_shared>>
        tpu.wait_dma2 semaphore(%run_scoped3A : memref<!tpu.dma_semaphore, #tpu.memory_space<semaphore_mem>>) src(%dma_wait3A_162 : memref<400x128xf32, #tpu.memory_space<vmem_shared>>) dst(%dma_wait3A_160 : memref<400x128xf32, #tpu.memory_space<hbm>>)
        tpu.yield
      }) : () -> ()
    } else {
    }
    %scan3A_44 = arith.constant 0 : i32
    %scan3A_45 = arith.constant 0 : i32
    %scan3A_46 = arith.constant 16 : i32
    %scan3A_47 = arith.addi %scan3A_45, %scan3A_46 : i32
    %scan3A_48 = arith.constant 1 : i32
    scf.for %scan3A_154 = %scan3A_45 to %scan3A_47 step %scan3A_48  : i32 {
      %mul3A_155 = arith.constant 640 : i32
      %mul3A_156 = arith.muli %mul3A_155, %arg1 : i32
      %mul3A_157 = arith.constant 40 : i32
      %mul3A_158 = arith.muli %mul3A_157, %scan3A_154 : i32
      %add3A_159 = arith.addi %mul3A_156, %mul3A_158 : i32
      %lt3A_160 = arith.constant 10000 : i32
      %lt3A_161 = arith.cmpi slt, %add3A_159, %lt3A_160 : i32
      %convert_element_type3A_162 = arith.extui %lt3A_161 : i1 to i32
      %cond3A_163 = arith.constant 0 : i32
      %cond3A_164 = arith.cmpi ne, %convert_element_type3A_162, %cond3A_163 : i32
      scf.if %cond3A_164 {
        %dma_start3A_165 = arith.constant 0 : i32
        %dma_start3A_166 = tpu.memref_slice %arg13[%add3A_159, %dma_start3A_165] : memref<10000x128xf32, #tpu.memory_space<vmem_shared>> -> memref<40x128xf32, #tpu.memory_space<vmem_shared>>
        %dma_start3A_167 = arith.constant 0 : i32
        %dma_start3A_168 = tpu.memref_slice %arg13[%add3A_159, %dma_start3A_167] : memref<10000x128xf32, #tpu.memory_space<vmem_shared>> -> memref<40x128xf32, #tpu.memory_space<vmem_shared>>
        tpu.enqueue_dma source(%arg14 : memref<40x128xf32, #tpu.memory_space<vmem>>) target(%dma_start3A_168 : memref<40x128xf32, #tpu.memory_space<vmem_shared>>) target_semaphore(%arg21 : memref<!tpu.dma_semaphore, #tpu.memory_space<semaphore_mem>>)
      } else {
      }
    }
    %scan3A_49 = arith.constant 16 : i32
    %scan3A_50 = arith.constant 0 : i32
    %scan3A_51 = arith.constant 0 : i32
    %scan3A_52 = arith.constant 16 : i32
    %scan3A_53 = arith.addi %scan3A_51, %scan3A_52 : i32
    %scan3A_54 = arith.constant 1 : i32
    scf.for %scan3A_154 = %scan3A_51 to %scan3A_53 step %scan3A_54  : i32 {
      %mul3A_155 = arith.constant 640 : i32
      %mul3A_156 = arith.muli %mul3A_155, %arg1 : i32
      %mul3A_157 = arith.constant 40 : i32
      %mul3A_158 = arith.muli %mul3A_157, %scan3A_154 : i32
      %add3A_159 = arith.addi %mul3A_156, %mul3A_158 : i32
      %lt3A_160 = arith.constant 10000 : i32
      %lt3A_161 = arith.cmpi slt, %add3A_159, %lt3A_160 : i32
      %convert_element_type3A_162 = arith.extui %lt3A_161 : i1 to i32
      %cond3A_163 = arith.constant 0 : i32
      %cond3A_164 = arith.cmpi ne, %convert_element_type3A_162, %cond3A_163 : i32
      scf.if %cond3A_164 {
        %dma_wait3A = arith.constant 0 : i32
        %dma_wait3A_165 = tpu.memref_slice %arg13[%add3A_159, %dma_wait3A] : memref<10000x128xf32, #tpu.memory_space<vmem_shared>> -> memref<40x128xf32, #tpu.memory_space<vmem_shared>>
        %dma_wait3A_166 = arith.constant 0 : i32
        %dma_wait3A_167 = tpu.memref_slice %arg13[%add3A_159, %dma_wait3A_166] : memref<10000x128xf32, #tpu.memory_space<vmem_shared>> -> memref<40x128xf32, #tpu.memory_space<vmem_shared>>
        tpu.wait_dma2 semaphore(%arg21 : memref<!tpu.dma_semaphore, #tpu.memory_space<semaphore_mem>>) src(%arg14 : memref<40x128xf32, #tpu.memory_space<vmem>>) dst(%dma_wait3A_167 : memref<40x128xf32, #tpu.memory_space<vmem_shared>>)
      } else {
      }
    }
    %scan3A_55 = arith.constant 16 : i32
    %barrier3A_56 = arith.constant 0 : index
    tpu.barrier barrier_id(%barrier3A_56)
    %scan3A_57 = arith.constant 0 : i32
    %scan3A_58 = arith.constant 0 : i32
    %scan3A_59 = arith.constant 20 : i32
    %scan3A_60 = arith.addi %scan3A_58, %scan3A_59 : i32
    %scan3A_61 = arith.constant 1 : i32
    scf.for %scan3A_154 = %scan3A_58 to %scan3A_60 step %scan3A_61  : i32 {
      %mul3A_155 = arith.constant 2 : i32
      %mul3A_156 = arith.muli %mul3A_155, %scan3A_154 : i32
      %mul3A_157 = arith.constant 2 : i32
      %mul3A_158 = arith.muli %mul3A_157, %scan3A_154 : i32
      %add3A_159 = arith.constant 1 : i32
      %add3A_160 = arith.addi %mul3A_158, %add3A_159 : i32
      %mul3A_161 = arith.constant 2 : i32
      %mul3A_162 = arith.muli %mul3A_161, %scan3A_154 : i32
      %add3A_163 = arith.constant 2 : i32
      %add3A_164 = arith.addi %mul3A_162, %add3A_163 : i32
      %lt3A_165 = arith.cmpi slt, %add3A_160, %min3A_4 : i32
      %convert_element_type3A_166 = arith.extui %lt3A_165 : i1 to i32
      %cond3A_167 = arith.constant 0 : i32
      %cond3A_168 = arith.cmpi ne, %convert_element_type3A_166, %cond3A_167 : i32
      scf.if %cond3A_168 {
        %dma_start3A_181 = arith.constant 0 : i32
        %dma_start3A_182 = tpu.memref_slice %arg17[%add3A_160, %dma_start3A_181] : memref<40x128xi32, #tpu.memory_space<vmem>> -> memref<1x128xi32, #tpu.memory_space<vmem>>
        %dma_start3A_183 = tpu.memref_squeeze %dma_start3A_182 : memref<1x128xi32, #tpu.memory_space<vmem>> -> memref<128xi32, #tpu.memory_space<vmem>>
        %dma_start3A_184 = arith.constant 0 : i32
        %dma_start3A_185 = arith.constant 0 : i32
        %dma_start3A_186 = tpu.memref_slice %arg6[%dma_start3A_184, %dma_start3A_185] : memref<10000x128xf32, #tpu.memory_space<hbm>> -> memref<10000x128xf32, #tpu.memory_space<hbm>>
        tpu.enqueue_indirect_dma source(%dma_start3A_186 : memref<10000x128xf32, #tpu.memory_space<hbm>>) target(%arg16 : memref<128x128xf32, #tpu.memory_space<vmem>>) offsets(%dma_start3A_183 : memref<128xi32, #tpu.memory_space<vmem>>) semaphore(%arg20 : memref<!tpu.dma_semaphore, #tpu.memory_space<semaphore_mem>>)
      } else {
      }
      %lt3A_169 = arith.cmpi slt, %mul3A_156, %min3A_4 : i32
      %convert_element_type3A_170 = arith.extui %lt3A_169 : i1 to i32
      %cond3A_171 = arith.constant 0 : i32
      %cond3A_172 = arith.cmpi ne, %convert_element_type3A_170, %cond3A_171 : i32
      scf.if %cond3A_172 {
        %dma_wait3A = arith.constant 0 : i32
        %dma_wait3A_181 = tpu.memref_slice %arg17[%mul3A_156, %dma_wait3A] : memref<40x128xi32, #tpu.memory_space<vmem>> -> memref<1x128xi32, #tpu.memory_space<vmem>>
        %dma_wait3A_182 = tpu.memref_squeeze %dma_wait3A_181 : memref<1x128xi32, #tpu.memory_space<vmem>> -> memref<128xi32, #tpu.memory_space<vmem>>
        %dma_wait3A_183 = arith.constant 0 : i32
        %dma_wait3A_184 = arith.constant 0 : i32
        %dma_wait3A_185 = tpu.memref_slice %arg6[%dma_wait3A_183, %dma_wait3A_184] : memref<10000x128xf32, #tpu.memory_space<hbm>> -> memref<10000x128xf32, #tpu.memory_space<hbm>>
        tpu.wait_indirect_dma semaphore(%arg19 : memref<!tpu.dma_semaphore, #tpu.memory_space<semaphore_mem>>) src(%dma_wait3A_185 : memref<10000x128xf32, #tpu.memory_space<hbm>>) dst(%arg15 : memref<128x128xf32, #tpu.memory_space<vmem>>)
        "tpu.region"() ({
          %run_scoped3A = tpu.sem_alloc : memref<!tpu.dma_semaphore, #tpu.memory_space<semaphore_mem>>
          %dma_start3A_186 = arith.constant 0 : i32
          %dma_start3A_187 = tpu.memref_slice %arg18[%mul3A_156, %dma_start3A_186] : memref<40x128xi32, #tpu.memory_space<vmem>> -> memref<1x128xi32, #tpu.memory_space<vmem>>
          %dma_start3A_188 = tpu.memref_squeeze %dma_start3A_187 : memref<1x128xi32, #tpu.memory_space<vmem>> -> memref<128xi32, #tpu.memory_space<vmem>>
          %dma_start3A_189 = arith.constant 0 : i32
          %dma_start3A_190 = arith.constant 0 : i32
          %dma_start3A_191 = tpu.memref_slice %arg13[%dma_start3A_189, %dma_start3A_190] : memref<10000x128xf32, #tpu.memory_space<vmem_shared>> -> memref<10000x128xf32, #tpu.memory_space<vmem_shared>>
          tpu.enqueue_indirect_dma source(%arg15 : memref<128x128xf32, #tpu.memory_space<vmem>>) target(%dma_start3A_191 : memref<10000x128xf32, #tpu.memory_space<vmem_shared>>) offsets(%dma_start3A_188 : memref<128xi32, #tpu.memory_space<vmem>>) semaphore(%run_scoped3A : memref<!tpu.dma_semaphore, #tpu.memory_space<semaphore_mem>>) {add = true}
          %dma_wait3A_192 = arith.constant 0 : i32
          %dma_wait3A_193 = tpu.memref_slice %arg18[%mul3A_156, %dma_wait3A_192] : memref<40x128xi32, #tpu.memory_space<vmem>> -> memref<1x128xi32, #tpu.memory_space<vmem>>
          %dma_wait3A_194 = tpu.memref_squeeze %dma_wait3A_193 : memref<1x128xi32, #tpu.memory_space<vmem>> -> memref<128xi32, #tpu.memory_space<vmem>>
          %dma_wait3A_195 = arith.constant 0 : i32
          %dma_wait3A_196 = arith.constant 0 : i32
          %dma_wait3A_197 = tpu.memref_slice %arg13[%dma_wait3A_195, %dma_wait3A_196] : memref<10000x128xf32, #tpu.memory_space<vmem_shared>> -> memref<10000x128xf32, #tpu.memory_space<vmem_shared>>
          tpu.wait_indirect_dma semaphore(%run_scoped3A : memref<!tpu.dma_semaphore, #tpu.memory_space<semaphore_mem>>) src(%arg15 : memref<128x128xf32, #tpu.memory_space<vmem>>) dst(%dma_wait3A_197 : memref<10000x128xf32, #tpu.memory_space<vmem_shared>>)
          tpu.yield
        }) : () -> ()
      } else {
      }
      %lt3A_173 = arith.cmpi slt, %add3A_164, %min3A_4 : i32
      %convert_element_type3A_174 = arith.extui %lt3A_173 : i1 to i32
      %cond3A_175 = arith.constant 0 : i32
      %cond3A_176 = arith.cmpi ne, %convert_element_type3A_174, %cond3A_175 : i32
      scf.if %cond3A_176 {
        %dma_start3A_181 = arith.constant 0 : i32
        %dma_start3A_182 = tpu.memref_slice %arg17[%add3A_164, %dma_start3A_181] : memref<40x128xi32, #tpu.memory_space<vmem>> -> memref<1x128xi32, #tpu.memory_space<vmem>>
        %dma_start3A_183 = tpu.memref_squeeze %dma_start3A_182 : memref<1x128xi32, #tpu.memory_space<vmem>> -> memref<128xi32, #tpu.memory_space<vmem>>
        %dma_start3A_184 = arith.constant 0 : i32
        %dma_start3A_185 = arith.constant 0 : i32
        %dma_start3A_186 = tpu.memref_slice %arg6[%dma_start3A_184, %dma_start3A_185] : memref<10000x128xf32, #tpu.memory_space<hbm>> -> memref<10000x128xf32, #tpu.memory_space<hbm>>
        tpu.enqueue_indirect_dma source(%dma_start3A_186 : memref<10000x128xf32, #tpu.memory_space<hbm>>) target(%arg15 : memref<128x128xf32, #tpu.memory_space<vmem>>) offsets(%dma_start3A_183 : memref<128xi32, #tpu.memory_space<vmem>>) semaphore(%arg19 : memref<!tpu.dma_semaphore, #tpu.memory_space<semaphore_mem>>)
      } else {
      }
      %lt3A_177 = arith.cmpi slt, %add3A_160, %min3A_4 : i32
      %convert_element_type3A_178 = arith.extui %lt3A_177 : i1 to i32
      %cond3A_179 = arith.constant 0 : i32
      %cond3A_180 = arith.cmpi ne, %convert_element_type3A_178, %cond3A_179 : i32
      scf.if %cond3A_180 {
        %dma_wait3A = arith.constant 0 : i32
        %dma_wait3A_181 = tpu.memref_slice %arg17[%add3A_160, %dma_wait3A] : memref<40x128xi32, #tpu.memory_space<vmem>> -> memref<1x128xi32, #tpu.memory_space<vmem>>
        %dma_wait3A_182 = tpu.memref_squeeze %dma_wait3A_181 : memref<1x128xi32, #tpu.memory_space<vmem>> -> memref<128xi32, #tpu.memory_space<vmem>>
        %dma_wait3A_183 = arith.constant 0 : i32
        %dma_wait3A_184 = arith.constant 0 : i32
        %dma_wait3A_185 = tpu.memref_slice %arg6[%dma_wait3A_183, %dma_wait3A_184] : memref<10000x128xf32, #tpu.memory_space<hbm>> -> memref<10000x128xf32, #tpu.memory_space<hbm>>
        tpu.wait_indirect_dma semaphore(%arg20 : memref<!tpu.dma_semaphore, #tpu.memory_space<semaphore_mem>>) src(%dma_wait3A_185 : memref<10000x128xf32, #tpu.memory_space<hbm>>) dst(%arg16 : memref<128x128xf32, #tpu.memory_space<vmem>>)
        "tpu.region"() ({
          %run_scoped3A = tpu.sem_alloc : memref<!tpu.dma_semaphore, #tpu.memory_space<semaphore_mem>>
          %dma_start3A_186 = arith.constant 0 : i32
          %dma_start3A_187 = tpu.memref_slice %arg18[%add3A_160, %dma_start3A_186] : memref<40x128xi32, #tpu.memory_space<vmem>> -> memref<1x128xi32, #tpu.memory_space<vmem>>
          %dma_start3A_188 = tpu.memref_squeeze %dma_start3A_187 : memref<1x128xi32, #tpu.memory_space<vmem>> -> memref<128xi32, #tpu.memory_space<vmem>>
          %dma_start3A_189 = arith.constant 0 : i32
          %dma_start3A_190 = arith.constant 0 : i32
          %dma_start3A_191 = tpu.memref_slice %arg13[%dma_start3A_189, %dma_start3A_190] : memref<10000x128xf32, #tpu.memory_space<vmem_shared>> -> memref<10000x128xf32, #tpu.memory_space<vmem_shared>>
          tpu.enqueue_indirect_dma source(%arg16 : memref<128x128xf32, #tpu.memory_space<vmem>>) target(%dma_start3A_191 : memref<10000x128xf32, #tpu.memory_space<vmem_shared>>) offsets(%dma_start3A_188 : memref<128xi32, #tpu.memory_space<vmem>>) semaphore(%run_scoped3A : memref<!tpu.dma_semaphore, #tpu.memory_space<semaphore_mem>>) {add = true}
          %dma_wait3A_192 = arith.constant 0 : i32
          %dma_wait3A_193 = tpu.memref_slice %arg18[%add3A_160, %dma_wait3A_192] : memref<40x128xi32, #tpu.memory_space<vmem>> -> memref<1x128xi32, #tpu.memory_space<vmem>>
          %dma_wait3A_194 = tpu.memref_squeeze %dma_wait3A_193 : memref<1x128xi32, #tpu.memory_space<vmem>> -> memref<128xi32, #tpu.memory_space<vmem>>
          %dma_wait3A_195 = arith.constant 0 : i32
          %dma_wait3A_196 = arith.constant 0 : i32
          %dma_wait3A_197 = tpu.memref_slice %arg13[%dma_wait3A_195, %dma_wait3A_196] : memref<10000x128xf32, #tpu.memory_space<vmem_shared>> -> memref<10000x128xf32, #tpu.memory_space<vmem_shared>>
          tpu.wait_indirect_dma semaphore(%run_scoped3A : memref<!tpu.dma_semaphore, #tpu.memory_space<semaphore_mem>>) src(%arg16 : memref<128x128xf32, #tpu.memory_space<vmem>>) dst(%dma_wait3A_197 : memref<10000x128xf32, #tpu.memory_space<vmem_shared>>)
          tpu.yield
        }) : () -> ()
      } else {
      }
    }
    %scan3A_62 = arith.constant 20 : i32
    %dma_start3A_63 = arith.constant 0 : i32
    %dma_start3A_64 = arith.constant 0 : i32
    %dma_start3A_65 = tpu.memref_slice %arg17[%dma_start3A_63, %dma_start3A_64] : memref<40x128xi32, #tpu.memory_space<vmem>> -> memref<1x128xi32, #tpu.memory_space<vmem>>
    %dma_start3A_66 = tpu.memref_squeeze %dma_start3A_65 : memref<1x128xi32, #tpu.memory_space<vmem>> -> memref<128xi32, #tpu.memory_space<vmem>>
    %dma_start3A_67 = arith.constant 0 : i32
    %dma_start3A_68 = arith.constant 0 : i32
    %dma_start3A_69 = tpu.memref_slice %arg7[%dma_start3A_67, %dma_start3A_68] : memref<10000x128xf32, #tpu.memory_space<hbm>> -> memref<10000x128xf32, #tpu.memory_space<hbm>>
    tpu.enqueue_indirect_dma source(%dma_start3A_69 : memref<10000x128xf32, #tpu.memory_space<hbm>>) target(%arg15 : memref<128x128xf32, #tpu.memory_space<vmem>>) offsets(%dma_start3A_66 : memref<128xi32, #tpu.memory_space<vmem>>) semaphore(%arg19 : memref<!tpu.dma_semaphore, #tpu.memory_space<semaphore_mem>>)
    %barrier3A_70 = arith.constant 0 : index
    tpu.barrier barrier_id(%barrier3A_70)
    %mul3A_71 = arith.constant 640 : i32
    %mul3A_72 = arith.muli %mul3A_71, %arg1 : i32
    %lt3A_73 = arith.constant 15 : i32
    %lt3A_74 = arith.cmpi slt, %arg1, %lt3A_73 : i32
    %convert_element_type3A_75 = arith.extui %lt3A_74 : i1 to i32
    %cond3A_76 = arith.constant 0 : i32
    %cond3A_77 = arith.cmpi ne, %convert_element_type3A_75, %cond3A_76 : i32
    scf.if %cond3A_77 {
      "tpu.region"() ({
        %run_scoped3A = tpu.sem_alloc : memref<!tpu.dma_semaphore, #tpu.memory_space<semaphore_mem>>
        %dma_start3A_154 = arith.constant 0 : i32
        %dma_start3A_155 = tpu.memref_slice %arg10[%arg0, %mul3A_72, %dma_start3A_154] : memref<2x10000x128xf32, #tpu.memory_space<hbm>> -> memref<1x640x128xf32, #tpu.memory_space<hbm>>
        %dma_start3A_156 = tpu.memref_squeeze %dma_start3A_155 : memref<1x640x128xf32, #tpu.memory_space<hbm>> -> memref<640x128xf32, #tpu.memory_space<hbm>>
        %dma_start3A_157 = arith.constant 0 : i32
        %dma_start3A_158 = tpu.memref_slice %arg13[%mul3A_72, %dma_start3A_157] : memref<10000x128xf32, #tpu.memory_space<vmem_shared>> -> memref<640x128xf32, #tpu.memory_space<vmem_shared>>
        tpu.enqueue_dma source(%dma_start3A_158 : memref<640x128xf32, #tpu.memory_space<vmem_shared>>) target(%dma_start3A_156 : memref<640x128xf32, #tpu.memory_space<hbm>>) target_semaphore(%run_scoped3A : memref<!tpu.dma_semaphore, #tpu.memory_space<semaphore_mem>>)
        %dma_wait3A = arith.constant 0 : i32
        %dma_wait3A_159 = tpu.memref_slice %arg10[%arg0, %mul3A_72, %dma_wait3A] : memref<2x10000x128xf32, #tpu.memory_space<hbm>> -> memref<1x640x128xf32, #tpu.memory_space<hbm>>
        %dma_wait3A_160 = tpu.memref_squeeze %dma_wait3A_159 : memref<1x640x128xf32, #tpu.memory_space<hbm>> -> memref<640x128xf32, #tpu.memory_space<hbm>>
        %dma_wait3A_161 = arith.constant 0 : i32
        %dma_wait3A_162 = tpu.memref_slice %arg13[%mul3A_72, %dma_wait3A_161] : memref<10000x128xf32, #tpu.memory_space<vmem_shared>> -> memref<640x128xf32, #tpu.memory_space<vmem_shared>>
        tpu.wait_dma2 semaphore(%run_scoped3A : memref<!tpu.dma_semaphore, #tpu.memory_space<semaphore_mem>>) src(%dma_wait3A_162 : memref<640x128xf32, #tpu.memory_space<vmem_shared>>) dst(%dma_wait3A_160 : memref<640x128xf32, #tpu.memory_space<hbm>>)
        tpu.yield
      }) : () -> ()
    } else {
    }
    %eq3A_78 = arith.constant 15 : i32
    %eq3A_79 = arith.cmpi eq, %arg1, %eq3A_78 : i32
    %convert_element_type3A_80 = arith.extui %eq3A_79 : i1 to i32
    %cond3A_81 = arith.constant 0 : i32
    %cond3A_82 = arith.cmpi ne, %convert_element_type3A_80, %cond3A_81 : i32
    scf.if %cond3A_82 {
      "tpu.region"() ({
        %run_scoped3A = tpu.sem_alloc : memref<!tpu.dma_semaphore, #tpu.memory_space<semaphore_mem>>
        %dma_start3A_154 = arith.constant 0 : i32
        %dma_start3A_155 = tpu.memref_slice %arg10[%arg0, %mul3A_72, %dma_start3A_154] : memref<2x10000x128xf32, #tpu.memory_space<hbm>> -> memref<1x400x128xf32, #tpu.memory_space<hbm>>
        %dma_start3A_156 = tpu.memref_squeeze %dma_start3A_155 : memref<1x400x128xf32, #tpu.memory_space<hbm>> -> memref<400x128xf32, #tpu.memory_space<hbm>>
        %dma_start3A_157 = arith.constant 0 : i32
        %dma_start3A_158 = tpu.memref_slice %arg13[%mul3A_72, %dma_start3A_157] : memref<10000x128xf32, #tpu.memory_space<vmem_shared>> -> memref<400x128xf32, #tpu.memory_space<vmem_shared>>
        tpu.enqueue_dma source(%dma_start3A_158 : memref<400x128xf32, #tpu.memory_space<vmem_shared>>) target(%dma_start3A_156 : memref<400x128xf32, #tpu.memory_space<hbm>>) target_semaphore(%run_scoped3A : memref<!tpu.dma_semaphore, #tpu.memory_space<semaphore_mem>>)
        %dma_wait3A = arith.constant 0 : i32
        %dma_wait3A_159 = tpu.memref_slice %arg10[%arg0, %mul3A_72, %dma_wait3A] : memref<2x10000x128xf32, #tpu.memory_space<hbm>> -> memref<1x400x128xf32, #tpu.memory_space<hbm>>
        %dma_wait3A_160 = tpu.memref_squeeze %dma_wait3A_159 : memref<1x400x128xf32, #tpu.memory_space<hbm>> -> memref<400x128xf32, #tpu.memory_space<hbm>>
        %dma_wait3A_161 = arith.constant 0 : i32
        %dma_wait3A_162 = tpu.memref_slice %arg13[%mul3A_72, %dma_wait3A_161] : memref<10000x128xf32, #tpu.memory_space<vmem_shared>> -> memref<400x128xf32, #tpu.memory_space<vmem_shared>>
        tpu.wait_dma2 semaphore(%run_scoped3A : memref<!tpu.dma_semaphore, #tpu.memory_space<semaphore_mem>>) src(%dma_wait3A_162 : memref<400x128xf32, #tpu.memory_space<vmem_shared>>) dst(%dma_wait3A_160 : memref<400x128xf32, #tpu.memory_space<hbm>>)
        tpu.yield
      }) : () -> ()
    } else {
    }
    %scan3A_83 = arith.constant 0 : i32
    %scan3A_84 = arith.constant 0 : i32
    %scan3A_85 = arith.constant 16 : i32
    %scan3A_86 = arith.addi %scan3A_84, %scan3A_85 : i32
    %scan3A_87 = arith.constant 1 : i32
    scf.for %scan3A_154 = %scan3A_84 to %scan3A_86 step %scan3A_87  : i32 {
      %mul3A_155 = arith.constant 640 : i32
      %mul3A_156 = arith.muli %mul3A_155, %arg1 : i32
      %mul3A_157 = arith.constant 40 : i32
      %mul3A_158 = arith.muli %mul3A_157, %scan3A_154 : i32
      %add3A_159 = arith.addi %mul3A_156, %mul3A_158 : i32
      %lt3A_160 = arith.constant 10000 : i32
      %lt3A_161 = arith.cmpi slt, %add3A_159, %lt3A_160 : i32
      %convert_element_type3A_162 = arith.extui %lt3A_161 : i1 to i32
      %cond3A_163 = arith.constant 0 : i32
      %cond3A_164 = arith.cmpi ne, %convert_element_type3A_162, %cond3A_163 : i32
      scf.if %cond3A_164 {
        %dma_start3A_165 = arith.constant 0 : i32
        %dma_start3A_166 = tpu.memref_slice %arg13[%add3A_159, %dma_start3A_165] : memref<10000x128xf32, #tpu.memory_space<vmem_shared>> -> memref<40x128xf32, #tpu.memory_space<vmem_shared>>
        %dma_start3A_167 = arith.constant 0 : i32
        %dma_start3A_168 = tpu.memref_slice %arg13[%add3A_159, %dma_start3A_167] : memref<10000x128xf32, #tpu.memory_space<vmem_shared>> -> memref<40x128xf32, #tpu.memory_space<vmem_shared>>
        tpu.enqueue_dma source(%arg14 : memref<40x128xf32, #tpu.memory_space<vmem>>) target(%dma_start3A_168 : memref<40x128xf32, #tpu.memory_space<vmem_shared>>) target_semaphore(%arg21 : memref<!tpu.dma_semaphore, #tpu.memory_space<semaphore_mem>>)
      } else {
      }
    }
    %scan3A_88 = arith.constant 16 : i32
    %scan3A_89 = arith.constant 0 : i32
    %scan3A_90 = arith.constant 0 : i32
    %scan3A_91 = arith.constant 16 : i32
    %scan3A_92 = arith.addi %scan3A_90, %scan3A_91 : i32
    %scan3A_93 = arith.constant 1 : i32
    scf.for %scan3A_154 = %scan3A_90 to %scan3A_92 step %scan3A_93  : i32 {
      %mul3A_155 = arith.constant 640 : i32
      %mul3A_156 = arith.muli %mul3A_155, %arg1 : i32
      %mul3A_157 = arith.constant 40 : i32
      %mul3A_158 = arith.muli %mul3A_157, %scan3A_154 : i32
      %add3A_159 = arith.addi %mul3A_156, %mul3A_158 : i32
      %lt3A_160 = arith.constant 10000 : i32
      %lt3A_161 = arith.cmpi slt, %add3A_159, %lt3A_160 : i32
      %convert_element_type3A_162 = arith.extui %lt3A_161 : i1 to i32
      %cond3A_163 = arith.constant 0 : i32
      %cond3A_164 = arith.cmpi ne, %convert_element_type3A_162, %cond3A_163 : i32
      scf.if %cond3A_164 {
        %dma_wait3A = arith.constant 0 : i32
        %dma_wait3A_165 = tpu.memref_slice %arg13[%add3A_159, %dma_wait3A] : memref<10000x128xf32, #tpu.memory_space<vmem_shared>> -> memref<40x128xf32, #tpu.memory_space<vmem_shared>>
        %dma_wait3A_166 = arith.constant 0 : i32
        %dma_wait3A_167 = tpu.memref_slice %arg13[%add3A_159, %dma_wait3A_166] : memref<10000x128xf32, #tpu.memory_space<vmem_shared>> -> memref<40x128xf32, #tpu.memory_space<vmem_shared>>
        tpu.wait_dma2 semaphore(%arg21 : memref<!tpu.dma_semaphore, #tpu.memory_space<semaphore_mem>>) src(%arg14 : memref<40x128xf32, #tpu.memory_space<vmem>>) dst(%dma_wait3A_167 : memref<40x128xf32, #tpu.memory_space<vmem_shared>>)
      } else {
      }
    }
    %scan3A_94 = arith.constant 16 : i32
    %barrier3A_95 = arith.constant 0 : index
    tpu.barrier barrier_id(%barrier3A_95)
    %scan3A_96 = arith.constant 0 : i32
    %scan3A_97 = arith.constant 0 : i32
    %scan3A_98 = arith.constant 20 : i32
    %scan3A_99 = arith.addi %scan3A_97, %scan3A_98 : i32
    %scan3A_100 = arith.constant 1 : i32
    scf.for %scan3A_154 = %scan3A_97 to %scan3A_99 step %scan3A_100  : i32 {
      %mul3A_155 = arith.constant 2 : i32
      %mul3A_156 = arith.muli %mul3A_155, %scan3A_154 : i32
      %mul3A_157 = arith.constant 2 : i32
      %mul3A_158 = arith.muli %mul3A_157, %scan3A_154 : i32
      %add3A_159 = arith.constant 1 : i32
      %add3A_160 = arith.addi %mul3A_158, %add3A_159 : i32
      %mul3A_161 = arith.constant 2 : i32
      %mul3A_162 = arith.muli %mul3A_161, %scan3A_154 : i32
      %add3A_163 = arith.constant 2 : i32
      %add3A_164 = arith.addi %mul3A_162, %add3A_163 : i32
      %lt3A_165 = arith.cmpi slt, %add3A_160, %min3A_4 : i32
      %convert_element_type3A_166 = arith.extui %lt3A_165 : i1 to i32
      %cond3A_167 = arith.constant 0 : i32
      %cond3A_168 = arith.cmpi ne, %convert_element_type3A_166, %cond3A_167 : i32
      scf.if %cond3A_168 {
        %dma_start3A_181 = arith.constant 0 : i32
        %dma_start3A_182 = tpu.memref_slice %arg17[%add3A_160, %dma_start3A_181] : memref<40x128xi32, #tpu.memory_space<vmem>> -> memref<1x128xi32, #tpu.memory_space<vmem>>
        %dma_start3A_183 = tpu.memref_squeeze %dma_start3A_182 : memref<1x128xi32, #tpu.memory_space<vmem>> -> memref<128xi32, #tpu.memory_space<vmem>>
        %dma_start3A_184 = arith.constant 0 : i32
        %dma_start3A_185 = arith.constant 0 : i32
        %dma_start3A_186 = tpu.memref_slice %arg7[%dma_start3A_184, %dma_start3A_185] : memref<10000x128xf32, #tpu.memory_space<hbm>> -> memref<10000x128xf32, #tpu.memory_space<hbm>>
        tpu.enqueue_indirect_dma source(%dma_start3A_186 : memref<10000x128xf32, #tpu.memory_space<hbm>>) target(%arg16 : memref<128x128xf32, #tpu.memory_space<vmem>>) offsets(%dma_start3A_183 : memref<128xi32, #tpu.memory_space<vmem>>) semaphore(%arg20 : memref<!tpu.dma_semaphore, #tpu.memory_space<semaphore_mem>>)
      } else {
      }
      %lt3A_169 = arith.cmpi slt, %mul3A_156, %min3A_4 : i32
      %convert_element_type3A_170 = arith.extui %lt3A_169 : i1 to i32
      %cond3A_171 = arith.constant 0 : i32
      %cond3A_172 = arith.cmpi ne, %convert_element_type3A_170, %cond3A_171 : i32
      scf.if %cond3A_172 {
        %dma_wait3A = arith.constant 0 : i32
        %dma_wait3A_181 = tpu.memref_slice %arg17[%mul3A_156, %dma_wait3A] : memref<40x128xi32, #tpu.memory_space<vmem>> -> memref<1x128xi32, #tpu.memory_space<vmem>>
        %dma_wait3A_182 = tpu.memref_squeeze %dma_wait3A_181 : memref<1x128xi32, #tpu.memory_space<vmem>> -> memref<128xi32, #tpu.memory_space<vmem>>
        %dma_wait3A_183 = arith.constant 0 : i32
        %dma_wait3A_184 = arith.constant 0 : i32
        %dma_wait3A_185 = tpu.memref_slice %arg7[%dma_wait3A_183, %dma_wait3A_184] : memref<10000x128xf32, #tpu.memory_space<hbm>> -> memref<10000x128xf32, #tpu.memory_space<hbm>>
        tpu.wait_indirect_dma semaphore(%arg19 : memref<!tpu.dma_semaphore, #tpu.memory_space<semaphore_mem>>) src(%dma_wait3A_185 : memref<10000x128xf32, #tpu.memory_space<hbm>>) dst(%arg15 : memref<128x128xf32, #tpu.memory_space<vmem>>)
        "tpu.region"() ({
          %run_scoped3A = tpu.sem_alloc : memref<!tpu.dma_semaphore, #tpu.memory_space<semaphore_mem>>
          %dma_start3A_186 = arith.constant 0 : i32
          %dma_start3A_187 = tpu.memref_slice %arg18[%mul3A_156, %dma_start3A_186] : memref<40x128xi32, #tpu.memory_space<vmem>> -> memref<1x128xi32, #tpu.memory_space<vmem>>
          %dma_start3A_188 = tpu.memref_squeeze %dma_start3A_187 : memref<1x128xi32, #tpu.memory_space<vmem>> -> memref<128xi32, #tpu.memory_space<vmem>>
          %dma_start3A_189 = arith.constant 0 : i32
          %dma_start3A_190 = arith.constant 0 : i32
          %dma_start3A_191 = tpu.memref_slice %arg13[%dma_start3A_189, %dma_start3A_190] : memref<10000x128xf32, #tpu.memory_space<vmem_shared>> -> memref<10000x128xf32, #tpu.memory_space<vmem_shared>>
          tpu.enqueue_indirect_dma source(%arg15 : memref<128x128xf32, #tpu.memory_space<vmem>>) target(%dma_start3A_191 : memref<10000x128xf32, #tpu.memory_space<vmem_shared>>) offsets(%dma_start3A_188 : memref<128xi32, #tpu.memory_space<vmem>>) semaphore(%run_scoped3A : memref<!tpu.dma_semaphore, #tpu.memory_space<semaphore_mem>>) {add = true}
          %dma_wait3A_192 = arith.constant 0 : i32
          %dma_wait3A_193 = tpu.memref_slice %arg18[%mul3A_156, %dma_wait3A_192] : memref<40x128xi32, #tpu.memory_space<vmem>> -> memref<1x128xi32, #tpu.memory_space<vmem>>
          %dma_wait3A_194 = tpu.memref_squeeze %dma_wait3A_193 : memref<1x128xi32, #tpu.memory_space<vmem>> -> memref<128xi32, #tpu.memory_space<vmem>>
          %dma_wait3A_195 = arith.constant 0 : i32
          %dma_wait3A_196 = arith.constant 0 : i32
          %dma_wait3A_197 = tpu.memref_slice %arg13[%dma_wait3A_195, %dma_wait3A_196] : memref<10000x128xf32, #tpu.memory_space<vmem_shared>> -> memref<10000x128xf32, #tpu.memory_space<vmem_shared>>
          tpu.wait_indirect_dma semaphore(%run_scoped3A : memref<!tpu.dma_semaphore, #tpu.memory_space<semaphore_mem>>) src(%arg15 : memref<128x128xf32, #tpu.memory_space<vmem>>) dst(%dma_wait3A_197 : memref<10000x128xf32, #tpu.memory_space<vmem_shared>>)
          tpu.yield
        }) : () -> ()
      } else {
      }
      %lt3A_173 = arith.cmpi slt, %add3A_164, %min3A_4 : i32
      %convert_element_type3A_174 = arith.extui %lt3A_173 : i1 to i32
      %cond3A_175 = arith.constant 0 : i32
      %cond3A_176 = arith.cmpi ne, %convert_element_type3A_174, %cond3A_175 : i32
      scf.if %cond3A_176 {
        %dma_start3A_181 = arith.constant 0 : i32
        %dma_start3A_182 = tpu.memref_slice %arg17[%add3A_164, %dma_start3A_181] : memref<40x128xi32, #tpu.memory_space<vmem>> -> memref<1x128xi32, #tpu.memory_space<vmem>>
        %dma_start3A_183 = tpu.memref_squeeze %dma_start3A_182 : memref<1x128xi32, #tpu.memory_space<vmem>> -> memref<128xi32, #tpu.memory_space<vmem>>
        %dma_start3A_184 = arith.constant 0 : i32
        %dma_start3A_185 = arith.constant 0 : i32
        %dma_start3A_186 = tpu.memref_slice %arg7[%dma_start3A_184, %dma_start3A_185] : memref<10000x128xf32, #tpu.memory_space<hbm>> -> memref<10000x128xf32, #tpu.memory_space<hbm>>
        tpu.enqueue_indirect_dma source(%dma_start3A_186 : memref<10000x128xf32, #tpu.memory_space<hbm>>) target(%arg15 : memref<128x128xf32, #tpu.memory_space<vmem>>) offsets(%dma_start3A_183 : memref<128xi32, #tpu.memory_space<vmem>>) semaphore(%arg19 : memref<!tpu.dma_semaphore, #tpu.memory_space<semaphore_mem>>)
      } else {
      }
      %lt3A_177 = arith.cmpi slt, %add3A_160, %min3A_4 : i32
      %convert_element_type3A_178 = arith.extui %lt3A_177 : i1 to i32
      %cond3A_179 = arith.constant 0 : i32
      %cond3A_180 = arith.cmpi ne, %convert_element_type3A_178, %cond3A_179 : i32
      scf.if %cond3A_180 {
        %dma_wait3A = arith.constant 0 : i32
        %dma_wait3A_181 = tpu.memref_slice %arg17[%add3A_160, %dma_wait3A] : memref<40x128xi32, #tpu.memory_space<vmem>> -> memref<1x128xi32, #tpu.memory_space<vmem>>
        %dma_wait3A_182 = tpu.memref_squeeze %dma_wait3A_181 : memref<1x128xi32, #tpu.memory_space<vmem>> -> memref<128xi32, #tpu.memory_space<vmem>>
        %dma_wait3A_183 = arith.constant 0 : i32
        %dma_wait3A_184 = arith.constant 0 : i32
        %dma_wait3A_185 = tpu.memref_slice %arg7[%dma_wait3A_183, %dma_wait3A_184] : memref<10000x128xf32, #tpu.memory_space<hbm>> -> memref<10000x128xf32, #tpu.memory_space<hbm>>
        tpu.wait_indirect_dma semaphore(%arg20 : memref<!tpu.dma_semaphore, #tpu.memory_space<semaphore_mem>>) src(%dma_wait3A_185 : memref<10000x128xf32, #tpu.memory_space<hbm>>) dst(%arg16 : memref<128x128xf32, #tpu.memory_space<vmem>>)
        "tpu.region"() ({
          %run_scoped3A = tpu.sem_alloc : memref<!tpu.dma_semaphore, #tpu.memory_space<semaphore_mem>>
          %dma_start3A_186 = arith.constant 0 : i32
          %dma_start3A_187 = tpu.memref_slice %arg18[%add3A_160, %dma_start3A_186] : memref<40x128xi32, #tpu.memory_space<vmem>> -> memref<1x128xi32, #tpu.memory_space<vmem>>
          %dma_start3A_188 = tpu.memref_squeeze %dma_start3A_187 : memref<1x128xi32, #tpu.memory_space<vmem>> -> memref<128xi32, #tpu.memory_space<vmem>>
          %dma_start3A_189 = arith.constant 0 : i32
          %dma_start3A_190 = arith.constant 0 : i32
          %dma_start3A_191 = tpu.memref_slice %arg13[%dma_start3A_189, %dma_start3A_190] : memref<10000x128xf32, #tpu.memory_space<vmem_shared>> -> memref<10000x128xf32, #tpu.memory_space<vmem_shared>>
          tpu.enqueue_indirect_dma source(%arg16 : memref<128x128xf32, #tpu.memory_space<vmem>>) target(%dma_start3A_191 : memref<10000x128xf32, #tpu.memory_space<vmem_shared>>) offsets(%dma_start3A_188 : memref<128xi32, #tpu.memory_space<vmem>>) semaphore(%run_scoped3A : memref<!tpu.dma_semaphore, #tpu.memory_space<semaphore_mem>>) {add = true}
          %dma_wait3A_192 = arith.constant 0 : i32
          %dma_wait3A_193 = tpu.memref_slice %arg18[%add3A_160, %dma_wait3A_192] : memref<40x128xi32, #tpu.memory_space<vmem>> -> memref<1x128xi32, #tpu.memory_space<vmem>>
          %dma_wait3A_194 = tpu.memref_squeeze %dma_wait3A_193 : memref<1x128xi32, #tpu.memory_space<vmem>> -> memref<128xi32, #tpu.memory_space<vmem>>
          %dma_wait3A_195 = arith.constant 0 : i32
          %dma_wait3A_196 = arith.constant 0 : i32
          %dma_wait3A_197 = tpu.memref_slice %arg13[%dma_wait3A_195, %dma_wait3A_196] : memref<10000x128xf32, #tpu.memory_space<vmem_shared>> -> memref<10000x128xf32, #tpu.memory_space<vmem_shared>>
          tpu.wait_indirect_dma semaphore(%run_scoped3A : memref<!tpu.dma_semaphore, #tpu.memory_space<semaphore_mem>>) src(%arg16 : memref<128x128xf32, #tpu.memory_space<vmem>>) dst(%dma_wait3A_197 : memref<10000x128xf32, #tpu.memory_space<vmem_shared>>)
          tpu.yield
        }) : () -> ()
      } else {
      }
    }
    %scan3A_101 = arith.constant 20 : i32
    %dma_start3A_102 = arith.constant 0 : i32
    %dma_start3A_103 = arith.constant 0 : i32
    %dma_start3A_104 = tpu.memref_slice %arg17[%dma_start3A_102, %dma_start3A_103] : memref<40x128xi32, #tpu.memory_space<vmem>> -> memref<1x128xi32, #tpu.memory_space<vmem>>
    %dma_start3A_105 = tpu.memref_squeeze %dma_start3A_104 : memref<1x128xi32, #tpu.memory_space<vmem>> -> memref<128xi32, #tpu.memory_space<vmem>>
    %dma_start3A_106 = arith.constant 0 : i32
    %dma_start3A_107 = arith.constant 0 : i32
    %dma_start3A_108 = tpu.memref_slice %arg8[%dma_start3A_106, %dma_start3A_107] : memref<10000x128xf32, #tpu.memory_space<hbm>> -> memref<10000x128xf32, #tpu.memory_space<hbm>>
    tpu.enqueue_indirect_dma source(%dma_start3A_108 : memref<10000x128xf32, #tpu.memory_space<hbm>>) target(%arg15 : memref<128x128xf32, #tpu.memory_space<vmem>>) offsets(%dma_start3A_105 : memref<128xi32, #tpu.memory_space<vmem>>) semaphore(%arg19 : memref<!tpu.dma_semaphore, #tpu.memory_space<semaphore_mem>>)
    %barrier3A_109 = arith.constant 0 : index
    tpu.barrier barrier_id(%barrier3A_109)
    %mul3A_110 = arith.constant 640 : i32
    %mul3A_111 = arith.muli %mul3A_110, %arg1 : i32
    %lt3A_112 = arith.constant 15 : i32
    %lt3A_113 = arith.cmpi slt, %arg1, %lt3A_112 : i32
    %convert_element_type3A_114 = arith.extui %lt3A_113 : i1 to i32
    %cond3A_115 = arith.constant 0 : i32
    %cond3A_116 = arith.cmpi ne, %convert_element_type3A_114, %cond3A_115 : i32
    scf.if %cond3A_116 {
      "tpu.region"() ({
        %run_scoped3A = tpu.sem_alloc : memref<!tpu.dma_semaphore, #tpu.memory_space<semaphore_mem>>
        %dma_start3A_154 = arith.constant 0 : i32
        %dma_start3A_155 = tpu.memref_slice %arg11[%arg0, %mul3A_111, %dma_start3A_154] : memref<2x10000x128xf32, #tpu.memory_space<hbm>> -> memref<1x640x128xf32, #tpu.memory_space<hbm>>
        %dma_start3A_156 = tpu.memref_squeeze %dma_start3A_155 : memref<1x640x128xf32, #tpu.memory_space<hbm>> -> memref<640x128xf32, #tpu.memory_space<hbm>>
        %dma_start3A_157 = arith.constant 0 : i32
        %dma_start3A_158 = tpu.memref_slice %arg13[%mul3A_111, %dma_start3A_157] : memref<10000x128xf32, #tpu.memory_space<vmem_shared>> -> memref<640x128xf32, #tpu.memory_space<vmem_shared>>
        tpu.enqueue_dma source(%dma_start3A_158 : memref<640x128xf32, #tpu.memory_space<vmem_shared>>) target(%dma_start3A_156 : memref<640x128xf32, #tpu.memory_space<hbm>>) target_semaphore(%run_scoped3A : memref<!tpu.dma_semaphore, #tpu.memory_space<semaphore_mem>>)
        %dma_wait3A = arith.constant 0 : i32
        %dma_wait3A_159 = tpu.memref_slice %arg11[%arg0, %mul3A_111, %dma_wait3A] : memref<2x10000x128xf32, #tpu.memory_space<hbm>> -> memref<1x640x128xf32, #tpu.memory_space<hbm>>
        %dma_wait3A_160 = tpu.memref_squeeze %dma_wait3A_159 : memref<1x640x128xf32, #tpu.memory_space<hbm>> -> memref<640x128xf32, #tpu.memory_space<hbm>>
        %dma_wait3A_161 = arith.constant 0 : i32
        %dma_wait3A_162 = tpu.memref_slice %arg13[%mul3A_111, %dma_wait3A_161] : memref<10000x128xf32, #tpu.memory_space<vmem_shared>> -> memref<640x128xf32, #tpu.memory_space<vmem_shared>>
        tpu.wait_dma2 semaphore(%run_scoped3A : memref<!tpu.dma_semaphore, #tpu.memory_space<semaphore_mem>>) src(%dma_wait3A_162 : memref<640x128xf32, #tpu.memory_space<vmem_shared>>) dst(%dma_wait3A_160 : memref<640x128xf32, #tpu.memory_space<hbm>>)
        tpu.yield
      }) : () -> ()
    } else {
    }
    %eq3A_117 = arith.constant 15 : i32
    %eq3A_118 = arith.cmpi eq, %arg1, %eq3A_117 : i32
    %convert_element_type3A_119 = arith.extui %eq3A_118 : i1 to i32
    %cond3A_120 = arith.constant 0 : i32
    %cond3A_121 = arith.cmpi ne, %convert_element_type3A_119, %cond3A_120 : i32
    scf.if %cond3A_121 {
      "tpu.region"() ({
        %run_scoped3A = tpu.sem_alloc : memref<!tpu.dma_semaphore, #tpu.memory_space<semaphore_mem>>
        %dma_start3A_154 = arith.constant 0 : i32
        %dma_start3A_155 = tpu.memref_slice %arg11[%arg0, %mul3A_111, %dma_start3A_154] : memref<2x10000x128xf32, #tpu.memory_space<hbm>> -> memref<1x400x128xf32, #tpu.memory_space<hbm>>
        %dma_start3A_156 = tpu.memref_squeeze %dma_start3A_155 : memref<1x400x128xf32, #tpu.memory_space<hbm>> -> memref<400x128xf32, #tpu.memory_space<hbm>>
        %dma_start3A_157 = arith.constant 0 : i32
        %dma_start3A_158 = tpu.memref_slice %arg13[%mul3A_111, %dma_start3A_157] : memref<10000x128xf32, #tpu.memory_space<vmem_shared>> -> memref<400x128xf32, #tpu.memory_space<vmem_shared>>
        tpu.enqueue_dma source(%dma_start3A_158 : memref<400x128xf32, #tpu.memory_space<vmem_shared>>) target(%dma_start3A_156 : memref<400x128xf32, #tpu.memory_space<hbm>>) target_semaphore(%run_scoped3A : memref<!tpu.dma_semaphore, #tpu.memory_space<semaphore_mem>>)
        %dma_wait3A = arith.constant 0 : i32
        %dma_wait3A_159 = tpu.memref_slice %arg11[%arg0, %mul3A_111, %dma_wait3A] : memref<2x10000x128xf32, #tpu.memory_space<hbm>> -> memref<1x400x128xf32, #tpu.memory_space<hbm>>
        %dma_wait3A_160 = tpu.memref_squeeze %dma_wait3A_159 : memref<1x400x128xf32, #tpu.memory_space<hbm>> -> memref<400x128xf32, #tpu.memory_space<hbm>>
        %dma_wait3A_161 = arith.constant 0 : i32
        %dma_wait3A_162 = tpu.memref_slice %arg13[%mul3A_111, %dma_wait3A_161] : memref<10000x128xf32, #tpu.memory_space<vmem_shared>> -> memref<400x128xf32, #tpu.memory_space<vmem_shared>>
        tpu.wait_dma2 semaphore(%run_scoped3A : memref<!tpu.dma_semaphore, #tpu.memory_space<semaphore_mem>>) src(%dma_wait3A_162 : memref<400x128xf32, #tpu.memory_space<vmem_shared>>) dst(%dma_wait3A_160 : memref<400x128xf32, #tpu.memory_space<hbm>>)
        tpu.yield
      }) : () -> ()
    } else {
    }
    %scan3A_122 = arith.constant 0 : i32
    %scan3A_123 = arith.constant 0 : i32
    %scan3A_124 = arith.constant 16 : i32
    %scan3A_125 = arith.addi %scan3A_123, %scan3A_124 : i32
    %scan3A_126 = arith.constant 1 : i32
    scf.for %scan3A_154 = %scan3A_123 to %scan3A_125 step %scan3A_126  : i32 {
      %mul3A_155 = arith.constant 640 : i32
      %mul3A_156 = arith.muli %mul3A_155, %arg1 : i32
      %mul3A_157 = arith.constant 40 : i32
      %mul3A_158 = arith.muli %mul3A_157, %scan3A_154 : i32
      %add3A_159 = arith.addi %mul3A_156, %mul3A_158 : i32
      %lt3A_160 = arith.constant 10000 : i32
      %lt3A_161 = arith.cmpi slt, %add3A_159, %lt3A_160 : i32
      %convert_element_type3A_162 = arith.extui %lt3A_161 : i1 to i32
      %cond3A_163 = arith.constant 0 : i32
      %cond3A_164 = arith.cmpi ne, %convert_element_type3A_162, %cond3A_163 : i32
      scf.if %cond3A_164 {
        %dma_start3A_165 = arith.constant 0 : i32
        %dma_start3A_166 = tpu.memref_slice %arg13[%add3A_159, %dma_start3A_165] : memref<10000x128xf32, #tpu.memory_space<vmem_shared>> -> memref<40x128xf32, #tpu.memory_space<vmem_shared>>
        %dma_start3A_167 = arith.constant 0 : i32
        %dma_start3A_168 = tpu.memref_slice %arg13[%add3A_159, %dma_start3A_167] : memref<10000x128xf32, #tpu.memory_space<vmem_shared>> -> memref<40x128xf32, #tpu.memory_space<vmem_shared>>
        tpu.enqueue_dma source(%arg14 : memref<40x128xf32, #tpu.memory_space<vmem>>) target(%dma_start3A_168 : memref<40x128xf32, #tpu.memory_space<vmem_shared>>) target_semaphore(%arg21 : memref<!tpu.dma_semaphore, #tpu.memory_space<semaphore_mem>>)
      } else {
      }
    }
    %scan3A_127 = arith.constant 16 : i32
    %scan3A_128 = arith.constant 0 : i32
    %scan3A_129 = arith.constant 0 : i32
    %scan3A_130 = arith.constant 16 : i32
    %scan3A_131 = arith.addi %scan3A_129, %scan3A_130 : i32
    %scan3A_132 = arith.constant 1 : i32
    scf.for %scan3A_154 = %scan3A_129 to %scan3A_131 step %scan3A_132  : i32 {
      %mul3A_155 = arith.constant 640 : i32
      %mul3A_156 = arith.muli %mul3A_155, %arg1 : i32
      %mul3A_157 = arith.constant 40 : i32
      %mul3A_158 = arith.muli %mul3A_157, %scan3A_154 : i32
      %add3A_159 = arith.addi %mul3A_156, %mul3A_158 : i32
      %lt3A_160 = arith.constant 10000 : i32
      %lt3A_161 = arith.cmpi slt, %add3A_159, %lt3A_160 : i32
      %convert_element_type3A_162 = arith.extui %lt3A_161 : i1 to i32
      %cond3A_163 = arith.constant 0 : i32
      %cond3A_164 = arith.cmpi ne, %convert_element_type3A_162, %cond3A_163 : i32
      scf.if %cond3A_164 {
        %dma_wait3A = arith.constant 0 : i32
        %dma_wait3A_165 = tpu.memref_slice %arg13[%add3A_159, %dma_wait3A] : memref<10000x128xf32, #tpu.memory_space<vmem_shared>> -> memref<40x128xf32, #tpu.memory_space<vmem_shared>>
        %dma_wait3A_166 = arith.constant 0 : i32
        %dma_wait3A_167 = tpu.memref_slice %arg13[%add3A_159, %dma_wait3A_166] : memref<10000x128xf32, #tpu.memory_space<vmem_shared>> -> memref<40x128xf32, #tpu.memory_space<vmem_shared>>
        tpu.wait_dma2 semaphore(%arg21 : memref<!tpu.dma_semaphore, #tpu.memory_space<semaphore_mem>>) src(%arg14 : memref<40x128xf32, #tpu.memory_space<vmem>>) dst(%dma_wait3A_167 : memref<40x128xf32, #tpu.memory_space<vmem_shared>>)
      } else {
      }
    }
    %scan3A_133 = arith.constant 16 : i32
    %barrier3A_134 = arith.constant 0 : index
    tpu.barrier barrier_id(%barrier3A_134)
    %scan3A_135 = arith.constant 0 : i32
    %scan3A_136 = arith.constant 0 : i32
    %scan3A_137 = arith.constant 20 : i32
    %scan3A_138 = arith.addi %scan3A_136, %scan3A_137 : i32
    %scan3A_139 = arith.constant 1 : i32
    scf.for %scan3A_154 = %scan3A_136 to %scan3A_138 step %scan3A_139  : i32 {
      %mul3A_155 = arith.constant 2 : i32
      %mul3A_156 = arith.muli %mul3A_155, %scan3A_154 : i32
      %mul3A_157 = arith.constant 2 : i32
      %mul3A_158 = arith.muli %mul3A_157, %scan3A_154 : i32
      %add3A_159 = arith.constant 1 : i32
      %add3A_160 = arith.addi %mul3A_158, %add3A_159 : i32
      %mul3A_161 = arith.constant 2 : i32
      %mul3A_162 = arith.muli %mul3A_161, %scan3A_154 : i32
      %add3A_163 = arith.constant 2 : i32
      %add3A_164 = arith.addi %mul3A_162, %add3A_163 : i32
      %lt3A_165 = arith.cmpi slt, %add3A_160, %min3A_4 : i32
      %convert_element_type3A_166 = arith.extui %lt3A_165 : i1 to i32
      %cond3A_167 = arith.constant 0 : i32
      %cond3A_168 = arith.cmpi ne, %convert_element_type3A_166, %cond3A_167 : i32
      scf.if %cond3A_168 {
        %dma_start3A_181 = arith.constant 0 : i32
        %dma_start3A_182 = tpu.memref_slice %arg17[%add3A_160, %dma_start3A_181] : memref<40x128xi32, #tpu.memory_space<vmem>> -> memref<1x128xi32, #tpu.memory_space<vmem>>
        %dma_start3A_183 = tpu.memref_squeeze %dma_start3A_182 : memref<1x128xi32, #tpu.memory_space<vmem>> -> memref<128xi32, #tpu.memory_space<vmem>>
        %dma_start3A_184 = arith.constant 0 : i32
        %dma_start3A_185 = arith.constant 0 : i32
        %dma_start3A_186 = tpu.memref_slice %arg8[%dma_start3A_184, %dma_start3A_185] : memref<10000x128xf32, #tpu.memory_space<hbm>> -> memref<10000x128xf32, #tpu.memory_space<hbm>>
        tpu.enqueue_indirect_dma source(%dma_start3A_186 : memref<10000x128xf32, #tpu.memory_space<hbm>>) target(%arg16 : memref<128x128xf32, #tpu.memory_space<vmem>>) offsets(%dma_start3A_183 : memref<128xi32, #tpu.memory_space<vmem>>) semaphore(%arg20 : memref<!tpu.dma_semaphore, #tpu.memory_space<semaphore_mem>>)
      } else {
      }
      %lt3A_169 = arith.cmpi slt, %mul3A_156, %min3A_4 : i32
      %convert_element_type3A_170 = arith.extui %lt3A_169 : i1 to i32
      %cond3A_171 = arith.constant 0 : i32
      %cond3A_172 = arith.cmpi ne, %convert_element_type3A_170, %cond3A_171 : i32
      scf.if %cond3A_172 {
        %dma_wait3A = arith.constant 0 : i32
        %dma_wait3A_181 = tpu.memref_slice %arg17[%mul3A_156, %dma_wait3A] : memref<40x128xi32, #tpu.memory_space<vmem>> -> memref<1x128xi32, #tpu.memory_space<vmem>>
        %dma_wait3A_182 = tpu.memref_squeeze %dma_wait3A_181 : memref<1x128xi32, #tpu.memory_space<vmem>> -> memref<128xi32, #tpu.memory_space<vmem>>
        %dma_wait3A_183 = arith.constant 0 : i32
        %dma_wait3A_184 = arith.constant 0 : i32
        %dma_wait3A_185 = tpu.memref_slice %arg8[%dma_wait3A_183, %dma_wait3A_184] : memref<10000x128xf32, #tpu.memory_space<hbm>> -> memref<10000x128xf32, #tpu.memory_space<hbm>>
        tpu.wait_indirect_dma semaphore(%arg19 : memref<!tpu.dma_semaphore, #tpu.memory_space<semaphore_mem>>) src(%dma_wait3A_185 : memref<10000x128xf32, #tpu.memory_space<hbm>>) dst(%arg15 : memref<128x128xf32, #tpu.memory_space<vmem>>)
        "tpu.region"() ({
          %run_scoped3A = tpu.sem_alloc : memref<!tpu.dma_semaphore, #tpu.memory_space<semaphore_mem>>
          %dma_start3A_186 = arith.constant 0 : i32
          %dma_start3A_187 = tpu.memref_slice %arg18[%mul3A_156, %dma_start3A_186] : memref<40x128xi32, #tpu.memory_space<vmem>> -> memref<1x128xi32, #tpu.memory_space<vmem>>
          %dma_start3A_188 = tpu.memref_squeeze %dma_start3A_187 : memref<1x128xi32, #tpu.memory_space<vmem>> -> memref<128xi32, #tpu.memory_space<vmem>>
          %dma_start3A_189 = arith.constant 0 : i32
          %dma_start3A_190 = arith.constant 0 : i32
          %dma_start3A_191 = tpu.memref_slice %arg13[%dma_start3A_189, %dma_start3A_190] : memref<10000x128xf32, #tpu.memory_space<vmem_shared>> -> memref<10000x128xf32, #tpu.memory_space<vmem_shared>>
          tpu.enqueue_indirect_dma source(%arg15 : memref<128x128xf32, #tpu.memory_space<vmem>>) target(%dma_start3A_191 : memref<10000x128xf32, #tpu.memory_space<vmem_shared>>) offsets(%dma_start3A_188 : memref<128xi32, #tpu.memory_space<vmem>>) semaphore(%run_scoped3A : memref<!tpu.dma_semaphore, #tpu.memory_space<semaphore_mem>>) {add = true}
          %dma_wait3A_192 = arith.constant 0 : i32
          %dma_wait3A_193 = tpu.memref_slice %arg18[%mul3A_156, %dma_wait3A_192] : memref<40x128xi32, #tpu.memory_space<vmem>> -> memref<1x128xi32, #tpu.memory_space<vmem>>
          %dma_wait3A_194 = tpu.memref_squeeze %dma_wait3A_193 : memref<1x128xi32, #tpu.memory_space<vmem>> -> memref<128xi32, #tpu.memory_space<vmem>>
          %dma_wait3A_195 = arith.constant 0 : i32
          %dma_wait3A_196 = arith.constant 0 : i32
          %dma_wait3A_197 = tpu.memref_slice %arg13[%dma_wait3A_195, %dma_wait3A_196] : memref<10000x128xf32, #tpu.memory_space<vmem_shared>> -> memref<10000x128xf32, #tpu.memory_space<vmem_shared>>
          tpu.wait_indirect_dma semaphore(%run_scoped3A : memref<!tpu.dma_semaphore, #tpu.memory_space<semaphore_mem>>) src(%arg15 : memref<128x128xf32, #tpu.memory_space<vmem>>) dst(%dma_wait3A_197 : memref<10000x128xf32, #tpu.memory_space<vmem_shared>>)
          tpu.yield
        }) : () -> ()
      } else {
      }
      %lt3A_173 = arith.cmpi slt, %add3A_164, %min3A_4 : i32
      %convert_element_type3A_174 = arith.extui %lt3A_173 : i1 to i32
      %cond3A_175 = arith.constant 0 : i32
      %cond3A_176 = arith.cmpi ne, %convert_element_type3A_174, %cond3A_175 : i32
      scf.if %cond3A_176 {
        %dma_start3A_181 = arith.constant 0 : i32
        %dma_start3A_182 = tpu.memref_slice %arg17[%add3A_164, %dma_start3A_181] : memref<40x128xi32, #tpu.memory_space<vmem>> -> memref<1x128xi32, #tpu.memory_space<vmem>>
        %dma_start3A_183 = tpu.memref_squeeze %dma_start3A_182 : memref<1x128xi32, #tpu.memory_space<vmem>> -> memref<128xi32, #tpu.memory_space<vmem>>
        %dma_start3A_184 = arith.constant 0 : i32
        %dma_start3A_185 = arith.constant 0 : i32
        %dma_start3A_186 = tpu.memref_slice %arg8[%dma_start3A_184, %dma_start3A_185] : memref<10000x128xf32, #tpu.memory_space<hbm>> -> memref<10000x128xf32, #tpu.memory_space<hbm>>
        tpu.enqueue_indirect_dma source(%dma_start3A_186 : memref<10000x128xf32, #tpu.memory_space<hbm>>) target(%arg15 : memref<128x128xf32, #tpu.memory_space<vmem>>) offsets(%dma_start3A_183 : memref<128xi32, #tpu.memory_space<vmem>>) semaphore(%arg19 : memref<!tpu.dma_semaphore, #tpu.memory_space<semaphore_mem>>)
      } else {
      }
      %lt3A_177 = arith.cmpi slt, %add3A_160, %min3A_4 : i32
      %convert_element_type3A_178 = arith.extui %lt3A_177 : i1 to i32
      %cond3A_179 = arith.constant 0 : i32
      %cond3A_180 = arith.cmpi ne, %convert_element_type3A_178, %cond3A_179 : i32
      scf.if %cond3A_180 {
        %dma_wait3A = arith.constant 0 : i32
        %dma_wait3A_181 = tpu.memref_slice %arg17[%add3A_160, %dma_wait3A] : memref<40x128xi32, #tpu.memory_space<vmem>> -> memref<1x128xi32, #tpu.memory_space<vmem>>
        %dma_wait3A_182 = tpu.memref_squeeze %dma_wait3A_181 : memref<1x128xi32, #tpu.memory_space<vmem>> -> memref<128xi32, #tpu.memory_space<vmem>>
        %dma_wait3A_183 = arith.constant 0 : i32
        %dma_wait3A_184 = arith.constant 0 : i32
        %dma_wait3A_185 = tpu.memref_slice %arg8[%dma_wait3A_183, %dma_wait3A_184] : memref<10000x128xf32, #tpu.memory_space<hbm>> -> memref<10000x128xf32, #tpu.memory_space<hbm>>
        tpu.wait_indirect_dma semaphore(%arg20 : memref<!tpu.dma_semaphore, #tpu.memory_space<semaphore_mem>>) src(%dma_wait3A_185 : memref<10000x128xf32, #tpu.memory_space<hbm>>) dst(%arg16 : memref<128x128xf32, #tpu.memory_space<vmem>>)
        "tpu.region"() ({
          %run_scoped3A = tpu.sem_alloc : memref<!tpu.dma_semaphore, #tpu.memory_space<semaphore_mem>>
          %dma_start3A_186 = arith.constant 0 : i32
          %dma_start3A_187 = tpu.memref_slice %arg18[%add3A_160, %dma_start3A_186] : memref<40x128xi32, #tpu.memory_space<vmem>> -> memref<1x128xi32, #tpu.memory_space<vmem>>
          %dma_start3A_188 = tpu.memref_squeeze %dma_start3A_187 : memref<1x128xi32, #tpu.memory_space<vmem>> -> memref<128xi32, #tpu.memory_space<vmem>>
          %dma_start3A_189 = arith.constant 0 : i32
          %dma_start3A_190 = arith.constant 0 : i32
          %dma_start3A_191 = tpu.memref_slice %arg13[%dma_start3A_189, %dma_start3A_190] : memref<10000x128xf32, #tpu.memory_space<vmem_shared>> -> memref<10000x128xf32, #tpu.memory_space<vmem_shared>>
          tpu.enqueue_indirect_dma source(%arg16 : memref<128x128xf32, #tpu.memory_space<vmem>>) target(%dma_start3A_191 : memref<10000x128xf32, #tpu.memory_space<vmem_shared>>) offsets(%dma_start3A_188 : memref<128xi32, #tpu.memory_space<vmem>>) semaphore(%run_scoped3A : memref<!tpu.dma_semaphore, #tpu.memory_space<semaphore_mem>>) {add = true}
          %dma_wait3A_192 = arith.constant 0 : i32
          %dma_wait3A_193 = tpu.memref_slice %arg18[%add3A_160, %dma_wait3A_192] : memref<40x128xi32, #tpu.memory_space<vmem>> -> memref<1x128xi32, #tpu.memory_space<vmem>>
          %dma_wait3A_194 = tpu.memref_squeeze %dma_wait3A_193 : memref<1x128xi32, #tpu.memory_space<vmem>> -> memref<128xi32, #tpu.memory_space<vmem>>
          %dma_wait3A_195 = arith.constant 0 : i32
          %dma_wait3A_196 = arith.constant 0 : i32
          %dma_wait3A_197 = tpu.memref_slice %arg13[%dma_wait3A_195, %dma_wait3A_196] : memref<10000x128xf32, #tpu.memory_space<vmem_shared>> -> memref<10000x128xf32, #tpu.memory_space<vmem_shared>>
          tpu.wait_indirect_dma semaphore(%run_scoped3A : memref<!tpu.dma_semaphore, #tpu.memory_space<semaphore_mem>>) src(%arg16 : memref<128x128xf32, #tpu.memory_space<vmem>>) dst(%dma_wait3A_197 : memref<10000x128xf32, #tpu.memory_space<vmem_shared>>)
          tpu.yield
        }) : () -> ()
      } else {
      }
    }
    %scan3A_140 = arith.constant 20 : i32
    %barrier3A_141 = arith.constant 0 : index
    tpu.barrier barrier_id(%barrier3A_141)
    %mul3A_142 = arith.constant 640 : i32
    %mul3A_143 = arith.muli %mul3A_142, %arg1 : i32
    %lt3A_144 = arith.constant 15 : i32
    %lt3A_145 = arith.cmpi slt, %arg1, %lt3A_144 : i32
    %convert_element_type3A_146 = arith.extui %lt3A_145 : i1 to i32
    %cond3A_147 = arith.constant 0 : i32
    %cond3A_148 = arith.cmpi ne, %convert_element_type3A_146, %cond3A_147 : i32
    scf.if %cond3A_148 {
      "tpu.region"() ({
        %run_scoped3A = tpu.sem_alloc : memref<!tpu.dma_semaphore, #tpu.memory_space<semaphore_mem>>
        %dma_start3A_154 = arith.constant 0 : i32
        %dma_start3A_155 = tpu.memref_slice %arg12[%arg0, %mul3A_143, %dma_start3A_154] : memref<2x10000x128xf32, #tpu.memory_space<hbm>> -> memref<1x640x128xf32, #tpu.memory_space<hbm>>
        %dma_start3A_156 = tpu.memref_squeeze %dma_start3A_155 : memref<1x640x128xf32, #tpu.memory_space<hbm>> -> memref<640x128xf32, #tpu.memory_space<hbm>>
        %dma_start3A_157 = arith.constant 0 : i32
        %dma_start3A_158 = tpu.memref_slice %arg13[%mul3A_143, %dma_start3A_157] : memref<10000x128xf32, #tpu.memory_space<vmem_shared>> -> memref<640x128xf32, #tpu.memory_space<vmem_shared>>
        tpu.enqueue_dma source(%dma_start3A_158 : memref<640x128xf32, #tpu.memory_space<vmem_shared>>) target(%dma_start3A_156 : memref<640x128xf32, #tpu.memory_space<hbm>>) target_semaphore(%run_scoped3A : memref<!tpu.dma_semaphore, #tpu.memory_space<semaphore_mem>>)
        %dma_wait3A = arith.constant 0 : i32
        %dma_wait3A_159 = tpu.memref_slice %arg12[%arg0, %mul3A_143, %dma_wait3A] : memref<2x10000x128xf32, #tpu.memory_space<hbm>> -> memref<1x640x128xf32, #tpu.memory_space<hbm>>
        %dma_wait3A_160 = tpu.memref_squeeze %dma_wait3A_159 : memref<1x640x128xf32, #tpu.memory_space<hbm>> -> memref<640x128xf32, #tpu.memory_space<hbm>>
        %dma_wait3A_161 = arith.constant 0 : i32
        %dma_wait3A_162 = tpu.memref_slice %arg13[%mul3A_143, %dma_wait3A_161] : memref<10000x128xf32, #tpu.memory_space<vmem_shared>> -> memref<640x128xf32, #tpu.memory_space<vmem_shared>>
        tpu.wait_dma2 semaphore(%run_scoped3A : memref<!tpu.dma_semaphore, #tpu.memory_space<semaphore_mem>>) src(%dma_wait3A_162 : memref<640x128xf32, #tpu.memory_space<vmem_shared>>) dst(%dma_wait3A_160 : memref<640x128xf32, #tpu.memory_space<hbm>>)
        tpu.yield
      }) : () -> ()
    } else {
    }
    %eq3A_149 = arith.constant 15 : i32
    %eq3A_150 = arith.cmpi eq, %arg1, %eq3A_149 : i32
    %convert_element_type3A_151 = arith.extui %eq3A_150 : i1 to i32
    %cond3A_152 = arith.constant 0 : i32
    %cond3A_153 = arith.cmpi ne, %convert_element_type3A_151, %cond3A_152 : i32
    scf.if %cond3A_153 {
      "tpu.region"() ({
        %run_scoped3A = tpu.sem_alloc : memref<!tpu.dma_semaphore, #tpu.memory_space<semaphore_mem>>
        %dma_start3A_154 = arith.constant 0 : i32
        %dma_start3A_155 = tpu.memref_slice %arg12[%arg0, %mul3A_143, %dma_start3A_154] : memref<2x10000x128xf32, #tpu.memory_space<hbm>> -> memref<1x400x128xf32, #tpu.memory_space<hbm>>
        %dma_start3A_156 = tpu.memref_squeeze %dma_start3A_155 : memref<1x400x128xf32, #tpu.memory_space<hbm>> -> memref<400x128xf32, #tpu.memory_space<hbm>>
        %dma_start3A_157 = arith.constant 0 : i32
        %dma_start3A_158 = tpu.memref_slice %arg13[%mul3A_143, %dma_start3A_157] : memref<10000x128xf32, #tpu.memory_space<vmem_shared>> -> memref<400x128xf32, #tpu.memory_space<vmem_shared>>
        tpu.enqueue_dma source(%dma_start3A_158 : memref<400x128xf32, #tpu.memory_space<vmem_shared>>) target(%dma_start3A_156 : memref<400x128xf32, #tpu.memory_space<hbm>>) target_semaphore(%run_scoped3A : memref<!tpu.dma_semaphore, #tpu.memory_space<semaphore_mem>>)
        %dma_wait3A = arith.constant 0 : i32
        %dma_wait3A_159 = tpu.memref_slice %arg12[%arg0, %mul3A_143, %dma_wait3A] : memref<2x10000x128xf32, #tpu.memory_space<hbm>> -> memref<1x400x128xf32, #tpu.memory_space<hbm>>
        %dma_wait3A_160 = tpu.memref_squeeze %dma_wait3A_159 : memref<1x400x128xf32, #tpu.memory_space<hbm>> -> memref<400x128xf32, #tpu.memory_space<hbm>>
        %dma_wait3A_161 = arith.constant 0 : i32
        %dma_wait3A_162 = tpu.memref_slice %arg13[%mul3A_143, %dma_wait3A_161] : memref<10000x128xf32, #tpu.memory_space<vmem_shared>> -> memref<400x128xf32, #tpu.memory_space<vmem_shared>>
        tpu.wait_dma2 semaphore(%run_scoped3A : memref<!tpu.dma_semaphore, #tpu.memory_space<semaphore_mem>>) src(%dma_wait3A_162 : memref<400x128xf32, #tpu.memory_space<vmem_shared>>) dst(%dma_wait3A_160 : memref<400x128xf32, #tpu.memory_space<hbm>>)
        tpu.yield
      }) : () -> ()
    } else {
    }
    return
  }
}

#map = affine_map<(d0, d1) -> (0, 0)>
#map1 = affine_map<(d0, d1) -> (0, 0, 0)>
module attributes {stable_mosaic.version = 14 : i64} {
  func.func @body(%arg0: i32, %arg1: i32, %arg2: memref<1280x128xi32, #tpu.memory_space<hbm>>, %arg3: memref<1280x128xi32, #tpu.memory_space<hbm>>, %arg4: memref<40x128xf32, #tpu.memory_space<hbm>>, %arg5: memref<10000x128xf32, #tpu.memory_space<hbm>>, %arg6: memref<2x10000x128xf32, #tpu.memory_space<hbm>>, %arg7: memref<10000x128xf32, #tpu.memory_space<vmem_shared>>, %arg8: memref<40x128xf32, #tpu.memory_space<vmem>>, %arg9: memref<128x128xf32, #tpu.memory_space<vmem>>, %arg10: memref<128x128xf32, #tpu.memory_space<vmem>>, %arg11: memref<40x128xi32, #tpu.memory_space<vmem>>, %arg12: memref<40x128xi32, #tpu.memory_space<vmem>>, %arg13: memref<!tpu.dma_semaphore, #tpu.memory_space<semaphore_mem>>, %arg14: memref<!tpu.dma_semaphore, #tpu.memory_space<semaphore_mem>>, %arg15: memref<!tpu.dma_semaphore, #tpu.memory_space<semaphore_mem>>) attributes {dimension_semantics = [#tpu.dimension_semantics<core_parallel>, #tpu.dimension_semantics<subcore_parallel>], iteration_bounds = array<i64: 2, 16>, scalar_prefetch = 0 : i64, scratch_operands = 9 : i64, tpu.core_type = #tpu.core_type<sc_vector_subcore>, window_params = [{transform_indices = #map}, {transform_indices = #map}, {transform_indices = #map}, {transform_indices = #map}, {transform_indices = #map1}]} {
    %mul3A = arith.constant 2 : i32
    %mul3A_0 = arith.muli %arg1, %mul3A : i32
    %add3A = arith.addi %mul3A_0, %arg0 : i32
    %mul3A_1 = arith.constant 40 : i32
    %mul3A_2 = arith.muli %mul3A_1, %add3A : i32
    %sub3A = arith.constant 1250 : i32
    %sub3A_3 = arith.subi %sub3A, %mul3A_2 : i32
    %min3A = arith.constant 40 : i32
    %min3A_4 = arith.minsi %min3A, %sub3A_3 : i32
    "tpu.region"() ({
      %run_scoped3A = tpu.sem_alloc : memref<!tpu.dma_semaphore, #tpu.memory_space<semaphore_mem>>
      tpu.enqueue_dma source(%arg4 : memref<40x128xf32, #tpu.memory_space<hbm>>) target(%arg8 : memref<40x128xf32, #tpu.memory_space<vmem>>) target_semaphore(%run_scoped3A : memref<!tpu.dma_semaphore, #tpu.memory_space<semaphore_mem>>)
      tpu.wait_dma2 semaphore(%run_scoped3A : memref<!tpu.dma_semaphore, #tpu.memory_space<semaphore_mem>>) src(%arg4 : memref<40x128xf32, #tpu.memory_space<hbm>>) dst(%arg8 : memref<40x128xf32, #tpu.memory_space<vmem>>)
      tpu.yield
    }) : () -> ()
    %scan3A = arith.constant 0 : i32
    %scan3A_5 = arith.constant 0 : i32
    %scan3A_6 = arith.constant 16 : i32
    %scan3A_7 = arith.addi %scan3A_5, %scan3A_6 : i32
    %scan3A_8 = arith.constant 1 : i32
    scf.for %scan3A_37 = %scan3A_5 to %scan3A_7 step %scan3A_8  : i32 {
      %mul3A_38 = arith.constant 640 : i32
      %mul3A_39 = arith.muli %mul3A_38, %arg1 : i32
      %mul3A_40 = arith.constant 40 : i32
      %mul3A_41 = arith.muli %mul3A_40, %scan3A_37 : i32
      %add3A_42 = arith.addi %mul3A_39, %mul3A_41 : i32
      %lt3A_43 = arith.constant 10000 : i32
      %lt3A_44 = arith.cmpi slt, %add3A_42, %lt3A_43 : i32
      %convert_element_type3A_45 = arith.extui %lt3A_44 : i1 to i32
      %cond3A_46 = arith.constant 0 : i32
      %cond3A_47 = arith.cmpi ne, %convert_element_type3A_45, %cond3A_46 : i32
      scf.if %cond3A_47 {
        %dma_start3A_48 = arith.constant 0 : i32
        %dma_start3A_49 = tpu.memref_slice %arg7[%add3A_42, %dma_start3A_48] : memref<10000x128xf32, #tpu.memory_space<vmem_shared>> -> memref<40x128xf32, #tpu.memory_space<vmem_shared>>
        %dma_start3A_50 = arith.constant 0 : i32
        %dma_start3A_51 = tpu.memref_slice %arg7[%add3A_42, %dma_start3A_50] : memref<10000x128xf32, #tpu.memory_space<vmem_shared>> -> memref<40x128xf32, #tpu.memory_space<vmem_shared>>
        tpu.enqueue_dma source(%arg8 : memref<40x128xf32, #tpu.memory_space<vmem>>) target(%dma_start3A_51 : memref<40x128xf32, #tpu.memory_space<vmem_shared>>) target_semaphore(%arg15 : memref<!tpu.dma_semaphore, #tpu.memory_space<semaphore_mem>>)
      } else {
      }
    }
    %scan3A_9 = arith.constant 16 : i32
    "tpu.region"() ({
      %run_scoped3A = tpu.sem_alloc : memref<!tpu.dma_semaphore, #tpu.memory_space<semaphore_mem>>
      %dma_start3A_37 = arith.constant 0 : i32
      %dma_start3A_38 = tpu.memref_slice %arg3[%mul3A_2, %dma_start3A_37] : memref<1280x128xi32, #tpu.memory_space<hbm>> -> memref<40x128xi32, #tpu.memory_space<hbm>>
      %dma_start3A_39 = arith.constant 0 : i32
      %dma_start3A_40 = tpu.memref_slice %arg3[%mul3A_2, %dma_start3A_39] : memref<1280x128xi32, #tpu.memory_space<hbm>> -> memref<40x128xi32, #tpu.memory_space<hbm>>
      tpu.enqueue_dma source(%dma_start3A_40 : memref<40x128xi32, #tpu.memory_space<hbm>>) target(%arg12 : memref<40x128xi32, #tpu.memory_space<vmem>>) target_semaphore(%run_scoped3A : memref<!tpu.dma_semaphore, #tpu.memory_space<semaphore_mem>>)
      %dma_wait3A = arith.constant 0 : i32
      %dma_wait3A_41 = tpu.memref_slice %arg3[%mul3A_2, %dma_wait3A] : memref<1280x128xi32, #tpu.memory_space<hbm>> -> memref<40x128xi32, #tpu.memory_space<hbm>>
      %dma_wait3A_42 = arith.constant 0 : i32
      %dma_wait3A_43 = tpu.memref_slice %arg3[%mul3A_2, %dma_wait3A_42] : memref<1280x128xi32, #tpu.memory_space<hbm>> -> memref<40x128xi32, #tpu.memory_space<hbm>>
      tpu.wait_dma2 semaphore(%run_scoped3A : memref<!tpu.dma_semaphore, #tpu.memory_space<semaphore_mem>>) src(%dma_wait3A_43 : memref<40x128xi32, #tpu.memory_space<hbm>>) dst(%arg12 : memref<40x128xi32, #tpu.memory_space<vmem>>)
      tpu.yield
    }) : () -> ()
    "tpu.region"() ({
      %run_scoped3A = tpu.sem_alloc : memref<!tpu.dma_semaphore, #tpu.memory_space<semaphore_mem>>
      %dma_start3A_37 = arith.constant 0 : i32
      %dma_start3A_38 = tpu.memref_slice %arg2[%mul3A_2, %dma_start3A_37] : memref<1280x128xi32, #tpu.memory_space<hbm>> -> memref<40x128xi32, #tpu.memory_space<hbm>>
      %dma_start3A_39 = arith.constant 0 : i32
      %dma_start3A_40 = tpu.memref_slice %arg2[%mul3A_2, %dma_start3A_39] : memref<1280x128xi32, #tpu.memory_space<hbm>> -> memref<40x128xi32, #tpu.memory_space<hbm>>
      tpu.enqueue_dma source(%dma_start3A_40 : memref<40x128xi32, #tpu.memory_space<hbm>>) target(%arg11 : memref<40x128xi32, #tpu.memory_space<vmem>>) target_semaphore(%run_scoped3A : memref<!tpu.dma_semaphore, #tpu.memory_space<semaphore_mem>>)
      %dma_wait3A = arith.constant 0 : i32
      %dma_wait3A_41 = tpu.memref_slice %arg2[%mul3A_2, %dma_wait3A] : memref<1280x128xi32, #tpu.memory_space<hbm>> -> memref<40x128xi32, #tpu.memory_space<hbm>>
      %dma_wait3A_42 = arith.constant 0 : i32
      %dma_wait3A_43 = tpu.memref_slice %arg2[%mul3A_2, %dma_wait3A_42] : memref<1280x128xi32, #tpu.memory_space<hbm>> -> memref<40x128xi32, #tpu.memory_space<hbm>>
      tpu.wait_dma2 semaphore(%run_scoped3A : memref<!tpu.dma_semaphore, #tpu.memory_space<semaphore_mem>>) src(%dma_wait3A_43 : memref<40x128xi32, #tpu.memory_space<hbm>>) dst(%arg11 : memref<40x128xi32, #tpu.memory_space<vmem>>)
      tpu.yield
    }) : () -> ()
    %scan3A_10 = arith.constant 0 : i32
    %scan3A_11 = arith.constant 0 : i32
    %scan3A_12 = arith.constant 16 : i32
    %scan3A_13 = arith.addi %scan3A_11, %scan3A_12 : i32
    %scan3A_14 = arith.constant 1 : i32
    scf.for %scan3A_37 = %scan3A_11 to %scan3A_13 step %scan3A_14  : i32 {
      %mul3A_38 = arith.constant 640 : i32
      %mul3A_39 = arith.muli %mul3A_38, %arg1 : i32
      %mul3A_40 = arith.constant 40 : i32
      %mul3A_41 = arith.muli %mul3A_40, %scan3A_37 : i32
      %add3A_42 = arith.addi %mul3A_39, %mul3A_41 : i32
      %lt3A_43 = arith.constant 10000 : i32
      %lt3A_44 = arith.cmpi slt, %add3A_42, %lt3A_43 : i32
      %convert_element_type3A_45 = arith.extui %lt3A_44 : i1 to i32
      %cond3A_46 = arith.constant 0 : i32
      %cond3A_47 = arith.cmpi ne, %convert_element_type3A_45, %cond3A_46 : i32
      scf.if %cond3A_47 {
        %dma_wait3A = arith.constant 0 : i32
        %dma_wait3A_48 = tpu.memref_slice %arg7[%add3A_42, %dma_wait3A] : memref<10000x128xf32, #tpu.memory_space<vmem_shared>> -> memref<40x128xf32, #tpu.memory_space<vmem_shared>>
        %dma_wait3A_49 = arith.constant 0 : i32
        %dma_wait3A_50 = tpu.memref_slice %arg7[%add3A_42, %dma_wait3A_49] : memref<10000x128xf32, #tpu.memory_space<vmem_shared>> -> memref<40x128xf32, #tpu.memory_space<vmem_shared>>
        tpu.wait_dma2 semaphore(%arg15 : memref<!tpu.dma_semaphore, #tpu.memory_space<semaphore_mem>>) src(%arg8 : memref<40x128xf32, #tpu.memory_space<vmem>>) dst(%dma_wait3A_50 : memref<40x128xf32, #tpu.memory_space<vmem_shared>>)
      } else {
      }
    }
    %scan3A_15 = arith.constant 16 : i32
    %barrier3A = arith.constant 0 : index
    tpu.barrier barrier_id(%barrier3A)
    %dma_start3A = arith.constant 0 : i32
    %dma_start3A_16 = arith.constant 0 : i32
    %dma_start3A_17 = tpu.memref_slice %arg11[%dma_start3A, %dma_start3A_16] : memref<40x128xi32, #tpu.memory_space<vmem>> -> memref<1x128xi32, #tpu.memory_space<vmem>>
    %dma_start3A_18 = tpu.memref_squeeze %dma_start3A_17 : memref<1x128xi32, #tpu.memory_space<vmem>> -> memref<128xi32, #tpu.memory_space<vmem>>
    %dma_start3A_19 = arith.constant 0 : i32
    %dma_start3A_20 = arith.constant 0 : i32
    %dma_start3A_21 = tpu.memref_slice %arg5[%dma_start3A_19, %dma_start3A_20] : memref<10000x128xf32, #tpu.memory_space<hbm>> -> memref<10000x128xf32, #tpu.memory_space<hbm>>
    tpu.enqueue_indirect_dma source(%dma_start3A_21 : memref<10000x128xf32, #tpu.memory_space<hbm>>) target(%arg9 : memref<128x128xf32, #tpu.memory_space<vmem>>) offsets(%dma_start3A_18 : memref<128xi32, #tpu.memory_space<vmem>>) semaphore(%arg13 : memref<!tpu.dma_semaphore, #tpu.memory_space<semaphore_mem>>)
    %scan3A_22 = arith.constant 0 : i32
    %scan3A_23 = arith.constant 0 : i32
    %scan3A_24 = arith.constant 20 : i32
    %scan3A_25 = arith.addi %scan3A_23, %scan3A_24 : i32
    %scan3A_26 = arith.constant 1 : i32
    scf.for %scan3A_37 = %scan3A_23 to %scan3A_25 step %scan3A_26  : i32 {
      %mul3A_38 = arith.constant 2 : i32
      %mul3A_39 = arith.muli %mul3A_38, %scan3A_37 : i32
      %mul3A_40 = arith.constant 2 : i32
      %mul3A_41 = arith.muli %mul3A_40, %scan3A_37 : i32
      %add3A_42 = arith.constant 1 : i32
      %add3A_43 = arith.addi %mul3A_41, %add3A_42 : i32
      %mul3A_44 = arith.constant 2 : i32
      %mul3A_45 = arith.muli %mul3A_44, %scan3A_37 : i32
      %add3A_46 = arith.constant 2 : i32
      %add3A_47 = arith.addi %mul3A_45, %add3A_46 : i32
      %lt3A_48 = arith.cmpi slt, %add3A_43, %min3A_4 : i32
      %convert_element_type3A_49 = arith.extui %lt3A_48 : i1 to i32
      %cond3A_50 = arith.constant 0 : i32
      %cond3A_51 = arith.cmpi ne, %convert_element_type3A_49, %cond3A_50 : i32
      scf.if %cond3A_51 {
        %dma_start3A_64 = arith.constant 0 : i32
        %dma_start3A_65 = tpu.memref_slice %arg11[%add3A_43, %dma_start3A_64] : memref<40x128xi32, #tpu.memory_space<vmem>> -> memref<1x128xi32, #tpu.memory_space<vmem>>
        %dma_start3A_66 = tpu.memref_squeeze %dma_start3A_65 : memref<1x128xi32, #tpu.memory_space<vmem>> -> memref<128xi32, #tpu.memory_space<vmem>>
        %dma_start3A_67 = arith.constant 0 : i32
        %dma_start3A_68 = arith.constant 0 : i32
        %dma_start3A_69 = tpu.memref_slice %arg5[%dma_start3A_67, %dma_start3A_68] : memref<10000x128xf32, #tpu.memory_space<hbm>> -> memref<10000x128xf32, #tpu.memory_space<hbm>>
        tpu.enqueue_indirect_dma source(%dma_start3A_69 : memref<10000x128xf32, #tpu.memory_space<hbm>>) target(%arg10 : memref<128x128xf32, #tpu.memory_space<vmem>>) offsets(%dma_start3A_66 : memref<128xi32, #tpu.memory_space<vmem>>) semaphore(%arg14 : memref<!tpu.dma_semaphore, #tpu.memory_space<semaphore_mem>>)
      } else {
      }
      %lt3A_52 = arith.cmpi slt, %mul3A_39, %min3A_4 : i32
      %convert_element_type3A_53 = arith.extui %lt3A_52 : i1 to i32
      %cond3A_54 = arith.constant 0 : i32
      %cond3A_55 = arith.cmpi ne, %convert_element_type3A_53, %cond3A_54 : i32
      scf.if %cond3A_55 {
        %dma_wait3A = arith.constant 0 : i32
        %dma_wait3A_64 = tpu.memref_slice %arg11[%mul3A_39, %dma_wait3A] : memref<40x128xi32, #tpu.memory_space<vmem>> -> memref<1x128xi32, #tpu.memory_space<vmem>>
        %dma_wait3A_65 = tpu.memref_squeeze %dma_wait3A_64 : memref<1x128xi32, #tpu.memory_space<vmem>> -> memref<128xi32, #tpu.memory_space<vmem>>
        %dma_wait3A_66 = arith.constant 0 : i32
        %dma_wait3A_67 = arith.constant 0 : i32
        %dma_wait3A_68 = tpu.memref_slice %arg5[%dma_wait3A_66, %dma_wait3A_67] : memref<10000x128xf32, #tpu.memory_space<hbm>> -> memref<10000x128xf32, #tpu.memory_space<hbm>>
        tpu.wait_indirect_dma semaphore(%arg13 : memref<!tpu.dma_semaphore, #tpu.memory_space<semaphore_mem>>) src(%dma_wait3A_68 : memref<10000x128xf32, #tpu.memory_space<hbm>>) dst(%arg9 : memref<128x128xf32, #tpu.memory_space<vmem>>)
        "tpu.region"() ({
          %run_scoped3A = tpu.sem_alloc : memref<!tpu.dma_semaphore, #tpu.memory_space<semaphore_mem>>
          %dma_start3A_69 = arith.constant 0 : i32
          %dma_start3A_70 = tpu.memref_slice %arg12[%mul3A_39, %dma_start3A_69] : memref<40x128xi32, #tpu.memory_space<vmem>> -> memref<1x128xi32, #tpu.memory_space<vmem>>
          %dma_start3A_71 = tpu.memref_squeeze %dma_start3A_70 : memref<1x128xi32, #tpu.memory_space<vmem>> -> memref<128xi32, #tpu.memory_space<vmem>>
          %dma_start3A_72 = arith.constant 0 : i32
          %dma_start3A_73 = arith.constant 0 : i32
          %dma_start3A_74 = tpu.memref_slice %arg7[%dma_start3A_72, %dma_start3A_73] : memref<10000x128xf32, #tpu.memory_space<vmem_shared>> -> memref<10000x128xf32, #tpu.memory_space<vmem_shared>>
          tpu.enqueue_indirect_dma source(%arg9 : memref<128x128xf32, #tpu.memory_space<vmem>>) target(%dma_start3A_74 : memref<10000x128xf32, #tpu.memory_space<vmem_shared>>) offsets(%dma_start3A_71 : memref<128xi32, #tpu.memory_space<vmem>>) semaphore(%run_scoped3A : memref<!tpu.dma_semaphore, #tpu.memory_space<semaphore_mem>>) {add = true}
          %dma_wait3A_75 = arith.constant 0 : i32
          %dma_wait3A_76 = tpu.memref_slice %arg12[%mul3A_39, %dma_wait3A_75] : memref<40x128xi32, #tpu.memory_space<vmem>> -> memref<1x128xi32, #tpu.memory_space<vmem>>
          %dma_wait3A_77 = tpu.memref_squeeze %dma_wait3A_76 : memref<1x128xi32, #tpu.memory_space<vmem>> -> memref<128xi32, #tpu.memory_space<vmem>>
          %dma_wait3A_78 = arith.constant 0 : i32
          %dma_wait3A_79 = arith.constant 0 : i32
          %dma_wait3A_80 = tpu.memref_slice %arg7[%dma_wait3A_78, %dma_wait3A_79] : memref<10000x128xf32, #tpu.memory_space<vmem_shared>> -> memref<10000x128xf32, #tpu.memory_space<vmem_shared>>
          tpu.wait_indirect_dma semaphore(%run_scoped3A : memref<!tpu.dma_semaphore, #tpu.memory_space<semaphore_mem>>) src(%arg9 : memref<128x128xf32, #tpu.memory_space<vmem>>) dst(%dma_wait3A_80 : memref<10000x128xf32, #tpu.memory_space<vmem_shared>>)
          tpu.yield
        }) : () -> ()
      } else {
      }
      %lt3A_56 = arith.cmpi slt, %add3A_47, %min3A_4 : i32
      %convert_element_type3A_57 = arith.extui %lt3A_56 : i1 to i32
      %cond3A_58 = arith.constant 0 : i32
      %cond3A_59 = arith.cmpi ne, %convert_element_type3A_57, %cond3A_58 : i32
      scf.if %cond3A_59 {
        %dma_start3A_64 = arith.constant 0 : i32
        %dma_start3A_65 = tpu.memref_slice %arg11[%add3A_47, %dma_start3A_64] : memref<40x128xi32, #tpu.memory_space<vmem>> -> memref<1x128xi32, #tpu.memory_space<vmem>>
        %dma_start3A_66 = tpu.memref_squeeze %dma_start3A_65 : memref<1x128xi32, #tpu.memory_space<vmem>> -> memref<128xi32, #tpu.memory_space<vmem>>
        %dma_start3A_67 = arith.constant 0 : i32
        %dma_start3A_68 = arith.constant 0 : i32
        %dma_start3A_69 = tpu.memref_slice %arg5[%dma_start3A_67, %dma_start3A_68] : memref<10000x128xf32, #tpu.memory_space<hbm>> -> memref<10000x128xf32, #tpu.memory_space<hbm>>
        tpu.enqueue_indirect_dma source(%dma_start3A_69 : memref<10000x128xf32, #tpu.memory_space<hbm>>) target(%arg9 : memref<128x128xf32, #tpu.memory_space<vmem>>) offsets(%dma_start3A_66 : memref<128xi32, #tpu.memory_space<vmem>>) semaphore(%arg13 : memref<!tpu.dma_semaphore, #tpu.memory_space<semaphore_mem>>)
      } else {
      }
      %lt3A_60 = arith.cmpi slt, %add3A_43, %min3A_4 : i32
      %convert_element_type3A_61 = arith.extui %lt3A_60 : i1 to i32
      %cond3A_62 = arith.constant 0 : i32
      %cond3A_63 = arith.cmpi ne, %convert_element_type3A_61, %cond3A_62 : i32
      scf.if %cond3A_63 {
        %dma_wait3A = arith.constant 0 : i32
        %dma_wait3A_64 = tpu.memref_slice %arg11[%add3A_43, %dma_wait3A] : memref<40x128xi32, #tpu.memory_space<vmem>> -> memref<1x128xi32, #tpu.memory_space<vmem>>
        %dma_wait3A_65 = tpu.memref_squeeze %dma_wait3A_64 : memref<1x128xi32, #tpu.memory_space<vmem>> -> memref<128xi32, #tpu.memory_space<vmem>>
        %dma_wait3A_66 = arith.constant 0 : i32
        %dma_wait3A_67 = arith.constant 0 : i32
        %dma_wait3A_68 = tpu.memref_slice %arg5[%dma_wait3A_66, %dma_wait3A_67] : memref<10000x128xf32, #tpu.memory_space<hbm>> -> memref<10000x128xf32, #tpu.memory_space<hbm>>
        tpu.wait_indirect_dma semaphore(%arg14 : memref<!tpu.dma_semaphore, #tpu.memory_space<semaphore_mem>>) src(%dma_wait3A_68 : memref<10000x128xf32, #tpu.memory_space<hbm>>) dst(%arg10 : memref<128x128xf32, #tpu.memory_space<vmem>>)
        "tpu.region"() ({
          %run_scoped3A = tpu.sem_alloc : memref<!tpu.dma_semaphore, #tpu.memory_space<semaphore_mem>>
          %dma_start3A_69 = arith.constant 0 : i32
          %dma_start3A_70 = tpu.memref_slice %arg12[%add3A_43, %dma_start3A_69] : memref<40x128xi32, #tpu.memory_space<vmem>> -> memref<1x128xi32, #tpu.memory_space<vmem>>
          %dma_start3A_71 = tpu.memref_squeeze %dma_start3A_70 : memref<1x128xi32, #tpu.memory_space<vmem>> -> memref<128xi32, #tpu.memory_space<vmem>>
          %dma_start3A_72 = arith.constant 0 : i32
          %dma_start3A_73 = arith.constant 0 : i32
          %dma_start3A_74 = tpu.memref_slice %arg7[%dma_start3A_72, %dma_start3A_73] : memref<10000x128xf32, #tpu.memory_space<vmem_shared>> -> memref<10000x128xf32, #tpu.memory_space<vmem_shared>>
          tpu.enqueue_indirect_dma source(%arg10 : memref<128x128xf32, #tpu.memory_space<vmem>>) target(%dma_start3A_74 : memref<10000x128xf32, #tpu.memory_space<vmem_shared>>) offsets(%dma_start3A_71 : memref<128xi32, #tpu.memory_space<vmem>>) semaphore(%run_scoped3A : memref<!tpu.dma_semaphore, #tpu.memory_space<semaphore_mem>>) {add = true}
          %dma_wait3A_75 = arith.constant 0 : i32
          %dma_wait3A_76 = tpu.memref_slice %arg12[%add3A_43, %dma_wait3A_75] : memref<40x128xi32, #tpu.memory_space<vmem>> -> memref<1x128xi32, #tpu.memory_space<vmem>>
          %dma_wait3A_77 = tpu.memref_squeeze %dma_wait3A_76 : memref<1x128xi32, #tpu.memory_space<vmem>> -> memref<128xi32, #tpu.memory_space<vmem>>
          %dma_wait3A_78 = arith.constant 0 : i32
          %dma_wait3A_79 = arith.constant 0 : i32
          %dma_wait3A_80 = tpu.memref_slice %arg7[%dma_wait3A_78, %dma_wait3A_79] : memref<10000x128xf32, #tpu.memory_space<vmem_shared>> -> memref<10000x128xf32, #tpu.memory_space<vmem_shared>>
          tpu.wait_indirect_dma semaphore(%run_scoped3A : memref<!tpu.dma_semaphore, #tpu.memory_space<semaphore_mem>>) src(%arg10 : memref<128x128xf32, #tpu.memory_space<vmem>>) dst(%dma_wait3A_80 : memref<10000x128xf32, #tpu.memory_space<vmem_shared>>)
          tpu.yield
        }) : () -> ()
      } else {
      }
    }
    %scan3A_27 = arith.constant 20 : i32
    %barrier3A_28 = arith.constant 0 : index
    tpu.barrier barrier_id(%barrier3A_28)
    %mul3A_29 = arith.constant 640 : i32
    %mul3A_30 = arith.muli %mul3A_29, %arg1 : i32
    %lt3A = arith.constant 15 : i32
    %lt3A_31 = arith.cmpi slt, %arg1, %lt3A : i32
    %convert_element_type3A = arith.extui %lt3A_31 : i1 to i32
    %cond3A = arith.constant 0 : i32
    %cond3A_32 = arith.cmpi ne, %convert_element_type3A, %cond3A : i32
    scf.if %cond3A_32 {
      "tpu.region"() ({
        %run_scoped3A = tpu.sem_alloc : memref<!tpu.dma_semaphore, #tpu.memory_space<semaphore_mem>>
        %dma_start3A_37 = arith.constant 0 : i32
        %dma_start3A_38 = tpu.memref_slice %arg6[%arg0, %mul3A_30, %dma_start3A_37] : memref<2x10000x128xf32, #tpu.memory_space<hbm>> -> memref<1x640x128xf32, #tpu.memory_space<hbm>>
        %dma_start3A_39 = tpu.memref_squeeze %dma_start3A_38 : memref<1x640x128xf32, #tpu.memory_space<hbm>> -> memref<640x128xf32, #tpu.memory_space<hbm>>
        %dma_start3A_40 = arith.constant 0 : i32
        %dma_start3A_41 = tpu.memref_slice %arg7[%mul3A_30, %dma_start3A_40] : memref<10000x128xf32, #tpu.memory_space<vmem_shared>> -> memref<640x128xf32, #tpu.memory_space<vmem_shared>>
        tpu.enqueue_dma source(%dma_start3A_41 : memref<640x128xf32, #tpu.memory_space<vmem_shared>>) target(%dma_start3A_39 : memref<640x128xf32, #tpu.memory_space<hbm>>) target_semaphore(%run_scoped3A : memref<!tpu.dma_semaphore, #tpu.memory_space<semaphore_mem>>)
        %dma_wait3A = arith.constant 0 : i32
        %dma_wait3A_42 = tpu.memref_slice %arg6[%arg0, %mul3A_30, %dma_wait3A] : memref<2x10000x128xf32, #tpu.memory_space<hbm>> -> memref<1x640x128xf32, #tpu.memory_space<hbm>>
        %dma_wait3A_43 = tpu.memref_squeeze %dma_wait3A_42 : memref<1x640x128xf32, #tpu.memory_space<hbm>> -> memref<640x128xf32, #tpu.memory_space<hbm>>
        %dma_wait3A_44 = arith.constant 0 : i32
        %dma_wait3A_45 = tpu.memref_slice %arg7[%mul3A_30, %dma_wait3A_44] : memref<10000x128xf32, #tpu.memory_space<vmem_shared>> -> memref<640x128xf32, #tpu.memory_space<vmem_shared>>
        tpu.wait_dma2 semaphore(%run_scoped3A : memref<!tpu.dma_semaphore, #tpu.memory_space<semaphore_mem>>) src(%dma_wait3A_45 : memref<640x128xf32, #tpu.memory_space<vmem_shared>>) dst(%dma_wait3A_43 : memref<640x128xf32, #tpu.memory_space<hbm>>)
        tpu.yield
      }) : () -> ()
    } else {
    }
    %eq3A = arith.constant 15 : i32
    %eq3A_33 = arith.cmpi eq, %arg1, %eq3A : i32
    %convert_element_type3A_34 = arith.extui %eq3A_33 : i1 to i32
    %cond3A_35 = arith.constant 0 : i32
    %cond3A_36 = arith.cmpi ne, %convert_element_type3A_34, %cond3A_35 : i32
    scf.if %cond3A_36 {
      "tpu.region"() ({
        %run_scoped3A = tpu.sem_alloc : memref<!tpu.dma_semaphore, #tpu.memory_space<semaphore_mem>>
        %dma_start3A_37 = arith.constant 0 : i32
        %dma_start3A_38 = tpu.memref_slice %arg6[%arg0, %mul3A_30, %dma_start3A_37] : memref<2x10000x128xf32, #tpu.memory_space<hbm>> -> memref<1x400x128xf32, #tpu.memory_space<hbm>>
        %dma_start3A_39 = tpu.memref_squeeze %dma_start3A_38 : memref<1x400x128xf32, #tpu.memory_space<hbm>> -> memref<400x128xf32, #tpu.memory_space<hbm>>
        %dma_start3A_40 = arith.constant 0 : i32
        %dma_start3A_41 = tpu.memref_slice %arg7[%mul3A_30, %dma_start3A_40] : memref<10000x128xf32, #tpu.memory_space<vmem_shared>> -> memref<400x128xf32, #tpu.memory_space<vmem_shared>>
        tpu.enqueue_dma source(%dma_start3A_41 : memref<400x128xf32, #tpu.memory_space<vmem_shared>>) target(%dma_start3A_39 : memref<400x128xf32, #tpu.memory_space<hbm>>) target_semaphore(%run_scoped3A : memref<!tpu.dma_semaphore, #tpu.memory_space<semaphore_mem>>)
        %dma_wait3A = arith.constant 0 : i32
        %dma_wait3A_42 = tpu.memref_slice %arg6[%arg0, %mul3A_30, %dma_wait3A] : memref<2x10000x128xf32, #tpu.memory_space<hbm>> -> memref<1x400x128xf32, #tpu.memory_space<hbm>>
        %dma_wait3A_43 = tpu.memref_squeeze %dma_wait3A_42 : memref<1x400x128xf32, #tpu.memory_space<hbm>> -> memref<400x128xf32, #tpu.memory_space<hbm>>
        %dma_wait3A_44 = arith.constant 0 : i32
        %dma_wait3A_45 = tpu.memref_slice %arg7[%mul3A_30, %dma_wait3A_44] : memref<10000x128xf32, #tpu.memory_space<vmem_shared>> -> memref<400x128xf32, #tpu.memory_space<vmem_shared>>
        tpu.wait_dma2 semaphore(%run_scoped3A : memref<!tpu.dma_semaphore, #tpu.memory_space<semaphore_mem>>) src(%dma_wait3A_45 : memref<400x128xf32, #tpu.memory_space<vmem_shared>>) dst(%dma_wait3A_43 : memref<400x128xf32, #tpu.memory_space<hbm>>)
        tpu.yield
      }) : () -> ()
    } else {
    }
    return
  }
}

module attributes {stable_mosaic.version = 14 : i64} {
  func.func @body(%arg0: i32, %arg1: memref<2x1000x128xf32, #tpu.memory_space<vmem>>, %arg2: memref<1000x256xf32, #tpu.memory_space<vmem>>, %arg3: memref<1000x128xf32, #tpu.memory_space<vmem>>, %arg4: memref<1000x128xf32, #tpu.memory_space<vmem>>, %arg5: memref<1000x16xf32, #tpu.memory_space<vmem>>) attributes {dimension_semantics = [#tpu.dimension_semantics<arbitrary>], iteration_bounds = array<i64: 10>, scalar_prefetch = 0 : i64, scratch_operands = 0 : i64, tpu.core_type = #tpu.core_type<tc>, window_params = [{transform_indices = @transform_0, window_bounds = array<i64: 2, 1000, 128>}, {transform_indices = @transform_1, window_bounds = array<i64: 1000, 256>}, {transform_indices = @transform_2, window_bounds = array<i64: 1000, 128>}, {transform_indices = @transform_3, window_bounds = array<i64: 1000, 128>}, {transform_indices = @transform_4, window_bounds = array<i64: 1000, 16>}]} {
    %get3A = arith.constant 0 : index
    %get3A_0 = arith.constant 0 : index
    %get3A_1 = arith.constant 0 : index
    %get3A_2 = vector.load %arg1[%get3A, %get3A_0, %get3A_1] : memref<2x1000x128xf32, #tpu.memory_space<vmem>>, vector<1x1000x1xf32>
    %get3A_3 = vector.shape_cast %get3A_2 : vector<1x1000x1xf32> to vector<1000x1xf32>
    %get3A_4 = arith.constant 1 : index
    %get3A_5 = arith.constant 0 : index
    %get3A_6 = arith.constant 0 : index
    %get3A_7 = vector.load %arg1[%get3A_4, %get3A_5, %get3A_6] : memref<2x1000x128xf32, #tpu.memory_space<vmem>>, vector<1x1000x1xf32>
    %get3A_8 = vector.shape_cast %get3A_7 : vector<1x1000x1xf32> to vector<1000x1xf32>
    %add3A = arith.addf %get3A_3, %get3A_8 : vector<1000x1xf32>
    %add3A_9 = arith.constant 1.000000e+00 : f32
    %add3A_10 = vector.broadcast %add3A_9 : f32 to vector<1000x1xf32>
    %add3A_11 = arith.addf %add3A, %add3A_10 : vector<1000x1xf32>
    %rsqrt3A = math.rsqrt %add3A_11 : vector<1000x1xf32>
    %get3A_12 = arith.constant 0 : index
    %get3A_13 = arith.constant 0 : index
    %get3A_14 = vector.load %arg2[%get3A_12, %get3A_13] : memref<1000x256xf32, #tpu.memory_space<vmem>>, vector<1000x256xf32>
    %mul3A = vector.broadcast %rsqrt3A : vector<1000x1xf32> to vector<1000x256xf32>
    %mul3A_15 = arith.mulf %get3A_14, %mul3A : vector<1000x256xf32>
    %slice3A = vector.extract_strided_slice %mul3A_15 {offsets = [0, 0], sizes = [1000, 128], strides = [1, 1]} : vector<1000x256xf32> to vector<1000x128xf32>
    %swap3A = arith.constant 0 : index
    %swap3A_16 = arith.constant 0 : index
    %swap3A_17 = vector.load %arg3[%swap3A, %swap3A_16] : memref<1000x128xf32, #tpu.memory_space<vmem>>, vector<1000x128xf32>
    tpu.vector_store %arg3[%swap3A, %swap3A_16], %slice3A {strides = array<i32>} : memref<1000x128xf32, #tpu.memory_space<vmem>>, vector<1000x128xf32>,
    %slice3A_18 = vector.extract_strided_slice %mul3A_15 {offsets = [0, 128], sizes = [1000, 128], strides = [1, 1]} : vector<1000x256xf32> to vector<1000x128xf32>
    %swap3A_19 = arith.constant 0 : index
    %swap3A_20 = arith.constant 0 : index
    %swap3A_21 = vector.load %arg4[%swap3A_19, %swap3A_20] : memref<1000x128xf32, #tpu.memory_space<vmem>>, vector<1000x128xf32>
    tpu.vector_store %arg4[%swap3A_19, %swap3A_20], %slice3A_18 {strides = array<i32>} : memref<1000x128xf32, #tpu.memory_space<vmem>>, vector<1000x128xf32>,
    %broadcast_in_dim3A = vector.shape_cast %rsqrt3A : vector<1000x1xf32> to vector<1000x1xf32>
    %broadcast_in_dim3A_22 = vector.broadcast %broadcast_in_dim3A : vector<1000x1xf32> to vector<1000x16xf32>
    %swap3A_23 = arith.constant 0 : index
    %swap3A_24 = arith.constant 0 : index
    %swap3A_25 = vector.load %arg5[%swap3A_23, %swap3A_24] : memref<1000x16xf32, #tpu.memory_space<vmem>>, vector<1000x16xf32>
    tpu.vector_store %arg5[%swap3A_23, %swap3A_24], %broadcast_in_dim3A_22 {strides = array<i32>} : memref<1000x16xf32, #tpu.memory_space<vmem>>, vector<1000x16xf32>,
    return
  }
  func.func @transform_0(%arg0: i32) -> (i32, i32, i32) {
    %c0_i32 = arith.constant 0 : i32
    %c0_i32_0 = arith.constant 0 : i32
    %c0_i32_1 = arith.constant 0 : i32
    return %c0_i32, %arg0, %c0_i32_0 : i32, i32, i32
  }
  func.func @transform_1(%arg0: i32) -> (i32, i32) {
    %c0_i32 = arith.constant 0 : i32
    %c0_i32_0 = arith.constant 0 : i32
    return %arg0, %c0_i32 : i32, i32
  }
  func.func @transform_2(%arg0: i32) -> (i32, i32) {
    %c0_i32 = arith.constant 0 : i32
    %c0_i32_0 = arith.constant 0 : i32
    return %arg0, %c0_i32 : i32, i32
  }
  func.func @transform_3(%arg0: i32) -> (i32, i32) {
    %c0_i32 = arith.constant 0 : i32
    %c0_i32_0 = arith.constant 0 : i32
    return %arg0, %c0_i32 : i32, i32
  }
  func.func @transform_4(%arg0: i32) -> (i32, i32) {
    %c0_i32 = arith.constant 0 : i32
    %c0_i32_0 = arith.constant 0 : i32
    return %arg0, %c0_i32 : i32, i32
  }
}

module attributes {stable_mosaic.version = 14 : i64} {
  func.func @body(%arg0: i32, %arg1: memref<1000x16xf32, #tpu.memory_space<vmem>>, %arg2: memref<1000x128xf32, #tpu.memory_space<vmem>>, %arg3: memref<1000x128xf32, #tpu.memory_space<vmem>>, %arg4: memref<2x1000x128xf32, #tpu.memory_space<vmem>>, %arg5: memref<2x1000x128xf32, #tpu.memory_space<vmem>>, %arg6: memref<256x512xf32, #tpu.memory_space<vmem>>, %arg7: memref<1x512xf32, #tpu.memory_space<vmem>>, %arg8: memref<1000x128xf32, #tpu.memory_space<vmem>>, %arg9: memref<1000x128xf32, #tpu.memory_space<vmem>>, %arg10: memref<1000x128xf32, #tpu.memory_space<vmem>>, %arg11: memref<1000x128xf32, #tpu.memory_space<vmem>>) attributes {dimension_semantics = [#tpu.dimension_semantics<arbitrary>], iteration_bounds = array<i64: 10>, scalar_prefetch = 0 : i64, scratch_operands = 0 : i64, tpu.core_type = #tpu.core_type<tc>, window_params = [{transform_indices = @transform_0, window_bounds = array<i64: 1000, 16>}, {transform_indices = @transform_1, window_bounds = array<i64: 1000, 128>}, {transform_indices = @transform_2, window_bounds = array<i64: 1000, 128>}, {transform_indices = @transform_3, window_bounds = array<i64: 2, 1000, 128>}, {transform_indices = @transform_4, window_bounds = array<i64: 2, 1000, 128>}, {pipeline_mode = #tpu.pipeline_mode<synchronous>, transform_indices = @transform_5, window_bounds = array<i64: 256, 512>}, {pipeline_mode = #tpu.pipeline_mode<synchronous>, transform_indices = @transform_6, window_bounds = array<i64: 1, 512>}, {transform_indices = @transform_7, window_bounds = array<i64: 1000, 128>}, {transform_indices = @transform_8, window_bounds = array<i64: 1000, 128>}, {transform_indices = @transform_9, window_bounds = array<i64: 1000, 128>}, {transform_indices = @transform_10, window_bounds = array<i64: 1000, 128>}]} {
    %get3A = arith.constant 0 : index
    %get3A_0 = arith.constant 0 : index
    %get3A_1 = vector.load %arg1[%get3A, %get3A_0] : memref<1000x16xf32, #tpu.memory_space<vmem>>, vector<1000x1xf32>
    %get3A_2 = arith.constant 0 : index
    %get3A_3 = arith.constant 0 : index
    %get3A_4 = arith.constant 0 : index
    %get3A_5 = vector.load %arg4[%get3A_2, %get3A_3, %get3A_4] : memref<2x1000x128xf32, #tpu.memory_space<vmem>>, vector<1x1000x128xf32>
    %get3A_6 = vector.shape_cast %get3A_5 : vector<1x1000x128xf32> to vector<1000x128xf32>
    %get3A_7 = arith.constant 1 : index
    %get3A_8 = arith.constant 0 : index
    %get3A_9 = arith.constant 0 : index
    %get3A_10 = vector.load %arg4[%get3A_7, %get3A_8, %get3A_9] : memref<2x1000x128xf32, #tpu.memory_space<vmem>>, vector<1x1000x128xf32>
    %get3A_11 = vector.shape_cast %get3A_10 : vector<1x1000x128xf32> to vector<1000x128xf32>
    %add3A = arith.addf %get3A_6, %get3A_11 : vector<1000x128xf32>
    %get3A_12 = arith.constant 0 : index
    %get3A_13 = arith.constant 0 : index
    %get3A_14 = vector.load %arg2[%get3A_12, %get3A_13] : memref<1000x128xf32, #tpu.memory_space<vmem>>, vector<1000x128xf32>
    %add3A_15 = arith.addf %add3A, %get3A_14 : vector<1000x128xf32>
    %mul3A = vector.broadcast %get3A_1 : vector<1000x1xf32> to vector<1000x128xf32>
    %mul3A_16 = arith.mulf %mul3A, %add3A_15 : vector<1000x128xf32>
    %get3A_17 = arith.constant 0 : index
    %get3A_18 = arith.constant 0 : index
    %get3A_19 = arith.constant 0 : index
    %get3A_20 = vector.load %arg5[%get3A_17, %get3A_18, %get3A_19] : memref<2x1000x128xf32, #tpu.memory_space<vmem>>, vector<1x1000x128xf32>
    %get3A_21 = vector.shape_cast %get3A_20 : vector<1x1000x128xf32> to vector<1000x128xf32>
    %get3A_22 = arith.constant 1 : index
    %get3A_23 = arith.constant 0 : index
    %get3A_24 = arith.constant 0 : index
    %get3A_25 = vector.load %arg5[%get3A_22, %get3A_23, %get3A_24] : memref<2x1000x128xf32, #tpu.memory_space<vmem>>, vector<1x1000x128xf32>
    %get3A_26 = vector.shape_cast %get3A_25 : vector<1x1000x128xf32> to vector<1000x128xf32>
    %add3A_27 = arith.addf %get3A_21, %get3A_26 : vector<1000x128xf32>
    %get3A_28 = arith.constant 0 : index
    %get3A_29 = arith.constant 0 : index
    %get3A_30 = vector.load %arg3[%get3A_28, %get3A_29] : memref<1000x128xf32, #tpu.memory_space<vmem>>, vector<1000x128xf32>
    %add3A_31 = arith.addf %add3A_27, %get3A_30 : vector<1000x128xf32>
    %mul3A_32 = vector.broadcast %get3A_1 : vector<1000x1xf32> to vector<1000x128xf32>
    %mul3A_33 = arith.mulf %mul3A_32, %add3A_31 : vector<1000x128xf32>
    %concatenate3A = tpu.concatenate %mul3A_16, %mul3A_33 in 1 : vector<1000x128xf32>, vector<1000x128xf32> -> vector<1000x256xf32>
    %get3A_34 = arith.constant 0 : index
    %get3A_35 = arith.constant 0 : index
    %get3A_36 = vector.load %arg6[%get3A_34, %get3A_35] : memref<256x512xf32, #tpu.memory_space<vmem>>, vector<256x512xf32>
    %dot_general3A = arith.constant dense<0.000000e+00> : vector<1000x512xf32>
    %dot_general3A_37 = tpu.matmul %concatenate3A, %get3A_36, %dot_general3A {dimension_numbers = #tpu.dot_dimension_numbers<[1], [0], [0], [1], [0, 0, 1, 1], [], []>, transpose_lhs_hint = false} : vector<1000x256xf32>, vector<256x512xf32>, vector<1000x512xf32> -> vector<1000x512xf32>
    %get3A_38 = arith.constant 0 : index
    %get3A_39 = arith.constant 0 : index
    %get3A_40 = vector.load %arg7[%get3A_38, %get3A_39] : memref<1x512xf32, #tpu.memory_space<vmem>>, vector<1x512xf32>
    %add3A_41 = vector.broadcast %get3A_40 : vector<1x512xf32> to vector<1000x512xf32>
    %add3A_42 = arith.addf %dot_general3A_37, %add3A_41 : vector<1000x512xf32>
    %max3A = arith.constant 0.000000e+00 : f32
    %max3A_43 = vector.broadcast %max3A : f32 to vector<1000x512xf32>
    %max3A_44 = arith.maximumf %add3A_42, %max3A_43 : vector<1000x512xf32>
    %mul3A_45 = vector.broadcast %get3A_1 : vector<1000x1xf32> to vector<1000x512xf32>
    %mul3A_46 = arith.mulf %max3A_44, %mul3A_45 : vector<1000x512xf32>
    %slice3A = vector.extract_strided_slice %mul3A_46 {offsets = [0, 0], sizes = [1000, 128], strides = [1, 1]} : vector<1000x512xf32> to vector<1000x128xf32>
    %swap3A = arith.constant 0 : index
    %swap3A_47 = arith.constant 0 : index
    %swap3A_48 = vector.load %arg8[%swap3A, %swap3A_47] : memref<1000x128xf32, #tpu.memory_space<vmem>>, vector<1000x128xf32>
    tpu.vector_store %arg8[%swap3A, %swap3A_47], %slice3A {strides = array<i32>} : memref<1000x128xf32, #tpu.memory_space<vmem>>, vector<1000x128xf32>,
    %slice3A_49 = vector.extract_strided_slice %mul3A_46 {offsets = [0, 128], sizes = [1000, 128], strides = [1, 1]} : vector<1000x512xf32> to vector<1000x128xf32>
    %swap3A_50 = arith.constant 0 : index
    %swap3A_51 = arith.constant 0 : index
    %swap3A_52 = vector.load %arg9[%swap3A_50, %swap3A_51] : memref<1000x128xf32, #tpu.memory_space<vmem>>, vector<1000x128xf32>
    tpu.vector_store %arg9[%swap3A_50, %swap3A_51], %slice3A_49 {strides = array<i32>} : memref<1000x128xf32, #tpu.memory_space<vmem>>, vector<1000x128xf32>,
    %slice3A_53 = vector.extract_strided_slice %mul3A_46 {offsets = [0, 256], sizes = [1000, 128], strides = [1, 1]} : vector<1000x512xf32> to vector<1000x128xf32>
    %swap3A_54 = arith.constant 0 : index
    %swap3A_55 = arith.constant 0 : index
    %swap3A_56 = vector.load %arg10[%swap3A_54, %swap3A_55] : memref<1000x128xf32, #tpu.memory_space<vmem>>, vector<1000x128xf32>
    tpu.vector_store %arg10[%swap3A_54, %swap3A_55], %slice3A_53 {strides = array<i32>} : memref<1000x128xf32, #tpu.memory_space<vmem>>, vector<1000x128xf32>,
    %slice3A_57 = vector.extract_strided_slice %mul3A_46 {offsets = [0, 384], sizes = [1000, 128], strides = [1, 1]} : vector<1000x512xf32> to vector<1000x128xf32>
    %swap3A_58 = arith.constant 0 : index
    %swap3A_59 = arith.constant 0 : index
    %swap3A_60 = vector.load %arg11[%swap3A_58, %swap3A_59] : memref<1000x128xf32, #tpu.memory_space<vmem>>, vector<1000x128xf32>
    tpu.vector_store %arg11[%swap3A_58, %swap3A_59], %slice3A_57 {strides = array<i32>} : memref<1000x128xf32, #tpu.memory_space<vmem>>, vector<1000x128xf32>,
    return
  }
  func.func @transform_0(%arg0: i32) -> (i32, i32) {
    %c0_i32 = arith.constant 0 : i32
    %c0_i32_0 = arith.constant 0 : i32
    return %arg0, %c0_i32 : i32, i32
  }
  func.func @transform_1(%arg0: i32) -> (i32, i32) {
    %c0_i32 = arith.constant 0 : i32
    %c0_i32_0 = arith.constant 0 : i32
    return %arg0, %c0_i32 : i32, i32
  }
  func.func @transform_2(%arg0: i32) -> (i32, i32) {
    %c0_i32 = arith.constant 0 : i32
    %c0_i32_0 = arith.constant 0 : i32
    return %arg0, %c0_i32 : i32, i32
  }
  func.func @transform_3(%arg0: i32) -> (i32, i32, i32) {
    %c0_i32 = arith.constant 0 : i32
    %c0_i32_0 = arith.constant 0 : i32
    %c0_i32_1 = arith.constant 0 : i32
    return %c0_i32, %arg0, %c0_i32_0 : i32, i32, i32
  }
  func.func @transform_4(%arg0: i32) -> (i32, i32, i32) {
    %c0_i32 = arith.constant 0 : i32
    %c0_i32_0 = arith.constant 0 : i32
    %c0_i32_1 = arith.constant 0 : i32
    return %c0_i32, %arg0, %c0_i32_0 : i32, i32, i32
  }
  func.func @transform_5(%arg0: i32) -> (i32, i32) {
    %c0_i32 = arith.constant 0 : i32
    %c0_i32_0 = arith.constant 0 : i32
    %c0_i32_1 = arith.constant 0 : i32
    return %c0_i32, %c0_i32_0 : i32, i32
  }
  func.func @transform_6(%arg0: i32) -> (i32, i32) {
    %c0_i32 = arith.constant 0 : i32
    %c0_i32_0 = arith.constant 0 : i32
    %c0_i32_1 = arith.constant 0 : i32
    return %c0_i32, %c0_i32_0 : i32, i32
  }
  func.func @transform_7(%arg0: i32) -> (i32, i32) {
    %c0_i32 = arith.constant 0 : i32
    %c0_i32_0 = arith.constant 0 : i32
    return %arg0, %c0_i32 : i32, i32
  }
  func.func @transform_8(%arg0: i32) -> (i32, i32) {
    %c0_i32 = arith.constant 0 : i32
    %c0_i32_0 = arith.constant 0 : i32
    return %arg0, %c0_i32 : i32, i32
  }
  func.func @transform_9(%arg0: i32) -> (i32, i32) {
    %c0_i32 = arith.constant 0 : i32
    %c0_i32_0 = arith.constant 0 : i32
    return %arg0, %c0_i32 : i32, i32
  }
  func.func @transform_10(%arg0: i32) -> (i32, i32) {
    %c0_i32 = arith.constant 0 : i32
    %c0_i32_0 = arith.constant 0 : i32
    return %arg0, %c0_i32 : i32, i32
  }
}

module attributes {stable_mosaic.version = 14 : i64} {
  func.func @body(%arg0: i32, %arg1: memref<1000x16xf32, #tpu.memory_space<vmem>>, %arg2: memref<1000x128xf32, #tpu.memory_space<vmem>>, %arg3: memref<1000x128xf32, #tpu.memory_space<vmem>>, %arg4: memref<1000x128xf32, #tpu.memory_space<vmem>>, %arg5: memref<1000x128xf32, #tpu.memory_space<vmem>>, %arg6: memref<2x1000x128xf32, #tpu.memory_space<vmem>>, %arg7: memref<2x1000x128xf32, #tpu.memory_space<vmem>>, %arg8: memref<2x1000x128xf32, #tpu.memory_space<vmem>>, %arg9: memref<2x1000x128xf32, #tpu.memory_space<vmem>>, %arg10: memref<512x512xf32, #tpu.memory_space<vmem>>, %arg11: memref<1x512xf32, #tpu.memory_space<vmem>>, %arg12: memref<512x128xf32, #tpu.memory_space<vmem>>, %arg13: memref<1000x128xf32, #tpu.memory_space<vmem>>) attributes {dimension_semantics = [#tpu.dimension_semantics<arbitrary>], iteration_bounds = array<i64: 10>, scalar_prefetch = 0 : i64, scratch_operands = 0 : i64, tpu.core_type = #tpu.core_type<tc>, window_params = [{transform_indices = @transform_0, window_bounds = array<i64: 1000, 16>}, {transform_indices = @transform_1, window_bounds = array<i64: 1000, 128>}, {transform_indices = @transform_2, window_bounds = array<i64: 1000, 128>}, {transform_indices = @transform_3, window_bounds = array<i64: 1000, 128>}, {transform_indices = @transform_4, window_bounds = array<i64: 1000, 128>}, {transform_indices = @transform_5, window_bounds = array<i64: 2, 1000, 128>}, {transform_indices = @transform_6, window_bounds = array<i64: 2, 1000, 128>}, {transform_indices = @transform_7, window_bounds = array<i64: 2, 1000, 128>}, {transform_indices = @transform_8, window_bounds = array<i64: 2, 1000, 128>}, {pipeline_mode = #tpu.pipeline_mode<synchronous>, transform_indices = @transform_9, window_bounds = array<i64: 512, 512>}, {pipeline_mode = #tpu.pipeline_mode<synchronous>, transform_indices = @transform_10, window_bounds = array<i64: 1, 512>}, {pipeline_mode = #tpu.pipeline_mode<synchronous>, transform_indices = @transform_11, window_bounds = array<i64: 512, 128>}, {transform_indices = @transform_12, window_bounds = array<i64: 1000, 128>}]} {
    %get3A = arith.constant 0 : index
    %get3A_0 = arith.constant 0 : index
    %get3A_1 = vector.load %arg1[%get3A, %get3A_0] : memref<1000x16xf32, #tpu.memory_space<vmem>>, vector<1000x1xf32>
    %get3A_2 = arith.constant 0 : index
    %get3A_3 = arith.constant 0 : index
    %get3A_4 = arith.constant 0 : index
    %get3A_5 = vector.load %arg6[%get3A_2, %get3A_3, %get3A_4] : memref<2x1000x128xf32, #tpu.memory_space<vmem>>, vector<1x1000x128xf32>
    %get3A_6 = vector.shape_cast %get3A_5 : vector<1x1000x128xf32> to vector<1000x128xf32>
    %get3A_7 = arith.constant 1 : index
    %get3A_8 = arith.constant 0 : index
    %get3A_9 = arith.constant 0 : index
    %get3A_10 = vector.load %arg6[%get3A_7, %get3A_8, %get3A_9] : memref<2x1000x128xf32, #tpu.memory_space<vmem>>, vector<1x1000x128xf32>
    %get3A_11 = vector.shape_cast %get3A_10 : vector<1x1000x128xf32> to vector<1000x128xf32>
    %add3A = arith.addf %get3A_6, %get3A_11 : vector<1000x128xf32>
    %get3A_12 = arith.constant 0 : index
    %get3A_13 = arith.constant 0 : index
    %get3A_14 = vector.load %arg2[%get3A_12, %get3A_13] : memref<1000x128xf32, #tpu.memory_space<vmem>>, vector<1000x128xf32>
    %add3A_15 = arith.addf %add3A, %get3A_14 : vector<1000x128xf32>
    %mul3A = vector.broadcast %get3A_1 : vector<1000x1xf32> to vector<1000x128xf32>
    %mul3A_16 = arith.mulf %mul3A, %add3A_15 : vector<1000x128xf32>
    %get3A_17 = arith.constant 0 : index
    %get3A_18 = arith.constant 0 : index
    %get3A_19 = arith.constant 0 : index
    %get3A_20 = vector.load %arg7[%get3A_17, %get3A_18, %get3A_19] : memref<2x1000x128xf32, #tpu.memory_space<vmem>>, vector<1x1000x128xf32>
    %get3A_21 = vector.shape_cast %get3A_20 : vector<1x1000x128xf32> to vector<1000x128xf32>
    %get3A_22 = arith.constant 1 : index
    %get3A_23 = arith.constant 0 : index
    %get3A_24 = arith.constant 0 : index
    %get3A_25 = vector.load %arg7[%get3A_22, %get3A_23, %get3A_24] : memref<2x1000x128xf32, #tpu.memory_space<vmem>>, vector<1x1000x128xf32>
    %get3A_26 = vector.shape_cast %get3A_25 : vector<1x1000x128xf32> to vector<1000x128xf32>
    %add3A_27 = arith.addf %get3A_21, %get3A_26 : vector<1000x128xf32>
    %get3A_28 = arith.constant 0 : index
    %get3A_29 = arith.constant 0 : index
    %get3A_30 = vector.load %arg3[%get3A_28, %get3A_29] : memref<1000x128xf32, #tpu.memory_space<vmem>>, vector<1000x128xf32>
    %add3A_31 = arith.addf %add3A_27, %get3A_30 : vector<1000x128xf32>
    %mul3A_32 = vector.broadcast %get3A_1 : vector<1000x1xf32> to vector<1000x128xf32>
    %mul3A_33 = arith.mulf %mul3A_32, %add3A_31 : vector<1000x128xf32>
    %get3A_34 = arith.constant 0 : index
    %get3A_35 = arith.constant 0 : index
    %get3A_36 = arith.constant 0 : index
    %get3A_37 = vector.load %arg8[%get3A_34, %get3A_35, %get3A_36] : memref<2x1000x128xf32, #tpu.memory_space<vmem>>, vector<1x1000x128xf32>
    %get3A_38 = vector.shape_cast %get3A_37 : vector<1x1000x128xf32> to vector<1000x128xf32>
    %get3A_39 = arith.constant 1 : index
    %get3A_40 = arith.constant 0 : index
    %get3A_41 = arith.constant 0 : index
    %get3A_42 = vector.load %arg8[%get3A_39, %get3A_40, %get3A_41] : memref<2x1000x128xf32, #tpu.memory_space<vmem>>, vector<1x1000x128xf32>
    %get3A_43 = vector.shape_cast %get3A_42 : vector<1x1000x128xf32> to vector<1000x128xf32>
    %add3A_44 = arith.addf %get3A_38, %get3A_43 : vector<1000x128xf32>
    %get3A_45 = arith.constant 0 : index
    %get3A_46 = arith.constant 0 : index
    %get3A_47 = vector.load %arg4[%get3A_45, %get3A_46] : memref<1000x128xf32, #tpu.memory_space<vmem>>, vector<1000x128xf32>
    %add3A_48 = arith.addf %add3A_44, %get3A_47 : vector<1000x128xf32>
    %mul3A_49 = vector.broadcast %get3A_1 : vector<1000x1xf32> to vector<1000x128xf32>
    %mul3A_50 = arith.mulf %mul3A_49, %add3A_48 : vector<1000x128xf32>
    %get3A_51 = arith.constant 0 : index
    %get3A_52 = arith.constant 0 : index
    %get3A_53 = arith.constant 0 : index
    %get3A_54 = vector.load %arg9[%get3A_51, %get3A_52, %get3A_53] : memref<2x1000x128xf32, #tpu.memory_space<vmem>>, vector<1x1000x128xf32>
    %get3A_55 = vector.shape_cast %get3A_54 : vector<1x1000x128xf32> to vector<1000x128xf32>
    %get3A_56 = arith.constant 1 : index
    %get3A_57 = arith.constant 0 : index
    %get3A_58 = arith.constant 0 : index
    %get3A_59 = vector.load %arg9[%get3A_56, %get3A_57, %get3A_58] : memref<2x1000x128xf32, #tpu.memory_space<vmem>>, vector<1x1000x128xf32>
    %get3A_60 = vector.shape_cast %get3A_59 : vector<1x1000x128xf32> to vector<1000x128xf32>
    %add3A_61 = arith.addf %get3A_55, %get3A_60 : vector<1000x128xf32>
    %get3A_62 = arith.constant 0 : index
    %get3A_63 = arith.constant 0 : index
    %get3A_64 = vector.load %arg5[%get3A_62, %get3A_63] : memref<1000x128xf32, #tpu.memory_space<vmem>>, vector<1000x128xf32>
    %add3A_65 = arith.addf %add3A_61, %get3A_64 : vector<1000x128xf32>
    %mul3A_66 = vector.broadcast %get3A_1 : vector<1000x1xf32> to vector<1000x128xf32>
    %mul3A_67 = arith.mulf %mul3A_66, %add3A_65 : vector<1000x128xf32>
    %concatenate3A = tpu.concatenate %mul3A_16, %mul3A_33, %mul3A_50, %mul3A_67 in 1 : vector<1000x128xf32>, vector<1000x128xf32>, vector<1000x128xf32>, vector<1000x128xf32> -> vector<1000x512xf32>
    %get3A_68 = arith.constant 0 : index
    %get3A_69 = arith.constant 0 : index
    %get3A_70 = vector.load %arg10[%get3A_68, %get3A_69] : memref<512x512xf32, #tpu.memory_space<vmem>>, vector<512x512xf32>
    %dot_general3A = arith.constant dense<0.000000e+00> : vector<1000x512xf32>
    %dot_general3A_71 = tpu.matmul %concatenate3A, %get3A_70, %dot_general3A {dimension_numbers = #tpu.dot_dimension_numbers<[1], [0], [0], [1], [0, 0, 1, 1], [], []>, transpose_lhs_hint = false} : vector<1000x512xf32>, vector<512x512xf32>, vector<1000x512xf32> -> vector<1000x512xf32>
    %get3A_72 = arith.constant 0 : index
    %get3A_73 = arith.constant 0 : index
    %get3A_74 = vector.load %arg11[%get3A_72, %get3A_73] : memref<1x512xf32, #tpu.memory_space<vmem>>, vector<1x512xf32>
    %add3A_75 = vector.broadcast %get3A_74 : vector<1x512xf32> to vector<1000x512xf32>
    %add3A_76 = arith.addf %dot_general3A_71, %add3A_75 : vector<1000x512xf32>
    %max3A = arith.constant 0.000000e+00 : f32
    %max3A_77 = vector.broadcast %max3A : f32 to vector<1000x512xf32>
    %max3A_78 = arith.maximumf %add3A_76, %max3A_77 : vector<1000x512xf32>
    %get3A_79 = arith.constant 0 : index
    %get3A_80 = arith.constant 0 : index
    %get3A_81 = vector.load %arg12[%get3A_79, %get3A_80] : memref<512x128xf32, #tpu.memory_space<vmem>>, vector<512x128xf32>
    %dot_general3A_82 = arith.constant dense<0.000000e+00> : vector<1000x128xf32>
    %dot_general3A_83 = tpu.matmul %max3A_78, %get3A_81, %dot_general3A_82 {dimension_numbers = #tpu.dot_dimension_numbers<[1], [0], [0], [1], [0, 0, 1, 1], [], []>, transpose_lhs_hint = false} : vector<1000x512xf32>, vector<512x128xf32>, vector<1000x128xf32> -> vector<1000x128xf32>
    %mul3A_84 = vector.broadcast %get3A_1 : vector<1000x1xf32> to vector<1000x128xf32>
    %mul3A_85 = arith.mulf %dot_general3A_83, %mul3A_84 : vector<1000x128xf32>
    %swap3A = arith.constant 0 : index
    %swap3A_86 = arith.constant 0 : index
    %swap3A_87 = vector.load %arg13[%swap3A, %swap3A_86] : memref<1000x128xf32, #tpu.memory_space<vmem>>, vector<1000x128xf32>
    tpu.vector_store %arg13[%swap3A, %swap3A_86], %mul3A_85 {strides = array<i32>} : memref<1000x128xf32, #tpu.memory_space<vmem>>, vector<1000x128xf32>,
    return
  }
  func.func @transform_0(%arg0: i32) -> (i32, i32) {
    %c0_i32 = arith.constant 0 : i32
    %c0_i32_0 = arith.constant 0 : i32
    return %arg0, %c0_i32 : i32, i32
  }
  func.func @transform_1(%arg0: i32) -> (i32, i32) {
    %c0_i32 = arith.constant 0 : i32
    %c0_i32_0 = arith.constant 0 : i32
    return %arg0, %c0_i32 : i32, i32
  }
  func.func @transform_2(%arg0: i32) -> (i32, i32) {
    %c0_i32 = arith.constant 0 : i32
    %c0_i32_0 = arith.constant 0 : i32
    return %arg0, %c0_i32 : i32, i32
  }
  func.func @transform_3(%arg0: i32) -> (i32, i32) {
    %c0_i32 = arith.constant 0 : i32
    %c0_i32_0 = arith.constant 0 : i32
    return %arg0, %c0_i32 : i32, i32
  }
  func.func @transform_4(%arg0: i32) -> (i32, i32) {
    %c0_i32 = arith.constant 0 : i32
    %c0_i32_0 = arith.constant 0 : i32
    return %arg0, %c0_i32 : i32, i32
  }
  func.func @transform_5(%arg0: i32) -> (i32, i32, i32) {
    %c0_i32 = arith.constant 0 : i32
    %c0_i32_0 = arith.constant 0 : i32
    %c0_i32_1 = arith.constant 0 : i32
    return %c0_i32, %arg0, %c0_i32_0 : i32, i32, i32
  }
  func.func @transform_6(%arg0: i32) -> (i32, i32, i32) {
    %c0_i32 = arith.constant 0 : i32
    %c0_i32_0 = arith.constant 0 : i32
    %c0_i32_1 = arith.constant 0 : i32
    return %c0_i32, %arg0, %c0_i32_0 : i32, i32, i32
  }
  func.func @transform_7(%arg0: i32) -> (i32, i32, i32) {
    %c0_i32 = arith.constant 0 : i32
    %c0_i32_0 = arith.constant 0 : i32
    %c0_i32_1 = arith.constant 0 : i32
    return %c0_i32, %arg0, %c0_i32_0 : i32, i32, i32
  }
  func.func @transform_8(%arg0: i32) -> (i32, i32, i32) {
    %c0_i32 = arith.constant 0 : i32
    %c0_i32_0 = arith.constant 0 : i32
    %c0_i32_1 = arith.constant 0 : i32
    return %c0_i32, %arg0, %c0_i32_0 : i32, i32, i32
  }
  func.func @transform_9(%arg0: i32) -> (i32, i32) {
    %c0_i32 = arith.constant 0 : i32
    %c0_i32_0 = arith.constant 0 : i32
    %c0_i32_1 = arith.constant 0 : i32
    return %c0_i32, %c0_i32_0 : i32, i32
  }
  func.func @transform_10(%arg0: i32) -> (i32, i32) {
    %c0_i32 = arith.constant 0 : i32
    %c0_i32_0 = arith.constant 0 : i32
    %c0_i32_1 = arith.constant 0 : i32
    return %c0_i32, %c0_i32_0 : i32, i32
  }
  func.func @transform_11(%arg0: i32) -> (i32, i32) {
    %c0_i32 = arith.constant 0 : i32
    %c0_i32_0 = arith.constant 0 : i32
    %c0_i32_1 = arith.constant 0 : i32
    return %c0_i32, %c0_i32_0 : i32, i32
  }
  func.func @transform_12(%arg0: i32) -> (i32, i32) {
    %c0_i32 = arith.constant 0 : i32
    %c0_i32_0 = arith.constant 0 : i32
    return %arg0, %c0_i32 : i32, i32
  }
}

module attributes {stable_mosaic.version = 14 : i64} {
  func.func @body(%arg0: i32, %arg1: memref<1000x16xf32, #tpu.memory_space<vmem>>, %arg2: memref<1000x128xf32, #tpu.memory_space<vmem>>, %arg3: memref<2x1000x128xf32, #tpu.memory_space<vmem>>, %arg4: memref<1x128xf32, #tpu.memory_space<vmem>>, %arg5: memref<1000x128xf32, #tpu.memory_space<vmem>>) attributes {dimension_semantics = [#tpu.dimension_semantics<arbitrary>], iteration_bounds = array<i64: 10>, scalar_prefetch = 0 : i64, scratch_operands = 0 : i64, tpu.core_type = #tpu.core_type<tc>, window_params = [{transform_indices = @transform_0, window_bounds = array<i64: 1000, 16>}, {transform_indices = @transform_1, window_bounds = array<i64: 1000, 128>}, {transform_indices = @transform_2, window_bounds = array<i64: 2, 1000, 128>}, {pipeline_mode = #tpu.pipeline_mode<synchronous>, transform_indices = @transform_3, window_bounds = array<i64: 1, 128>}, {transform_indices = @transform_4, window_bounds = array<i64: 1000, 128>}]} {
    %get3A = arith.constant 0 : index
    %get3A_0 = arith.constant 0 : index
    %get3A_1 = vector.load %arg1[%get3A, %get3A_0] : memref<1000x16xf32, #tpu.memory_space<vmem>>, vector<1000x1xf32>
    %get3A_2 = arith.constant 0 : index
    %get3A_3 = arith.constant 0 : index
    %get3A_4 = arith.constant 0 : index
    %get3A_5 = vector.load %arg3[%get3A_2, %get3A_3, %get3A_4] : memref<2x1000x128xf32, #tpu.memory_space<vmem>>, vector<1x1000x128xf32>
    %get3A_6 = vector.shape_cast %get3A_5 : vector<1x1000x128xf32> to vector<1000x128xf32>
    %get3A_7 = arith.constant 1 : index
    %get3A_8 = arith.constant 0 : index
    %get3A_9 = arith.constant 0 : index
    %get3A_10 = vector.load %arg3[%get3A_7, %get3A_8, %get3A_9] : memref<2x1000x128xf32, #tpu.memory_space<vmem>>, vector<1x1000x128xf32>
    %get3A_11 = vector.shape_cast %get3A_10 : vector<1x1000x128xf32> to vector<1000x128xf32>
    %add3A = arith.addf %get3A_6, %get3A_11 : vector<1000x128xf32>
    %get3A_12 = arith.constant 0 : index
    %get3A_13 = arith.constant 0 : index
    %get3A_14 = vector.load %arg2[%get3A_12, %get3A_13] : memref<1000x128xf32, #tpu.memory_space<vmem>>, vector<1000x128xf32>
    %add3A_15 = arith.addf %add3A, %get3A_14 : vector<1000x128xf32>
    %mul3A = vector.broadcast %get3A_1 : vector<1000x1xf32> to vector<1000x128xf32>
    %mul3A_16 = arith.mulf %mul3A, %add3A_15 : vector<1000x128xf32>
    %get3A_17 = arith.constant 0 : index
    %get3A_18 = arith.constant 0 : index
    %get3A_19 = vector.load %arg4[%get3A_17, %get3A_18] : memref<1x128xf32, #tpu.memory_space<vmem>>, vector<1x128xf32>
    %add3A_20 = vector.broadcast %get3A_19 : vector<1x128xf32> to vector<1000x128xf32>
    %add3A_21 = arith.addf %mul3A_16, %add3A_20 : vector<1000x128xf32>
    %swap3A = arith.constant 0 : index
    %swap3A_22 = arith.constant 0 : index
    %swap3A_23 = vector.load %arg5[%swap3A, %swap3A_22] : memref<1000x128xf32, #tpu.memory_space<vmem>>, vector<1000x128xf32>
    tpu.vector_store %arg5[%swap3A, %swap3A_22], %add3A_21 {strides = array<i32>} : memref<1000x128xf32, #tpu.memory_space<vmem>>, vector<1000x128xf32>,
    return
  }
  func.func @transform_0(%arg0: i32) -> (i32, i32) {
    %c0_i32 = arith.constant 0 : i32
    %c0_i32_0 = arith.constant 0 : i32
    return %arg0, %c0_i32 : i32, i32
  }
  func.func @transform_1(%arg0: i32) -> (i32, i32) {
    %c0_i32 = arith.constant 0 : i32
    %c0_i32_0 = arith.constant 0 : i32
    return %arg0, %c0_i32 : i32, i32
  }
  func.func @transform_2(%arg0: i32) -> (i32, i32, i32) {
    %c0_i32 = arith.constant 0 : i32
    %c0_i32_0 = arith.constant 0 : i32
    %c0_i32_1 = arith.constant 0 : i32
    return %c0_i32, %arg0, %c0_i32_0 : i32, i32, i32
  }
  func.func @transform_3(%arg0: i32) -> (i32, i32) {
    %c0_i32 = arith.constant 0 : i32
    %c0_i32_0 = arith.constant 0 : i32
    %c0_i32_1 = arith.constant 0 : i32
    return %c0_i32, %c0_i32_0 : i32, i32
  }
  func.func @transform_4(%arg0: i32) -> (i32, i32) {
    %c0_i32 = arith.constant 0 : i32
    %c0_i32_0 = arith.constant 0 : i32
    return %arg0, %c0_i32 : i32, i32
  }
}

</mosaic_0001>

<sc_bundles>
// kernel: kernel.10.cloned.1.call-start
scs
__scs_entry_jumppad:
0x0: {  	(pc) =	sbr.rel $0x88, $3  }
0x1: {  	(tag) =	ssettag $0x0;
	lr =	simm.s32 $0x1  }
0x2: {  	[smem:$0x3F99] =	sst lr;
	_ =	strace $0xD0000000  }
0x3: {  	_ = 	snop  }
0x4: {  	_ = 	snop  }
0x5: {  	_ = 	snop  }
0x6: {  	_ = 	snop  }
0x7: {  	_ = 	snop  }
__scs_overlays_trampoline_lowered:
0x8: {  	[smem:$0x3FA8] =	sst s0  }
0x9: {  	[smem:$0x3FA9] =	sst s1  }
0xa: {  	[smem:$0x3FAA] =	sst s2  }
0xb: {  	[smem:$0x3FAB] =	sst s3  }
0xc: {  	[smem:$0x3FAC] =	sst s4  }
0xd: {  	[smem:$0x3FAD] =	sst s5  }
0xe: {  	[smem:$0x3FAE] =	sst s6  }
0xf: {  	[smem:$0x3FAF] =	sst s7  }
0x10: {  	[smem:$0x3FB0] =	sst s8  }
0x11: {  	[smem:$0x3FB1] =	sst s9;
	s0 =	simm.s32 @!p0 $0x0  }
0x12: {  	s1 =	sld [smem:$0x3F97];
	s0 =	simm.s32 @p0 $0x1  }
0x13: {  	[smem:$0x3FB2] =	sst s0;
	s0 =	simm.s32 @!p1 $0x0  }
0x14: {  	s2 =	sld [smem:$0x3F96];
	s0 =	simm.s32 @p1 $0x1  }
0x15: {  	[smem:$0x3FB3] =	sst s0;
	s0 =	simm.s32 @!p2 $0x0  }
0x16: {  	s3 =	sld [smem:$0x3FDB];
	s0 =	simm.s32 @p2 $0x1  }
0x17: {  	s4 =	simm.s32 $0x1BF5;
	[smem:$0x3FB5] =	sst s0  }
0x18: {  	s0 =	sld [smem:$0x3F98];
	_ =	swait.ge [sflag:s4], $0x0  }
0x19: {  	s7 =	sld [smem:$0x3F99]  }
0x1a: {  	s8 =	sadd.s32 $0xFFFFE003, lr  }
0x1b: {  	s9 =	sadd.s32 $0xFFFFFEF7, lr;
	s5 =	simm.s32 $0xFFFFFFFF;
	p2 =	slt.u32 s8, $0xFFFFF086  }
0x1c: {  	p1 =	slt.u32 s9, $0xF7A;
	s5 =	simm.s32 @!p2 $0x0  }
0x1d: {  	s5 =	simm.s32 @p1 $0x1;
	p0 =	seq.s32 s7, s2  }
0x1e: {  	s7 =	smul.u32 @!p0 $0xF7A, s2;
	p2 =	seq.s32 @!p0 s5, $0x0  }
0x1f: {  	s9 =	smul.u32 $0xF7A, s1;
	s8 =	simm.s32 @!p0 $0x1BF5;
	p2 =	por !p2, p0  }
0x20: {  	[sflag:s8] =	ssyncset.s32 @!p0 $0xFFFFF086;
	s6 =	sadd.s32 @!p0 s3, s7;
	s7 =	simm.s32 @!p0 $0x108  }
0x21: {  	s3 =	sadd.s32 s3, s9;
	s6 =	sadd.s32 @!p0 $0x88, s6;
	s7 =	simm.s32 @p2 $0x1082  }
0x22: {  	[simem:s7], [sflag:s8] =	dma.local @!p0 [hbm:s6], $0xF7A  }
0x23: {  	s9 =	sor.u32 $0xD0000000, s2;
	s6 =	simm.s32 $0x108;
	_ =	swait.ge @!p0 [sflag:s8], $0x0  }
0x24: {  	s3 =	sadd.s32 $0x88, s3;
	s6 =	simm.s32 @!p1 $0x1082;
	[sflag:s4] =	ssyncset.s32 $0xFFFFF086  }
0x25: {  	[simem:s6], [sflag:s4] =	dma.local [hbm:s3], $0xF7A  }
0x26: {  	[smem:$0x3F99] =	sst s1;
	(tag) =	ssettag s2;
	_ =	strace s9  }
0x27: {  	s1 =	sld [smem:$0x3FA9]  }
0x28: {  	s2 =	sld [smem:$0x3FAA]  }
0x29: {  	s4 =	sld [smem:$0x3FAC]  }
0x2a: {  	p0 =	seq.s32 s5, $0x0;
	s5 =	sld [smem:$0x3FAD]  }
0x2b: {  	s6 =	sld [smem:$0x3FAE]  }
0x2c: {  	s7 =	sld [smem:$0x3FAF]  }
0x2d: {  	s3 =	simm.s32 $0x108;
	s8 =	sld [smem:$0x3FB0]  }
0x2e: {  	s3 =	simm.s32 @!p0 $0x1082;
	s9 =	sld [smem:$0x3FB1]  }
0x2f: {  	lr =	sadd.s32 s0, s3;
	s0 =	sld [smem:$0x3FA8]  }
0x30: {  	s3 =	sld [smem:$0x3FAB]  }
0x31: {  	[smem:$0x3FB4] =	sst s10  }
0x32: {  	s10 =	sld [smem:$0x3FB2];
	_ =	sdelay $0x3  }
0x33: {  	p0 =	seq.s32 s10, $0x1;
	s10 =	sld [smem:$0x3FB4];
	_ =	sdelay $0x3  }
0x34: {  	[smem:$0x3FB4] =	sst s10  }
0x35: {  	s10 =	sld [smem:$0x3FB3];
	_ =	sdelay $0x3  }
0x36: {  	p1 =	seq.s32 s10, $0x1;
	s10 =	sld [smem:$0x3FB4];
	_ =	sdelay $0x3  }
0x37: {  	[smem:$0x3FB4] =	sst s10  }
0x38: {  	s10 =	sld [smem:$0x3FB5]  }
0x39: {  	_ = 	snop;
	(pc) =	sbr.ind lr, $3  }
0x3a: {  	_ = 	snop  }
0x3b: {  	_ = 	snop  }
0x3c: {  	p2 =	seq.s32 s10, $0x1;
	s10 =	sld [smem:$0x3FB4]  }
0x3d: {  	_ =	shalt  }
0x3e: {  	_ =	shalt  }
0x3f: {  	_ =	shalt  }
0x40: {  	_ =	shalt  }
0x41: {  	_ =	shalt  }
0x42: {  	_ =	shalt  }
0x43: {  	_ =	shalt  }
0x44: {  	_ =	shalt  }
0x45: {  	_ =	shalt  }
0x46: {  	_ =	shalt  }
0x47: {  	_ =	shalt  }
0x48: {  	_ =	shalt  }
0x49: {  	_ =	shalt  }
0x4a: {  	_ =	shalt  }
0x4b: {  	_ =	shalt  }
0x4c: {  	_ =	shalt  }
0x4d: {  	_ =	shalt  }
0x4e: {  	_ =	shalt  }
0x4f: {  	_ =	shalt  }
0x50: {  	_ =	shalt  }
0x51: {  	_ =	shalt  }
0x52: {  	_ =	shalt  }
0x53: {  	_ =	shalt  }
0x54: {  	_ =	shalt  }
0x55: {  	_ =	shalt  }
0x56: {  	_ =	shalt  }
0x57: {  	_ =	shalt  }
0x58: {  	_ =	shalt  }
0x59: {  	_ =	shalt  }
0x5a: {  	_ =	shalt  }
0x5b: {  	_ =	shalt  }
0x5c: {  	_ =	shalt  }
0x5d: {  	_ =	shalt  }
0x5e: {  	_ =	shalt  }
0x5f: {  	_ =	shalt  }
0x60: {  	_ =	shalt  }
0x61: {  	_ =	shalt  }
0x62: {  	_ =	shalt  }
0x63: {  	_ =	shalt  }
0x64: {  	_ =	shalt  }
0x65: {  	_ =	shalt  }
0x66: {  	_ =	shalt  }
0x67: {  	_ =	shalt  }
0x68: {  	_ =	shalt  }
0x69: {  	_ =	shalt  }
0x6a: {  	_ =	shalt  }
0x6b: {  	_ =	shalt  }
0x6c: {  	_ =	shalt  }
0x6d: {  	_ =	shalt  }
0x6e: {  	_ =	shalt  }
0x6f: {  	_ =	shalt  }
0x70: {  	_ =	shalt  }
0x71: {  	_ =	shalt  }
0x72: {  	_ =	shalt  }
0x73: {  	_ =	shalt  }
0x74: {  	_ =	shalt  }
0x75: {  	_ =	shalt  }
0x76: {  	_ =	shalt  }
0x77: {  	_ =	shalt  }
0x78: {  	_ =	shalt  }
0x79: {  	_ =	shalt  }
0x7a: {  	_ =	shalt  }
0x7b: {  	_ =	shalt  }
0x7c: {  	_ =	shalt  }
0x7d: {  	_ =	shalt  }
0x7e: {  	_ =	shalt  }
0x7f: {  	_ =	shalt  }
0x80: {  	_ =	shalt  }
0x81: {  	_ =	shalt  }
0x82: {  	_ =	shalt  }
0x83: {  	_ =	shalt  }
0x84: {  	_ =	shalt  }
0x85: {  	_ =	shalt  }
0x86: {  	_ =	shalt  }
0x87: {  	_ =	shalt  }
.Lfunc_end0:
.L_simem_size_0:
called_computation_lowered:
.L_overlay_start_0:
0x88: {  	s2 =	sld [smem:$0x3FD9]  }
0x89: {  	s3 =	sld [smem:$0x3FFE];
	_ =	sdelay $0x1  }
0x8a: {  	s1 =	srdreg.scid  }
0x8b: {  	s0 =	sand.u32 $0x1, s1  }
0x8c: {  	s16 =	sshll.u32 s0, $0xA;
	s2 =	sadd.s32 s3, s2  }
0x8d: {  	s2 =	sadd.s32 s2, s16  }
0x8e: {  	[smem:$0x3FC0] =	sst s2  }
0x8f: {  	_ = 	snop  }
0x90: {  	(tm) =	ssettm $0x1  }
0x91: {  	s17 =	sld [smem:$0x3FFB];
	_ =	sdelay $0x3  }
0x92: {  	_ =	strace s17  }
0x93: {  	s2 =	sld [smem:$0x3FFC];
	_ =	sdelay $0x3  }
0x94: {  	_ =	strace s2  }
0x95: {  	s2 =	sld [smem:$0x3FFD];
	_ =	sdelay $0x3  }
0x96: {  	_ =	strace s2  }
0x97: {  	_ =	strace $0x8FFFFFFF  }
0x98: {  	s18 =	sld [smem:$0x3FDB];
	_ =	sdelay $0x1  }
0x99: {  	s19 =	simm.s32 $_scs_section_size  }
0x9a: {  	s4 =	simm.s32 $_size__tile_overlayer_lowered;
	s5 =	simm.s32 $_tile_overlayer_lowered  }
0x9b: {  	s22 =	simm.s32 $0x1BFF;
	s21 =	sshll.u32 s5, $0x1;
	s2 =	sadd.s32 s19, s18  }
0x9c: {  	s6 =	simm.s32 $0x0;
	s20 =	sshll.u32 s4, $0x1;
	s4 =	sadd.s32 s21, s2  }
0x9d: {  	[timem:s6], [sflag:s22] =	dma.local [hbm:s4], s20  }
0x9e: {  	_ =	swait.ge [sflag:s22], s20  }
0x9f: {  	s3 =	ssub.s32 $0x0, s20;
	[sflag:s22] =	ssyncset.done $0x0  }
0xa0: {  	[sflag:s22] =	ssyncadd.s32 s3;
	_ =	sdelay $0x1  }
0xa1: {  	s23 =	simm.s32 $0x1B8B  }
0xa2: {  	_ =	swait.ge [sflag:s23], $0x1  }
0xa3: {  	[sflag:s23] =	ssyncset.done $0x0  }
0xa4: {  	s25 =	simm.s32 $0x1B8E;
	s24 =	sld [smem:$0x3FFE];
	[sflag:s23] =	ssyncadd.s32 $0xFFFFFFFF  }
0xa5: {  	s26 =	simm.s32 $execute0_lowered;
	[smem:$0x3FD2] =	sst s25  }
0xa6: {  	s4 =	sshll.u32 s26, $0x1;
	_ =	strace $0x80000046;
	[dreg:$0x1] =	wrdreg $0xFFFFFFFF  }
0xa7: {  	s28 =	simm.s32 $_size_execute0_lowered;
	s2 =	sadd.s32 s2, s4;
	[dreg:$0x0] =	wrdreg $0x0  }
0xa8: {  	s4 =	sshll.u32 s28, $0x1;
	[dreg:$0x2] =	wrdreg s2  }
0xa9: {  	[dreg:$0x3] =	wrdreg s4  }
0xaa: {  	[dreg:$0x4] =	wrdreg $0xC0  }
0xab: {  	_ =	task [dreg:s6], $0x5FFFF  }
0xac: {  	[dreg:$0x1] =	wrdreg $0xFFFFFFFF  }
0xad: {  	[dreg:$0x0] =	wrdreg $0x60  }
0xae: {  	[dreg:$0x2] =	wrdreg s24  }
0xaf: {  	[dreg:$0x3] =	wrdreg $0x0  }
0xb0: {  	[dreg:$0x4] =	wrdreg $0x9  }
0xb1: {  	_ =	task.clear_ibuf [dreg:s6], $0x5FFFF;
	_ =	strace $0x90000046  }
0xb2: {  	s29 =	simm.s32 $0x9;
	_ =	strace $0x80000048  }
0xb3: {  	_ =	swait.ge [sflag:s29], $0x1  }
0xb4: {  	[sflag:s29] =	ssyncadd.s32 $0xFFFFFFFF  }
0xb5: {  	_ =	strace $0x90000048  }
0xb6: {  	_ =	sfence  }
0xb7: {  	s30 =	sld [smem:$0x0];
	_ =	sdelay $0x2  }
0xb8: {  	s31 =	sshll.u32 s1, $0xD;
	s1 =	sshrl.u32 s1, $0x2  }
0xb9: {  	s3 =	sand.u32 $0x4000, s31;
	s1 =	sadd.s32 s1, s30  }
0xba: {  	s0 =	sor.u32 s3, s0;
	s1 =	sshll.u32 s1, $0x11  }
0xbb: {  	s0 =	sor.u32 s1, s0  }
0xbc: {  	s0 =	sadd.s32 $0x8F2B, s0  }
0xbd: {  	[sflag:s0] =	ssyncadd.remote.s32 $0x1  }
0xbe: {  	_ =	sfence.sel $0xFFFF  }
0xbf: {  	[dreg:$0x0] =	wrdreg $0xFFFFFFFF;
	(pc) =	sbr.abs _section_cstart, $3  }
0xc0: {  	[dreg:$0x1] =	wrdreg $0xFFFFFFFF  }
0xc1: {  	_ =	task.clear_ibuf [dreg:s6], $0x2FFFF;
	_ =	strace $0x9FFFFFFF  }
0xc2: {  	(tm) =	ssettm $0x7FFFFFFF  }
0xc3: {  	_ =	shalt  }
tec
execute0_lowered:
.L_overlay_start_1:
0x0: {  	(tag) =	ssettag $0x1  }
0x1: {  	s0 =	rddreg [dreg:$0x0];
	s1 =	srdreg.scid  }
0x2: {  	s10 =	stileid.u32;
	s2 =	rddreg [dreg:$0x1]  }
0x3: {  	s3 =	simm.s32 $0x0;
	s29 =	simm.s32 $0x13880;
	s30 =	simm.s32 $0x2  }
0x4: {  	s31 =	simm.s32 $0x18C80;
	s1 =	sand.u32 $0x1, s1;
	s4 =	sshll.u32 s10, $0x1  }
0x5: {  	[smem:$0x7FF] =	sst s3;
	s7 =	sadd.s32 $0x9000, s0;
	s8 =	smul.u32 $0x14000, s10  }
0x6: {  	s9 =	sadd.s32 $0x9400, s0;
	s25 =	smul.u32 $0x50000, s10;
	p0 =	seq.s32 s10, $0xF  }
0x7: {  	s4 =	sor.u32 s1, s4;
	s6 =	ssub.s32 $0x2, s1;
	s1 =	smul.u32 $0x138800, s1  }
0x8: {  	_ =	strace $0x80000047;
	[dreg:$0x3] =	wrdreg s7;
	s5 =	smul.u32 $0x280, s4  }
0x9: {  	[dreg:$0x4] =	wrdreg s9;
	s4 =	smul.u32 $0xFFFFFFD8, s4;
	s23 =	sshrl.u32 s6, $0x1  }
0xa: {  	s26 =	sshrl.u32 s25, $0x2;
	s7 =	ssub.s32 s6, s23;
	s24 =	sadd.s32 s8, s1  }
0xb: {  	s1 =	sshrl.u32 s1, $0x3;
	s9 =	sadd.s32 s26, s2;
	s5 =	sadd.s32 s5, s0  }
0xc: {  	s0 =	sadd.s32 $0x9C00, s0;
	s6 =	sadd.s32 $0x4E2, s4;
	s4 =	sshrl.u32 s24, $0x3  }
0xd: {  	s11 =	smax.u32 s7, $0x1;
	s12 =	sadd.s32 $0x1400, s9;
	s13 =	sadd.s32 $0x2800, s9  }
0xe: {  	s14 =	sadd.s32 $0x3C00, s9;
	s15 =	sadd.s32 $0x5000, s9;
	s16 =	sadd.s32 $0x6400, s9  }
0xf: {  	s17 =	sadd.s32 $0x7800, s9;
	s18 =	sadd.s32 $0x8C00, s9;
	s19 =	sadd.s32 $0xA000, s9  }
0x10: {  	s20 =	sadd.s32 $0xB400, s9;
	s21 =	sadd.s32 $0xC800, s9;
	s22 =	sadd.s32 $0xDC00, s9  }
0x11: {  	s23 =	sadd.s32 $0xF000, s9;
	s24 =	sadd.s32 $0x10400, s9;
	s26 =	sadd.s32 $0x11800, s9  }
0x12: {  	s5 =	sadd.s32 $0x4000, s5;
	s4 =	sadd.s32 s0, s4;
	s0 =	sadd.s32 s0, s1  }
0x13: {  	s28 =	sadd.s32 $0x12C00, s9;
	[dreg:$0x5] =	wrdreg s5;
	s0 =	sadd.s32 $0x25800, s0  }
0x14: {  	s1 =	simm.s32 $0x0;
	[dreg:$0x7] =	wrdreg s0;
	s0 =	sadd.s32 $0x12C000, s2  }
0x15: {  	[dreg:$0x6] =	wrdreg s4;
	s25 =	sshrl.u32 @p0 s0, $0x3;
	s0 =	simm.s32 $0x1  }
.LBB2_1:
0x16: {  	s4 =	rddreg [dreg:$0x3]  }
0x17: {  	[tilespmem:s29], [sflag:$0x2] =	stream.linear.gather [hbm4b:s4+s3], $0x1400, $0x38;
	[tilespmem:$0x1A080] =	vst v63  }
0x18: {  	_ =	swait.ge [sflag:s30], $0x1400  }
0x19: {  	[sflag:s30] =	ssyncset.done $0x0  }
0x1a: {  	[sflag:s30] =	ssyncadd.s32 $0xFFFFEC00  }
0x1b: {  	[spmem:s9] =	stream.linear.scatter [tilespmem:s29], [sflag:$0x1], $0x1400, $0x38;
	[tilespmem:$0x1A080] =	vst v63  }
0x1c: {  	_ = 	snop  }
0x1d: {  	[spmem:s12] =	stream.linear.scatter [tilespmem:s29], [sflag:$0x1], $0x1400, $0x38;
	[tilespmem:$0x1A080] =	vst v63  }
0x1e: {  	_ = 	snop  }
0x1f: {  	[spmem:s13] =	stream.linear.scatter [tilespmem:s29], [sflag:$0x1], $0x1400, $0x38;
	[tilespmem:$0x1A080] =	vst v63  }
0x20: {  	_ = 	snop  }
0x21: {  	[spmem:s14] =	stream.linear.scatter [tilespmem:s29], [sflag:$0x1], $0x1400, $0x38;
	[tilespmem:$0x1A080] =	vst v63  }
0x22: {  	_ = 	snop  }
0x23: {  	[spmem:s15] =	stream.linear.scatter [tilespmem:s29], [sflag:$0x1], $0x1400, $0x38;
	[tilespmem:$0x1A080] =	vst v63  }
0x24: {  	_ = 	snop  }
0x25: {  	[spmem:s16] =	stream.linear.scatter [tilespmem:s29], [sflag:$0x1], $0x1400, $0x38;
	[tilespmem:$0x1A080] =	vst v63  }
0x26: {  	_ = 	snop  }
0x27: {  	[spmem:s17] =	stream.linear.scatter [tilespmem:s29], [sflag:$0x1], $0x1400, $0x38;
	[tilespmem:$0x1A080] =	vst v63  }
0x28: {  	_ = 	snop  }
0x29: {  	[spmem:s18] =	stream.linear.scatter [tilespmem:s29], [sflag:$0x1], $0x1400, $0x38;
	[tilespmem:$0x1A080] =	vst v63  }
0x2a: {  	_ = 	snop  }
0x2b: {  	[spmem:s19] =	stream.linear.scatter [tilespmem:s29], [sflag:$0x1], $0x1400, $0x38;
	[tilespmem:$0x1A080] =	vst v63  }
0x2c: {  	_ = 	snop  }
0x2d: {  	[spmem:s20] =	stream.linear.scatter [tilespmem:s29], [sflag:$0x1], $0x1400, $0x38;
	[tilespmem:$0x1A080] =	vst v63  }
0x2e: {  	s4 =	simm.s32 @!p0 $0x13880  }
0x2f: {  	[spmem:s21] =	stream.linear.scatter @!p0 [tilespmem:s4], [sflag:$0x1], $0x1400, $0x38;
	[tilespmem:$0x1A080] =	vst v63  }
0x30: {  	_ = 	snop  }
0x31: {  	[spmem:s22] =	stream.linear.scatter @!p0 [tilespmem:s4], [sflag:$0x1], $0x1400, $0x38;
	[tilespmem:$0x1A080] =	vst v63  }
0x32: {  	_ = 	snop  }
0x33: {  	[spmem:s23] =	stream.linear.scatter @!p0 [tilespmem:s4], [sflag:$0x1], $0x1400, $0x38;
	[tilespmem:$0x1A080] =	vst v63  }
0x34: {  	_ = 	snop  }
0x35: {  	[spmem:s24] =	stream.linear.scatter @!p0 [tilespmem:s4], [sflag:$0x1], $0x1400, $0x38;
	[tilespmem:$0x1A080] =	vst v63  }
0x36: {  	_ = 	snop  }
0x37: {  	[spmem:s26] =	stream.linear.scatter @!p0 [tilespmem:s4], [sflag:$0x1], $0x1400, $0x38;
	[tilespmem:$0x1A080] =	vst v63  }
0x38: {  	_ = 	snop  }
0x39: {  	[spmem:s28] =	stream.linear.scatter @!p0 [tilespmem:s4], [sflag:$0x1], $0x1400, $0x38;
	[tilespmem:$0x1A080] =	vst v63  }
0x3a: {  	s8 =	rddreg [dreg:$0x5]  }
0x3b: {  	[tilespmem:s31], [sflag:$0x2] =	stream.linear.gather [hbm4b:s8+s3], $0x1400, $0x38;
	[tilespmem:$0x1A080] =	vst v63  }
0x3c: {  	_ =	swait.ge [sflag:s30], $0x1400  }
0x3d: {  	[sflag:s30] =	ssyncset.done $0x0  }
0x3e: {  	s5 =	simm.s32 $0x14C80;
	s10 =	rddreg [dreg:$0x4];
	[sflag:s30] =	ssyncadd.s32 $0xFFFFEC00  }
0x3f: {  	[tilespmem:s5], [sflag:$0x2] =	stream.linear.gather [hbm4b:s10+s3], $0x4000, $0x38;
	[tilespmem:$0x1A080] =	vst v63  }
0x40: {  	_ =	swait.ge [sflag:s30], $0x4000  }
0x41: {  	[sflag:s30] =	ssyncset.done $0x0  }
0x42: {  	[sflag:s30] =	ssyncadd.s32 $0xFFFFC000  }
0x43: {  	_ =	swait.ge [sflag:s0], $0x1400  }
0x44: {  	[sflag:s0] =	ssyncset.done $0x0  }
0x45: {  	[sflag:s0] =	ssyncadd.s32 $0xFFFFEC00  }
0x46: {  	_ =	swait.ge [sflag:s0], $0x1400  }
0x47: {  	[sflag:s0] =	ssyncset.done $0x0  }
0x48: {  	[sflag:s0] =	ssyncadd.s32 $0xFFFFEC00  }
0x49: {  	_ =	swait.ge [sflag:s0], $0x1400  }
0x4a: {  	[sflag:s0] =	ssyncset.done $0x0  }
0x4b: {  	[sflag:s0] =	ssyncadd.s32 $0xFFFFEC00  }
0x4c: {  	_ =	swait.ge [sflag:s0], $0x1400  }
0x4d: {  	[sflag:s0] =	ssyncset.done $0x0  }
0x4e: {  	[sflag:s0] =	ssyncadd.s32 $0xFFFFEC00  }
0x4f: {  	_ =	swait.ge [sflag:s0], $0x1400  }
0x50: {  	[sflag:s0] =	ssyncset.done $0x0  }
0x51: {  	[sflag:s0] =	ssyncadd.s32 $0xFFFFEC00  }
0x52: {  	_ =	swait.ge [sflag:s0], $0x1400  }
0x53: {  	[sflag:s0] =	ssyncset.done $0x0  }
0x54: {  	[sflag:s0] =	ssyncadd.s32 $0xFFFFEC00  }
0x55: {  	_ =	swait.ge [sflag:s0], $0x1400  }
0x56: {  	[sflag:s0] =	ssyncset.done $0x0  }
0x57: {  	[sflag:s0] =	ssyncadd.s32 $0xFFFFEC00  }
0x58: {  	_ =	swait.ge [sflag:s0], $0x1400  }
0x59: {  	[sflag:s0] =	ssyncset.done $0x0  }
0x5a: {  	[sflag:s0] =	ssyncadd.s32 $0xFFFFEC00  }
0x5b: {  	_ =	swait.ge [sflag:s0], $0x1400  }
0x5c: {  	[sflag:s0] =	ssyncset.done $0x0  }
0x5d: {  	[sflag:s0] =	ssyncadd.s32 $0xFFFFEC00  }
0x5e: {  	_ =	swait.ge [sflag:s0], $0x1400  }
0x5f: {  	[sflag:s0] =	ssyncset.done $0x0  }
0x60: {  	s4 =	simm.s32 @!p0 $0x1;
	[sflag:s0] =	ssyncadd.s32 $0xFFFFEC00  }
0x61: {  	_ =	swait.ge @!p0 [sflag:s4], $0x1400  }
0x62: {  	[sflag:s4] =	ssyncset.done @!p0 $0x0  }
0x63: {  	[sflag:s4] =	ssyncadd.s32 @!p0 $0xFFFFEC00  }
0x64: {  	_ =	swait.ge @!p0 [sflag:s4], $0x1400  }
0x65: {  	[sflag:s4] =	ssyncset.done @!p0 $0x0  }
0x66: {  	[sflag:s4] =	ssyncadd.s32 @!p0 $0xFFFFEC00  }
0x67: {  	_ =	swait.ge @!p0 [sflag:s4], $0x1400  }
0x68: {  	[sflag:s4] =	ssyncset.done @!p0 $0x0  }
0x69: {  	[sflag:s4] =	ssyncadd.s32 @!p0 $0xFFFFEC00  }
0x6a: {  	_ =	swait.ge @!p0 [sflag:s4], $0x1400  }
0x6b: {  	[sflag:s4] =	ssyncset.done @!p0 $0x0  }
0x6c: {  	[sflag:s4] =	ssyncadd.s32 @!p0 $0xFFFFEC00  }
0x6d: {  	_ =	swait.ge @!p0 [sflag:s4], $0x1400  }
0x6e: {  	[sflag:s4] =	ssyncset.done @!p0 $0x0  }
0x6f: {  	[sflag:s4] =	ssyncadd.s32 @!p0 $0xFFFFEC00  }
0x70: {  	_ =	swait.ge @!p0 [sflag:s4], $0x1400  }
0x71: {  	p1 =	sle.u32 s6, $0x0;
	[sflag:s4] =	ssyncset.done @!p0 $0x0  }
0x72: {  	s7 =	simm.s32 @!p1 $0x2;
	[sflag:s4] =	ssyncadd.s32 @!p0 $0xFFFFEC00  }
0x73: {  	s5 =	simm.s32 @!p1 $0x14C80;
	s4 =	simm.s32 @!p1 $0x80;
	[bflag:$0x0] =	sbarrier.arrive $0xFFFF  }
0x74: {  	[spmem:s2] =	stream.indirect.scatter.add.f32 @!p1 [tilespmem:s5], [sflag:$0x2], $0x80, s31, s4, $0xb8;
	[tilespmem:$0x1A080] =	vst v63  }
0x75: {  	_ =	swait.ge @!p1 [sflag:s7], $0x4000  }
0x76: {  	s4 =	simm.s32 $0x1;
	s5 =	simm.s32 $0x18C80;
	[sflag:s7] =	ssyncset.done @!p1 $0x0  }
.LBB2_2:
0x77: {  	[sflag:s7] =	ssyncadd.s32 @!p1 $0xFFFFC000;
	s7 =	smov.u32 s4;
	s4 =	sadd.s32 $0x1, s4  }
0x78: {  	s5 =	sadd.s32 $0x80, s5;
	p2 =	sne.s32 s4, $0x28  }
.Ltmp0:
0x79: {  	p1 =	sle.u32 s6, s7;
	(pc) =	sbr.rel @p2 .LBB2_2-.Ltmp0, $4  }
0x7a: {  	s8 =	simm.s32 @!p1 $0x80;
	s10 =	simm.s32 @!p1 $0x14C80;
	s7 =	simm.s32 @!p1 $0x2  }
0x7b: {  	[spmem:s2] =	stream.indirect.scatter.add.f32 @!p1 [tilespmem:s10], [sflag:$0x2], $0x80, s5, s8, $0xb8;
	[tilespmem:$0x1A080] =	vst v63  }
0x7c: {  	_ =	swait.ge @!p1 [sflag:s7], $0x4000  }
0x7d: {  	[sflag:s7] =	ssyncset.done @!p1 $0x0  }
0x7e: {  	[sflag:s7] =	ssyncadd.s32 @!p1 $0xFFFFC000  }
0x7f: {  	[bflag:$0x0] =	sbarrier.arrive $0xFFFF  }
0x80: {  	s4 =	simm.s32 @p0 $0x1FC2;
	s5 =	rddreg [dreg:$0x7]  }
0x81: {  	[hbm:s5], [sflag:s4] =	dma.local @p0 [spmem:s25], $0x1900  }
0x82: {  	s1 =	sadd.s32 $0x1, s1;
	s4 =	simm.s32 @p0 $0x2  }
0x83: {  	p1 =	sne.s32 s1, s11;
	s5 =	stileid.u32;
	_ =	swait.ge @p0 [sflag:s4], $0x1900  }
0x84: {  	s5 =	sshll.u32 @!p0 s5, $0x6;
	[sflag:s4] =	ssyncset.done @p0 $0x0;
	s7 =	rddreg [dreg:$0x6]  }
0x85: {  	[sflag:s4] =	ssyncadd.s32 @p0 $0xFFFFE700;
	s4 =	sor.u32 @!p0 $0x1C02, s5;
	s5 =	sshrl.u32 @!p0 s9, $0x3  }
0x86: {  	[hbm:s7], [sflag:s4] =	dma.local @!p0 [spmem:s5], $0x2800  }
.Ltmp1:
0x87: {  	_ = 	snop;
	(pc) =	sbr.rel @p1 .LBB2_1-.Ltmp1, $4  }
0x88: {  	s4 =	simm.s32 @!p0 $0x2  }
0x89: {  	_ =	swait.ge @!p0 [sflag:s4], $0x2800  }
0x8a: {  	[sflag:s4] =	ssyncset.done @!p0 $0x0  }
0x8b: {  	[sflag:s4] =	ssyncadd.s32 @!p0 $0xFFFFD800  }
0x8c: {  	_ =	sfence.sel $0x180000  }
0x8d: {  	[bflag:$0x0] =	sbarrier.arrive $0xFFFF  }
0x8e: {  	_ =	strace $0x90000047  }
0x8f: {  	s0 =	stileid.u32;
	[bflag:$0x2] =	sbarrier.arrive $0xFFFF  }
0x90: {  	p0 =	sne.s32 s0, $0x0;
	s0 =	rddreg [dreg:$0x2]  }
0x91: {  	s0 =	sadd.s32 @!p0 $0x100000, s0  }
0x92: {  	[sflag:s0] =	ssyncadd.tile.s32 @!p0 $0x1;
	_ =	shalt  }
.Lfunc_end2:
_tile_overlayer_lowered:
.L_overlay_start_2:
0x93: {  	(tag) =	ssettag $0x2  }
0x94: {  	s0 =	rddreg [dreg:$0x0];
	s2 =	stileid.u32  }
0x95: {  	s1 =	rddreg [dreg:$0x1];
	p0 =	sne.s32 s2, $0x0  }
0x96: {  	s3 =	rddreg [dreg:$0x2];
	[bflag:$0x3] =	sbarrier.arrive $0xFFFF;
	s2 =	simm.s32 @!p0 $0x1C02  }
0x97: {  	[timem:s3], [sflag:s2] =	dma.local @!p0 [hbm:s0], s1  }
0x98: {  	s0 =	simm.s32 @!p0 $0x2  }
0x99: {  	_ =	swait.ge @!p0 [sflag:s0], s1  }
0x9a: {  	s1 =	ssub.s32 @!p0 $0x0, s1;
	[sflag:s0] =	ssyncset.done @!p0 $0x0  }
0x9b: {  	[sflag:s0] =	ssyncadd.s32 @!p0 s1  }
0x9c: {  	[bflag:$0x3] =	sbarrier.arrive $0xFFFF  }
0x9d: {  	_ =	shalt  }

// kernel: kernel.13.cloned.1.call-start
scs
__scs_entry_jumppad:
0x0: {  	(pc) =	sbr.rel $0x88, $3  }
0x1: {  	(tag) =	ssettag $0x0;
	lr =	simm.s32 $0x1  }
0x2: {  	[smem:$0x3F99] =	sst lr;
	_ =	strace $0xD0000000  }
0x3: {  	_ = 	snop  }
0x4: {  	_ = 	snop  }
0x5: {  	_ = 	snop  }
0x6: {  	_ = 	snop  }
0x7: {  	_ = 	snop  }
__scs_overlays_trampoline_lowered:
0x8: {  	[smem:$0x3FA8] =	sst s0  }
0x9: {  	[smem:$0x3FA9] =	sst s1  }
0xa: {  	[smem:$0x3FAA] =	sst s2  }
0xb: {  	[smem:$0x3FAB] =	sst s3  }
0xc: {  	[smem:$0x3FAC] =	sst s4  }
0xd: {  	[smem:$0x3FAD] =	sst s5  }
0xe: {  	[smem:$0x3FAE] =	sst s6  }
0xf: {  	[smem:$0x3FAF] =	sst s7  }
0x10: {  	[smem:$0x3FB0] =	sst s8  }
0x11: {  	[smem:$0x3FB1] =	sst s9;
	s0 =	simm.s32 @!p0 $0x0  }
0x12: {  	s1 =	sld [smem:$0x3F97];
	s0 =	simm.s32 @p0 $0x1  }
0x13: {  	[smem:$0x3FB2] =	sst s0;
	s0 =	simm.s32 @!p1 $0x0  }
0x14: {  	s2 =	sld [smem:$0x3F96];
	s0 =	simm.s32 @p1 $0x1  }
0x15: {  	[smem:$0x3FB3] =	sst s0;
	s0 =	simm.s32 @!p2 $0x0  }
0x16: {  	s3 =	sld [smem:$0x3FDB];
	s0 =	simm.s32 @p2 $0x1  }
0x17: {  	s4 =	simm.s32 $0x1BF5;
	[smem:$0x3FB5] =	sst s0  }
0x18: {  	s0 =	sld [smem:$0x3F98];
	_ =	swait.ge [sflag:s4], $0x0  }
0x19: {  	s7 =	sld [smem:$0x3F99]  }
0x1a: {  	s8 =	sadd.s32 $0xFFFFE003, lr  }
0x1b: {  	s9 =	sadd.s32 $0xFFFFFEF7, lr;
	s5 =	simm.s32 $0xFFFFFFFF;
	p2 =	slt.u32 s8, $0xFFFFF086  }
0x1c: {  	p1 =	slt.u32 s9, $0xF7A;
	s5 =	simm.s32 @!p2 $0x0  }
0x1d: {  	s5 =	simm.s32 @p1 $0x1;
	p0 =	seq.s32 s7, s2  }
0x1e: {  	s7 =	smul.u32 @!p0 $0xF7A, s2;
	p2 =	seq.s32 @!p0 s5, $0x0  }
0x1f: {  	s9 =	smul.u32 $0xF7A, s1;
	s8 =	simm.s32 @!p0 $0x1BF5;
	p2 =	por !p2, p0  }
0x20: {  	[sflag:s8] =	ssyncset.s32 @!p0 $0xFFFFF086;
	s6 =	sadd.s32 @!p0 s3, s7;
	s7 =	simm.s32 @!p0 $0x108  }
0x21: {  	s3 =	sadd.s32 s3, s9;
	s6 =	sadd.s32 @!p0 $0x88, s6;
	s7 =	simm.s32 @p2 $0x1082  }
0x22: {  	[simem:s7], [sflag:s8] =	dma.local @!p0 [hbm:s6], $0xF7A  }
0x23: {  	s9 =	sor.u32 $0xD0000000, s2;
	s6 =	simm.s32 $0x108;
	_ =	swait.ge @!p0 [sflag:s8], $0x0  }
0x24: {  	s3 =	sadd.s32 $0x88, s3;
	s6 =	simm.s32 @!p1 $0x1082;
	[sflag:s4] =	ssyncset.s32 $0xFFFFF086  }
0x25: {  	[simem:s6], [sflag:s4] =	dma.local [hbm:s3], $0xF7A  }
0x26: {  	[smem:$0x3F99] =	sst s1;
	(tag) =	ssettag s2;
	_ =	strace s9  }
0x27: {  	s1 =	sld [smem:$0x3FA9]  }
0x28: {  	s2 =	sld [smem:$0x3FAA]  }
0x29: {  	s4 =	sld [smem:$0x3FAC]  }
0x2a: {  	p0 =	seq.s32 s5, $0x0;
	s5 =	sld [smem:$0x3FAD]  }
0x2b: {  	s6 =	sld [smem:$0x3FAE]  }
0x2c: {  	s7 =	sld [smem:$0x3FAF]  }
0x2d: {  	s3 =	simm.s32 $0x108;
	s8 =	sld [smem:$0x3FB0]  }
0x2e: {  	s3 =	simm.s32 @!p0 $0x1082;
	s9 =	sld [smem:$0x3FB1]  }
0x2f: {  	lr =	sadd.s32 s0, s3;
	s0 =	sld [smem:$0x3FA8]  }
0x30: {  	s3 =	sld [smem:$0x3FAB]  }
0x31: {  	[smem:$0x3FB4] =	sst s10  }
0x32: {  	s10 =	sld [smem:$0x3FB2];
	_ =	sdelay $0x3  }
0x33: {  	p0 =	seq.s32 s10, $0x1;
	s10 =	sld [smem:$0x3FB4];
	_ =	sdelay $0x3  }
0x34: {  	[smem:$0x3FB4] =	sst s10  }
0x35: {  	s10 =	sld [smem:$0x3FB3];
	_ =	sdelay $0x3  }
0x36: {  	p1 =	seq.s32 s10, $0x1;
	s10 =	sld [smem:$0x3FB4];
	_ =	sdelay $0x3  }
0x37: {  	[smem:$0x3FB4] =	sst s10  }
0x38: {  	s10 =	sld [smem:$0x3FB5]  }
0x39: {  	_ = 	snop;
	(pc) =	sbr.ind lr, $3  }
0x3a: {  	_ = 	snop  }
0x3b: {  	_ = 	snop  }
0x3c: {  	p2 =	seq.s32 s10, $0x1;
	s10 =	sld [smem:$0x3FB4]  }
0x3d: {  	_ =	shalt  }
0x3e: {  	_ =	shalt  }
0x3f: {  	_ =	shalt  }
0x40: {  	_ =	shalt  }
0x41: {  	_ =	shalt  }
0x42: {  	_ =	shalt  }
0x43: {  	_ =	shalt  }
0x44: {  	_ =	shalt  }
0x45: {  	_ =	shalt  }
0x46: {  	_ =	shalt  }
0x47: {  	_ =	shalt  }
0x48: {  	_ =	shalt  }
0x49: {  	_ =	shalt  }
0x4a: {  	_ =	shalt  }
0x4b: {  	_ =	shalt  }
0x4c: {  	_ =	shalt  }
0x4d: {  	_ =	shalt  }
0x4e: {  	_ =	shalt  }
0x4f: {  	_ =	shalt  }
0x50: {  	_ =	shalt  }
0x51: {  	_ =	shalt  }
0x52: {  	_ =	shalt  }
0x53: {  	_ =	shalt  }
0x54: {  	_ =	shalt  }
0x55: {  	_ =	shalt  }
0x56: {  	_ =	shalt  }
0x57: {  	_ =	shalt  }
0x58: {  	_ =	shalt  }
0x59: {  	_ =	shalt  }
0x5a: {  	_ =	shalt  }
0x5b: {  	_ =	shalt  }
0x5c: {  	_ =	shalt  }
0x5d: {  	_ =	shalt  }
0x5e: {  	_ =	shalt  }
0x5f: {  	_ =	shalt  }
0x60: {  	_ =	shalt  }
0x61: {  	_ =	shalt  }
0x62: {  	_ =	shalt  }
0x63: {  	_ =	shalt  }
0x64: {  	_ =	shalt  }
0x65: {  	_ =	shalt  }
0x66: {  	_ =	shalt  }
0x67: {  	_ =	shalt  }
0x68: {  	_ =	shalt  }
0x69: {  	_ =	shalt  }
0x6a: {  	_ =	shalt  }
0x6b: {  	_ =	shalt  }
0x6c: {  	_ =	shalt  }
0x6d: {  	_ =	shalt  }
0x6e: {  	_ =	shalt  }
0x6f: {  	_ =	shalt  }
0x70: {  	_ =	shalt  }
0x71: {  	_ =	shalt  }
0x72: {  	_ =	shalt  }
0x73: {  	_ =	shalt  }
0x74: {  	_ =	shalt  }
0x75: {  	_ =	shalt  }
0x76: {  	_ =	shalt  }
0x77: {  	_ =	shalt  }
0x78: {  	_ =	shalt  }
0x79: {  	_ =	shalt  }
0x7a: {  	_ =	shalt  }
0x7b: {  	_ =	shalt  }
0x7c: {  	_ =	shalt  }
0x7d: {  	_ =	shalt  }
0x7e: {  	_ =	shalt  }
0x7f: {  	_ =	shalt  }
0x80: {  	_ =	shalt  }
0x81: {  	_ =	shalt  }
0x82: {  	_ =	shalt  }
0x83: {  	_ =	shalt  }
0x84: {  	_ =	shalt  }
0x85: {  	_ =	shalt  }
0x86: {  	_ =	shalt  }
0x87: {  	_ =	shalt  }
.Lfunc_end0:
.L_simem_size_0:
called_computation.1_lowered:
.L_overlay_start_0:
0x88: {  	s2 =	sld [smem:$0x3FD9]  }
0x89: {  	s3 =	sld [smem:$0x3FFE];
	_ =	sdelay $0x1  }
0x8a: {  	s1 =	srdreg.scid  }
0x8b: {  	s0 =	sand.u32 $0x1, s1  }
0x8c: {  	s17 =	sshll.u32 s0, $0xA;
	s2 =	sadd.s32 s3, s2  }
0x8d: {  	s2 =	sadd.s32 s2, s17  }
0x8e: {  	[smem:$0x3FC0] =	sst s2  }
0x8f: {  	_ = 	snop  }
0x90: {  	s2 =	sld [smem:$0x3FD0];
	(tm) =	ssettm $0x1  }
0x91: {  	s18 =	sld [smem:$0x3FFB];
	_ =	sdelay $0x3  }
0x92: {  	_ =	strace s18  }
0x93: {  	s3 =	sld [smem:$0x3FFC];
	_ =	sdelay $0x3  }
0x94: {  	_ =	strace s3  }
0x95: {  	s3 =	sld [smem:$0x3FFD];
	_ =	sdelay $0x3  }
0x96: {  	_ =	strace s3  }
0x97: {  	_ =	strace $0x8FFFFFFF  }
0x98: {  	s19 =	sld [smem:$0x3FDB];
	_ =	sdelay $0x1  }
0x99: {  	s4 =	simm.s32 $_scs_section_size  }
0x9a: {  	s5 =	simm.s32 $_size__tile_overlayer_lowered;
	s6 =	simm.s32 $_tile_overlayer_lowered  }
0x9b: {  	s22 =	simm.s32 $0x1BFF;
	s21 =	sshll.u32 s6, $0x1;
	s3 =	sadd.s32 s4, s19  }
0x9c: {  	s7 =	simm.s32 $0x0;
	s20 =	sshll.u32 s5, $0x1;
	s5 =	sadd.s32 s21, s3  }
0x9d: {  	[timem:s7], [sflag:s22] =	dma.local [hbm:s5], s20  }
0x9e: {  	_ =	swait.ge [sflag:s22], s20  }
0x9f: {  	s4 =	ssub.s32 $0x0, s20;
	[sflag:s22] =	ssyncset.done $0x0  }
0xa0: {  	[sflag:s22] =	ssyncadd.s32 s4;
	_ =	sdelay $0x1  }
0xa1: {  	s23 =	simm.s32 $0x1B8B  }
0xa2: {  	_ =	swait.ge [sflag:s23], $0x1  }
0xa3: {  	[sflag:s23] =	ssyncset.done $0x0  }
0xa4: {  	s25 =	simm.s32 $0x1B8E;
	s24 =	sld [smem:$0x3FFE];
	[sflag:s23] =	ssyncadd.s32 $0xFFFFFFFF  }
0xa5: {  	s26 =	simm.s32 $execute0_lowered;
	[smem:$0x3FD2] =	sst s25  }
0xa6: {  	s5 =	sshll.u32 s26, $0x1;
	_ =	strace $0x80000049;
	[dreg:$0x1] =	wrdreg $0xFFFFFFFF  }
0xa7: {  	s28 =	simm.s32 $_size_execute0_lowered;
	s3 =	sadd.s32 s3, s5;
	[dreg:$0x0] =	wrdreg $0x0  }
0xa8: {  	s5 =	sshll.u32 s28, $0x1;
	[dreg:$0x2] =	wrdreg s3  }
0xa9: {  	[dreg:$0x3] =	wrdreg s5  }
0xaa: {  	[dreg:$0x4] =	wrdreg $0xC0  }
0xab: {  	_ =	task [dreg:s7], $0x5FFFF  }
0xac: {  	[dreg:$0x1] =	wrdreg $0xFFFFFFFF  }
0xad: {  	[dreg:$0x0] =	wrdreg $0x60  }
0xae: {  	[dreg:$0x2] =	wrdreg s2  }
0xaf: {  	[dreg:$0x3] =	wrdreg s24  }
0xb0: {  	[dreg:$0x4] =	wrdreg $0x0  }
0xb1: {  	[dreg:$0x5] =	wrdreg $0x9  }
0xb2: {  	_ =	task.clear_ibuf [dreg:s7], $0x6FFFF;
	_ =	strace $0x90000049  }
0xb3: {  	s29 =	simm.s32 $0x9;
	_ =	strace $0x8000004B  }
0xb4: {  	_ =	swait.ge [sflag:s29], $0x1  }
0xb5: {  	[sflag:s29] =	ssyncadd.s32 $0xFFFFFFFF  }
0xb6: {  	_ =	strace $0x9000004B  }
0xb7: {  	_ =	sfence  }
0xb8: {  	s30 =	sld [smem:$0x0];
	_ =	sdelay $0x2  }
0xb9: {  	s31 =	sshll.u32 s1, $0xD;
	s1 =	sshrl.u32 s1, $0x2  }
0xba: {  	s3 =	sand.u32 $0x4000, s31;
	s1 =	sadd.s32 s1, s30  }
0xbb: {  	s0 =	sor.u32 s3, s0;
	s1 =	sshll.u32 s1, $0x11  }
0xbc: {  	s0 =	sor.u32 s1, s0  }
0xbd: {  	s0 =	sadd.s32 $0x8F2B, s0  }
0xbe: {  	[sflag:s0] =	ssyncadd.remote.s32 $0x1  }
0xbf: {  	_ =	sfence.sel $0xFFFF  }
0xc0: {  	[dreg:$0x0] =	wrdreg $0xFFFFFFFF;
	(pc) =	sbr.abs _section_cstart, $3  }
0xc1: {  	[dreg:$0x1] =	wrdreg $0xFFFFFFFF  }
0xc2: {  	_ =	task.clear_ibuf [dreg:s7], $0x2FFFF;
	_ =	strace $0x9FFFFFFF  }
0xc3: {  	(tm) =	ssettm $0x7FFFFFFF  }
tec
execute0_lowered:
.L_overlay_start_1:
0x0: {  	(tag) =	ssettag $0x1  }
0x1: {  	s0 =	rddreg [dreg:$0x0]  }
0x2: {  	s1 =	srdreg.scid;
	s4 =	rddreg [dreg:$0x1]  }
0x3: {  	s15 =	stileid.u32;
	s2 =	rddreg [dreg:$0x2]  }
0x4: {  	s21 =	simm.s32 $0x0;
	s30 =	simm.s32 $0x1CC80;
	s31 =	simm.s32 $0x80  }
0x5: {  	s1 =	sand.u32 $0x1, s1;
	s3 =	sshll.u32 s15, $0x1;
	s13 =	smul.u32 $0x14000, s15  }
0x6: {  	[smem:$0x7FF] =	sst s21;
	s22 =	sadd.s32 $0x9000, s4;
	s14 =	smul.u32 $0x50000, s15  }
0x7: {  	s6 =	sor.u32 s1, s3;
	s11 =	ssub.s32 $0x2, s1;
	s1 =	smul.u32 $0x138800, s1  }
0x8: {  	s5 =	sadd.s32 $0x9400, s4;
	s10 =	sadd.s32 $0x7EA00, s4;
	s8 =	smul.u32 $0x280, s6  }
0x9: {  	_ =	strace $0x8000004A;
	[dreg:$0x4] =	wrdreg s22;
	s7 =	smul.u32 $0xFFFFFFD8, s6  }
0xa: {  	s6 =	sadd.s32 $0x30600, s4;
	s12 =	sshrl.u32 s11, $0x1;
	s25 =	sshrl.u32 s14, $0x2  }
0xb: {  	s12 =	ssub.s32 s11, s12;
	s24 =	sadd.s32 s13, s1;
	s1 =	sshrl.u32 s1, $0x3  }
0xc: {  	s11 =	sadd.s32 s25, s2;
	s9 =	sadd.s32 s8, s4;
	s4 =	sadd.s32 $0xCCC00, s4  }
0xd: {  	p0 =	slt.s32 s7, $0xFFFFFB46;
	s0 =	sadd.s32 s0, s8;
	s1 =	sadd.s32 $0x25800, s1  }
0xe: {  	s28 =	sadd.s32 $0x1400, s11;
	s29 =	sadd.s32 $0x2800, s11;
	s25 =	sadd.s32 $0x3C00, s11  }
0xf: {  	s7 =	simm.s32 @!p0 $0xFFFFFB46;
	s23 =	sadd.s32 $0x4000, s9;
	[dreg:$0x6] =	wrdreg s0  }
0x10: {  	s0 =	sshrl.u32 s24, $0x3;
	s8 =	sadd.s32 s10, s1;
	[dreg:$0x17] =	wrdreg s25  }
0x11: {  	s9 =	sadd.s32 s4, s1;
	s1 =	sadd.s32 $0x3C000, s14;
	[dreg:$0x5] =	wrdreg s23  }
0x12: {  	p0 =	seq.s32 s15, $0xF;
	s24 =	sadd.s32 $0x12C000, s2;
	[dreg:$0x8] =	wrdreg s8  }
0x13: {  	s15 =	simm.s32 $0x3;
	s7 =	sadd.s32 $0x4E2, s7;
	[dreg:$0xa] =	wrdreg s9  }
0x14: {  	s26 =	sadd.s32 s10, s0;
	s0 =	sadd.s32 s4, s0;
	[dreg:$0x16] =	wrdreg s24  }
0x15: {  	s10 =	smax.u32 s12, $0x1;
	s13 =	sshrl.u32 s1, $0x2;
	[dreg:$0x7] =	wrdreg s26  }
0x16: {  	s9 =	sadd.s32 $0x41000, s14;
	s4 =	sadd.s32 $0x46000, s14;
	[dreg:$0x9] =	wrdreg s0  }
0x17: {  	s8 =	sadd.s32 $0x4B000, s14;
	s1 =	simm.s32 @p0 $0x4EC000;
	[dreg:$0xb] =	wrdreg s10  }
0x18: {  	s0 =	sadd.s32 $0x37000, s14;
	s17 =	sadd.s32 s13, s2;
	s18 =	sshrl.u32 s9, $0x2  }
0x19: {  	s20 =	sshrl.u32 s4, $0x2;
	s21 =	sshrl.u32 s8, $0x2;
	s8 =	simm.s32 @p0 $0x4FB000  }
0x1a: {  	s9 =	simm.s32 @p0 $0x4F1000;
	s4 =	simm.s32 @p0 $0x4F6000;
	s1 =	sshrl.u32 @!p0 s1, $0x2  }
0x1b: {  	s26 =	sadd.s32 $0x5000, s11;
	s10 =	sadd.s32 $0xC800, s11;
	[dreg:$0xd] =	wrdreg s17  }
0x1c: {  	s12 =	sshrl.u32 s0, $0x2;
	s19 =	sadd.s32 s18, s2;
	[dreg:$0x18] =	wrdreg s26  }
0x1d: {  	s22 =	sadd.s32 s20, s2;
	s0 =	simm.s32 @p0 $0x4E7000;
	[dreg:$0xe] =	wrdreg s19  }
0x1e: {  	s23 =	sadd.s32 s21, s2;
	[dreg:$0xf] =	wrdreg s22;
	s0 =	sshrl.u32 @!p0 s0, $0x2  }
0x1f: {  	s13 =	simm.s32 $0x4;
	[dreg:$0x10] =	wrdreg s23;
	s0 =	sadd.s32 @!p0 s0, s2  }
0x20: {  	s18 =	simm.s32 $0x0;
	[dreg:$0x11] =	wrdreg s0;
	s0 =	sadd.s32 @!p0 s1, s2  }
0x21: {  	s16 =	sadd.s32 s12, s2;
	[dreg:$0x12] =	wrdreg s0;
	s0 =	sshrl.u32 @!p0 s9, $0x2  }
0x22: {  	s12 =	simm.s32 $0x13880;
	[dreg:$0xc] =	wrdreg s16;
	s0 =	sadd.s32 @!p0 s0, s2  }
0x23: {  	s1 =	sshrl.u32 @!p0 s8, $0x2;
	[dreg:$0x13] =	wrdreg s0;
	s0 =	sshrl.u32 @!p0 s4, $0x2  }
0x24: {  	s8 =	sadd.s32 $0xA000, s11;
	s9 =	sadd.s32 $0xB400, s11;
	s0 =	sadd.s32 @!p0 s0, s2  }
0x25: {  	s4 =	sadd.s32 $0x8C00, s11;
	[dreg:$0x14] =	wrdreg s0;
	s0 =	sadd.s32 @!p0 s1, s2  }
0x26: {  	s1 =	sadd.s32 $0x6400, s11;
	[dreg:$0x15] =	wrdreg s0;
	s0 =	sadd.s32 $0x7800, s11  }
.LBB2_1:
0x27: {  	s3 =	simm.s32 $0x0;
	s14 =	rddreg [dreg:$0x4]  }
0x28: {  	[tilespmem:s12], [sflag:$0x4] =	stream.linear.gather [hbm4b:s14+s3], $0x1400, $0x38;
	[tilespmem:$0x1F480] =	vst v63  }
0x29: {  	_ =	swait.ge [sflag:s13], $0x1400  }
0x2a: {  	[sflag:s13] =	ssyncset.done $0x0  }
0x2b: {  	[sflag:s13] =	ssyncadd.s32 $0xFFFFEC00  }
0x2c: {  	[spmem:s11] =	stream.linear.scatter [tilespmem:s12], [sflag:$0x3], $0x1400, $0x38;
	[tilespmem:$0x1F480] =	vst v63  }
0x2d: {  	_ = 	snop  }
0x2e: {  	[spmem:s28] =	stream.linear.scatter [tilespmem:s12], [sflag:$0x3], $0x1400, $0x38;
	[tilespmem:$0x1F480] =	vst v63  }
0x2f: {  	_ = 	snop  }
0x30: {  	[spmem:s29] =	stream.linear.scatter [tilespmem:s12], [sflag:$0x3], $0x1400, $0x38;
	[tilespmem:$0x1F480] =	vst v63  }
0x31: {  	s21 =	rddreg [dreg:$0x17]  }
0x32: {  	[spmem:s21] =	stream.linear.scatter [tilespmem:s12], [sflag:$0x3], $0x1400, $0x38;
	[tilespmem:$0x1F480] =	vst v63  }
0x33: {  	s22 =	rddreg [dreg:$0x18]  }
0x34: {  	[spmem:s22] =	stream.linear.scatter [tilespmem:s12], [sflag:$0x3], $0x1400, $0x38;
	[tilespmem:$0x1F480] =	vst v63  }
0x35: {  	_ = 	snop  }
0x36: {  	[spmem:s1] =	stream.linear.scatter [tilespmem:s12], [sflag:$0x3], $0x1400, $0x38;
	[tilespmem:$0x1F480] =	vst v63  }
0x37: {  	_ = 	snop  }
0x38: {  	[spmem:s0] =	stream.linear.scatter [tilespmem:s12], [sflag:$0x3], $0x1400, $0x38;
	[tilespmem:$0x1F480] =	vst v63  }
0x39: {  	_ = 	snop  }
0x3a: {  	[spmem:s4] =	stream.linear.scatter [tilespmem:s12], [sflag:$0x3], $0x1400, $0x38;
	[tilespmem:$0x1F480] =	vst v63  }
0x3b: {  	_ = 	snop  }
0x3c: {  	[spmem:s8] =	stream.linear.scatter [tilespmem:s12], [sflag:$0x3], $0x1400, $0x38;
	[tilespmem:$0x1F480] =	vst v63  }
0x3d: {  	_ = 	snop  }
0x3e: {  	[spmem:s9] =	stream.linear.scatter [tilespmem:s12], [sflag:$0x3], $0x1400, $0x38;
	[tilespmem:$0x1F480] =	vst v63  }
0x3f: {  	s16 =	simm.s32 @!p0 $0x13880  }
0x40: {  	[spmem:s10] =	stream.linear.scatter @!p0 [tilespmem:s16], [sflag:$0x3], $0x1400, $0x38;
	[tilespmem:$0x1F480] =	vst v63  }
0x41: {  	s14 =	rddreg [dreg:$0xc]  }
0x42: {  	[spmem:s14] =	stream.linear.scatter @!p0 [tilespmem:s16], [sflag:$0x3], $0x1400, $0x38;
	[tilespmem:$0x1F480] =	vst v63  }
0x43: {  	s14 =	rddreg [dreg:$0xd]  }
0x44: {  	[spmem:s14] =	stream.linear.scatter @!p0 [tilespmem:s16], [sflag:$0x3], $0x1400, $0x38;
	[tilespmem:$0x1F480] =	vst v63  }
0x45: {  	s14 =	rddreg [dreg:$0xe]  }
0x46: {  	[spmem:s14] =	stream.linear.scatter @!p0 [tilespmem:s16], [sflag:$0x3], $0x1400, $0x38;
	[tilespmem:$0x1F480] =	vst v63  }
0x47: {  	s14 =	rddreg [dreg:$0xf]  }
0x48: {  	[spmem:s14] =	stream.linear.scatter @!p0 [tilespmem:s16], [sflag:$0x3], $0x1400, $0x38;
	[tilespmem:$0x1F480] =	vst v63  }
0x49: {  	s14 =	rddreg [dreg:$0x10]  }
0x4a: {  	[spmem:s14] =	stream.linear.scatter @!p0 [tilespmem:s16], [sflag:$0x3], $0x1400, $0x38;
	[tilespmem:$0x1F480] =	vst v63  }
0x4b: {  	s24 =	simm.s32 $0x1E080;
	s23 =	rddreg [dreg:$0x5]  }
0x4c: {  	[tilespmem:s24], [sflag:$0x4] =	stream.linear.gather [hbm4b:s23+s3], $0x1400, $0x38;
	[tilespmem:$0x1F480] =	vst v63  }
0x4d: {  	_ =	swait.ge [sflag:s13], $0x1400  }
0x4e: {  	[sflag:s13] =	ssyncset.done $0x0  }
0x4f: {  	s25 =	rddreg [dreg:$0x6];
	[sflag:s13] =	ssyncadd.s32 $0xFFFFEC00  }
0x50: {  	[tilespmem:s30], [sflag:$0x4] =	stream.linear.gather [hbm4b:s25+s3], $0x1400, $0x38;
	[tilespmem:$0x1F480] =	vst v63  }
0x51: {  	_ =	swait.ge [sflag:s13], $0x1400  }
0x52: {  	[sflag:s13] =	ssyncset.done $0x0  }
0x53: {  	[sflag:s13] =	ssyncadd.s32 $0xFFFFEC00  }
0x54: {  	_ =	swait.ge [sflag:s15], $0x1400  }
0x55: {  	[sflag:s15] =	ssyncset.done $0x0  }
0x56: {  	[sflag:s15] =	ssyncadd.s32 $0xFFFFEC00  }
0x57: {  	_ =	swait.ge [sflag:s15], $0x1400  }
0x58: {  	[sflag:s15] =	ssyncset.done $0x0  }
0x59: {  	[sflag:s15] =	ssyncadd.s32 $0xFFFFEC00  }
0x5a: {  	_ =	swait.ge [sflag:s15], $0x1400  }
0x5b: {  	[sflag:s15] =	ssyncset.done $0x0  }
0x5c: {  	[sflag:s15] =	ssyncadd.s32 $0xFFFFEC00  }
0x5d: {  	_ =	swait.ge [sflag:s15], $0x1400  }
0x5e: {  	[sflag:s15] =	ssyncset.done $0x0  }
0x5f: {  	[sflag:s15] =	ssyncadd.s32 $0xFFFFEC00  }
0x60: {  	_ =	swait.ge [sflag:s15], $0x1400  }
0x61: {  	[sflag:s15] =	ssyncset.done $0x0  }
0x62: {  	[sflag:s15] =	ssyncadd.s32 $0xFFFFEC00  }
0x63: {  	_ =	swait.ge [sflag:s15], $0x1400  }
0x64: {  	[sflag:s15] =	ssyncset.done $0x0  }
0x65: {  	[sflag:s15] =	ssyncadd.s32 $0xFFFFEC00  }
0x66: {  	_ =	swait.ge [sflag:s15], $0x1400  }
0x67: {  	[sflag:s15] =	ssyncset.done $0x0  }
0x68: {  	[sflag:s15] =	ssyncadd.s32 $0xFFFFEC00  }
0x69: {  	_ =	swait.ge [sflag:s15], $0x1400  }
0x6a: {  	[sflag:s15] =	ssyncset.done $0x0  }
0x6b: {  	[sflag:s15] =	ssyncadd.s32 $0xFFFFEC00  }
0x6c: {  	_ =	swait.ge [sflag:s15], $0x1400  }
0x6d: {  	[sflag:s15] =	ssyncset.done $0x0  }
0x6e: {  	[sflag:s15] =	ssyncadd.s32 $0xFFFFEC00  }
0x6f: {  	_ =	swait.ge [sflag:s15], $0x1400  }
0x70: {  	[sflag:s15] =	ssyncset.done $0x0  }
0x71: {  	s16 =	simm.s32 @!p0 $0x3;
	[sflag:s15] =	ssyncadd.s32 $0xFFFFEC00  }
0x72: {  	_ =	swait.ge @!p0 [sflag:s16], $0x1400  }
0x73: {  	[sflag:s16] =	ssyncset.done @!p0 $0x0  }
0x74: {  	[sflag:s16] =	ssyncadd.s32 @!p0 $0xFFFFEC00  }
0x75: {  	_ =	swait.ge @!p0 [sflag:s16], $0x1400  }
0x76: {  	[sflag:s16] =	ssyncset.done @!p0 $0x0  }
0x77: {  	[sflag:s16] =	ssyncadd.s32 @!p0 $0xFFFFEC00  }
0x78: {  	_ =	swait.ge @!p0 [sflag:s16], $0x1400  }
0x79: {  	[sflag:s16] =	ssyncset.done @!p0 $0x0  }
0x7a: {  	[sflag:s16] =	ssyncadd.s32 @!p0 $0xFFFFEC00  }
0x7b: {  	_ =	swait.ge @!p0 [sflag:s16], $0x1400  }
0x7c: {  	[sflag:s16] =	ssyncset.done @!p0 $0x0  }
0x7d: {  	[sflag:s16] =	ssyncadd.s32 @!p0 $0xFFFFEC00  }
0x7e: {  	_ =	swait.ge @!p0 [sflag:s16], $0x1400  }
0x7f: {  	[sflag:s16] =	ssyncset.done @!p0 $0x0  }
0x80: {  	[sflag:s16] =	ssyncadd.s32 @!p0 $0xFFFFEC00  }
0x81: {  	_ =	swait.ge @!p0 [sflag:s16], $0x1400  }
0x82: {  	[sflag:s16] =	ssyncset.done @!p0 $0x0  }
0x83: {  	s26 =	simm.s32 $0x14C80;
	p2 =	sle.u32 s7, $0x1;
	[sflag:s16] =	ssyncadd.s32 @!p0 $0xFFFFEC00  }
0x84: {  	p3 =	sle.u32 s7, $0x0;
	s17 =	simm.s32 @!p2 $0x1CD00;
	[bflag:$0x0] =	sbarrier.arrive $0xFFFF  }
0x85: {  	[tilespmem:s26], [sflag:$0x1] =	stream.indirect.gather [hbm4b:s5+s31], $0x80, s30, s31, $0xb8;
	[tilespmem:$0x1F480] =	vst v63  }
0x86: {  	s19 =	simm.s32 @!p2 $0x18C80;
	s20 =	simm.s32 @!p3 $0x1;
	s16 =	simm.s32 @!p2 $0x80  }
0x87: {  	[tilespmem:s19], [sflag:$0x2] =	stream.indirect.gather @!p2 [hbm4b:s5+s16], $0x80, s17, s16, $0xb8;
	[tilespmem:$0x1F480] =	vst v63  }
0x88: {  	_ =	swait.ge @!p3 [sflag:s20], $0x4000  }
0x89: {  	s21 =	simm.s32 @!p3 $0x14C80;
	[sflag:s20] =	ssyncset.done @!p3 $0x0  }
0x8a: {  	s17 =	simm.s32 @!p3 $0x1E080;
	[sflag:s20] =	ssyncadd.s32 @!p3 $0xFFFFC000;
	s20 =	simm.s32 @!p3 $0x80  }
0x8b: {  	[spmem:s2] =	stream.indirect.scatter.add.f32 @!p3 [tilespmem:s21], [sflag:$0x5], $0x80, s17, s20, $0xb8;
	[tilespmem:$0x1F480] =	vst v63  }
0x8c: {  	s17 =	simm.s32 @!p3 $0x5  }
0x8d: {  	p1 =	sle.u32 s7, $0x2;
	_ =	swait.ge @!p3 [sflag:s17], $0x4000  }
0x8e: {  	s20 =	simm.s32 @!p1 $0x80;
	[sflag:s17] =	ssyncset.done @!p3 $0x0  }
0x8f: {  	s21 =	simm.s32 @!p1 $0x14C80;
	[sflag:s17] =	ssyncadd.s32 @!p3 $0xFFFFC000;
	s17 =	simm.s32 @!p1 $0x1CD80  }
0x90: {  	[tilespmem:s21], [sflag:$0x1] =	stream.indirect.gather @!p1 [hbm4b:s5+s20], $0x80, s17, s20, $0xb8;
	[tilespmem:$0x1F480] =	vst v63  }
0x91: {  	s17 =	simm.s32 @!p2 $0x2  }
0x92: {  	p3 =	por p2, p2;
	_ =	swait.ge @!p2 [sflag:s17], $0x4000  }
0x93: {  	[sflag:s17] =	ssyncset.done @!p3 $0x0  }
0x94: {  	s20 =	simm.s32 @!p2 $0x1E100;
	[sflag:s17] =	ssyncadd.s32 @!p3 $0xFFFFC000  }
0x95: {  	[spmem:s2] =	stream.indirect.scatter.add.f32 @!p3 [tilespmem:s19], [sflag:$0x4], $0x80, s20, s16, $0xb8;
	[tilespmem:$0x1F480] =	vst v63  }
0x96: {  	s24 =	simm.s32 @!p3 $0x4;
	s21 =	simm.s32 $0x800;
	s20 =	simm.s32 $0x400  }
0x97: {  	s19 =	simm.s32 $0x2;
	s16 =	simm.s32 $0x3;
	_ =	swait.ge @!p3 [sflag:s24], $0x4000  }
.LBB2_2:
0x98: {  	p4 =	por p1, p1;
	s19 =	sadd.s32 $0x2, s19  }
0x99: {  	p2 =	sge.u32 s16, s7;
	s16 =	smov.u32 s21;
	[sflag:s24] =	ssyncset.done @!p3 $0x0  }
0x9a: {  	s17 =	sshra.s32 @!p2 s20, $0x2;
	s25 =	simm.s32 @!p2 $0x80;
	[sflag:s24] =	ssyncadd.s32 @!p3 $0xFFFFC000  }
0x9b: {  	s23 =	simm.s32 @!p1 $0x1;
	s26 =	simm.s32 @!p2 $0x18C80;
	s22 =	sadd.s32 @!p2 $0x1CD00, s17  }
0x9c: {  	[tilespmem:s26], [sflag:$0x2] =	stream.indirect.gather @!p2 [hbm4b:s5+s25], $0x80, s22, s25, $0xb8;
	[tilespmem:$0x1F480] =	vst v63  }
0x9d: {  	s17 =	sadd.s32 @!p2 $0x1E100, s17;
	s22 =	sshra.s32 @!p1 s20, $0x2;
	_ =	swait.ge @!p1 [sflag:s23], $0x4000  }
0x9e: {  	s24 =	simm.s32 @!p1 $0x5;
	s22 =	sadd.s32 @!p1 $0x1E080, s22;
	[sflag:s23] =	ssyncset.done @!p1 $0x0  }
0x9f: {  	s3 =	simm.s32 @!p1 $0x14C80;
	[sflag:s23] =	ssyncadd.s32 @!p1 $0xFFFFC000;
	s23 =	simm.s32 @!p1 $0x80  }
0xa0: {  	[spmem:s2] =	stream.indirect.scatter.add.f32 @!p1 [tilespmem:s3], [sflag:$0x5], $0x80, s22, s23, $0xb8;
	[tilespmem:$0x1F480] =	vst v63  }
0xa1: {  	s21 =	sadd.s32 $0x400, s21;
	_ =	swait.ge @!p1 [sflag:s24], $0x4000;
	p1 =	sge.u32 s19, s7  }
0xa2: {  	[sflag:s24] =	ssyncset.done @!p4 $0x0;
	s3 =	sshra.s32 @!p1 s20, $0x2;
	s22 =	simm.s32 @!p1 $0x80  }
0xa3: {  	s14 =	simm.s32 @!p2 $0x2;
	[sflag:s24] =	ssyncadd.s32 @!p4 $0xFFFFC000;
	s3 =	sadd.s32 @!p1 $0x1CD80, s3  }
0xa4: {  	s23 =	simm.s32 @!p1 $0x14C80;
	s20 =	smov.u32 s16;
	p4 =	sne.s32 s21, $0x5000  }
0xa5: {  	[tilespmem:s23], [sflag:$0x1] =	stream.indirect.gather @!p1 [hbm4b:s5+s22], $0x80, s3, s22, $0xb8;
	[tilespmem:$0x1F480] =	vst v63  }
.Ltmp0:
0xa6: {  	p3 =	por p2, p2;
	_ =	swait.ge @!p2 [sflag:s14], $0x4000;
	(pc) =	sbr.rel @p4 .LBB2_2-.Ltmp0, $4  }
0xa7: {  	s24 =	simm.s32 @!p3 $0x4;
	[sflag:s14] =	ssyncset.done @!p3 $0x0  }
0xa8: {  	[sflag:s14] =	ssyncadd.s32 @!p3 $0xFFFFC000  }
0xa9: {  	[spmem:s2] =	stream.indirect.scatter.add.f32 @!p3 [tilespmem:s26], [sflag:$0x4], $0x80, s17, s25, $0xb8;
	[tilespmem:$0x1F480] =	vst v63  }
0xaa: {  	s16 =	sadd.s32 $0x1, s19;
	_ =	swait.ge @!p3 [sflag:s24], $0x4000  }
0xab: {  	p2 =	sge.u32 s16, s7;
	[sflag:s24] =	ssyncset.done @!p3 $0x0  }
0xac: {  	s21 =	simm.s32 @!p1 $0x1;
	s3 =	sshra.s32 @!p2 s20, $0x2;
	s14 =	simm.s32 @!p2 $0x80  }
0xad: {  	[sflag:s24] =	ssyncadd.s32 @!p3 $0xFFFFC000;
	s17 =	simm.s32 @!p2 $0x18C80;
	s16 =	sadd.s32 @!p2 $0x1CD00, s3  }
0xae: {  	[tilespmem:s17], [sflag:$0x2] =	stream.indirect.gather @!p2 [hbm4b:s5+s14], $0x80, s16, s14, $0xb8;
	[tilespmem:$0x1F480] =	vst v63  }
0xaf: {  	_ =	swait.ge @!p1 [sflag:s21], $0x4000  }
0xb0: {  	s16 =	sshra.s32 @!p1 s20, $0x2;
	[sflag:s21] =	ssyncset.done @!p1 $0x0  }
0xb1: {  	s19 =	sadd.s32 $0x2, s19;
	s16 =	sadd.s32 @!p1 $0x1E080, s16;
	[sflag:s21] =	ssyncadd.s32 @!p1 $0xFFFFC000  }
0xb2: {  	[spmem:s2] =	stream.indirect.scatter.add.f32 @!p1 [tilespmem:s23], [sflag:$0x5], $0x80, s16, s22, $0xb8;
	[tilespmem:$0x1F480] =	vst v63  }
0xb3: {  	p3 =	sge.u32 s19, s7;
	s16 =	simm.s32 @!p1 $0x5  }
0xb4: {  	s19 =	sshra.s32 @!p3 s20, $0x2;
	_ =	swait.ge @!p1 [sflag:s16], $0x4000  }
0xb5: {  	s20 =	simm.s32 @!p3 $0x80;
	s21 =	simm.s32 @!p3 $0x14C80;
	[sflag:s16] =	ssyncset.done @!p1 $0x0  }
0xb6: {  	[sflag:s16] =	ssyncadd.s32 @!p1 $0xFFFFC000;
	s16 =	sadd.s32 @!p3 $0x1CD80, s19;
	s19 =	simm.s32 @!p2 $0x2  }
0xb7: {  	[tilespmem:s21], [sflag:$0x1] =	stream.indirect.gather @!p3 [hbm4b:s5+s20], $0x80, s16, s20, $0xb8;
	[tilespmem:$0x1F480] =	vst v63  }
0xb8: {  	p1 =	por p2, p2;
	_ =	swait.ge @!p2 [sflag:s19], $0x4000  }
0xb9: {  	[sflag:s19] =	ssyncset.done @!p1 $0x0  }
0xba: {  	s3 =	sadd.s32 @!p2 $0x1E100, s3;
	s16 =	simm.s32 @!p1 $0x4;
	[sflag:s19] =	ssyncadd.s32 @!p1 $0xFFFFC000  }
0xbb: {  	[spmem:s2] =	stream.indirect.scatter.add.f32 @!p1 [tilespmem:s17], [sflag:$0x4], $0x80, s3, s14, $0xb8;
	[tilespmem:$0x1F480] =	vst v63  }
0xbc: {  	_ =	swait.ge @!p1 [sflag:s16], $0x4000  }
0xbd: {  	[sflag:s16] =	ssyncset.done @!p1 $0x0  }
0xbe: {  	s26 =	simm.s32 $0x14C80;
	[sflag:s16] =	ssyncadd.s32 @!p1 $0xFFFFC000  }
0xbf: {  	[tilespmem:s26], [sflag:$0x1] =	stream.indirect.gather [hbm4b:s6+s31], $0x80, s30, s31, $0xb8;
	[tilespmem:$0x1F480] =	vst v63  }
0xc0: {  	[bflag:$0x0] =	sbarrier.arrive $0xFFFF  }
0xc1: {  	s3 =	rddreg [dreg:$0x16]  }
0xc2: {  	s14 =	rddreg [dreg:$0x8];
	s19 =	sshrl.u32 @p0 s3, $0x3;
	s3 =	simm.s32 @p0 $0x1FC4  }
0xc3: {  	[hbm:s14], [sflag:s3] =	dma.local @p0 [spmem:s19], $0x1900  }
0xc4: {  	s3 =	simm.s32 @p0 $0x4  }
0xc5: {  	s14 =	stileid.u32;
	_ =	swait.ge @p0 [sflag:s3], $0x1900  }
0xc6: {  	s21 =	sshrl.u32 @!p0 s11, $0x3;
	s14 =	sshll.u32 @!p0 s14, $0x6;
	[sflag:s3] =	ssyncset.done @p0 $0x0  }
0xc7: {  	s20 =	sor.u32 @!p0 $0x1C04, s14;
	[sflag:s3] =	ssyncadd.s32 @p0 $0xFFFFE700;
	s3 =	rddreg [dreg:$0x7]  }
0xc8: {  	[hbm:s3], [sflag:s20] =	dma.local @!p0 [spmem:s21], $0x2800  }
0xc9: {  	s3 =	simm.s32 @!p0 $0x4  }
0xca: {  	_ =	swait.ge @!p0 [sflag:s3], $0x2800  }
0xcb: {  	[sflag:s3] =	ssyncset.done @!p0 $0x0  }
0xcc: {  	[sflag:s3] =	ssyncadd.s32 @!p0 $0xFFFFD800  }
0xcd: {  	[spmem:s11] =	stream.linear.scatter [tilespmem:s12], [sflag:$0x3], $0x1400, $0x38;
	[tilespmem:$0x1F480] =	vst v63  }
0xce: {  	_ = 	snop  }
0xcf: {  	[spmem:s28] =	stream.linear.scatter [tilespmem:s12], [sflag:$0x3], $0x1400, $0x38;
	[tilespmem:$0x1F480] =	vst v63  }
0xd0: {  	_ = 	snop  }
0xd1: {  	[spmem:s29] =	stream.linear.scatter [tilespmem:s12], [sflag:$0x3], $0x1400, $0x38;
	[tilespmem:$0x1F480] =	vst v63  }
0xd2: {  	s30 =	smov.u32 s28;
	s28 =	rddreg [dreg:$0x17]  }
0xd3: {  	[spmem:s28] =	stream.linear.scatter [tilespmem:s12], [sflag:$0x3], $0x1400, $0x38;
	[tilespmem:$0x1F480] =	vst v63  }
0xd4: {  	s31 =	smov.u32 s29;
	s29 =	rddreg [dreg:$0x18]  }
0xd5: {  	[spmem:s29] =	stream.linear.scatter [tilespmem:s12], [sflag:$0x3], $0x1400, $0x38;
	[tilespmem:$0x1F480] =	vst v63  }
0xd6: {  	_ = 	snop  }
0xd7: {  	[spmem:s1] =	stream.linear.scatter [tilespmem:s12], [sflag:$0x3], $0x1400, $0x38;
	[tilespmem:$0x1F480] =	vst v63  }
0xd8: {  	_ = 	snop  }
0xd9: {  	[spmem:s0] =	stream.linear.scatter [tilespmem:s12], [sflag:$0x3], $0x1400, $0x38;
	[tilespmem:$0x1F480] =	vst v63  }
0xda: {  	_ = 	snop  }
0xdb: {  	[spmem:s4] =	stream.linear.scatter [tilespmem:s12], [sflag:$0x3], $0x1400, $0x38;
	[tilespmem:$0x1F480] =	vst v63  }
0xdc: {  	_ = 	snop  }
0xdd: {  	[spmem:s8] =	stream.linear.scatter [tilespmem:s12], [sflag:$0x3], $0x1400, $0x38;
	[tilespmem:$0x1F480] =	vst v63  }
0xde: {  	_ = 	snop  }
0xdf: {  	[spmem:s9] =	stream.linear.scatter [tilespmem:s12], [sflag:$0x3], $0x1400, $0x38;
	[tilespmem:$0x1F480] =	vst v63  }
0xe0: {  	s3 =	simm.s32 @!p0 $0x13880  }
0xe1: {  	[spmem:s10] =	stream.linear.scatter @!p0 [tilespmem:s3], [sflag:$0x3], $0x1400, $0x38;
	[tilespmem:$0x1F480] =	vst v63  }
0xe2: {  	s14 =	rddreg [dreg:$0x11]  }
0xe3: {  	[spmem:s14] =	stream.linear.scatter @!p0 [tilespmem:s3], [sflag:$0x3], $0x1400, $0x38;
	[tilespmem:$0x1F480] =	vst v63  }
0xe4: {  	s14 =	rddreg [dreg:$0x12]  }
0xe5: {  	[spmem:s14] =	stream.linear.scatter @!p0 [tilespmem:s3], [sflag:$0x3], $0x1400, $0x38;
	[tilespmem:$0x1F480] =	vst v63  }
0xe6: {  	s14 =	rddreg [dreg:$0x13]  }
0xe7: {  	[spmem:s14] =	stream.linear.scatter @!p0 [tilespmem:s3], [sflag:$0x3], $0x1400, $0x38;
	[tilespmem:$0x1F480] =	vst v63  }
0xe8: {  	s14 =	rddreg [dreg:$0x14]  }
0xe9: {  	[spmem:s14] =	stream.linear.scatter @!p0 [tilespmem:s3], [sflag:$0x3], $0x1400, $0x38;
	[tilespmem:$0x1F480] =	vst v63  }
0xea: {  	s14 =	rddreg [dreg:$0x15]  }
0xeb: {  	[spmem:s14] =	stream.linear.scatter @!p0 [tilespmem:s3], [sflag:$0x3], $0x1400, $0x38;
	[tilespmem:$0x1F480] =	vst v63  }
0xec: {  	_ =	swait.ge [sflag:s15], $0x1400  }
0xed: {  	[sflag:s15] =	ssyncset.done $0x0  }
0xee: {  	[sflag:s15] =	ssyncadd.s32 $0xFFFFEC00  }
0xef: {  	_ =	swait.ge [sflag:s15], $0x1400  }
0xf0: {  	[sflag:s15] =	ssyncset.done $0x0  }
0xf1: {  	[sflag:s15] =	ssyncadd.s32 $0xFFFFEC00  }
0xf2: {  	_ =	swait.ge [sflag:s15], $0x1400  }
0xf3: {  	[sflag:s15] =	ssyncset.done $0x0  }
0xf4: {  	[sflag:s15] =	ssyncadd.s32 $0xFFFFEC00  }
0xf5: {  	_ =	swait.ge [sflag:s15], $0x1400  }
0xf6: {  	[sflag:s15] =	ssyncset.done $0x0  }
0xf7: {  	[sflag:s15] =	ssyncadd.s32 $0xFFFFEC00  }
0xf8: {  	_ =	swait.ge [sflag:s15], $0x1400  }
0xf9: {  	[sflag:s15] =	ssyncset.done $0x0  }
0xfa: {  	[sflag:s15] =	ssyncadd.s32 $0xFFFFEC00  }
0xfb: {  	_ =	swait.ge [sflag:s15], $0x1400  }
0xfc: {  	[sflag:s15] =	ssyncset.done $0x0  }
0xfd: {  	[sflag:s15] =	ssyncadd.s32 $0xFFFFEC00  }
0xfe: {  	_ =	swait.ge [sflag:s15], $0x1400  }
0xff: {  	[sflag:s15] =	ssyncset.done $0x0  }
0x100: {  	[sflag:s15] =	ssyncadd.s32 $0xFFFFEC00  }
0x101: {  	_ =	swait.ge [sflag:s15], $0x1400  }
0x102: {  	[sflag:s15] =	ssyncset.done $0x0  }
0x103: {  	[sflag:s15] =	ssyncadd.s32 $0xFFFFEC00  }
0x104: {  	_ =	swait.ge [sflag:s15], $0x1400  }
0x105: {  	[sflag:s15] =	ssyncset.done $0x0  }
0x106: {  	[sflag:s15] =	ssyncadd.s32 $0xFFFFEC00  }
0x107: {  	_ =	swait.ge [sflag:s15], $0x1400  }
0x108: {  	[sflag:s15] =	ssyncset.done $0x0  }
0x109: {  	s3 =	simm.s32 @!p0 $0x3;
	[sflag:s15] =	ssyncadd.s32 $0xFFFFEC00  }
0x10a: {  	_ =	swait.ge @!p0 [sflag:s3], $0x1400  }
0x10b: {  	[sflag:s3] =	ssyncset.done @!p0 $0x0  }
0x10c: {  	[sflag:s3] =	ssyncadd.s32 @!p0 $0xFFFFEC00  }
0x10d: {  	_ =	swait.ge @!p0 [sflag:s3], $0x1400  }
0x10e: {  	[sflag:s3] =	ssyncset.done @!p0 $0x0  }
0x10f: {  	[sflag:s3] =	ssyncadd.s32 @!p0 $0xFFFFEC00  }
0x110: {  	_ =	swait.ge @!p0 [sflag:s3], $0x1400  }
0x111: {  	[sflag:s3] =	ssyncset.done @!p0 $0x0  }
0x112: {  	[sflag:s3] =	ssyncadd.s32 @!p0 $0xFFFFEC00  }
0x113: {  	_ =	swait.ge @!p0 [sflag:s3], $0x1400  }
0x114: {  	[sflag:s3] =	ssyncset.done @!p0 $0x0  }
0x115: {  	[sflag:s3] =	ssyncadd.s32 @!p0 $0xFFFFEC00  }
0x116: {  	_ =	swait.ge @!p0 [sflag:s3], $0x1400  }
0x117: {  	[sflag:s3] =	ssyncset.done @!p0 $0x0  }
0x118: {  	[sflag:s3] =	ssyncadd.s32 @!p0 $0xFFFFEC00  }
0x119: {  	_ =	swait.ge @!p0 [sflag:s3], $0x1400  }
0x11a: {  	p3 =	sle.u32 s7, $0x0;
	p2 =	sle.u32 s7, $0x1;
	[sflag:s3] =	ssyncset.done @!p0 $0x0  }
0x11b: {  	s17 =	simm.s32 @!p3 $0x1;
	s16 =	simm.s32 @!p2 $0x18C80;
	[sflag:s3] =	ssyncadd.s32 @!p0 $0xFFFFEC00  }
0x11c: {  	s14 =	simm.s32 @!p2 $0x1CD00;
	s3 =	simm.s32 @!p2 $0x80;
	[bflag:$0x0] =	sbarrier.arrive $0xFFFF  }
0x11d: {  	[tilespmem:s16], [sflag:$0x2] =	stream.indirect.gather @!p2 [hbm4b:s6+s3], $0x80, s14, s3, $0xb8;
	[tilespmem:$0x1F480] =	vst v63  }
0x11e: {  	_ =	swait.ge @!p3 [sflag:s17], $0x4000  }
0x11f: {  	s22 =	simm.s32 @!p3 $0x14C80;
	[sflag:s17] =	ssyncset.done @!p3 $0x0  }
0x120: {  	s14 =	simm.s32 @!p3 $0x1E080;
	[sflag:s17] =	ssyncadd.s32 @!p3 $0xFFFFC000;
	s17 =	simm.s32 @!p3 $0x80  }
0x121: {  	[spmem:s2] =	stream.indirect.scatter.add.f32 @!p3 [tilespmem:s22], [sflag:$0x5], $0x80, s14, s17, $0xb8;
	[tilespmem:$0x1F480] =	vst v63  }
0x122: {  	s14 =	simm.s32 @!p3 $0x5  }
0x123: {  	p1 =	sle.u32 s7, $0x2;
	_ =	swait.ge @!p3 [sflag:s14], $0x4000  }
0x124: {  	s17 =	simm.s32 @!p1 $0x80;
	[sflag:s14] =	ssyncset.done @!p3 $0x0  }
0x125: {  	s22 =	simm.s32 @!p1 $0x14C80;
	[sflag:s14] =	ssyncadd.s32 @!p3 $0xFFFFC000;
	s14 =	simm.s32 @!p1 $0x1CD80  }
0x126: {  	[tilespmem:s22], [sflag:$0x1] =	stream.indirect.gather @!p1 [hbm4b:s6+s17], $0x80, s14, s17, $0xb8;
	[tilespmem:$0x1F480] =	vst v63  }
0x127: {  	s14 =	simm.s32 @!p2 $0x2  }
0x128: {  	p3 =	por p2, p2;
	_ =	swait.ge @!p2 [sflag:s14], $0x4000  }
0x129: {  	[sflag:s14] =	ssyncset.done @!p3 $0x0  }
0x12a: {  	s17 =	simm.s32 @!p2 $0x1E100;
	[sflag:s14] =	ssyncadd.s32 @!p3 $0xFFFFC000  }
0x12b: {  	[spmem:s2] =	stream.indirect.scatter.add.f32 @!p3 [tilespmem:s16], [sflag:$0x4], $0x80, s17, s3, $0xb8;
	[tilespmem:$0x1F480] =	vst v63  }
0x12c: {  	s24 =	simm.s32 $0x800;
	s23 =	simm.s32 $0x400;
	s16 =	simm.s32 @!p3 $0x4  }
0x12d: {  	s22 =	simm.s32 $0x2;
	s17 =	simm.s32 $0x3;
	_ =	swait.ge @!p3 [sflag:s16], $0x4000  }
.LBB2_4:
0x12e: {  	p4 =	por p1, p1;
	s22 =	sadd.s32 $0x2, s22  }
0x12f: {  	p2 =	sge.u32 s17, s7;
	s3 =	smov.u32 s24;
	[sflag:s16] =	ssyncset.done @!p3 $0x0  }
0x130: {  	s14 =	sshra.s32 @!p2 s23, $0x2;
	s17 =	simm.s32 @!p2 $0x80;
	[sflag:s16] =	ssyncadd.s32 @!p3 $0xFFFFC000  }
0x131: {  	s25 =	simm.s32 @!p1 $0x1;
	s28 =	simm.s32 @!p2 $0x18C80;
	s16 =	sadd.s32 @!p2 $0x1CD00, s14  }
0x132: {  	[tilespmem:s28], [sflag:$0x2] =	stream.indirect.gather @!p2 [hbm4b:s6+s17], $0x80, s16, s17, $0xb8;
	[tilespmem:$0x1F480] =	vst v63  }
0x133: {  	s14 =	sadd.s32 @!p2 $0x1E100, s14;
	s16 =	sshra.s32 @!p1 s23, $0x2;
	_ =	swait.ge @!p1 [sflag:s25], $0x4000  }
0x134: {  	s26 =	simm.s32 @!p1 $0x5;
	s16 =	sadd.s32 @!p1 $0x1E080, s16;
	[sflag:s25] =	ssyncset.done @!p1 $0x0  }
0x135: {  	s29 =	simm.s32 @!p1 $0x14C80;
	[sflag:s25] =	ssyncadd.s32 @!p1 $0xFFFFC000;
	s25 =	simm.s32 @!p1 $0x80  }
0x136: {  	[spmem:s2] =	stream.indirect.scatter.add.f32 @!p1 [tilespmem:s29], [sflag:$0x5], $0x80, s16, s25, $0xb8;
	[tilespmem:$0x1F480] =	vst v63  }
0x137: {  	s24 =	sadd.s32 $0x400, s24;
	_ =	swait.ge @!p1 [sflag:s26], $0x4000;
	p1 =	sge.u32 s22, s7  }
0x138: {  	[sflag:s26] =	ssyncset.done @!p4 $0x0;
	s16 =	sshra.s32 @!p1 s23, $0x2;
	s25 =	simm.s32 @!p1 $0x80  }
0x139: {  	s29 =	simm.s32 @!p2 $0x2;
	[sflag:s26] =	ssyncadd.s32 @!p4 $0xFFFFC000;
	s16 =	sadd.s32 @!p1 $0x1CD80, s16  }
0x13a: {  	s23 =	smov.u32 s3;
	p4 =	sne.s32 s24, $0x5000;
	s26 =	simm.s32 @!p1 $0x14C80  }
0x13b: {  	[tilespmem:s26], [sflag:$0x1] =	stream.indirect.gather @!p1 [hbm4b:s6+s25], $0x80, s16, s25, $0xb8;
	[tilespmem:$0x1F480] =	vst v63  }
.Ltmp1:
0x13c: {  	p3 =	por p2, p2;
	_ =	swait.ge @!p2 [sflag:s29], $0x4000;
	(pc) =	sbr.rel @p4 .LBB2_4-.Ltmp1, $4  }
0x13d: {  	s16 =	simm.s32 @!p3 $0x4;
	[sflag:s29] =	ssyncset.done @!p3 $0x0  }
0x13e: {  	[sflag:s29] =	ssyncadd.s32 @!p3 $0xFFFFC000  }
0x13f: {  	[spmem:s2] =	stream.indirect.scatter.add.f32 @!p3 [tilespmem:s28], [sflag:$0x4], $0x80, s14, s17, $0xb8;
	[tilespmem:$0x1F480] =	vst v63  }
0x140: {  	s17 =	sadd.s32 $0x1, s22;
	_ =	swait.ge @!p3 [sflag:s16], $0x4000  }
0x141: {  	p2 =	sge.u32 s17, s7;
	[sflag:s16] =	ssyncset.done @!p3 $0x0  }
0x142: {  	s24 =	simm.s32 @!p1 $0x1;
	s3 =	sshra.s32 @!p2 s23, $0x2;
	s14 =	simm.s32 @!p2 $0x80  }
0x143: {  	[sflag:s16] =	ssyncadd.s32 @!p3 $0xFFFFC000;
	s17 =	simm.s32 @!p2 $0x18C80;
	s16 =	sadd.s32 @!p2 $0x1CD00, s3  }
0x144: {  	[tilespmem:s17], [sflag:$0x2] =	stream.indirect.gather @!p2 [hbm4b:s6+s14], $0x80, s16, s14, $0xb8;
	[tilespmem:$0x1F480] =	vst v63  }
0x145: {  	_ =	swait.ge @!p1 [sflag:s24], $0x4000  }
0x146: {  	s16 =	sshra.s32 @!p1 s23, $0x2;
	[sflag:s24] =	ssyncset.done @!p1 $0x0  }
0x147: {  	s28 =	simm.s32 @!p1 $0x5;
	s16 =	sadd.s32 @!p1 $0x1E080, s16;
	[sflag:s24] =	ssyncadd.s32 @!p1 $0xFFFFC000  }
0x148: {  	[spmem:s2] =	stream.indirect.scatter.add.f32 @!p1 [tilespmem:s26], [sflag:$0x5], $0x80, s16, s25, $0xb8;
	[tilespmem:$0x1F480] =	vst v63  }
0x149: {  	s25 =	sadd.s32 $0x2, s22;
	_ =	swait.ge @!p1 [sflag:s28], $0x4000  }
0x14a: {  	p3 =	sge.u32 s25, s7;
	[sflag:s28] =	ssyncset.done @!p1 $0x0  }
0x14b: {  	s16 =	sshra.s32 @!p3 s23, $0x2;
	s22 =	simm.s32 @!p3 $0x80;
	s23 =	simm.s32 @!p2 $0x2  }
0x14c: {  	s24 =	simm.s32 @!p3 $0x14C80;
	[sflag:s28] =	ssyncadd.s32 @!p1 $0xFFFFC000;
	s16 =	sadd.s32 @!p3 $0x1CD80, s16  }
0x14d: {  	[tilespmem:s24], [sflag:$0x1] =	stream.indirect.gather @!p3 [hbm4b:s6+s22], $0x80, s16, s22, $0xb8;
	[tilespmem:$0x1F480] =	vst v63  }
0x14e: {  	p1 =	por p2, p2;
	_ =	swait.ge @!p2 [sflag:s23], $0x4000  }
0x14f: {  	[sflag:s23] =	ssyncset.done @!p1 $0x0  }
0x150: {  	s3 =	sadd.s32 @!p2 $0x1E100, s3;
	s16 =	simm.s32 @!p1 $0x4;
	[sflag:s23] =	ssyncadd.s32 @!p1 $0xFFFFC000  }
0x151: {  	[spmem:s2] =	stream.indirect.scatter.add.f32 @!p1 [tilespmem:s17], [sflag:$0x4], $0x80, s3, s14, $0xb8;
	[tilespmem:$0x1F480] =	vst v63  }
0x152: {  	_ =	swait.ge @!p1 [sflag:s16], $0x4000  }
0x153: {  	[sflag:s16] =	ssyncset.done @!p1 $0x0  }
0x154: {  	[sflag:s16] =	ssyncadd.s32 @!p1 $0xFFFFC000  }
0x155: {  	[bflag:$0x0] =	sbarrier.arrive $0xFFFF  }
0x156: {  	s3 =	simm.s32 @p0 $0x1FC4;
	s14 =	rddreg [dreg:$0xa]  }
0x157: {  	[hbm:s14], [sflag:s3] =	dma.local @p0 [spmem:s19], $0x1900  }
0x158: {  	s3 =	simm.s32 @p0 $0x4  }
0x159: {  	_ =	swait.ge @p0 [sflag:s3], $0x1900  }
0x15a: {  	[sflag:s3] =	ssyncset.done @p0 $0x0  }
0x15b: {  	[sflag:s3] =	ssyncadd.s32 @p0 $0xFFFFE700;
	s3 =	rddreg [dreg:$0x9]  }
0x15c: {  	[hbm:s3], [sflag:s20] =	dma.local @!p0 [spmem:s21], $0x2800  }
0x15d: {  	s3 =	simm.s32 @!p0 $0x4  }
0x15e: {  	_ =	swait.ge @!p0 [sflag:s3], $0x2800  }
0x15f: {  	s18 =	sadd.s32 $0x1, s18;
	s26 =	rddreg [dreg:$0xb]  }
0x160: {  	p1 =	sne.s32 s18, s26  }
.Ltmp2:
0x161: {  	_ = 	snop;
	(pc) =	sbr.rel @p1 .LBB2_1-.Ltmp2, $3  }
0x162: {  	_ =	sdelay $0x1  }
0x163: {  	s29 =	smov.u32 s31;
	s31 =	simm.s32 $0x80;
	[sflag:s3] =	ssyncset.done @!p0 $0x0  }
0x164: {  	s28 =	smov.u32 s30;
	s30 =	simm.s32 $0x1CC80;
	[sflag:s3] =	ssyncadd.s32 @!p0 $0xFFFFD800  }
0x165: {  	_ =	sfence.sel $0x180000  }
0x166: {  	[bflag:$0x0] =	sbarrier.arrive $0xFFFF  }
0x167: {  	_ =	strace $0x9000004A  }
0x168: {  	s0 =	stileid.u32;
	[bflag:$0x2] =	sbarrier.arrive $0xFFFF  }
0x169: {  	p0 =	sne.s32 s0, $0x0;
	s0 =	rddreg [dreg:$0x3]  }
0x16a: {  	s0 =	sadd.s32 @!p0 $0x100000, s0  }
0x16b: {  	[sflag:s0] =	ssyncadd.tile.s32 @!p0 $0x1;
	_ =	shalt  }
.Lfunc_end2:
_tile_overlayer_lowered:
.L_overlay_start_2:
0x16c: {  	(tag) =	ssettag $0x2  }
0x16d: {  	s0 =	rddreg [dreg:$0x0];
	s2 =	stileid.u32  }
0x16e: {  	s1 =	rddreg [dreg:$0x1];
	p0 =	sne.s32 s2, $0x0  }
0x16f: {  	s3 =	rddreg [dreg:$0x2];
	[bflag:$0x3] =	sbarrier.arrive $0xFFFF;
	s2 =	simm.s32 @!p0 $0x1C04  }
0x170: {  	[timem:s3], [sflag:s2] =	dma.local @!p0 [hbm:s0], s1  }
0x171: {  	s0 =	simm.s32 @!p0 $0x4  }
0x172: {  	_ =	swait.ge @!p0 [sflag:s0], s1  }
0x173: {  	s1 =	ssub.s32 @!p0 $0x0, s1;
	[sflag:s0] =	ssyncset.done @!p0 $0x0  }
0x174: {  	[sflag:s0] =	ssyncadd.s32 @!p0 s1  }
0x175: {  	[bflag:$0x3] =	sbarrier.arrive $0xFFFF  }
0x176: {  	_ =	shalt  }

// kernel: kernel.16.cloned.1.call-start
scs
__scs_entry_jumppad:
0x0: {  	(pc) =	sbr.rel $0x88, $3  }
0x1: {  	(tag) =	ssettag $0x0;
	lr =	simm.s32 $0x1  }
0x2: {  	[smem:$0x3F99] =	sst lr;
	_ =	strace $0xD0000000  }
0x3: {  	_ = 	snop  }
0x4: {  	_ = 	snop  }
0x5: {  	_ = 	snop  }
0x6: {  	_ = 	snop  }
0x7: {  	_ = 	snop  }
__scs_overlays_trampoline_lowered:
0x8: {  	[smem:$0x3FA8] =	sst s0  }
0x9: {  	[smem:$0x3FA9] =	sst s1  }
0xa: {  	[smem:$0x3FAA] =	sst s2  }
0xb: {  	[smem:$0x3FAB] =	sst s3  }
0xc: {  	[smem:$0x3FAC] =	sst s4  }
0xd: {  	[smem:$0x3FAD] =	sst s5  }
0xe: {  	[smem:$0x3FAE] =	sst s6  }
0xf: {  	[smem:$0x3FAF] =	sst s7  }
0x10: {  	[smem:$0x3FB0] =	sst s8  }
0x11: {  	[smem:$0x3FB1] =	sst s9;
	s0 =	simm.s32 @!p0 $0x0  }
0x12: {  	s1 =	sld [smem:$0x3F97];
	s0 =	simm.s32 @p0 $0x1  }
0x13: {  	[smem:$0x3FB2] =	sst s0;
	s0 =	simm.s32 @!p1 $0x0  }
0x14: {  	s2 =	sld [smem:$0x3F96];
	s0 =	simm.s32 @p1 $0x1  }
0x15: {  	[smem:$0x3FB3] =	sst s0;
	s0 =	simm.s32 @!p2 $0x0  }
0x16: {  	s3 =	sld [smem:$0x3FDB];
	s0 =	simm.s32 @p2 $0x1  }
0x17: {  	s4 =	simm.s32 $0x1BF5;
	[smem:$0x3FB5] =	sst s0  }
0x18: {  	s0 =	sld [smem:$0x3F98];
	_ =	swait.ge [sflag:s4], $0x0  }
0x19: {  	s7 =	sld [smem:$0x3F99]  }
0x1a: {  	s8 =	sadd.s32 $0xFFFFE003, lr  }
0x1b: {  	s9 =	sadd.s32 $0xFFFFFEF7, lr;
	s5 =	simm.s32 $0xFFFFFFFF;
	p2 =	slt.u32 s8, $0xFFFFF086  }
0x1c: {  	p1 =	slt.u32 s9, $0xF7A;
	s5 =	simm.s32 @!p2 $0x0  }
0x1d: {  	s5 =	simm.s32 @p1 $0x1;
	p0 =	seq.s32 s7, s2  }
0x1e: {  	s7 =	smul.u32 @!p0 $0xF7A, s2;
	p2 =	seq.s32 @!p0 s5, $0x0  }
0x1f: {  	s9 =	smul.u32 $0xF7A, s1;
	s8 =	simm.s32 @!p0 $0x1BF5;
	p2 =	por !p2, p0  }
0x20: {  	[sflag:s8] =	ssyncset.s32 @!p0 $0xFFFFF086;
	s6 =	sadd.s32 @!p0 s3, s7;
	s7 =	simm.s32 @!p0 $0x108  }
0x21: {  	s3 =	sadd.s32 s3, s9;
	s6 =	sadd.s32 @!p0 $0x88, s6;
	s7 =	simm.s32 @p2 $0x1082  }
0x22: {  	[simem:s7], [sflag:s8] =	dma.local @!p0 [hbm:s6], $0xF7A  }
0x23: {  	s9 =	sor.u32 $0xD0000000, s2;
	s6 =	simm.s32 $0x108;
	_ =	swait.ge @!p0 [sflag:s8], $0x0  }
0x24: {  	s3 =	sadd.s32 $0x88, s3;
	s6 =	simm.s32 @!p1 $0x1082;
	[sflag:s4] =	ssyncset.s32 $0xFFFFF086  }
0x25: {  	[simem:s6], [sflag:s4] =	dma.local [hbm:s3], $0xF7A  }
0x26: {  	[smem:$0x3F99] =	sst s1;
	(tag) =	ssettag s2;
	_ =	strace s9  }
0x27: {  	s1 =	sld [smem:$0x3FA9]  }
0x28: {  	s2 =	sld [smem:$0x3FAA]  }
0x29: {  	s4 =	sld [smem:$0x3FAC]  }
0x2a: {  	p0 =	seq.s32 s5, $0x0;
	s5 =	sld [smem:$0x3FAD]  }
0x2b: {  	s6 =	sld [smem:$0x3FAE]  }
0x2c: {  	s7 =	sld [smem:$0x3FAF]  }
0x2d: {  	s3 =	simm.s32 $0x108;
	s8 =	sld [smem:$0x3FB0]  }
0x2e: {  	s3 =	simm.s32 @!p0 $0x1082;
	s9 =	sld [smem:$0x3FB1]  }
0x2f: {  	lr =	sadd.s32 s0, s3;
	s0 =	sld [smem:$0x3FA8]  }
0x30: {  	s3 =	sld [smem:$0x3FAB]  }
0x31: {  	[smem:$0x3FB4] =	sst s10  }
0x32: {  	s10 =	sld [smem:$0x3FB2];
	_ =	sdelay $0x3  }
0x33: {  	p0 =	seq.s32 s10, $0x1;
	s10 =	sld [smem:$0x3FB4];
	_ =	sdelay $0x3  }
0x34: {  	[smem:$0x3FB4] =	sst s10  }
0x35: {  	s10 =	sld [smem:$0x3FB3];
	_ =	sdelay $0x3  }
0x36: {  	p1 =	seq.s32 s10, $0x1;
	s10 =	sld [smem:$0x3FB4];
	_ =	sdelay $0x3  }
0x37: {  	[smem:$0x3FB4] =	sst s10  }
0x38: {  	s10 =	sld [smem:$0x3FB5]  }
0x39: {  	_ = 	snop;
	(pc) =	sbr.ind lr, $3  }
0x3a: {  	_ = 	snop  }
0x3b: {  	_ = 	snop  }
0x3c: {  	p2 =	seq.s32 s10, $0x1;
	s10 =	sld [smem:$0x3FB4]  }
0x3d: {  	_ =	shalt  }
0x3e: {  	_ =	shalt  }
0x3f: {  	_ =	shalt  }
0x40: {  	_ =	shalt  }
0x41: {  	_ =	shalt  }
0x42: {  	_ =	shalt  }
0x43: {  	_ =	shalt  }
0x44: {  	_ =	shalt  }
0x45: {  	_ =	shalt  }
0x46: {  	_ =	shalt  }
0x47: {  	_ =	shalt  }
0x48: {  	_ =	shalt  }
0x49: {  	_ =	shalt  }
0x4a: {  	_ =	shalt  }
0x4b: {  	_ =	shalt  }
0x4c: {  	_ =	shalt  }
0x4d: {  	_ =	shalt  }
0x4e: {  	_ =	shalt  }
0x4f: {  	_ =	shalt  }
0x50: {  	_ =	shalt  }
0x51: {  	_ =	shalt  }
0x52: {  	_ =	shalt  }
0x53: {  	_ =	shalt  }
0x54: {  	_ =	shalt  }
0x55: {  	_ =	shalt  }
0x56: {  	_ =	shalt  }
0x57: {  	_ =	shalt  }
0x58: {  	_ =	shalt  }
0x59: {  	_ =	shalt  }
0x5a: {  	_ =	shalt  }
0x5b: {  	_ =	shalt  }
0x5c: {  	_ =	shalt  }
0x5d: {  	_ =	shalt  }
0x5e: {  	_ =	shalt  }
0x5f: {  	_ =	shalt  }
0x60: {  	_ =	shalt  }
0x61: {  	_ =	shalt  }
0x62: {  	_ =	shalt  }
0x63: {  	_ =	shalt  }
0x64: {  	_ =	shalt  }
0x65: {  	_ =	shalt  }
0x66: {  	_ =	shalt  }
0x67: {  	_ =	shalt  }
0x68: {  	_ =	shalt  }
0x69: {  	_ =	shalt  }
0x6a: {  	_ =	shalt  }
0x6b: {  	_ =	shalt  }
0x6c: {  	_ =	shalt  }
0x6d: {  	_ =	shalt  }
0x6e: {  	_ =	shalt  }
0x6f: {  	_ =	shalt  }
0x70: {  	_ =	shalt  }
0x71: {  	_ =	shalt  }
0x72: {  	_ =	shalt  }
0x73: {  	_ =	shalt  }
0x74: {  	_ =	shalt  }
0x75: {  	_ =	shalt  }
0x76: {  	_ =	shalt  }
0x77: {  	_ =	shalt  }
0x78: {  	_ =	shalt  }
0x79: {  	_ =	shalt  }
0x7a: {  	_ =	shalt  }
0x7b: {  	_ =	shalt  }
0x7c: {  	_ =	shalt  }
0x7d: {  	_ =	shalt  }
0x7e: {  	_ =	shalt  }
0x7f: {  	_ =	shalt  }
0x80: {  	_ =	shalt  }
0x81: {  	_ =	shalt  }
0x82: {  	_ =	shalt  }
0x83: {  	_ =	shalt  }
0x84: {  	_ =	shalt  }
0x85: {  	_ =	shalt  }
0x86: {  	_ =	shalt  }
0x87: {  	_ =	shalt  }
.Lfunc_end0:
.L_simem_size_0:
called_computation.2_lowered:
.L_overlay_start_0:
0x88: {  	s2 =	sld [smem:$0x3FD9]  }
0x89: {  	s3 =	sld [smem:$0x3FFE];
	_ =	sdelay $0x1  }
0x8a: {  	s1 =	srdreg.scid  }
0x8b: {  	s0 =	sand.u32 $0x1, s1  }
0x8c: {  	s17 =	sshll.u32 s0, $0xA;
	s2 =	sadd.s32 s3, s2  }
0x8d: {  	s2 =	sadd.s32 s2, s17  }
0x8e: {  	[smem:$0x3FC0] =	sst s2  }
0x8f: {  	_ = 	snop  }
0x90: {  	s2 =	sld [smem:$0x3FD0];
	(tm) =	ssettm $0x1  }
0x91: {  	s18 =	sld [smem:$0x3FFB];
	_ =	sdelay $0x3  }
0x92: {  	_ =	strace s18  }
0x93: {  	s3 =	sld [smem:$0x3FFC];
	_ =	sdelay $0x3  }
0x94: {  	_ =	strace s3  }
0x95: {  	s3 =	sld [smem:$0x3FFD];
	_ =	sdelay $0x3  }
0x96: {  	_ =	strace s3  }
0x97: {  	_ =	strace $0x8FFFFFFF  }
0x98: {  	s19 =	sld [smem:$0x3FDB];
	_ =	sdelay $0x1  }
0x99: {  	s4 =	simm.s32 $_scs_section_size  }
0x9a: {  	s5 =	simm.s32 $_size__tile_overlayer_lowered;
	s6 =	simm.s32 $_tile_overlayer_lowered  }
0x9b: {  	s22 =	simm.s32 $0x1BFF;
	s21 =	sshll.u32 s6, $0x1;
	s3 =	sadd.s32 s4, s19  }
0x9c: {  	s7 =	simm.s32 $0x0;
	s20 =	sshll.u32 s5, $0x1;
	s5 =	sadd.s32 s21, s3  }
0x9d: {  	[timem:s7], [sflag:s22] =	dma.local [hbm:s5], s20  }
0x9e: {  	_ =	swait.ge [sflag:s22], s20  }
0x9f: {  	s4 =	ssub.s32 $0x0, s20;
	[sflag:s22] =	ssyncset.done $0x0  }
0xa0: {  	[sflag:s22] =	ssyncadd.s32 s4;
	_ =	sdelay $0x1  }
0xa1: {  	s23 =	simm.s32 $0x1B8B  }
0xa2: {  	_ =	swait.ge [sflag:s23], $0x1  }
0xa3: {  	[sflag:s23] =	ssyncset.done $0x0  }
0xa4: {  	s25 =	simm.s32 $0x1B8E;
	s24 =	sld [smem:$0x3FFE];
	[sflag:s23] =	ssyncadd.s32 $0xFFFFFFFF  }
0xa5: {  	s26 =	simm.s32 $execute0_lowered;
	[smem:$0x3FD2] =	sst s25  }
0xa6: {  	s5 =	sshll.u32 s26, $0x1;
	_ =	strace $0x8000004C;
	[dreg:$0x1] =	wrdreg $0xFFFFFFFF  }
0xa7: {  	s28 =	simm.s32 $_size_execute0_lowered;
	s3 =	sadd.s32 s3, s5;
	[dreg:$0x0] =	wrdreg $0x0  }
0xa8: {  	s5 =	sshll.u32 s28, $0x1;
	[dreg:$0x2] =	wrdreg s3  }
0xa9: {  	[dreg:$0x3] =	wrdreg s5  }
0xaa: {  	[dreg:$0x4] =	wrdreg $0xC0  }
0xab: {  	_ =	task [dreg:s7], $0x5FFFF  }
0xac: {  	[dreg:$0x1] =	wrdreg $0xFFFFFFFF  }
0xad: {  	[dreg:$0x0] =	wrdreg $0x60  }
0xae: {  	[dreg:$0x2] =	wrdreg s2  }
0xaf: {  	[dreg:$0x3] =	wrdreg s24  }
0xb0: {  	[dreg:$0x4] =	wrdreg $0x0  }
0xb1: {  	[dreg:$0x5] =	wrdreg $0x9  }
0xb2: {  	_ =	task.clear_ibuf [dreg:s7], $0x6FFFF;
	_ =	strace $0x9000004C  }
0xb3: {  	s29 =	simm.s32 $0x9;
	_ =	strace $0x8000004E  }
0xb4: {  	_ =	swait.ge [sflag:s29], $0x1  }
0xb5: {  	[sflag:s29] =	ssyncadd.s32 $0xFFFFFFFF  }
0xb6: {  	_ =	strace $0x9000004E  }
0xb7: {  	_ =	sfence  }
0xb8: {  	s30 =	sld [smem:$0x0];
	_ =	sdelay $0x2  }
0xb9: {  	s31 =	sshll.u32 s1, $0xD;
	s1 =	sshrl.u32 s1, $0x2  }
0xba: {  	s3 =	sand.u32 $0x4000, s31;
	s1 =	sadd.s32 s1, s30  }
0xbb: {  	s0 =	sor.u32 s3, s0;
	s1 =	sshll.u32 s1, $0x11  }
0xbc: {  	s0 =	sor.u32 s1, s0  }
0xbd: {  	s0 =	sadd.s32 $0x8F2B, s0  }
0xbe: {  	[sflag:s0] =	ssyncadd.remote.s32 $0x1  }
0xbf: {  	_ =	sfence.sel $0xFFFF  }
0xc0: {  	[dreg:$0x0] =	wrdreg $0xFFFFFFFF;
	(pc) =	sbr.abs _section_cstart, $3  }
0xc1: {  	[dreg:$0x1] =	wrdreg $0xFFFFFFFF  }
0xc2: {  	_ =	task.clear_ibuf [dreg:s7], $0x2FFFF;
	_ =	strace $0x9FFFFFFF  }
0xc3: {  	(tm) =	ssettm $0x7FFFFFFF  }
tec
execute0_lowered:
.L_overlay_start_1:
0x0: {  	(tag) =	ssettag $0x1  }
0x1: {  	s0 =	rddreg [dreg:$0x0]  }
0x2: {  	s1 =	rddreg [dreg:$0x1]  }
0x3: {  	s2 =	rddreg [dreg:$0x2]  }
0x4: {  	s4 =	simm.s32 $0x0;
	s3 =	srdreg.scid;
	s17 =	stileid.u32  }
0x5: {  	[smem:$0x7FF] =	sst s4;
	s3 =	sand.u32 $0x1, s3;
	s19 =	sshll.u32 s17, $0x1  }
0x6: {  	s5 =	sadd.s32 $0x9000, s1;
	s6 =	sadd.s32 $0x30600, s1;
	s7 =	sadd.s32 $0x7EA00, s1  }
0x7: {  	s8 =	sadd.s32 $0xA5C00, s1;
	s11 =	sadd.s32 $0xCCE00, s1;
	s16 =	smul.u32 $0x14000, s17  }
0x8: {  	s12 =	sadd.s32 $0x11B000, s1;
	s14 =	sadd.s32 $0x169200, s1;
	s20 =	smul.u32 $0x50000, s17  }
0x9: {  	s4 =	sor.u32 s3, s19;
	s9 =	ssub.s32 $0x2, s3;
	s3 =	smul.u32 $0x138800, s3  }
0xa: {  	_ =	strace $0x8000004D;
	[dreg:$0x4] =	wrdreg s5;
	s10 =	smul.u32 $0x280, s4  }
0xb: {  	s5 =	sadd.s32 $0x9400, s1;
	s4 =	smul.u32 $0xFFFFFFD8, s4;
	s15 =	sshrl.u32 s9, $0x1  }
0xc: {  	s22 =	sshrl.u32 s20, $0x2;
	s15 =	ssub.s32 s9, s15;
	s21 =	sadd.s32 s16, s3  }
0xd: {  	s3 =	sshrl.u32 s3, $0x3;
	s13 =	sadd.s32 s10, s1;
	s0 =	sadd.s32 s0, s10  }
0xe: {  	s3 =	sadd.s32 $0x25800, s3;
	s13 =	sadd.s32 $0x4000, s13;
	[dreg:$0x6] =	wrdreg s0  }
0xf: {  	s1 =	sadd.s32 $0x1B7400, s1;
	s24 =	sadd.s32 s11, s3;
	[dreg:$0x5] =	wrdreg s13  }
0x10: {  	p0 =	slt.s32 s4, $0xFFFFFB46;
	s26 =	sadd.s32 s12, s3;
	[dreg:$0x8] =	wrdreg s24  }
0x11: {  	s10 =	sadd.s32 $0x37000, s20;
	s29 =	sadd.s32 s14, s3;
	[dreg:$0xa] =	wrdreg s26  }
0x12: {  	s0 =	sshrl.u32 s21, $0x3;
	s30 =	sadd.s32 s1, s3;
	[dreg:$0xc] =	wrdreg s29  }
0x13: {  	s4 =	simm.s32 @!p0 $0xFFFFFB46;
	s23 =	sadd.s32 s11, s0;
	[dreg:$0xe] =	wrdreg s30  }
0x14: {  	s3 =	sshrl.u32 s10, $0x2;
	s25 =	sadd.s32 s12, s0;
	[dreg:$0x7] =	wrdreg s23  }
0x15: {  	p0 =	seq.s32 s17, $0xF;
	s28 =	sadd.s32 s14, s0;
	[dreg:$0x9] =	wrdreg s25  }
0x16: {  	s9 =	sadd.s32 $0x4E2, s4;
	s0 =	sadd.s32 s1, s0;
	[dreg:$0xb] =	wrdreg s28  }
0x17: {  	s13 =	sadd.s32 s22, s2;
	s1 =	smax.u32 s15, $0x1;
	[dreg:$0xd] =	wrdreg s0  }
0x18: {  	s11 =	sadd.s32 $0x3C000, s20;
	s10 =	simm.s32 @p0 $0x4E7000;
	[dreg:$0x11] =	wrdreg s1  }
0x19: {  	s4 =	sadd.s32 $0x4B000, s20;
	s0 =	sadd.s32 s3, s2;
	[dreg:$0xf] =	wrdreg s10  }
0x1a: {  	s17 =	sshrl.u32 s4, $0x2;
	s4 =	simm.s32 @p0 $0x4FB000;
	[dreg:$0x12] =	wrdreg s0  }
0x1b: {  	s12 =	sshrl.u32 s11, $0x2;
	s11 =	simm.s32 @p0 $0x4EC000;
	[dreg:$0x16] =	wrdreg s4  }
0x1c: {  	s21 =	sadd.s32 $0x2800, s13;
	[dreg:$0x10] =	wrdreg s11  }
0x1d: {  	s22 =	sadd.s32 $0x3C00, s13;
	[dreg:$0x1b] =	wrdreg s21  }
0x1e: {  	s23 =	sadd.s32 $0x5000, s13;
	[dreg:$0x1c] =	wrdreg s22  }
0x1f: {  	s24 =	sadd.s32 $0x6400, s13;
	[dreg:$0x1d] =	wrdreg s23  }
0x20: {  	s25 =	sadd.s32 $0x7800, s13;
	[dreg:$0x1e] =	wrdreg s24  }
0x21: {  	s26 =	sadd.s32 $0x8C00, s13;
	[dreg:$0x1f] =	wrdreg s25  }
0x22: {  	s28 =	sadd.s32 $0xA000, s13;
	[smem:$0x7FA] =	sst s26  }
0x23: {  	s29 =	sadd.s32 $0xB400, s13;
	[smem:$0x7FB] =	sst s28  }
0x24: {  	s30 =	sadd.s32 $0xC800, s13;
	[smem:$0x7FC] =	sst s29  }
0x25: {  	s31 =	sadd.s32 $0x1400, s13;
	s14 =	sadd.s32 s12, s2;
	[smem:$0x7FD] =	sst s30  }
0x26: {  	s12 =	sadd.s32 $0x41000, s20;
	s19 =	sadd.s32 s17, s2;
	[dreg:$0x13] =	wrdreg s14  }
0x27: {  	s15 =	sshrl.u32 s12, $0x2;
	[dreg:$0x19] =	wrdreg s19;
	s12 =	simm.s32 @p0 $0x4F1000  }
0x28: {  	s14 =	sadd.s32 $0x46000, s20;
	s20 =	sadd.s32 $0x12C000, s2;
	[dreg:$0x14] =	wrdreg s12  }
0x29: {  	s23 =	simm.s32 $0x4;
	s0 =	sadd.s32 s15, s2;
	[dreg:$0x1a] =	wrdreg s20  }
0x2a: {  	s16 =	sshrl.u32 s14, $0x2;
	s14 =	simm.s32 @p0 $0x4F6000;
	[dreg:$0x17] =	wrdreg s0  }
0x2b: {  	s25 =	simm.s32 $0x3;
	s18 =	sadd.s32 s16, s2;
	[dreg:$0x15] =	wrdreg s14  }
0x2c: {  	s20 =	simm.s32 $0x13880;
	s0 =	simm.s32 $0x0;
	[dreg:$0x18] =	wrdreg s18  }
.LBB2_1:
0x2d: {  	s3 =	simm.s32 $0x0;
	s1 =	rddreg [dreg:$0x4]  }
0x2e: {  	[tilespmem:s20], [sflag:$0x4] =	stream.linear.gather [hbm4b:s1+s3], $0x1400, $0x38;
	[tilespmem:$0x1F480] =	vst v63  }
0x2f: {  	_ =	swait.ge [sflag:s23], $0x1400  }
0x30: {  	[sflag:s23] =	ssyncset.done $0x0  }
0x31: {  	[sflag:s23] =	ssyncadd.s32 $0xFFFFEC00  }
0x32: {  	[spmem:s13] =	stream.linear.scatter [tilespmem:s20], [sflag:$0x3], $0x1400, $0x38;
	[tilespmem:$0x1F480] =	vst v63  }
0x33: {  	s12 =	rddreg [dreg:$0x1b]  }
0x34: {  	[spmem:s31] =	stream.linear.scatter [tilespmem:s20], [sflag:$0x3], $0x1400, $0x38;
	[tilespmem:$0x1F480] =	vst v63  }
0x35: {  	s14 =	rddreg [dreg:$0x1c]  }
0x36: {  	[spmem:s12] =	stream.linear.scatter [tilespmem:s20], [sflag:$0x3], $0x1400, $0x38;
	[tilespmem:$0x1F480] =	vst v63  }
0x37: {  	s15 =	rddreg [dreg:$0x1d]  }
0x38: {  	[spmem:s14] =	stream.linear.scatter [tilespmem:s20], [sflag:$0x3], $0x1400, $0x38;
	[tilespmem:$0x1F480] =	vst v63  }
0x39: {  	s16 =	rddreg [dreg:$0x1e]  }
0x3a: {  	[spmem:s15] =	stream.linear.scatter [tilespmem:s20], [sflag:$0x3], $0x1400, $0x38;
	[tilespmem:$0x1F480] =	vst v63  }
0x3b: {  	s17 =	rddreg [dreg:$0x1f]  }
0x3c: {  	[spmem:s16] =	stream.linear.scatter [tilespmem:s20], [sflag:$0x3], $0x1400, $0x38;
	[tilespmem:$0x1F480] =	vst v63  }
0x3d: {  	s18 =	sld [smem:$0x7FA]  }
0x3e: {  	[spmem:s17] =	stream.linear.scatter [tilespmem:s20], [sflag:$0x3], $0x1400, $0x38;
	[tilespmem:$0x1F480] =	vst v63  }
0x3f: {  	s19 =	sld [smem:$0x7FB]  }
0x40: {  	[spmem:s18] =	stream.linear.scatter [tilespmem:s20], [sflag:$0x3], $0x1400, $0x38;
	[tilespmem:$0x1F480] =	vst v63  }
0x41: {  	s21 =	sld [smem:$0x7FC]  }
0x42: {  	[spmem:s19] =	stream.linear.scatter [tilespmem:s20], [sflag:$0x3], $0x1400, $0x38;
	[tilespmem:$0x1F480] =	vst v63  }
0x43: {  	s4 =	sld [smem:$0x7FD]  }
0x44: {  	[spmem:s21] =	stream.linear.scatter [tilespmem:s20], [sflag:$0x3], $0x1400, $0x38;
	[tilespmem:$0x1F480] =	vst v63  }
0x45: {  	s1 =	simm.s32 @!p0 $0x13880  }
0x46: {  	[spmem:s4] =	stream.linear.scatter @!p0 [tilespmem:s1], [sflag:$0x3], $0x1400, $0x38;
	[tilespmem:$0x1F480] =	vst v63  }
0x47: {  	s4 =	rddreg [dreg:$0x12]  }
0x48: {  	[spmem:s4] =	stream.linear.scatter @!p0 [tilespmem:s1], [sflag:$0x3], $0x1400, $0x38;
	[tilespmem:$0x1F480] =	vst v63  }
0x49: {  	s4 =	rddreg [dreg:$0x13]  }
0x4a: {  	[spmem:s4] =	stream.linear.scatter @!p0 [tilespmem:s1], [sflag:$0x3], $0x1400, $0x38;
	[tilespmem:$0x1F480] =	vst v63  }
0x4b: {  	s4 =	rddreg [dreg:$0x17]  }
0x4c: {  	[spmem:s4] =	stream.linear.scatter @!p0 [tilespmem:s1], [sflag:$0x3], $0x1400, $0x38;
	[tilespmem:$0x1F480] =	vst v63  }
0x4d: {  	s4 =	rddreg [dreg:$0x18]  }
0x4e: {  	[spmem:s4] =	stream.linear.scatter @!p0 [tilespmem:s1], [sflag:$0x3], $0x1400, $0x38;
	[tilespmem:$0x1F480] =	vst v63  }
0x4f: {  	s4 =	rddreg [dreg:$0x19]  }
0x50: {  	[spmem:s4] =	stream.linear.scatter @!p0 [tilespmem:s1], [sflag:$0x3], $0x1400, $0x38;
	[tilespmem:$0x1F480] =	vst v63  }
0x51: {  	s24 =	simm.s32 $0x1E080;
	s22 =	rddreg [dreg:$0x5]  }
0x52: {  	[tilespmem:s24], [sflag:$0x4] =	stream.linear.gather [hbm4b:s22+s3], $0x1400, $0x38;
	[tilespmem:$0x1F480] =	vst v63  }
0x53: {  	_ =	swait.ge [sflag:s23], $0x1400  }
0x54: {  	[sflag:s23] =	ssyncset.done $0x0  }
0x55: {  	s28 =	simm.s32 $0x1CC80;
	s26 =	rddreg [dreg:$0x6];
	[sflag:s23] =	ssyncadd.s32 $0xFFFFEC00  }
0x56: {  	[tilespmem:s28], [sflag:$0x4] =	stream.linear.gather [hbm4b:s26+s3], $0x1400, $0x38;
	[tilespmem:$0x1F480] =	vst v63  }
0x57: {  	_ =	swait.ge [sflag:s23], $0x1400  }
0x58: {  	[sflag:s23] =	ssyncset.done $0x0  }
0x59: {  	[sflag:s23] =	ssyncadd.s32 $0xFFFFEC00  }
0x5a: {  	_ =	swait.ge [sflag:s25], $0x1400  }
0x5b: {  	[sflag:s25] =	ssyncset.done $0x0  }
0x5c: {  	[sflag:s25] =	ssyncadd.s32 $0xFFFFEC00  }
0x5d: {  	_ =	swait.ge [sflag:s25], $0x1400  }
0x5e: {  	[sflag:s25] =	ssyncset.done $0x0  }
0x5f: {  	[sflag:s25] =	ssyncadd.s32 $0xFFFFEC00  }
0x60: {  	_ =	swait.ge [sflag:s25], $0x1400  }
0x61: {  	[sflag:s25] =	ssyncset.done $0x0  }
0x62: {  	[sflag:s25] =	ssyncadd.s32 $0xFFFFEC00  }
0x63: {  	_ =	swait.ge [sflag:s25], $0x1400  }
0x64: {  	[sflag:s25] =	ssyncset.done $0x0  }
0x65: {  	[sflag:s25] =	ssyncadd.s32 $0xFFFFEC00  }
0x66: {  	_ =	swait.ge [sflag:s25], $0x1400  }
0x67: {  	[sflag:s25] =	ssyncset.done $0x0  }
0x68: {  	[sflag:s25] =	ssyncadd.s32 $0xFFFFEC00  }
0x69: {  	_ =	swait.ge [sflag:s25], $0x1400  }
0x6a: {  	[sflag:s25] =	ssyncset.done $0x0  }
0x6b: {  	[sflag:s25] =	ssyncadd.s32 $0xFFFFEC00  }
0x6c: {  	_ =	swait.ge [sflag:s25], $0x1400  }
0x6d: {  	[sflag:s25] =	ssyncset.done $0x0  }
0x6e: {  	[sflag:s25] =	ssyncadd.s32 $0xFFFFEC00  }
0x6f: {  	_ =	swait.ge [sflag:s25], $0x1400  }
0x70: {  	[sflag:s25] =	ssyncset.done $0x0  }
0x71: {  	[sflag:s25] =	ssyncadd.s32 $0xFFFFEC00  }
0x72: {  	_ =	swait.ge [sflag:s25], $0x1400  }
0x73: {  	[sflag:s25] =	ssyncset.done $0x0  }
0x74: {  	[sflag:s25] =	ssyncadd.s32 $0xFFFFEC00  }
0x75: {  	_ =	swait.ge [sflag:s25], $0x1400  }
0x76: {  	[sflag:s25] =	ssyncset.done $0x0  }
0x77: {  	s1 =	simm.s32 @!p0 $0x3;
	[sflag:s25] =	ssyncadd.s32 $0xFFFFEC00  }
0x78: {  	_ =	swait.ge @!p0 [sflag:s1], $0x1400  }
0x79: {  	[sflag:s1] =	ssyncset.done @!p0 $0x0  }
0x7a: {  	[sflag:s1] =	ssyncadd.s32 @!p0 $0xFFFFEC00  }
0x7b: {  	_ =	swait.ge @!p0 [sflag:s1], $0x1400  }
0x7c: {  	[sflag:s1] =	ssyncset.done @!p0 $0x0  }
0x7d: {  	[sflag:s1] =	ssyncadd.s32 @!p0 $0xFFFFEC00  }
0x7e: {  	_ =	swait.ge @!p0 [sflag:s1], $0x1400  }
0x7f: {  	[sflag:s1] =	ssyncset.done @!p0 $0x0  }
0x80: {  	[sflag:s1] =	ssyncadd.s32 @!p0 $0xFFFFEC00  }
0x81: {  	_ =	swait.ge @!p0 [sflag:s1], $0x1400  }
0x82: {  	[sflag:s1] =	ssyncset.done @!p0 $0x0  }
0x83: {  	[sflag:s1] =	ssyncadd.s32 @!p0 $0xFFFFEC00  }
0x84: {  	_ =	swait.ge @!p0 [sflag:s1], $0x1400  }
0x85: {  	[sflag:s1] =	ssyncset.done @!p0 $0x0  }
0x86: {  	[sflag:s1] =	ssyncadd.s32 @!p0 $0xFFFFEC00  }
0x87: {  	_ =	swait.ge @!p0 [sflag:s1], $0x1400  }
0x88: {  	s29 =	simm.s32 $0x80;
	[sflag:s1] =	ssyncset.done @!p0 $0x0  }
0x89: {  	s30 =	simm.s32 $0x14C80;
	p3 =	sle.u32 s9, $0x0;
	[sflag:s1] =	ssyncadd.s32 @!p0 $0xFFFFEC00  }
0x8a: {  	p2 =	sle.u32 s9, $0x1;
	s10 =	simm.s32 @!p3 $0x1;
	[bflag:$0x0] =	sbarrier.arrive $0xFFFF  }
0x8b: {  	[tilespmem:s30], [sflag:$0x1] =	stream.indirect.gather [hbm4b:s5+s29], $0x80, s28, s29, $0xb8;
	[tilespmem:$0x1F480] =	vst v63  }
0x8c: {  	s4 =	simm.s32 @!p2 $0x18C80;
	s3 =	simm.s32 @!p2 $0x1CD00;
	s1 =	simm.s32 @!p2 $0x80  }
0x8d: {  	[tilespmem:s4], [sflag:$0x2] =	stream.indirect.gather @!p2 [hbm4b:s5+s1], $0x80, s3, s1, $0xb8;
	[tilespmem:$0x1F480] =	vst v63  }
0x8e: {  	_ =	swait.ge @!p3 [sflag:s10], $0x4000  }
0x8f: {  	s11 =	simm.s32 @!p3 $0x14C80;
	[sflag:s10] =	ssyncset.done @!p3 $0x0  }
0x90: {  	s3 =	simm.s32 @!p3 $0x1E080;
	[sflag:s10] =	ssyncadd.s32 @!p3 $0xFFFFC000;
	s10 =	simm.s32 @!p3 $0x80  }
0x91: {  	[spmem:s2] =	stream.indirect.scatter.add.f32 @!p3 [tilespmem:s11], [sflag:$0x5], $0x80, s3, s10, $0xb8;
	[tilespmem:$0x1F480] =	vst v63  }
0x92: {  	s3 =	simm.s32 @!p3 $0x5  }
0x93: {  	p1 =	sle.u32 s9, $0x2;
	_ =	swait.ge @!p3 [sflag:s3], $0x4000  }
0x94: {  	s10 =	simm.s32 @!p1 $0x80;
	[sflag:s3] =	ssyncset.done @!p3 $0x0  }
0x95: {  	s11 =	simm.s32 @!p1 $0x14C80;
	[sflag:s3] =	ssyncadd.s32 @!p3 $0xFFFFC000;
	s3 =	simm.s32 @!p1 $0x1CD80  }
0x96: {  	[tilespmem:s11], [sflag:$0x1] =	stream.indirect.gather @!p1 [hbm4b:s5+s10], $0x80, s3, s10, $0xb8;
	[tilespmem:$0x1F480] =	vst v63  }
0x97: {  	s3 =	simm.s32 @!p2 $0x2  }
0x98: {  	p3 =	por p2, p2;
	_ =	swait.ge @!p2 [sflag:s3], $0x4000  }
0x99: {  	s12 =	simm.s32 $0x3;
	s21 =	simm.s32 $0x800;
	[sflag:s3] =	ssyncset.done @!p3 $0x0  }
0x9a: {  	s10 =	simm.s32 @!p2 $0x1E100;
	s11 =	simm.s32 @!p3 $0x4;
	[sflag:s3] =	ssyncadd.s32 @!p3 $0xFFFFC000  }
0x9b: {  	[spmem:s2] =	stream.indirect.scatter.add.f32 @!p3 [tilespmem:s4], [sflag:$0x4], $0x80, s10, s1, $0xb8;
	[tilespmem:$0x1F480] =	vst v63  }
0x9c: {  	s3 =	simm.s32 $0x400;
	s1 =	simm.s32 $0x2;
	_ =	swait.ge @!p3 [sflag:s11], $0x4000  }
.LBB2_2:
0x9d: {  	p4 =	por p1, p1;
	s1 =	sadd.s32 $0x2, s1  }
0x9e: {  	p2 =	sge.u32 s12, s9;
	s12 =	smov.u32 s21;
	[sflag:s11] =	ssyncset.done @!p3 $0x0  }
0x9f: {  	s4 =	sshra.s32 @!p2 s3, $0x2;
	s14 =	simm.s32 @!p2 $0x80;
	[sflag:s11] =	ssyncadd.s32 @!p3 $0xFFFFC000  }
0xa0: {  	s22 =	simm.s32 @!p2 $0x18C80;
	s10 =	sadd.s32 @!p2 $0x1CD00, s4;
	s11 =	simm.s32 @!p1 $0x1  }
0xa1: {  	[tilespmem:s22], [sflag:$0x2] =	stream.indirect.gather @!p2 [hbm4b:s5+s14], $0x80, s10, s14, $0xb8;
	[tilespmem:$0x1F480] =	vst v63  }
0xa2: {  	s24 =	sadd.s32 @!p2 $0x1E100, s4;
	s10 =	sshra.s32 @!p1 s3, $0x2;
	_ =	swait.ge @!p1 [sflag:s11], $0x4000  }
0xa3: {  	s4 =	sadd.s32 @!p1 $0x1E080, s10;
	s10 =	simm.s32 @!p1 $0x5;
	[sflag:s11] =	ssyncset.done @!p1 $0x0  }
0xa4: {  	s26 =	simm.s32 @!p1 $0x14C80;
	[sflag:s11] =	ssyncadd.s32 @!p1 $0xFFFFC000;
	s11 =	simm.s32 @!p1 $0x80  }
0xa5: {  	[spmem:s2] =	stream.indirect.scatter.add.f32 @!p1 [tilespmem:s26], [sflag:$0x5], $0x80, s4, s11, $0xb8;
	[tilespmem:$0x1F480] =	vst v63  }
0xa6: {  	s21 =	sadd.s32 $0x400, s21;
	_ =	swait.ge @!p1 [sflag:s10], $0x4000;
	p1 =	sge.u32 s1, s9  }
0xa7: {  	[sflag:s10] =	ssyncset.done @!p4 $0x0;
	s3 =	sshra.s32 @!p1 s3, $0x2;
	s4 =	simm.s32 @!p1 $0x80  }
0xa8: {  	s26 =	simm.s32 @!p2 $0x2;
	[sflag:s10] =	ssyncadd.s32 @!p4 $0xFFFFC000;
	s11 =	sadd.s32 @!p1 $0x1CD80, s3  }
0xa9: {  	p4 =	sne.s32 s21, $0x5000;
	s10 =	simm.s32 @!p1 $0x14C80;
	s3 =	smov.u32 s12  }
0xaa: {  	[tilespmem:s10], [sflag:$0x1] =	stream.indirect.gather @!p1 [hbm4b:s5+s4], $0x80, s11, s4, $0xb8;
	[tilespmem:$0x1F480] =	vst v63  }
.Ltmp0:
0xab: {  	p3 =	por p2, p2;
	_ =	swait.ge @!p2 [sflag:s26], $0x4000;
	(pc) =	sbr.rel @p4 .LBB2_2-.Ltmp0, $4  }
0xac: {  	s11 =	simm.s32 @!p3 $0x4;
	[sflag:s26] =	ssyncset.done @!p3 $0x0  }
0xad: {  	[sflag:s26] =	ssyncadd.s32 @!p3 $0xFFFFC000  }
0xae: {  	[spmem:s2] =	stream.indirect.scatter.add.f32 @!p3 [tilespmem:s22], [sflag:$0x4], $0x80, s24, s14, $0xb8;
	[tilespmem:$0x1F480] =	vst v63  }
0xaf: {  	s12 =	sadd.s32 $0x1, s1;
	_ =	swait.ge @!p3 [sflag:s11], $0x4000  }
0xb0: {  	p2 =	sge.u32 s12, s9;
	[sflag:s11] =	ssyncset.done @!p3 $0x0  }
0xb1: {  	s22 =	simm.s32 @!p1 $0x1;
	s12 =	sshra.s32 @!p2 s3, $0x2;
	s14 =	simm.s32 @!p2 $0x80  }
0xb2: {  	[sflag:s11] =	ssyncadd.s32 @!p3 $0xFFFFC000;
	s21 =	simm.s32 @!p2 $0x18C80;
	s11 =	sadd.s32 @!p2 $0x1CD00, s12  }
0xb3: {  	[tilespmem:s21], [sflag:$0x2] =	stream.indirect.gather @!p2 [hbm4b:s5+s14], $0x80, s11, s14, $0xb8;
	[tilespmem:$0x1F480] =	vst v63  }
0xb4: {  	s24 =	simm.s32 @!p1 $0x5;
	_ =	swait.ge @!p1 [sflag:s22], $0x4000  }
0xb5: {  	s1 =	sadd.s32 $0x2, s1;
	s11 =	sshra.s32 @!p1 s3, $0x2;
	[sflag:s22] =	ssyncset.done @!p1 $0x0  }
0xb6: {  	p3 =	sge.u32 s1, s9;
	s11 =	sadd.s32 @!p1 $0x1E080, s11;
	[sflag:s22] =	ssyncadd.s32 @!p1 $0xFFFFC000  }
0xb7: {  	[spmem:s2] =	stream.indirect.scatter.add.f32 @!p1 [tilespmem:s10], [sflag:$0x5], $0x80, s11, s4, $0xb8;
	[tilespmem:$0x1F480] =	vst v63  }
0xb8: {  	s1 =	sshra.s32 @!p3 s3, $0x2;
	_ =	swait.ge @!p1 [sflag:s24], $0x4000  }
0xb9: {  	s3 =	simm.s32 @!p3 $0x80;
	s1 =	sadd.s32 @!p3 $0x1CD80, s1;
	[sflag:s24] =	ssyncset.done @!p1 $0x0  }
0xba: {  	s4 =	simm.s32 @!p2 $0x2;
	s10 =	simm.s32 @!p3 $0x14C80;
	[sflag:s24] =	ssyncadd.s32 @!p1 $0xFFFFC000  }
0xbb: {  	[tilespmem:s10], [sflag:$0x1] =	stream.indirect.gather @!p3 [hbm4b:s5+s3], $0x80, s1, s3, $0xb8;
	[tilespmem:$0x1F480] =	vst v63  }
0xbc: {  	p1 =	por p2, p2;
	_ =	swait.ge @!p2 [sflag:s4], $0x4000  }
0xbd: {  	[sflag:s4] =	ssyncset.done @!p1 $0x0  }
0xbe: {  	s1 =	sadd.s32 @!p2 $0x1E100, s12;
	s3 =	simm.s32 @!p1 $0x4;
	[sflag:s4] =	ssyncadd.s32 @!p1 $0xFFFFC000  }
0xbf: {  	[spmem:s2] =	stream.indirect.scatter.add.f32 @!p1 [tilespmem:s21], [sflag:$0x4], $0x80, s1, s14, $0xb8;
	[tilespmem:$0x1F480] =	vst v63  }
0xc0: {  	_ =	swait.ge @!p1 [sflag:s3], $0x4000  }
0xc1: {  	s11 =	simm.s32 $0x14C80;
	[sflag:s3] =	ssyncset.done @!p1 $0x0  }
0xc2: {  	s10 =	simm.s32 $0x80;
	s4 =	simm.s32 $0x1CC80;
	[sflag:s3] =	ssyncadd.s32 @!p1 $0xFFFFC000  }
0xc3: {  	[tilespmem:s11], [sflag:$0x1] =	stream.indirect.gather [hbm4b:s6+s10], $0x80, s4, s10, $0xb8;
	[tilespmem:$0x1F480] =	vst v63  }
0xc4: {  	[bflag:$0x0] =	sbarrier.arrive $0xFFFF  }
0xc5: {  	s1 =	rddreg [dreg:$0x1a]  }
0xc6: {  	s3 =	simm.s32 @p0 $0x1FC4;
	s4 =	rddreg [dreg:$0x8];
	s1 =	sshrl.u32 @p0 s1, $0x3  }
0xc7: {  	[hbm:s4], [sflag:s3] =	dma.local @p0 [spmem:s1], $0x1900  }
0xc8: {  	s3 =	simm.s32 @p0 $0x4  }
0xc9: {  	s4 =	stileid.u32;
	_ =	swait.ge @p0 [sflag:s3], $0x1900  }
0xca: {  	s22 =	sshrl.u32 @!p0 s13, $0x3;
	s4 =	sshll.u32 @!p0 s4, $0x6;
	[sflag:s3] =	ssyncset.done @p0 $0x0  }
0xcb: {  	s21 =	sor.u32 @!p0 $0x1C04, s4;
	[sflag:s3] =	ssyncadd.s32 @p0 $0xFFFFE700;
	s3 =	rddreg [dreg:$0x7]  }
0xcc: {  	[hbm:s3], [sflag:s21] =	dma.local @!p0 [spmem:s22], $0x2800  }
0xcd: {  	s3 =	simm.s32 @!p0 $0x4  }
0xce: {  	_ =	swait.ge @!p0 [sflag:s3], $0x2800  }
0xcf: {  	[sflag:s3] =	ssyncset.done @!p0 $0x0  }
0xd0: {  	[sflag:s3] =	ssyncadd.s32 @!p0 $0xFFFFD800  }
0xd1: {  	[spmem:s13] =	stream.linear.scatter [tilespmem:s20], [sflag:$0x3], $0x1400, $0x38;
	[tilespmem:$0x1F480] =	vst v63  }
0xd2: {  	s12 =	rddreg [dreg:$0x1b]  }
0xd3: {  	[spmem:s31] =	stream.linear.scatter [tilespmem:s20], [sflag:$0x3], $0x1400, $0x38;
	[tilespmem:$0x1F480] =	vst v63  }
0xd4: {  	s14 =	rddreg [dreg:$0x1c]  }
0xd5: {  	[spmem:s12] =	stream.linear.scatter [tilespmem:s20], [sflag:$0x3], $0x1400, $0x38;
	[tilespmem:$0x1F480] =	vst v63  }
0xd6: {  	s15 =	rddreg [dreg:$0x1d]  }
0xd7: {  	[spmem:s14] =	stream.linear.scatter [tilespmem:s20], [sflag:$0x3], $0x1400, $0x38;
	[tilespmem:$0x1F480] =	vst v63  }
0xd8: {  	s16 =	rddreg [dreg:$0x1e]  }
0xd9: {  	[spmem:s15] =	stream.linear.scatter [tilespmem:s20], [sflag:$0x3], $0x1400, $0x38;
	[tilespmem:$0x1F480] =	vst v63  }
0xda: {  	s17 =	rddreg [dreg:$0x1f]  }
0xdb: {  	[spmem:s16] =	stream.linear.scatter [tilespmem:s20], [sflag:$0x3], $0x1400, $0x38;
	[tilespmem:$0x1F480] =	vst v63  }
0xdc: {  	s18 =	sld [smem:$0x7FA]  }
0xdd: {  	[spmem:s17] =	stream.linear.scatter [tilespmem:s20], [sflag:$0x3], $0x1400, $0x38;
	[tilespmem:$0x1F480] =	vst v63  }
0xde: {  	s24 =	sld [smem:$0x7FB]  }
0xdf: {  	[spmem:s18] =	stream.linear.scatter [tilespmem:s20], [sflag:$0x3], $0x1400, $0x38;
	[tilespmem:$0x1F480] =	vst v63  }
0xe0: {  	s26 =	sld [smem:$0x7FC]  }
0xe1: {  	[spmem:s24] =	stream.linear.scatter [tilespmem:s20], [sflag:$0x3], $0x1400, $0x38;
	[tilespmem:$0x1F480] =	vst v63  }
0xe2: {  	s3 =	sld [smem:$0x7FD]  }
0xe3: {  	[spmem:s26] =	stream.linear.scatter [tilespmem:s20], [sflag:$0x3], $0x1400, $0x38;
	[tilespmem:$0x1F480] =	vst v63  }
0xe4: {  	s4 =	simm.s32 @!p0 $0x13880  }
0xe5: {  	[spmem:s3] =	stream.linear.scatter @!p0 [tilespmem:s4], [sflag:$0x3], $0x1400, $0x38;
	[tilespmem:$0x1F480] =	vst v63  }
0xe6: {  	s3 =	rddreg [dreg:$0xf]  }
0xe7: {  	s3 =	sshrl.u32 @!p0 s3, $0x2  }
0xe8: {  	s26 =	sadd.s32 @!p0 s3, s2;
	s3 =	rddreg [dreg:$0x10]  }
0xe9: {  	[spmem:s26] =	stream.linear.scatter @!p0 [tilespmem:s4], [sflag:$0x3], $0x1400, $0x38;
	[tilespmem:$0x1F480] =	vst v63  }
0xea: {  	s3 =	sshrl.u32 @!p0 s3, $0x2  }
0xeb: {  	s28 =	sadd.s32 @!p0 s3, s2;
	s3 =	rddreg [dreg:$0x14]  }
0xec: {  	[spmem:s28] =	stream.linear.scatter @!p0 [tilespmem:s4], [sflag:$0x3], $0x1400, $0x38;
	[tilespmem:$0x1F480] =	vst v63  }
0xed: {  	s3 =	sshrl.u32 @!p0 s3, $0x2  }
0xee: {  	s29 =	sadd.s32 @!p0 s3, s2;
	s3 =	rddreg [dreg:$0x15]  }
0xef: {  	[spmem:s29] =	stream.linear.scatter @!p0 [tilespmem:s4], [sflag:$0x3], $0x1400, $0x38;
	[tilespmem:$0x1F480] =	vst v63  }
0xf0: {  	s10 =	rddreg [dreg:$0x16];
	s3 =	sshrl.u32 @!p0 s3, $0x2  }
0xf1: {  	s10 =	sshrl.u32 @!p0 s10, $0x2;
	s3 =	sadd.s32 @!p0 s3, s2  }
0xf2: {  	[spmem:s3] =	stream.linear.scatter @!p0 [tilespmem:s4], [sflag:$0x3], $0x1400, $0x38;
	[tilespmem:$0x1F480] =	vst v63  }
0xf3: {  	s30 =	sadd.s32 @!p0 s10, s2  }
0xf4: {  	[spmem:s30] =	stream.linear.scatter @!p0 [tilespmem:s4], [sflag:$0x3], $0x1400, $0x38;
	[tilespmem:$0x1F480] =	vst v63  }
0xf5: {  	_ =	swait.ge [sflag:s25], $0x1400  }
0xf6: {  	[sflag:s25] =	ssyncset.done $0x0  }
0xf7: {  	[sflag:s25] =	ssyncadd.s32 $0xFFFFEC00  }
0xf8: {  	_ =	swait.ge [sflag:s25], $0x1400  }
0xf9: {  	[sflag:s25] =	ssyncset.done $0x0  }
0xfa: {  	[sflag:s25] =	ssyncadd.s32 $0xFFFFEC00  }
0xfb: {  	_ =	swait.ge [sflag:s25], $0x1400  }
0xfc: {  	[sflag:s25] =	ssyncset.done $0x0  }
0xfd: {  	[sflag:s25] =	ssyncadd.s32 $0xFFFFEC00  }
0xfe: {  	_ =	swait.ge [sflag:s25], $0x1400  }
0xff: {  	[sflag:s25] =	ssyncset.done $0x0  }
0x100: {  	[sflag:s25] =	ssyncadd.s32 $0xFFFFEC00  }
0x101: {  	_ =	swait.ge [sflag:s25], $0x1400  }
0x102: {  	[sflag:s25] =	ssyncset.done $0x0  }
0x103: {  	[sflag:s25] =	ssyncadd.s32 $0xFFFFEC00  }
0x104: {  	_ =	swait.ge [sflag:s25], $0x1400  }
0x105: {  	[sflag:s25] =	ssyncset.done $0x0  }
0x106: {  	[sflag:s25] =	ssyncadd.s32 $0xFFFFEC00  }
0x107: {  	_ =	swait.ge [sflag:s25], $0x1400  }
0x108: {  	[sflag:s25] =	ssyncset.done $0x0  }
0x109: {  	[sflag:s25] =	ssyncadd.s32 $0xFFFFEC00  }
0x10a: {  	_ =	swait.ge [sflag:s25], $0x1400  }
0x10b: {  	[sflag:s25] =	ssyncset.done $0x0  }
0x10c: {  	[sflag:s25] =	ssyncadd.s32 $0xFFFFEC00  }
0x10d: {  	_ =	swait.ge [sflag:s25], $0x1400  }
0x10e: {  	[sflag:s25] =	ssyncset.done $0x0  }
0x10f: {  	[sflag:s25] =	ssyncadd.s32 $0xFFFFEC00  }
0x110: {  	_ =	swait.ge [sflag:s25], $0x1400  }
0x111: {  	[sflag:s25] =	ssyncset.done $0x0  }
0x112: {  	s4 =	simm.s32 @!p0 $0x3;
	[sflag:s25] =	ssyncadd.s32 $0xFFFFEC00  }
0x113: {  	_ =	swait.ge @!p0 [sflag:s4], $0x1400  }
0x114: {  	[sflag:s4] =	ssyncset.done @!p0 $0x0  }
0x115: {  	[sflag:s4] =	ssyncadd.s32 @!p0 $0xFFFFEC00  }
0x116: {  	_ =	swait.ge @!p0 [sflag:s4], $0x1400  }
0x117: {  	[sflag:s4] =	ssyncset.done @!p0 $0x0  }
0x118: {  	[sflag:s4] =	ssyncadd.s32 @!p0 $0xFFFFEC00  }
0x119: {  	_ =	swait.ge @!p0 [sflag:s4], $0x1400  }
0x11a: {  	[sflag:s4] =	ssyncset.done @!p0 $0x0  }
0x11b: {  	[sflag:s4] =	ssyncadd.s32 @!p0 $0xFFFFEC00  }
0x11c: {  	_ =	swait.ge @!p0 [sflag:s4], $0x1400  }
0x11d: {  	[sflag:s4] =	ssyncset.done @!p0 $0x0  }
0x11e: {  	[sflag:s4] =	ssyncadd.s32 @!p0 $0xFFFFEC00  }
0x11f: {  	_ =	swait.ge @!p0 [sflag:s4], $0x1400  }
0x120: {  	[sflag:s4] =	ssyncset.done @!p0 $0x0  }
0x121: {  	[sflag:s4] =	ssyncadd.s32 @!p0 $0xFFFFEC00  }
0x122: {  	_ =	swait.ge @!p0 [sflag:s4], $0x1400  }
0x123: {  	p3 =	sle.u32 s9, $0x0;
	p2 =	sle.u32 s9, $0x1;
	[sflag:s4] =	ssyncset.done @!p0 $0x0  }
0x124: {  	s11 =	simm.s32 @!p2 $0x18C80;
	s10 =	simm.s32 @!p2 $0x1CD00;
	[sflag:s4] =	ssyncadd.s32 @!p0 $0xFFFFEC00  }
0x125: {  	s12 =	simm.s32 @!p3 $0x1;
	s4 =	simm.s32 @!p2 $0x80;
	[bflag:$0x0] =	sbarrier.arrive $0xFFFF  }
0x126: {  	[tilespmem:s11], [sflag:$0x2] =	stream.indirect.gather @!p2 [hbm4b:s6+s4], $0x80, s10, s4, $0xb8;
	[tilespmem:$0x1F480] =	vst v63  }
0x127: {  	_ =	swait.ge @!p3 [sflag:s12], $0x4000  }
0x128: {  	s14 =	simm.s32 @!p3 $0x14C80;
	[sflag:s12] =	ssyncset.done @!p3 $0x0  }
0x129: {  	s10 =	simm.s32 @!p3 $0x1E080;
	[sflag:s12] =	ssyncadd.s32 @!p3 $0xFFFFC000;
	s12 =	simm.s32 @!p3 $0x80  }
0x12a: {  	[spmem:s2] =	stream.indirect.scatter.add.f32 @!p3 [tilespmem:s14], [sflag:$0x5], $0x80, s10, s12, $0xb8;
	[tilespmem:$0x1F480] =	vst v63  }
0x12b: {  	s10 =	simm.s32 @!p3 $0x5  }
0x12c: {  	p1 =	sle.u32 s9, $0x2;
	_ =	swait.ge @!p3 [sflag:s10], $0x4000  }
0x12d: {  	s12 =	simm.s32 @!p1 $0x80;
	[sflag:s10] =	ssyncset.done @!p3 $0x0  }
0x12e: {  	s14 =	simm.s32 @!p1 $0x14C80;
	[sflag:s10] =	ssyncadd.s32 @!p3 $0xFFFFC000;
	s10 =	simm.s32 @!p1 $0x1CD80  }
0x12f: {  	[tilespmem:s14], [sflag:$0x1] =	stream.indirect.gather @!p1 [hbm4b:s6+s12], $0x80, s10, s12, $0xb8;
	[tilespmem:$0x1F480] =	vst v63  }
0x130: {  	s10 =	simm.s32 @!p2 $0x2  }
0x131: {  	p3 =	por p2, p2;
	_ =	swait.ge @!p2 [sflag:s10], $0x4000  }
0x132: {  	[sflag:s10] =	ssyncset.done @!p3 $0x0  }
0x133: {  	s19 =	smov.u32 s31;
	s12 =	simm.s32 @!p2 $0x1E100;
	[sflag:s10] =	ssyncadd.s32 @!p3 $0xFFFFC000  }
0x134: {  	[spmem:s2] =	stream.indirect.scatter.add.f32 @!p3 [tilespmem:s11], [sflag:$0x4], $0x80, s12, s4, $0xb8;
	[tilespmem:$0x1F480] =	vst v63  }
0x135: {  	s31 =	simm.s32 $0x2;
	s24 =	simm.s32 $0x400;
	s12 =	simm.s32 @!p3 $0x4  }
0x136: {  	s14 =	simm.s32 $0x3;
	s4 =	simm.s32 $0x800;
	_ =	swait.ge @!p3 [sflag:s12], $0x4000  }
.LBB2_4:
0x137: {  	p4 =	por p1, p1;
	s31 =	sadd.s32 $0x2, s31  }
0x138: {  	p2 =	sge.u32 s14, s9;
	s14 =	smov.u32 s4;
	[sflag:s12] =	ssyncset.done @!p3 $0x0  }
0x139: {  	s10 =	sshra.s32 @!p2 s24, $0x2;
	s15 =	simm.s32 @!p2 $0x80;
	[sflag:s12] =	ssyncadd.s32 @!p3 $0xFFFFC000  }
0x13a: {  	s16 =	simm.s32 @!p2 $0x18C80;
	s11 =	sadd.s32 @!p2 $0x1CD00, s10;
	s12 =	simm.s32 @!p1 $0x1  }
0x13b: {  	[tilespmem:s16], [sflag:$0x2] =	stream.indirect.gather @!p2 [hbm4b:s6+s15], $0x80, s11, s15, $0xb8;
	[tilespmem:$0x1F480] =	vst v63  }
0x13c: {  	s17 =	sadd.s32 @!p2 $0x1E100, s10;
	s11 =	sshra.s32 @!p1 s24, $0x2;
	_ =	swait.ge @!p1 [sflag:s12], $0x4000  }
0x13d: {  	s10 =	sadd.s32 @!p1 $0x1E080, s11;
	s11 =	simm.s32 @!p1 $0x5;
	[sflag:s12] =	ssyncset.done @!p1 $0x0  }
0x13e: {  	s18 =	simm.s32 @!p1 $0x14C80;
	[sflag:s12] =	ssyncadd.s32 @!p1 $0xFFFFC000;
	s12 =	simm.s32 @!p1 $0x80  }
0x13f: {  	[spmem:s2] =	stream.indirect.scatter.add.f32 @!p1 [tilespmem:s18], [sflag:$0x5], $0x80, s10, s12, $0xb8;
	[tilespmem:$0x1F480] =	vst v63  }
0x140: {  	s4 =	sadd.s32 $0x400, s4;
	_ =	swait.ge @!p1 [sflag:s11], $0x4000;
	p1 =	sge.u32 s31, s9  }
0x141: {  	[sflag:s11] =	ssyncset.done @!p4 $0x0;
	s12 =	sshra.s32 @!p1 s24, $0x2;
	s10 =	simm.s32 @!p1 $0x80  }
0x142: {  	s18 =	simm.s32 @!p2 $0x2;
	[sflag:s11] =	ssyncadd.s32 @!p4 $0xFFFFC000;
	s12 =	sadd.s32 @!p1 $0x1CD80, s12  }
0x143: {  	s24 =	smov.u32 s14;
	p4 =	sne.s32 s4, $0x5000;
	s11 =	simm.s32 @!p1 $0x14C80  }
0x144: {  	[tilespmem:s11], [sflag:$0x1] =	stream.indirect.gather @!p1 [hbm4b:s6+s10], $0x80, s12, s10, $0xb8;
	[tilespmem:$0x1F480] =	vst v63  }
.Ltmp1:
0x145: {  	p3 =	por p2, p2;
	_ =	swait.ge @!p2 [sflag:s18], $0x4000;
	(pc) =	sbr.rel @p4 .LBB2_4-.Ltmp1, $4  }
0x146: {  	s12 =	simm.s32 @!p3 $0x4;
	[sflag:s18] =	ssyncset.done @!p3 $0x0  }
0x147: {  	[sflag:s18] =	ssyncadd.s32 @!p3 $0xFFFFC000  }
0x148: {  	[spmem:s2] =	stream.indirect.scatter.add.f32 @!p3 [tilespmem:s16], [sflag:$0x4], $0x80, s17, s15, $0xb8;
	[tilespmem:$0x1F480] =	vst v63  }
0x149: {  	s14 =	sadd.s32 $0x1, s31;
	_ =	swait.ge @!p3 [sflag:s12], $0x4000  }
0x14a: {  	p2 =	sge.u32 s14, s9;
	[sflag:s12] =	ssyncset.done @!p3 $0x0  }
0x14b: {  	s16 =	simm.s32 @!p1 $0x1;
	s4 =	sshra.s32 @!p2 s24, $0x2;
	s14 =	simm.s32 @!p2 $0x80  }
0x14c: {  	[sflag:s12] =	ssyncadd.s32 @!p3 $0xFFFFC000;
	s15 =	simm.s32 @!p2 $0x18C80;
	s12 =	sadd.s32 @!p2 $0x1CD00, s4  }
0x14d: {  	[tilespmem:s15], [sflag:$0x2] =	stream.indirect.gather @!p2 [hbm4b:s6+s14], $0x80, s12, s14, $0xb8;
	[tilespmem:$0x1F480] =	vst v63  }
0x14e: {  	_ =	swait.ge @!p1 [sflag:s16], $0x4000  }
0x14f: {  	s12 =	sshra.s32 @!p1 s24, $0x2;
	[sflag:s16] =	ssyncset.done @!p1 $0x0  }
0x150: {  	s12 =	sadd.s32 @!p1 $0x1E080, s12;
	[sflag:s16] =	ssyncadd.s32 @!p1 $0xFFFFC000  }
0x151: {  	[spmem:s2] =	stream.indirect.scatter.add.f32 @!p1 [tilespmem:s11], [sflag:$0x5], $0x80, s12, s10, $0xb8;
	[tilespmem:$0x1F480] =	vst v63  }
0x152: {  	s16 =	sadd.s32 $0x2, s31;
	s11 =	simm.s32 @!p1 $0x5  }
0x153: {  	p3 =	sge.u32 s16, s9;
	_ =	swait.ge @!p1 [sflag:s11], $0x4000  }
0x154: {  	s10 =	sshra.s32 @!p3 s24, $0x2;
	s12 =	simm.s32 @!p3 $0x80;
	[sflag:s11] =	ssyncset.done @!p1 $0x0  }
0x155: {  	s10 =	sadd.s32 @!p3 $0x1CD80, s10;
	[sflag:s11] =	ssyncadd.s32 @!p1 $0xFFFFC000;
	s11 =	simm.s32 @!p3 $0x14C80  }
0x156: {  	[tilespmem:s11], [sflag:$0x1] =	stream.indirect.gather @!p3 [hbm4b:s6+s12], $0x80, s10, s12, $0xb8;
	[tilespmem:$0x1F480] =	vst v63  }
0x157: {  	s10 =	simm.s32 @!p2 $0x2  }
0x158: {  	p1 =	por p2, p2;
	_ =	swait.ge @!p2 [sflag:s10], $0x4000  }
0x159: {  	[sflag:s10] =	ssyncset.done @!p1 $0x0  }
0x15a: {  	s4 =	sadd.s32 @!p2 $0x1E100, s4;
	s11 =	simm.s32 @!p1 $0x4;
	[sflag:s10] =	ssyncadd.s32 @!p1 $0xFFFFC000  }
0x15b: {  	[spmem:s2] =	stream.indirect.scatter.add.f32 @!p1 [tilespmem:s15], [sflag:$0x4], $0x80, s4, s14, $0xb8;
	[tilespmem:$0x1F480] =	vst v63  }
0x15c: {  	_ =	swait.ge @!p1 [sflag:s11], $0x4000  }
0x15d: {  	s17 =	simm.s32 $0x1CC80;
	[sflag:s11] =	ssyncset.done @!p1 $0x0  }
0x15e: {  	s18 =	simm.s32 $0x80;
	s24 =	simm.s32 $0x14C80;
	[sflag:s11] =	ssyncadd.s32 @!p1 $0xFFFFC000  }
0x15f: {  	[tilespmem:s24], [sflag:$0x1] =	stream.indirect.gather [hbm4b:s7+s18], $0x80, s17, s18, $0xb8;
	[tilespmem:$0x1F480] =	vst v63  }
0x160: {  	[bflag:$0x0] =	sbarrier.arrive $0xFFFF  }
0x161: {  	s4 =	simm.s32 @p0 $0x1FC4;
	s10 =	rddreg [dreg:$0xa]  }
0x162: {  	[hbm:s10], [sflag:s4] =	dma.local @p0 [spmem:s1], $0x1900  }
0x163: {  	s4 =	simm.s32 @p0 $0x4  }
0x164: {  	_ =	swait.ge @p0 [sflag:s4], $0x1900  }
0x165: {  	[sflag:s4] =	ssyncset.done @p0 $0x0  }
0x166: {  	[sflag:s4] =	ssyncadd.s32 @p0 $0xFFFFE700;
	s4 =	rddreg [dreg:$0x9]  }
0x167: {  	[hbm:s4], [sflag:s21] =	dma.local @!p0 [spmem:s22], $0x2800  }
0x168: {  	s4 =	simm.s32 @!p0 $0x4  }
0x169: {  	_ =	swait.ge @!p0 [sflag:s4], $0x2800  }
0x16a: {  	[sflag:s4] =	ssyncset.done @!p0 $0x0  }
0x16b: {  	[sflag:s4] =	ssyncadd.s32 @!p0 $0xFFFFD800  }
0x16c: {  	[spmem:s13] =	stream.linear.scatter [tilespmem:s20], [sflag:$0x3], $0x1400, $0x38;
	[tilespmem:$0x1F480] =	vst v63  }
0x16d: {  	s11 =	rddreg [dreg:$0x1b]  }
0x16e: {  	[spmem:s19] =	stream.linear.scatter [tilespmem:s20], [sflag:$0x3], $0x1400, $0x38;
	[tilespmem:$0x1F480] =	vst v63  }
0x16f: {  	s12 =	rddreg [dreg:$0x1c]  }
0x170: {  	[spmem:s11] =	stream.linear.scatter [tilespmem:s20], [sflag:$0x3], $0x1400, $0x38;
	[tilespmem:$0x1F480] =	vst v63  }
0x171: {  	s14 =	rddreg [dreg:$0x1d]  }
0x172: {  	[spmem:s12] =	stream.linear.scatter [tilespmem:s20], [sflag:$0x3], $0x1400, $0x38;
	[tilespmem:$0x1F480] =	vst v63  }
0x173: {  	s15 =	rddreg [dreg:$0x1e]  }
0x174: {  	[spmem:s14] =	stream.linear.scatter [tilespmem:s20], [sflag:$0x3], $0x1400, $0x38;
	[tilespmem:$0x1F480] =	vst v63  }
0x175: {  	s16 =	rddreg [dreg:$0x1f]  }
0x176: {  	[spmem:s15] =	stream.linear.scatter [tilespmem:s20], [sflag:$0x3], $0x1400, $0x38;
	[tilespmem:$0x1F480] =	vst v63  }
0x177: {  	s17 =	sld [smem:$0x7FA]  }
0x178: {  	[spmem:s16] =	stream.linear.scatter [tilespmem:s20], [sflag:$0x3], $0x1400, $0x38;
	[tilespmem:$0x1F480] =	vst v63  }
0x179: {  	s18 =	sld [smem:$0x7FB]  }
0x17a: {  	[spmem:s17] =	stream.linear.scatter [tilespmem:s20], [sflag:$0x3], $0x1400, $0x38;
	[tilespmem:$0x1F480] =	vst v63  }
0x17b: {  	s24 =	sld [smem:$0x7FC]  }
0x17c: {  	[spmem:s18] =	stream.linear.scatter [tilespmem:s20], [sflag:$0x3], $0x1400, $0x38;
	[tilespmem:$0x1F480] =	vst v63  }
0x17d: {  	s10 =	sld [smem:$0x7FD]  }
0x17e: {  	[spmem:s24] =	stream.linear.scatter [tilespmem:s20], [sflag:$0x3], $0x1400, $0x38;
	[tilespmem:$0x1F480] =	vst v63  }
0x17f: {  	s4 =	simm.s32 @!p0 $0x13880  }
0x180: {  	[spmem:s10] =	stream.linear.scatter @!p0 [tilespmem:s4], [sflag:$0x3], $0x1400, $0x38;
	[tilespmem:$0x1F480] =	vst v63  }
0x181: {  	_ = 	snop  }
0x182: {  	[spmem:s26] =	stream.linear.scatter @!p0 [tilespmem:s4], [sflag:$0x3], $0x1400, $0x38;
	[tilespmem:$0x1F480] =	vst v63  }
0x183: {  	_ = 	snop  }
0x184: {  	[spmem:s28] =	stream.linear.scatter @!p0 [tilespmem:s4], [sflag:$0x3], $0x1400, $0x38;
	[tilespmem:$0x1F480] =	vst v63  }
0x185: {  	_ = 	snop  }
0x186: {  	[spmem:s29] =	stream.linear.scatter @!p0 [tilespmem:s4], [sflag:$0x3], $0x1400, $0x38;
	[tilespmem:$0x1F480] =	vst v63  }
0x187: {  	_ = 	snop  }
0x188: {  	[spmem:s3] =	stream.linear.scatter @!p0 [tilespmem:s4], [sflag:$0x3], $0x1400, $0x38;
	[tilespmem:$0x1F480] =	vst v63  }
0x189: {  	_ = 	snop  }
0x18a: {  	[spmem:s30] =	stream.linear.scatter @!p0 [tilespmem:s4], [sflag:$0x3], $0x1400, $0x38;
	[tilespmem:$0x1F480] =	vst v63  }
0x18b: {  	_ =	swait.ge [sflag:s25], $0x1400  }
0x18c: {  	[sflag:s25] =	ssyncset.done $0x0  }
0x18d: {  	[sflag:s25] =	ssyncadd.s32 $0xFFFFEC00  }
0x18e: {  	_ =	swait.ge [sflag:s25], $0x1400  }
0x18f: {  	[sflag:s25] =	ssyncset.done $0x0  }
0x190: {  	[sflag:s25] =	ssyncadd.s32 $0xFFFFEC00  }
0x191: {  	_ =	swait.ge [sflag:s25], $0x1400  }
0x192: {  	[sflag:s25] =	ssyncset.done $0x0  }
0x193: {  	[sflag:s25] =	ssyncadd.s32 $0xFFFFEC00  }
0x194: {  	_ =	swait.ge [sflag:s25], $0x1400  }
0x195: {  	[sflag:s25] =	ssyncset.done $0x0  }
0x196: {  	[sflag:s25] =	ssyncadd.s32 $0xFFFFEC00  }
0x197: {  	_ =	swait.ge [sflag:s25], $0x1400  }
0x198: {  	[sflag:s25] =	ssyncset.done $0x0  }
0x199: {  	[sflag:s25] =	ssyncadd.s32 $0xFFFFEC00  }
0x19a: {  	_ =	swait.ge [sflag:s25], $0x1400  }
0x19b: {  	[sflag:s25] =	ssyncset.done $0x0  }
0x19c: {  	[sflag:s25] =	ssyncadd.s32 $0xFFFFEC00  }
0x19d: {  	_ =	swait.ge [sflag:s25], $0x1400  }
0x19e: {  	[sflag:s25] =	ssyncset.done $0x0  }
0x19f: {  	[sflag:s25] =	ssyncadd.s32 $0xFFFFEC00  }
0x1a0: {  	_ =	swait.ge [sflag:s25], $0x1400  }
0x1a1: {  	[sflag:s25] =	ssyncset.done $0x0  }
0x1a2: {  	[sflag:s25] =	ssyncadd.s32 $0xFFFFEC00  }
0x1a3: {  	_ =	swait.ge [sflag:s25], $0x1400  }
0x1a4: {  	[sflag:s25] =	ssyncset.done $0x0  }
0x1a5: {  	[sflag:s25] =	ssyncadd.s32 $0xFFFFEC00  }
0x1a6: {  	_ =	swait.ge [sflag:s25], $0x1400  }
0x1a7: {  	[sflag:s25] =	ssyncset.done $0x0  }
0x1a8: {  	s4 =	simm.s32 @!p0 $0x3;
	[sflag:s25] =	ssyncadd.s32 $0xFFFFEC00  }
0x1a9: {  	_ =	swait.ge @!p0 [sflag:s4], $0x1400  }
0x1aa: {  	[sflag:s4] =	ssyncset.done @!p0 $0x0  }
0x1ab: {  	[sflag:s4] =	ssyncadd.s32 @!p0 $0xFFFFEC00  }
0x1ac: {  	_ =	swait.ge @!p0 [sflag:s4], $0x1400  }
0x1ad: {  	[sflag:s4] =	ssyncset.done @!p0 $0x0  }
0x1ae: {  	[sflag:s4] =	ssyncadd.s32 @!p0 $0xFFFFEC00  }
0x1af: {  	_ =	swait.ge @!p0 [sflag:s4], $0x1400  }
0x1b0: {  	[sflag:s4] =	ssyncset.done @!p0 $0x0  }
0x1b1: {  	[sflag:s4] =	ssyncadd.s32 @!p0 $0xFFFFEC00  }
0x1b2: {  	_ =	swait.ge @!p0 [sflag:s4], $0x1400  }
0x1b3: {  	[sflag:s4] =	ssyncset.done @!p0 $0x0  }
0x1b4: {  	[sflag:s4] =	ssyncadd.s32 @!p0 $0xFFFFEC00  }
0x1b5: {  	_ =	swait.ge @!p0 [sflag:s4], $0x1400  }
0x1b6: {  	[sflag:s4] =	ssyncset.done @!p0 $0x0  }
0x1b7: {  	[sflag:s4] =	ssyncadd.s32 @!p0 $0xFFFFEC00  }
0x1b8: {  	_ =	swait.ge @!p0 [sflag:s4], $0x1400  }
0x1b9: {  	p3 =	sle.u32 s9, $0x0;
	p2 =	sle.u32 s9, $0x1;
	[sflag:s4] =	ssyncset.done @!p0 $0x0  }
0x1ba: {  	s11 =	simm.s32 @!p2 $0x18C80;
	s12 =	simm.s32 @!p3 $0x1;
	[sflag:s4] =	ssyncadd.s32 @!p0 $0xFFFFEC00  }
0x1bb: {  	s10 =	simm.s32 @!p2 $0x1CD00;
	s4 =	simm.s32 @!p2 $0x80;
	[bflag:$0x0] =	sbarrier.arrive $0xFFFF  }
0x1bc: {  	[tilespmem:s11], [sflag:$0x2] =	stream.indirect.gather @!p2 [hbm4b:s7+s4], $0x80, s10, s4, $0xb8;
	[tilespmem:$0x1F480] =	vst v63  }
0x1bd: {  	_ =	swait.ge @!p3 [sflag:s12], $0x4000  }
0x1be: {  	s14 =	simm.s32 @!p3 $0x14C80;
	[sflag:s12] =	ssyncset.done @!p3 $0x0  }
0x1bf: {  	s10 =	simm.s32 @!p3 $0x1E080;
	[sflag:s12] =	ssyncadd.s32 @!p3 $0xFFFFC000;
	s12 =	simm.s32 @!p3 $0x80  }
0x1c0: {  	[spmem:s2] =	stream.indirect.scatter.add.f32 @!p3 [tilespmem:s14], [sflag:$0x5], $0x80, s10, s12, $0xb8;
	[tilespmem:$0x1F480] =	vst v63  }
0x1c1: {  	s10 =	simm.s32 @!p3 $0x5  }
0x1c2: {  	p1 =	sle.u32 s9, $0x2;
	_ =	swait.ge @!p3 [sflag:s10], $0x4000  }
0x1c3: {  	s12 =	simm.s32 @!p1 $0x80;
	[sflag:s10] =	ssyncset.done @!p3 $0x0  }
0x1c4: {  	s14 =	simm.s32 @!p1 $0x14C80;
	[sflag:s10] =	ssyncadd.s32 @!p3 $0xFFFFC000;
	s10 =	simm.s32 @!p1 $0x1CD80  }
0x1c5: {  	[tilespmem:s14], [sflag:$0x1] =	stream.indirect.gather @!p1 [hbm4b:s7+s12], $0x80, s10, s12, $0xb8;
	[tilespmem:$0x1F480] =	vst v63  }
0x1c6: {  	s10 =	simm.s32 @!p2 $0x2  }
0x1c7: {  	p3 =	por p2, p2;
	_ =	swait.ge @!p2 [sflag:s10], $0x4000  }
0x1c8: {  	[sflag:s10] =	ssyncset.done @!p3 $0x0  }
0x1c9: {  	s12 =	simm.s32 @!p2 $0x1E100;
	[sflag:s10] =	ssyncadd.s32 @!p3 $0xFFFFC000  }
0x1ca: {  	[spmem:s2] =	stream.indirect.scatter.add.f32 @!p3 [tilespmem:s11], [sflag:$0x4], $0x80, s12, s4, $0xb8;
	[tilespmem:$0x1F480] =	vst v63  }
0x1cb: {  	s31 =	simm.s32 $0x2;
	s24 =	simm.s32 $0x400;
	s12 =	simm.s32 @!p3 $0x4  }
0x1cc: {  	s14 =	simm.s32 $0x3;
	s4 =	simm.s32 $0x800;
	_ =	swait.ge @!p3 [sflag:s12], $0x4000  }
.LBB2_6:
0x1cd: {  	p4 =	por p1, p1;
	s31 =	sadd.s32 $0x2, s31  }
0x1ce: {  	p2 =	sge.u32 s14, s9;
	s14 =	smov.u32 s4;
	[sflag:s12] =	ssyncset.done @!p3 $0x0  }
0x1cf: {  	s10 =	sshra.s32 @!p2 s24, $0x2;
	s15 =	simm.s32 @!p2 $0x80;
	[sflag:s12] =	ssyncadd.s32 @!p3 $0xFFFFC000  }
0x1d0: {  	s16 =	simm.s32 @!p2 $0x18C80;
	s11 =	sadd.s32 @!p2 $0x1CD00, s10;
	s12 =	simm.s32 @!p1 $0x1  }
0x1d1: {  	[tilespmem:s16], [sflag:$0x2] =	stream.indirect.gather @!p2 [hbm4b:s7+s15], $0x80, s11, s15, $0xb8;
	[tilespmem:$0x1F480] =	vst v63  }
0x1d2: {  	s17 =	sadd.s32 @!p2 $0x1E100, s10;
	s11 =	sshra.s32 @!p1 s24, $0x2;
	_ =	swait.ge @!p1 [sflag:s12], $0x4000  }
0x1d3: {  	s10 =	sadd.s32 @!p1 $0x1E080, s11;
	s11 =	simm.s32 @!p1 $0x5;
	[sflag:s12] =	ssyncset.done @!p1 $0x0  }
0x1d4: {  	s18 =	simm.s32 @!p1 $0x14C80;
	[sflag:s12] =	ssyncadd.s32 @!p1 $0xFFFFC000;
	s12 =	simm.s32 @!p1 $0x80  }
0x1d5: {  	[spmem:s2] =	stream.indirect.scatter.add.f32 @!p1 [tilespmem:s18], [sflag:$0x5], $0x80, s10, s12, $0xb8;
	[tilespmem:$0x1F480] =	vst v63  }
0x1d6: {  	s4 =	sadd.s32 $0x400, s4;
	_ =	swait.ge @!p1 [sflag:s11], $0x4000;
	p1 =	sge.u32 s31, s9  }
0x1d7: {  	[sflag:s11] =	ssyncset.done @!p4 $0x0;
	s12 =	sshra.s32 @!p1 s24, $0x2;
	s10 =	simm.s32 @!p1 $0x80  }
0x1d8: {  	s18 =	simm.s32 @!p2 $0x2;
	[sflag:s11] =	ssyncadd.s32 @!p4 $0xFFFFC000;
	s12 =	sadd.s32 @!p1 $0x1CD80, s12  }
0x1d9: {  	s24 =	smov.u32 s14;
	p4 =	sne.s32 s4, $0x5000;
	s11 =	simm.s32 @!p1 $0x14C80  }
0x1da: {  	[tilespmem:s11], [sflag:$0x1] =	stream.indirect.gather @!p1 [hbm4b:s7+s10], $0x80, s12, s10, $0xb8;
	[tilespmem:$0x1F480] =	vst v63  }
.Ltmp2:
0x1db: {  	p3 =	por p2, p2;
	_ =	swait.ge @!p2 [sflag:s18], $0x4000;
	(pc) =	sbr.rel @p4 .LBB2_6-.Ltmp2, $4  }
0x1dc: {  	s12 =	simm.s32 @!p3 $0x4;
	[sflag:s18] =	ssyncset.done @!p3 $0x0  }
0x1dd: {  	[sflag:s18] =	ssyncadd.s32 @!p3 $0xFFFFC000  }
0x1de: {  	[spmem:s2] =	stream.indirect.scatter.add.f32 @!p3 [tilespmem:s16], [sflag:$0x4], $0x80, s17, s15, $0xb8;
	[tilespmem:$0x1F480] =	vst v63  }
0x1df: {  	s14 =	sadd.s32 $0x1, s31;
	_ =	swait.ge @!p3 [sflag:s12], $0x4000  }
0x1e0: {  	p2 =	sge.u32 s14, s9;
	[sflag:s12] =	ssyncset.done @!p3 $0x0  }
0x1e1: {  	s16 =	simm.s32 @!p1 $0x1;
	s4 =	sshra.s32 @!p2 s24, $0x2;
	s14 =	simm.s32 @!p2 $0x80  }
0x1e2: {  	[sflag:s12] =	ssyncadd.s32 @!p3 $0xFFFFC000;
	s15 =	simm.s32 @!p2 $0x18C80;
	s12 =	sadd.s32 @!p2 $0x1CD00, s4  }
0x1e3: {  	[tilespmem:s15], [sflag:$0x2] =	stream.indirect.gather @!p2 [hbm4b:s7+s14], $0x80, s12, s14, $0xb8;
	[tilespmem:$0x1F480] =	vst v63  }
0x1e4: {  	_ =	swait.ge @!p1 [sflag:s16], $0x4000  }
0x1e5: {  	s12 =	sshra.s32 @!p1 s24, $0x2;
	[sflag:s16] =	ssyncset.done @!p1 $0x0  }
0x1e6: {  	s12 =	sadd.s32 @!p1 $0x1E080, s12;
	[sflag:s16] =	ssyncadd.s32 @!p1 $0xFFFFC000  }
0x1e7: {  	[spmem:s2] =	stream.indirect.scatter.add.f32 @!p1 [tilespmem:s11], [sflag:$0x5], $0x80, s12, s10, $0xb8;
	[tilespmem:$0x1F480] =	vst v63  }
0x1e8: {  	s16 =	sadd.s32 $0x2, s31;
	s11 =	simm.s32 @!p1 $0x5  }
0x1e9: {  	p3 =	sge.u32 s16, s9;
	_ =	swait.ge @!p1 [sflag:s11], $0x4000  }
0x1ea: {  	s10 =	sshra.s32 @!p3 s24, $0x2;
	s12 =	simm.s32 @!p3 $0x80;
	[sflag:s11] =	ssyncset.done @!p1 $0x0  }
0x1eb: {  	s10 =	sadd.s32 @!p3 $0x1CD80, s10;
	[sflag:s11] =	ssyncadd.s32 @!p1 $0xFFFFC000;
	s11 =	simm.s32 @!p3 $0x14C80  }
0x1ec: {  	[tilespmem:s11], [sflag:$0x1] =	stream.indirect.gather @!p3 [hbm4b:s7+s12], $0x80, s10, s12, $0xb8;
	[tilespmem:$0x1F480] =	vst v63  }
0x1ed: {  	s10 =	simm.s32 @!p2 $0x2  }
0x1ee: {  	p1 =	por p2, p2;
	_ =	swait.ge @!p2 [sflag:s10], $0x4000  }
0x1ef: {  	[sflag:s10] =	ssyncset.done @!p1 $0x0  }
0x1f0: {  	s4 =	sadd.s32 @!p2 $0x1E100, s4;
	[sflag:s10] =	ssyncadd.s32 @!p1 $0xFFFFC000  }
0x1f1: {  	[spmem:s2] =	stream.indirect.scatter.add.f32 @!p1 [tilespmem:s15], [sflag:$0x4], $0x80, s4, s14, $0xb8;
	[tilespmem:$0x1F480] =	vst v63  }
0x1f2: {  	s4 =	simm.s32 @!p1 $0x4  }
0x1f3: {  	_ =	swait.ge @!p1 [sflag:s4], $0x4000  }
0x1f4: {  	s17 =	simm.s32 $0x1CC80;
	[sflag:s4] =	ssyncset.done @!p1 $0x0  }
0x1f5: {  	s18 =	simm.s32 $0x80;
	s24 =	simm.s32 $0x14C80;
	[sflag:s4] =	ssyncadd.s32 @!p1 $0xFFFFC000  }
0x1f6: {  	[tilespmem:s24], [sflag:$0x1] =	stream.indirect.gather [hbm4b:s8+s18], $0x80, s17, s18, $0xb8;
	[tilespmem:$0x1F480] =	vst v63  }
0x1f7: {  	[bflag:$0x0] =	sbarrier.arrive $0xFFFF  }
0x1f8: {  	s4 =	simm.s32 @p0 $0x1FC4;
	s10 =	rddreg [dreg:$0xc]  }
0x1f9: {  	[hbm:s10], [sflag:s4] =	dma.local @p0 [spmem:s1], $0x1900  }
0x1fa: {  	s4 =	simm.s32 @p0 $0x4  }
0x1fb: {  	_ =	swait.ge @p0 [sflag:s4], $0x1900  }
0x1fc: {  	[sflag:s4] =	ssyncset.done @p0 $0x0  }
0x1fd: {  	[sflag:s4] =	ssyncadd.s32 @p0 $0xFFFFE700;
	s4 =	rddreg [dreg:$0xb]  }
0x1fe: {  	[hbm:s4], [sflag:s21] =	dma.local @!p0 [spmem:s22], $0x2800  }
0x1ff: {  	s4 =	simm.s32 @!p0 $0x4  }
0x200: {  	_ =	swait.ge @!p0 [sflag:s4], $0x2800  }
0x201: {  	[sflag:s4] =	ssyncset.done @!p0 $0x0  }
0x202: {  	[sflag:s4] =	ssyncadd.s32 @!p0 $0xFFFFD800  }
0x203: {  	[spmem:s13] =	stream.linear.scatter [tilespmem:s20], [sflag:$0x3], $0x1400, $0x38;
	[tilespmem:$0x1F480] =	vst v63  }
0x204: {  	s12 =	rddreg [dreg:$0x1b]  }
0x205: {  	[spmem:s19] =	stream.linear.scatter [tilespmem:s20], [sflag:$0x3], $0x1400, $0x38;
	[tilespmem:$0x1F480] =	vst v63  }
0x206: {  	s14 =	rddreg [dreg:$0x1c]  }
0x207: {  	[spmem:s12] =	stream.linear.scatter [tilespmem:s20], [sflag:$0x3], $0x1400, $0x38;
	[tilespmem:$0x1F480] =	vst v63  }
0x208: {  	s15 =	rddreg [dreg:$0x1d]  }
0x209: {  	[spmem:s14] =	stream.linear.scatter [tilespmem:s20], [sflag:$0x3], $0x1400, $0x38;
	[tilespmem:$0x1F480] =	vst v63  }
0x20a: {  	s16 =	rddreg [dreg:$0x1e]  }
0x20b: {  	[spmem:s15] =	stream.linear.scatter [tilespmem:s20], [sflag:$0x3], $0x1400, $0x38;
	[tilespmem:$0x1F480] =	vst v63  }
0x20c: {  	s17 =	rddreg [dreg:$0x1f]  }
0x20d: {  	[spmem:s16] =	stream.linear.scatter [tilespmem:s20], [sflag:$0x3], $0x1400, $0x38;
	[tilespmem:$0x1F480] =	vst v63  }
0x20e: {  	s18 =	sld [smem:$0x7FA]  }
0x20f: {  	[spmem:s17] =	stream.linear.scatter [tilespmem:s20], [sflag:$0x3], $0x1400, $0x38;
	[tilespmem:$0x1F480] =	vst v63  }
0x210: {  	s31 =	smov.u32 s19;
	s19 =	sld [smem:$0x7FB]  }
0x211: {  	[spmem:s18] =	stream.linear.scatter [tilespmem:s20], [sflag:$0x3], $0x1400, $0x38;
	[tilespmem:$0x1F480] =	vst v63  }
0x212: {  	s24 =	sld [smem:$0x7FC]  }
0x213: {  	[spmem:s19] =	stream.linear.scatter [tilespmem:s20], [sflag:$0x3], $0x1400, $0x38;
	[tilespmem:$0x1F480] =	vst v63  }
0x214: {  	s10 =	sld [smem:$0x7FD]  }
0x215: {  	[spmem:s24] =	stream.linear.scatter [tilespmem:s20], [sflag:$0x3], $0x1400, $0x38;
	[tilespmem:$0x1F480] =	vst v63  }
0x216: {  	s4 =	simm.s32 @!p0 $0x13880  }
0x217: {  	[spmem:s10] =	stream.linear.scatter @!p0 [tilespmem:s4], [sflag:$0x3], $0x1400, $0x38;
	[tilespmem:$0x1F480] =	vst v63  }
0x218: {  	_ = 	snop  }
0x219: {  	[spmem:s26] =	stream.linear.scatter @!p0 [tilespmem:s4], [sflag:$0x3], $0x1400, $0x38;
	[tilespmem:$0x1F480] =	vst v63  }
0x21a: {  	_ = 	snop  }
0x21b: {  	[spmem:s28] =	stream.linear.scatter @!p0 [tilespmem:s4], [sflag:$0x3], $0x1400, $0x38;
	[tilespmem:$0x1F480] =	vst v63  }
0x21c: {  	_ = 	snop  }
0x21d: {  	[spmem:s29] =	stream.linear.scatter @!p0 [tilespmem:s4], [sflag:$0x3], $0x1400, $0x38;
	[tilespmem:$0x1F480] =	vst v63  }
0x21e: {  	_ = 	snop  }
0x21f: {  	[spmem:s3] =	stream.linear.scatter @!p0 [tilespmem:s4], [sflag:$0x3], $0x1400, $0x38;
	[tilespmem:$0x1F480] =	vst v63  }
0x220: {  	_ = 	snop  }
0x221: {  	[spmem:s30] =	stream.linear.scatter @!p0 [tilespmem:s4], [sflag:$0x3], $0x1400, $0x38;
	[tilespmem:$0x1F480] =	vst v63  }
0x222: {  	_ =	swait.ge [sflag:s25], $0x1400  }
0x223: {  	[sflag:s25] =	ssyncset.done $0x0  }
0x224: {  	[sflag:s25] =	ssyncadd.s32 $0xFFFFEC00  }
0x225: {  	_ =	swait.ge [sflag:s25], $0x1400  }
0x226: {  	[sflag:s25] =	ssyncset.done $0x0  }
0x227: {  	[sflag:s25] =	ssyncadd.s32 $0xFFFFEC00  }
0x228: {  	_ =	swait.ge [sflag:s25], $0x1400  }
0x229: {  	[sflag:s25] =	ssyncset.done $0x0  }
0x22a: {  	[sflag:s25] =	ssyncadd.s32 $0xFFFFEC00  }
0x22b: {  	_ =	swait.ge [sflag:s25], $0x1400  }
0x22c: {  	[sflag:s25] =	ssyncset.done $0x0  }
0x22d: {  	[sflag:s25] =	ssyncadd.s32 $0xFFFFEC00  }
0x22e: {  	_ =	swait.ge [sflag:s25], $0x1400  }
0x22f: {  	[sflag:s25] =	ssyncset.done $0x0  }
0x230: {  	[sflag:s25] =	ssyncadd.s32 $0xFFFFEC00  }
0x231: {  	_ =	swait.ge [sflag:s25], $0x1400  }
0x232: {  	[sflag:s25] =	ssyncset.done $0x0  }
0x233: {  	[sflag:s25] =	ssyncadd.s32 $0xFFFFEC00  }
0x234: {  	_ =	swait.ge [sflag:s25], $0x1400  }
0x235: {  	[sflag:s25] =	ssyncset.done $0x0  }
0x236: {  	[sflag:s25] =	ssyncadd.s32 $0xFFFFEC00  }
0x237: {  	_ =	swait.ge [sflag:s25], $0x1400  }
0x238: {  	[sflag:s25] =	ssyncset.done $0x0  }
0x239: {  	[sflag:s25] =	ssyncadd.s32 $0xFFFFEC00  }
0x23a: {  	_ =	swait.ge [sflag:s25], $0x1400  }
0x23b: {  	[sflag:s25] =	ssyncset.done $0x0  }
0x23c: {  	[sflag:s25] =	ssyncadd.s32 $0xFFFFEC00  }
0x23d: {  	_ =	swait.ge [sflag:s25], $0x1400  }
0x23e: {  	[sflag:s25] =	ssyncset.done $0x0  }
0x23f: {  	s3 =	simm.s32 @!p0 $0x3;
	[sflag:s25] =	ssyncadd.s32 $0xFFFFEC00  }
0x240: {  	_ =	swait.ge @!p0 [sflag:s3], $0x1400  }
0x241: {  	[sflag:s3] =	ssyncset.done @!p0 $0x0  }
0x242: {  	[sflag:s3] =	ssyncadd.s32 @!p0 $0xFFFFEC00  }
0x243: {  	_ =	swait.ge @!p0 [sflag:s3], $0x1400  }
0x244: {  	[sflag:s3] =	ssyncset.done @!p0 $0x0  }
0x245: {  	[sflag:s3] =	ssyncadd.s32 @!p0 $0xFFFFEC00  }
0x246: {  	_ =	swait.ge @!p0 [sflag:s3], $0x1400  }
0x247: {  	[sflag:s3] =	ssyncset.done @!p0 $0x0  }
0x248: {  	[sflag:s3] =	ssyncadd.s32 @!p0 $0xFFFFEC00  }
0x249: {  	_ =	swait.ge @!p0 [sflag:s3], $0x1400  }
0x24a: {  	[sflag:s3] =	ssyncset.done @!p0 $0x0  }
0x24b: {  	[sflag:s3] =	ssyncadd.s32 @!p0 $0xFFFFEC00  }
0x24c: {  	_ =	swait.ge @!p0 [sflag:s3], $0x1400  }
0x24d: {  	[sflag:s3] =	ssyncset.done @!p0 $0x0  }
0x24e: {  	[sflag:s3] =	ssyncadd.s32 @!p0 $0xFFFFEC00  }
0x24f: {  	_ =	swait.ge @!p0 [sflag:s3], $0x1400  }
0x250: {  	p3 =	sle.u32 s9, $0x0;
	p2 =	sle.u32 s9, $0x1;
	[sflag:s3] =	ssyncset.done @!p0 $0x0  }
0x251: {  	s11 =	simm.s32 @!p3 $0x1;
	s10 =	simm.s32 @!p2 $0x18C80;
	[sflag:s3] =	ssyncadd.s32 @!p0 $0xFFFFEC00  }
0x252: {  	s4 =	simm.s32 @!p2 $0x1CD00;
	s3 =	simm.s32 @!p2 $0x80;
	[bflag:$0x0] =	sbarrier.arrive $0xFFFF  }
0x253: {  	[tilespmem:s10], [sflag:$0x2] =	stream.indirect.gather @!p2 [hbm4b:s8+s3], $0x80, s4, s3, $0xb8;
	[tilespmem:$0x1F480] =	vst v63  }
0x254: {  	_ =	swait.ge @!p3 [sflag:s11], $0x4000  }
0x255: {  	s12 =	simm.s32 @!p3 $0x14C80;
	[sflag:s11] =	ssyncset.done @!p3 $0x0  }
0x256: {  	s4 =	simm.s32 @!p3 $0x1E080;
	[sflag:s11] =	ssyncadd.s32 @!p3 $0xFFFFC000;
	s11 =	simm.s32 @!p3 $0x80  }
0x257: {  	[spmem:s2] =	stream.indirect.scatter.add.f32 @!p3 [tilespmem:s12], [sflag:$0x5], $0x80, s4, s11, $0xb8;
	[tilespmem:$0x1F480] =	vst v63  }
0x258: {  	s4 =	simm.s32 @!p3 $0x5  }
0x259: {  	p1 =	sle.u32 s9, $0x2;
	_ =	swait.ge @!p3 [sflag:s4], $0x4000  }
0x25a: {  	s11 =	simm.s32 @!p1 $0x80;
	[sflag:s4] =	ssyncset.done @!p3 $0x0  }
0x25b: {  	s12 =	simm.s32 @!p1 $0x14C80;
	[sflag:s4] =	ssyncadd.s32 @!p3 $0xFFFFC000;
	s4 =	simm.s32 @!p1 $0x1CD80  }
0x25c: {  	[tilespmem:s12], [sflag:$0x1] =	stream.indirect.gather @!p1 [hbm4b:s8+s11], $0x80, s4, s11, $0xb8;
	[tilespmem:$0x1F480] =	vst v63  }
0x25d: {  	s4 =	simm.s32 @!p2 $0x2  }
0x25e: {  	p3 =	por p2, p2;
	_ =	swait.ge @!p2 [sflag:s4], $0x4000  }
0x25f: {  	[sflag:s4] =	ssyncset.done @!p3 $0x0  }
0x260: {  	s11 =	simm.s32 @!p2 $0x1E100;
	[sflag:s4] =	ssyncadd.s32 @!p3 $0xFFFFC000  }
0x261: {  	[spmem:s2] =	stream.indirect.scatter.add.f32 @!p3 [tilespmem:s10], [sflag:$0x4], $0x80, s11, s3, $0xb8;
	[tilespmem:$0x1F480] =	vst v63  }
0x262: {  	s24 =	simm.s32 $0x400;
	s12 =	simm.s32 $0x3;
	s11 =	simm.s32 @!p3 $0x4  }
0x263: {  	s4 =	simm.s32 $0x800;
	s3 =	simm.s32 $0x2;
	_ =	swait.ge @!p3 [sflag:s11], $0x4000  }
.LBB2_8:
0x264: {  	p4 =	por p1, p1;
	s3 =	sadd.s32 $0x2, s3  }
0x265: {  	p2 =	sge.u32 s12, s9;
	s12 =	smov.u32 s4;
	[sflag:s11] =	ssyncset.done @!p3 $0x0  }
0x266: {  	s10 =	sshra.s32 @!p2 s24, $0x2;
	s14 =	simm.s32 @!p2 $0x80;
	[sflag:s11] =	ssyncadd.s32 @!p3 $0xFFFFC000  }
0x267: {  	s16 =	simm.s32 @!p1 $0x1;
	s15 =	simm.s32 @!p2 $0x18C80;
	s11 =	sadd.s32 @!p2 $0x1CD00, s10  }
0x268: {  	[tilespmem:s15], [sflag:$0x2] =	stream.indirect.gather @!p2 [hbm4b:s8+s14], $0x80, s11, s14, $0xb8;
	[tilespmem:$0x1F480] =	vst v63  }
0x269: {  	s17 =	sadd.s32 @!p2 $0x1E100, s10;
	s11 =	sshra.s32 @!p1 s24, $0x2;
	_ =	swait.ge @!p1 [sflag:s16], $0x4000  }
0x26a: {  	s10 =	sadd.s32 @!p1 $0x1E080, s11;
	s11 =	simm.s32 @!p1 $0x5;
	[sflag:s16] =	ssyncset.done @!p1 $0x0  }
0x26b: {  	s18 =	simm.s32 @!p1 $0x14C80;
	[sflag:s16] =	ssyncadd.s32 @!p1 $0xFFFFC000;
	s16 =	simm.s32 @!p1 $0x80  }
0x26c: {  	[spmem:s2] =	stream.indirect.scatter.add.f32 @!p1 [tilespmem:s18], [sflag:$0x5], $0x80, s10, s16, $0xb8;
	[tilespmem:$0x1F480] =	vst v63  }
0x26d: {  	s4 =	sadd.s32 $0x400, s4;
	_ =	swait.ge @!p1 [sflag:s11], $0x4000;
	p1 =	sge.u32 s3, s9  }
0x26e: {  	[sflag:s11] =	ssyncset.done @!p4 $0x0;
	s10 =	sshra.s32 @!p1 s24, $0x2;
	s26 =	simm.s32 @!p1 $0x80  }
0x26f: {  	s16 =	simm.s32 @!p2 $0x2;
	[sflag:s11] =	ssyncadd.s32 @!p4 $0xFFFFC000;
	s11 =	sadd.s32 @!p1 $0x1CD80, s10  }
0x270: {  	s24 =	smov.u32 s12;
	p4 =	sne.s32 s4, $0x5000;
	s10 =	simm.s32 @!p1 $0x14C80  }
0x271: {  	[tilespmem:s10], [sflag:$0x1] =	stream.indirect.gather @!p1 [hbm4b:s8+s26], $0x80, s11, s26, $0xb8;
	[tilespmem:$0x1F480] =	vst v63  }
.Ltmp3:
0x272: {  	p3 =	por p2, p2;
	_ =	swait.ge @!p2 [sflag:s16], $0x4000;
	(pc) =	sbr.rel @p4 .LBB2_8-.Ltmp3, $4  }
0x273: {  	s11 =	simm.s32 @!p3 $0x4;
	[sflag:s16] =	ssyncset.done @!p3 $0x0  }
0x274: {  	[sflag:s16] =	ssyncadd.s32 @!p3 $0xFFFFC000  }
0x275: {  	[spmem:s2] =	stream.indirect.scatter.add.f32 @!p3 [tilespmem:s15], [sflag:$0x4], $0x80, s17, s14, $0xb8;
	[tilespmem:$0x1F480] =	vst v63  }
0x276: {  	s12 =	sadd.s32 $0x1, s3;
	_ =	swait.ge @!p3 [sflag:s11], $0x4000  }
0x277: {  	p2 =	sge.u32 s12, s9;
	[sflag:s11] =	ssyncset.done @!p3 $0x0  }
0x278: {  	s15 =	simm.s32 @!p1 $0x1;
	s4 =	sshra.s32 @!p2 s24, $0x2;
	s12 =	simm.s32 @!p2 $0x80  }
0x279: {  	[sflag:s11] =	ssyncadd.s32 @!p3 $0xFFFFC000;
	s14 =	simm.s32 @!p2 $0x18C80;
	s11 =	sadd.s32 @!p2 $0x1CD00, s4  }
0x27a: {  	[tilespmem:s14], [sflag:$0x2] =	stream.indirect.gather @!p2 [hbm4b:s8+s12], $0x80, s11, s12, $0xb8;
	[tilespmem:$0x1F480] =	vst v63  }
0x27b: {  	s16 =	simm.s32 @!p1 $0x5;
	_ =	swait.ge @!p1 [sflag:s15], $0x4000  }
0x27c: {  	s3 =	sadd.s32 $0x2, s3;
	s11 =	sshra.s32 @!p1 s24, $0x2;
	[sflag:s15] =	ssyncset.done @!p1 $0x0  }
0x27d: {  	p3 =	sge.u32 s3, s9;
	s11 =	sadd.s32 @!p1 $0x1E080, s11;
	[sflag:s15] =	ssyncadd.s32 @!p1 $0xFFFFC000  }
0x27e: {  	[spmem:s2] =	stream.indirect.scatter.add.f32 @!p1 [tilespmem:s10], [sflag:$0x5], $0x80, s11, s26, $0xb8;
	[tilespmem:$0x1F480] =	vst v63  }
0x27f: {  	s3 =	sshra.s32 @!p3 s24, $0x2;
	_ =	swait.ge @!p1 [sflag:s16], $0x4000  }
0x280: {  	s3 =	sadd.s32 @!p3 $0x1CD80, s3;
	s15 =	simm.s32 @!p3 $0x14C80;
	[sflag:s16] =	ssyncset.done @!p1 $0x0  }
0x281: {  	s10 =	simm.s32 @!p3 $0x80;
	s11 =	simm.s32 @!p2 $0x2;
	[sflag:s16] =	ssyncadd.s32 @!p1 $0xFFFFC000  }
0x282: {  	[tilespmem:s15], [sflag:$0x1] =	stream.indirect.gather @!p3 [hbm4b:s8+s10], $0x80, s3, s10, $0xb8;
	[tilespmem:$0x1F480] =	vst v63  }
0x283: {  	p1 =	por p2, p2;
	_ =	swait.ge @!p2 [sflag:s11], $0x4000  }
0x284: {  	[sflag:s11] =	ssyncset.done @!p1 $0x0  }
0x285: {  	s3 =	sadd.s32 @!p2 $0x1E100, s4;
	s4 =	simm.s32 @!p1 $0x4;
	[sflag:s11] =	ssyncadd.s32 @!p1 $0xFFFFC000  }
0x286: {  	[spmem:s2] =	stream.indirect.scatter.add.f32 @!p1 [tilespmem:s14], [sflag:$0x4], $0x80, s3, s12, $0xb8;
	[tilespmem:$0x1F480] =	vst v63  }
0x287: {  	_ =	swait.ge @!p1 [sflag:s4], $0x4000  }
0x288: {  	[sflag:s4] =	ssyncset.done @!p1 $0x0  }
0x289: {  	[sflag:s4] =	ssyncadd.s32 @!p1 $0xFFFFC000  }
0x28a: {  	[bflag:$0x0] =	sbarrier.arrive $0xFFFF  }
0x28b: {  	s3 =	simm.s32 @p0 $0x1FC4;
	s4 =	rddreg [dreg:$0xe]  }
0x28c: {  	[hbm:s4], [sflag:s3] =	dma.local @p0 [spmem:s1], $0x1900  }
0x28d: {  	s1 =	simm.s32 @p0 $0x4  }
0x28e: {  	_ =	swait.ge @p0 [sflag:s1], $0x1900  }
0x28f: {  	[sflag:s1] =	ssyncset.done @p0 $0x0  }
0x290: {  	[sflag:s1] =	ssyncadd.s32 @p0 $0xFFFFE700;
	s1 =	rddreg [dreg:$0xd]  }
0x291: {  	[hbm:s1], [sflag:s21] =	dma.local @!p0 [spmem:s22], $0x2800  }
0x292: {  	s1 =	simm.s32 @!p0 $0x4  }
0x293: {  	_ =	swait.ge @!p0 [sflag:s1], $0x2800  }
0x294: {  	s0 =	sadd.s32 $0x1, s0;
	s30 =	rddreg [dreg:$0x11]  }
0x295: {  	p1 =	sne.s32 s0, s30  }
.Ltmp4:
0x296: {  	_ = 	snop;
	(pc) =	sbr.rel @p1 .LBB2_1-.Ltmp4, $3  }
0x297: {  	_ =	sdelay $0x1  }
0x298: {  	[sflag:s1] =	ssyncset.done @!p0 $0x0  }
0x299: {  	[sflag:s1] =	ssyncadd.s32 @!p0 $0xFFFFD800  }
0x29a: {  	_ =	sfence.sel $0x180000  }
0x29b: {  	[bflag:$0x0] =	sbarrier.arrive $0xFFFF  }
0x29c: {  	_ =	strace $0x9000004D  }
0x29d: {  	s0 =	stileid.u32;
	[bflag:$0x2] =	sbarrier.arrive $0xFFFF  }
0x29e: {  	p0 =	sne.s32 s0, $0x0;
	s0 =	rddreg [dreg:$0x3]  }
0x29f: {  	s0 =	sadd.s32 @!p0 $0x100000, s0  }
0x2a0: {  	[sflag:s0] =	ssyncadd.tile.s32 @!p0 $0x1;
	_ =	shalt  }
.Lfunc_end2:
_tile_overlayer_lowered:
.L_overlay_start_2:
0x2a1: {  	(tag) =	ssettag $0x2  }
0x2a2: {  	s0 =	rddreg [dreg:$0x0];
	s2 =	stileid.u32  }
0x2a3: {  	s1 =	rddreg [dreg:$0x1];
	p0 =	sne.s32 s2, $0x0  }
0x2a4: {  	s3 =	rddreg [dreg:$0x2];
	[bflag:$0x3] =	sbarrier.arrive $0xFFFF;
	s2 =	simm.s32 @!p0 $0x1C04  }
0x2a5: {  	[timem:s3], [sflag:s2] =	dma.local @!p0 [hbm:s0], s1  }
0x2a6: {  	s0 =	simm.s32 @!p0 $0x4  }
0x2a7: {  	_ =	swait.ge @!p0 [sflag:s0], s1  }
0x2a8: {  	s1 =	ssub.s32 @!p0 $0x0, s1;
	[sflag:s0] =	ssyncset.done @!p0 $0x0  }
0x2a9: {  	[sflag:s0] =	ssyncadd.s32 @!p0 s1  }
0x2aa: {  	[bflag:$0x3] =	sbarrier.arrive $0xFFFF  }
0x2ab: {  	_ =	shalt  }

// kernel: kernel.19.cloned.1.call-start
scs
__scs_entry_jumppad:
0x0: {  	(pc) =	sbr.rel $0x88, $3  }
0x1: {  	(tag) =	ssettag $0x0;
	lr =	simm.s32 $0x1  }
0x2: {  	[smem:$0x3F99] =	sst lr;
	_ =	strace $0xD0000000  }
0x3: {  	_ = 	snop  }
0x4: {  	_ = 	snop  }
0x5: {  	_ = 	snop  }
0x6: {  	_ = 	snop  }
0x7: {  	_ = 	snop  }
__scs_overlays_trampoline_lowered:
0x8: {  	[smem:$0x3FA8] =	sst s0  }
0x9: {  	[smem:$0x3FA9] =	sst s1  }
0xa: {  	[smem:$0x3FAA] =	sst s2  }
0xb: {  	[smem:$0x3FAB] =	sst s3  }
0xc: {  	[smem:$0x3FAC] =	sst s4  }
0xd: {  	[smem:$0x3FAD] =	sst s5  }
0xe: {  	[smem:$0x3FAE] =	sst s6  }
0xf: {  	[smem:$0x3FAF] =	sst s7  }
0x10: {  	[smem:$0x3FB0] =	sst s8  }
0x11: {  	[smem:$0x3FB1] =	sst s9;
	s0 =	simm.s32 @!p0 $0x0  }
0x12: {  	s1 =	sld [smem:$0x3F97];
	s0 =	simm.s32 @p0 $0x1  }
0x13: {  	[smem:$0x3FB2] =	sst s0;
	s0 =	simm.s32 @!p1 $0x0  }
0x14: {  	s2 =	sld [smem:$0x3F96];
	s0 =	simm.s32 @p1 $0x1  }
0x15: {  	[smem:$0x3FB3] =	sst s0;
	s0 =	simm.s32 @!p2 $0x0  }
0x16: {  	s3 =	sld [smem:$0x3FDB];
	s0 =	simm.s32 @p2 $0x1  }
0x17: {  	s4 =	simm.s32 $0x1BF5;
	[smem:$0x3FB5] =	sst s0  }
0x18: {  	s0 =	sld [smem:$0x3F98];
	_ =	swait.ge [sflag:s4], $0x0  }
0x19: {  	s7 =	sld [smem:$0x3F99]  }
0x1a: {  	s8 =	sadd.s32 $0xFFFFE003, lr  }
0x1b: {  	s9 =	sadd.s32 $0xFFFFFEF7, lr;
	s5 =	simm.s32 $0xFFFFFFFF;
	p2 =	slt.u32 s8, $0xFFFFF086  }
0x1c: {  	p1 =	slt.u32 s9, $0xF7A;
	s5 =	simm.s32 @!p2 $0x0  }
0x1d: {  	s5 =	simm.s32 @p1 $0x1;
	p0 =	seq.s32 s7, s2  }
0x1e: {  	s7 =	smul.u32 @!p0 $0xF7A, s2;
	p2 =	seq.s32 @!p0 s5, $0x0  }
0x1f: {  	s9 =	smul.u32 $0xF7A, s1;
	s8 =	simm.s32 @!p0 $0x1BF5;
	p2 =	por !p2, p0  }
0x20: {  	[sflag:s8] =	ssyncset.s32 @!p0 $0xFFFFF086;
	s6 =	sadd.s32 @!p0 s3, s7;
	s7 =	simm.s32 @!p0 $0x108  }
0x21: {  	s3 =	sadd.s32 s3, s9;
	s6 =	sadd.s32 @!p0 $0x88, s6;
	s7 =	simm.s32 @p2 $0x1082  }
0x22: {  	[simem:s7], [sflag:s8] =	dma.local @!p0 [hbm:s6], $0xF7A  }
0x23: {  	s9 =	sor.u32 $0xD0000000, s2;
	s6 =	simm.s32 $0x108;
	_ =	swait.ge @!p0 [sflag:s8], $0x0  }
0x24: {  	s3 =	sadd.s32 $0x88, s3;
	s6 =	simm.s32 @!p1 $0x1082;
	[sflag:s4] =	ssyncset.s32 $0xFFFFF086  }
0x25: {  	[simem:s6], [sflag:s4] =	dma.local [hbm:s3], $0xF7A  }
0x26: {  	[smem:$0x3F99] =	sst s1;
	(tag) =	ssettag s2;
	_ =	strace s9  }
0x27: {  	s1 =	sld [smem:$0x3FA9]  }
0x28: {  	s2 =	sld [smem:$0x3FAA]  }
0x29: {  	s4 =	sld [smem:$0x3FAC]  }
0x2a: {  	p0 =	seq.s32 s5, $0x0;
	s5 =	sld [smem:$0x3FAD]  }
0x2b: {  	s6 =	sld [smem:$0x3FAE]  }
0x2c: {  	s7 =	sld [smem:$0x3FAF]  }
0x2d: {  	s3 =	simm.s32 $0x108;
	s8 =	sld [smem:$0x3FB0]  }
0x2e: {  	s3 =	simm.s32 @!p0 $0x1082;
	s9 =	sld [smem:$0x3FB1]  }
0x2f: {  	lr =	sadd.s32 s0, s3;
	s0 =	sld [smem:$0x3FA8]  }
0x30: {  	s3 =	sld [smem:$0x3FAB]  }
0x31: {  	[smem:$0x3FB4] =	sst s10  }
0x32: {  	s10 =	sld [smem:$0x3FB2];
	_ =	sdelay $0x3  }
0x33: {  	p0 =	seq.s32 s10, $0x1;
	s10 =	sld [smem:$0x3FB4];
	_ =	sdelay $0x3  }
0x34: {  	[smem:$0x3FB4] =	sst s10  }
0x35: {  	s10 =	sld [smem:$0x3FB3];
	_ =	sdelay $0x3  }
0x36: {  	p1 =	seq.s32 s10, $0x1;
	s10 =	sld [smem:$0x3FB4];
	_ =	sdelay $0x3  }
0x37: {  	[smem:$0x3FB4] =	sst s10  }
0x38: {  	s10 =	sld [smem:$0x3FB5]  }
0x39: {  	_ = 	snop;
	(pc) =	sbr.ind lr, $3  }
0x3a: {  	_ = 	snop  }
0x3b: {  	_ = 	snop  }
0x3c: {  	p2 =	seq.s32 s10, $0x1;
	s10 =	sld [smem:$0x3FB4]  }
0x3d: {  	_ =	shalt  }
0x3e: {  	_ =	shalt  }
0x3f: {  	_ =	shalt  }
0x40: {  	_ =	shalt  }
0x41: {  	_ =	shalt  }
0x42: {  	_ =	shalt  }
0x43: {  	_ =	shalt  }
0x44: {  	_ =	shalt  }
0x45: {  	_ =	shalt  }
0x46: {  	_ =	shalt  }
0x47: {  	_ =	shalt  }
0x48: {  	_ =	shalt  }
0x49: {  	_ =	shalt  }
0x4a: {  	_ =	shalt  }
0x4b: {  	_ =	shalt  }
0x4c: {  	_ =	shalt  }
0x4d: {  	_ =	shalt  }
0x4e: {  	_ =	shalt  }
0x4f: {  	_ =	shalt  }
0x50: {  	_ =	shalt  }
0x51: {  	_ =	shalt  }
0x52: {  	_ =	shalt  }
0x53: {  	_ =	shalt  }
0x54: {  	_ =	shalt  }
0x55: {  	_ =	shalt  }
0x56: {  	_ =	shalt  }
0x57: {  	_ =	shalt  }
0x58: {  	_ =	shalt  }
0x59: {  	_ =	shalt  }
0x5a: {  	_ =	shalt  }
0x5b: {  	_ =	shalt  }
0x5c: {  	_ =	shalt  }
0x5d: {  	_ =	shalt  }
0x5e: {  	_ =	shalt  }
0x5f: {  	_ =	shalt  }
0x60: {  	_ =	shalt  }
0x61: {  	_ =	shalt  }
0x62: {  	_ =	shalt  }
0x63: {  	_ =	shalt  }
0x64: {  	_ =	shalt  }
0x65: {  	_ =	shalt  }
0x66: {  	_ =	shalt  }
0x67: {  	_ =	shalt  }
0x68: {  	_ =	shalt  }
0x69: {  	_ =	shalt  }
0x6a: {  	_ =	shalt  }
0x6b: {  	_ =	shalt  }
0x6c: {  	_ =	shalt  }
0x6d: {  	_ =	shalt  }
0x6e: {  	_ =	shalt  }
0x6f: {  	_ =	shalt  }
0x70: {  	_ =	shalt  }
0x71: {  	_ =	shalt  }
0x72: {  	_ =	shalt  }
0x73: {  	_ =	shalt  }
0x74: {  	_ =	shalt  }
0x75: {  	_ =	shalt  }
0x76: {  	_ =	shalt  }
0x77: {  	_ =	shalt  }
0x78: {  	_ =	shalt  }
0x79: {  	_ =	shalt  }
0x7a: {  	_ =	shalt  }
0x7b: {  	_ =	shalt  }
0x7c: {  	_ =	shalt  }
0x7d: {  	_ =	shalt  }
0x7e: {  	_ =	shalt  }
0x7f: {  	_ =	shalt  }
0x80: {  	_ =	shalt  }
0x81: {  	_ =	shalt  }
0x82: {  	_ =	shalt  }
0x83: {  	_ =	shalt  }
0x84: {  	_ =	shalt  }
0x85: {  	_ =	shalt  }
0x86: {  	_ =	shalt  }
0x87: {  	_ =	shalt  }
.Lfunc_end0:
.L_simem_size_0:
called_computation.3_lowered:
.L_overlay_start_0:
0x88: {  	s2 =	sld [smem:$0x3FD9]  }
0x89: {  	s3 =	sld [smem:$0x3FFE];
	_ =	sdelay $0x1  }
0x8a: {  	s1 =	srdreg.scid  }
0x8b: {  	s0 =	sand.u32 $0x1, s1  }
0x8c: {  	s17 =	sshll.u32 s0, $0xA;
	s2 =	sadd.s32 s3, s2  }
0x8d: {  	s2 =	sadd.s32 s2, s17  }
0x8e: {  	[smem:$0x3FC0] =	sst s2  }
0x8f: {  	_ = 	snop  }
0x90: {  	s2 =	sld [smem:$0x3FD0];
	(tm) =	ssettm $0x1  }
0x91: {  	s18 =	sld [smem:$0x3FFB];
	_ =	sdelay $0x3  }
0x92: {  	_ =	strace s18  }
0x93: {  	s3 =	sld [smem:$0x3FFC];
	_ =	sdelay $0x3  }
0x94: {  	_ =	strace s3  }
0x95: {  	s3 =	sld [smem:$0x3FFD];
	_ =	sdelay $0x3  }
0x96: {  	_ =	strace s3  }
0x97: {  	_ =	strace $0x8FFFFFFF  }
0x98: {  	s19 =	sld [smem:$0x3FDB];
	_ =	sdelay $0x1  }
0x99: {  	s4 =	simm.s32 $_scs_section_size  }
0x9a: {  	s5 =	simm.s32 $_size__tile_overlayer_lowered;
	s6 =	simm.s32 $_tile_overlayer_lowered  }
0x9b: {  	s22 =	simm.s32 $0x1BFF;
	s21 =	sshll.u32 s6, $0x1;
	s3 =	sadd.s32 s4, s19  }
0x9c: {  	s7 =	simm.s32 $0x0;
	s20 =	sshll.u32 s5, $0x1;
	s5 =	sadd.s32 s21, s3  }
0x9d: {  	[timem:s7], [sflag:s22] =	dma.local [hbm:s5], s20  }
0x9e: {  	_ =	swait.ge [sflag:s22], s20  }
0x9f: {  	s4 =	ssub.s32 $0x0, s20;
	[sflag:s22] =	ssyncset.done $0x0  }
0xa0: {  	[sflag:s22] =	ssyncadd.s32 s4;
	_ =	sdelay $0x1  }
0xa1: {  	s23 =	simm.s32 $0x1B8B  }
0xa2: {  	_ =	swait.ge [sflag:s23], $0x1  }
0xa3: {  	[sflag:s23] =	ssyncset.done $0x0  }
0xa4: {  	s25 =	simm.s32 $0x1B8E;
	s24 =	sld [smem:$0x3FFE];
	[sflag:s23] =	ssyncadd.s32 $0xFFFFFFFF  }
0xa5: {  	s26 =	simm.s32 $execute0_lowered;
	[smem:$0x3FD2] =	sst s25  }
0xa6: {  	s5 =	sshll.u32 s26, $0x1;
	_ =	strace $0x8000004F;
	[dreg:$0x1] =	wrdreg $0xFFFFFFFF  }
0xa7: {  	s28 =	simm.s32 $_size_execute0_lowered;
	s3 =	sadd.s32 s3, s5;
	[dreg:$0x0] =	wrdreg $0x0  }
0xa8: {  	s5 =	sshll.u32 s28, $0x1;
	[dreg:$0x2] =	wrdreg s3  }
0xa9: {  	[dreg:$0x3] =	wrdreg s5  }
0xaa: {  	[dreg:$0x4] =	wrdreg $0xC0  }
0xab: {  	_ =	task [dreg:s7], $0x5FFFF  }
0xac: {  	[dreg:$0x1] =	wrdreg $0xFFFFFFFF  }
0xad: {  	[dreg:$0x0] =	wrdreg $0x60  }
0xae: {  	[dreg:$0x2] =	wrdreg s2  }
0xaf: {  	[dreg:$0x3] =	wrdreg s24  }
0xb0: {  	[dreg:$0x4] =	wrdreg $0x0  }
0xb1: {  	[dreg:$0x5] =	wrdreg $0x9  }
0xb2: {  	_ =	task.clear_ibuf [dreg:s7], $0x6FFFF;
	_ =	strace $0x9000004F  }
0xb3: {  	s29 =	simm.s32 $0x9;
	_ =	strace $0x80000051  }
0xb4: {  	_ =	swait.ge [sflag:s29], $0x1  }
0xb5: {  	[sflag:s29] =	ssyncadd.s32 $0xFFFFFFFF  }
0xb6: {  	_ =	strace $0x90000051  }
0xb7: {  	_ =	sfence  }
0xb8: {  	s30 =	sld [smem:$0x0];
	_ =	sdelay $0x2  }
0xb9: {  	s31 =	sshll.u32 s1, $0xD;
	s1 =	sshrl.u32 s1, $0x2  }
0xba: {  	s3 =	sand.u32 $0x4000, s31;
	s1 =	sadd.s32 s1, s30  }
0xbb: {  	s0 =	sor.u32 s3, s0;
	s1 =	sshll.u32 s1, $0x11  }
0xbc: {  	s0 =	sor.u32 s1, s0  }
0xbd: {  	s0 =	sadd.s32 $0x8F2B, s0  }
0xbe: {  	[sflag:s0] =	ssyncadd.remote.s32 $0x1  }
0xbf: {  	_ =	sfence.sel $0xFFFF  }
0xc0: {  	[dreg:$0x0] =	wrdreg $0xFFFFFFFF;
	(pc) =	sbr.abs _section_cstart, $3  }
0xc1: {  	[dreg:$0x1] =	wrdreg $0xFFFFFFFF  }
0xc2: {  	_ =	task.clear_ibuf [dreg:s7], $0x2FFFF;
	_ =	strace $0x9FFFFFFF  }
0xc3: {  	(tm) =	ssettm $0x7FFFFFFF  }
tec
execute0_lowered:
.L_overlay_start_1:
0x0: {  	(tag) =	ssettag $0x1  }
0x1: {  	s0 =	rddreg [dreg:$0x0]  }
0x2: {  	s1 =	rddreg [dreg:$0x1];
	s3 =	srdreg.scid  }
0x3: {  	s11 =	stileid.u32;
	s2 =	rddreg [dreg:$0x2];
	s30 =	simm.s32 $0x13880  }
0x4: {  	s31 =	simm.s32 $0x4;
	s4 =	sand.u32 $0x1, s3;
	s15 =	smul.u32 $0x14000, s11  }
0x5: {  	s5 =	sshll.u32 s11, $0x1;
	s3 =	simm.s32 $0x0;
	s16 =	smul.u32 $0x50000, s11  }
0x6: {  	s5 =	sor.u32 s4, s5;
	s9 =	ssub.s32 $0x2, s4;
	s4 =	smul.u32 $0x138800, s4  }
0x7: {  	s6 =	sadd.s32 $0x9000, s1;
	[smem:$0x7FF] =	sst s3;
	s7 =	smul.u32 $0x280, s5  }
0x8: {  	_ =	strace $0x80000050;
	[dreg:$0x4] =	wrdreg s6;
	s6 =	smul.u32 $0xFFFFFFD8, s5  }
0x9: {  	s5 =	sadd.s32 $0x9400, s1;
	s10 =	sshrl.u32 s9, $0x1;
	s18 =	sshrl.u32 s16, $0x2  }
0xa: {  	s9 =	ssub.s32 s9, s10;
	s17 =	sadd.s32 s15, s4;
	s4 =	sshrl.u32 s4, $0x3  }
0xb: {  	s10 =	sadd.s32 s18, s2;
	s8 =	sadd.s32 s7, s1;
	s0 =	sadd.s32 s0, s7  }
0xc: {  	s1 =	sadd.s32 $0x30600, s1;
	s20 =	smax.u32 s9, $0x1;
	[dreg:$0x6] =	wrdreg s0  }
0xd: {  	p0 =	slt.s32 s6, $0xFFFFFB46;
	s21 =	sadd.s32 $0x1400, s10;
	[dreg:$0x9] =	wrdreg s20  }
0xe: {  	s22 =	sadd.s32 $0x2800, s10;
	s23 =	sadd.s32 $0x3C00, s10;
	[dreg:$0xa] =	wrdreg s21  }
0xf: {  	s24 =	sadd.s32 $0x5000, s10;
	s25 =	sadd.s32 $0x6400, s10;
	[dreg:$0xb] =	wrdreg s22  }
0x10: {  	s26 =	sadd.s32 $0x7800, s10;
	s28 =	sadd.s32 $0x11800, s10;
	[dreg:$0xc] =	wrdreg s23  }
0x11: {  	s29 =	sadd.s32 $0x12C00, s10;
	s6 =	simm.s32 @!p0 $0xFFFFFB46;
	[dreg:$0xd] =	wrdreg s24  }
0x12: {  	s8 =	sadd.s32 $0x4000, s8;
	s0 =	sshrl.u32 s17, $0x3;
	[dreg:$0xe] =	wrdreg s25  }
0x13: {  	s4 =	sadd.s32 s1, s4;
	[dreg:$0xf] =	wrdreg s26;
	s20 =	sadd.s32 $0xA000, s10  }
0x14: {  	s21 =	sadd.s32 $0xB400, s10;
	s22 =	sadd.s32 $0xC800, s10;
	s23 =	sadd.s32 $0xDC00, s10  }
0x15: {  	s24 =	sadd.s32 $0xF000, s10;
	p0 =	seq.s32 s11, $0xF;
	s26 =	sadd.s32 $0x10400, s10  }
0x16: {  	s6 =	sadd.s32 $0x4E2, s6;
	[dreg:$0x5] =	wrdreg s8;
	s0 =	sadd.s32 s1, s0  }
0x17: {  	s19 =	sadd.s32 $0x25800, s4;
	s1 =	simm.s32 $0x3;
	[dreg:$0x7] =	wrdreg s0  }
0x18: {  	s4 =	simm.s32 $0x0;
	[dreg:$0x8] =	wrdreg s19;
	s0 =	sadd.s32 $0x12C000, s2  }
0x19: {  	s19 =	sadd.s32 $0x8C00, s10;
	s25 =	sshrl.u32 @p0 s0, $0x3;
	s0 =	simm.s32 $0x1CC80  }
.LBB2_1:
0x1a: {  	s7 =	rddreg [dreg:$0x4]  }
0x1b: {  	[tilespmem:s30], [sflag:$0x4] =	stream.linear.gather [hbm4b:s7+s3], $0x1400, $0x38;
	[tilespmem:$0x1F480] =	vst v63  }
0x1c: {  	_ =	swait.ge [sflag:s31], $0x1400  }
0x1d: {  	[sflag:s31] =	ssyncset.done $0x0  }
0x1e: {  	[sflag:s31] =	ssyncadd.s32 $0xFFFFEC00  }
0x1f: {  	[spmem:s10] =	stream.linear.scatter [tilespmem:s30], [sflag:$0x3], $0x1400, $0x38;
	[tilespmem:$0x1F480] =	vst v63  }
0x20: {  	s8 =	rddreg [dreg:$0xa]  }
0x21: {  	[spmem:s8] =	stream.linear.scatter [tilespmem:s30], [sflag:$0x3], $0x1400, $0x38;
	[tilespmem:$0x1F480] =	vst v63  }
0x22: {  	s9 =	rddreg [dreg:$0xb]  }
0x23: {  	[spmem:s9] =	stream.linear.scatter [tilespmem:s30], [sflag:$0x3], $0x1400, $0x38;
	[tilespmem:$0x1F480] =	vst v63  }
0x24: {  	s11 =	rddreg [dreg:$0xc]  }
0x25: {  	[spmem:s11] =	stream.linear.scatter [tilespmem:s30], [sflag:$0x3], $0x1400, $0x38;
	[tilespmem:$0x1F480] =	vst v63  }
0x26: {  	s12 =	rddreg [dreg:$0xd]  }
0x27: {  	[spmem:s12] =	stream.linear.scatter [tilespmem:s30], [sflag:$0x3], $0x1400, $0x38;
	[tilespmem:$0x1F480] =	vst v63  }
0x28: {  	s13 =	rddreg [dreg:$0xe]  }
0x29: {  	[spmem:s13] =	stream.linear.scatter [tilespmem:s30], [sflag:$0x3], $0x1400, $0x38;
	[tilespmem:$0x1F480] =	vst v63  }
0x2a: {  	s14 =	rddreg [dreg:$0xf]  }
0x2b: {  	[spmem:s14] =	stream.linear.scatter [tilespmem:s30], [sflag:$0x3], $0x1400, $0x38;
	[tilespmem:$0x1F480] =	vst v63  }
0x2c: {  	_ = 	snop  }
0x2d: {  	[spmem:s19] =	stream.linear.scatter [tilespmem:s30], [sflag:$0x3], $0x1400, $0x38;
	[tilespmem:$0x1F480] =	vst v63  }
0x2e: {  	_ = 	snop  }
0x2f: {  	[spmem:s20] =	stream.linear.scatter [tilespmem:s30], [sflag:$0x3], $0x1400, $0x38;
	[tilespmem:$0x1F480] =	vst v63  }
0x30: {  	_ = 	snop  }
0x31: {  	[spmem:s21] =	stream.linear.scatter [tilespmem:s30], [sflag:$0x3], $0x1400, $0x38;
	[tilespmem:$0x1F480] =	vst v63  }
0x32: {  	s7 =	simm.s32 @!p0 $0x13880  }
0x33: {  	[spmem:s22] =	stream.linear.scatter @!p0 [tilespmem:s7], [sflag:$0x3], $0x1400, $0x38;
	[tilespmem:$0x1F480] =	vst v63  }
0x34: {  	_ = 	snop  }
0x35: {  	[spmem:s23] =	stream.linear.scatter @!p0 [tilespmem:s7], [sflag:$0x3], $0x1400, $0x38;
	[tilespmem:$0x1F480] =	vst v63  }
0x36: {  	_ = 	snop  }
0x37: {  	[spmem:s24] =	stream.linear.scatter @!p0 [tilespmem:s7], [sflag:$0x3], $0x1400, $0x38;
	[tilespmem:$0x1F480] =	vst v63  }
0x38: {  	_ = 	snop  }
0x39: {  	[spmem:s26] =	stream.linear.scatter @!p0 [tilespmem:s7], [sflag:$0x3], $0x1400, $0x38;
	[tilespmem:$0x1F480] =	vst v63  }
0x3a: {  	_ = 	snop  }
0x3b: {  	[spmem:s28] =	stream.linear.scatter @!p0 [tilespmem:s7], [sflag:$0x3], $0x1400, $0x38;
	[tilespmem:$0x1F480] =	vst v63  }
0x3c: {  	_ = 	snop  }
0x3d: {  	[spmem:s29] =	stream.linear.scatter @!p0 [tilespmem:s7], [sflag:$0x3], $0x1400, $0x38;
	[tilespmem:$0x1F480] =	vst v63  }
0x3e: {  	s15 =	rddreg [dreg:$0x5];
	s8 =	simm.s32 $0x1E080  }
0x3f: {  	[tilespmem:s8], [sflag:$0x4] =	stream.linear.gather [hbm4b:s15+s3], $0x1400, $0x38;
	[tilespmem:$0x1F480] =	vst v63  }
0x40: {  	_ =	swait.ge [sflag:s31], $0x1400  }
0x41: {  	[sflag:s31] =	ssyncset.done $0x0  }
0x42: {  	s16 =	rddreg [dreg:$0x6];
	[sflag:s31] =	ssyncadd.s32 $0xFFFFEC00  }
0x43: {  	[tilespmem:s0], [sflag:$0x4] =	stream.linear.gather [hbm4b:s16+s3], $0x1400, $0x38;
	[tilespmem:$0x1F480] =	vst v63  }
0x44: {  	_ =	swait.ge [sflag:s31], $0x1400  }
0x45: {  	[sflag:s31] =	ssyncset.done $0x0  }
0x46: {  	[sflag:s31] =	ssyncadd.s32 $0xFFFFEC00  }
0x47: {  	_ =	swait.ge [sflag:s1], $0x1400  }
0x48: {  	[sflag:s1] =	ssyncset.done $0x0  }
0x49: {  	[sflag:s1] =	ssyncadd.s32 $0xFFFFEC00  }
0x4a: {  	_ =	swait.ge [sflag:s1], $0x1400  }
0x4b: {  	[sflag:s1] =	ssyncset.done $0x0  }
0x4c: {  	[sflag:s1] =	ssyncadd.s32 $0xFFFFEC00  }
0x4d: {  	_ =	swait.ge [sflag:s1], $0x1400  }
0x4e: {  	[sflag:s1] =	ssyncset.done $0x0  }
0x4f: {  	[sflag:s1] =	ssyncadd.s32 $0xFFFFEC00  }
0x50: {  	_ =	swait.ge [sflag:s1], $0x1400  }
0x51: {  	[sflag:s1] =	ssyncset.done $0x0  }
0x52: {  	[sflag:s1] =	ssyncadd.s32 $0xFFFFEC00  }
0x53: {  	_ =	swait.ge [sflag:s1], $0x1400  }
0x54: {  	[sflag:s1] =	ssyncset.done $0x0  }
0x55: {  	[sflag:s1] =	ssyncadd.s32 $0xFFFFEC00  }
0x56: {  	_ =	swait.ge [sflag:s1], $0x1400  }
0x57: {  	[sflag:s1] =	ssyncset.done $0x0  }
0x58: {  	[sflag:s1] =	ssyncadd.s32 $0xFFFFEC00  }
0x59: {  	_ =	swait.ge [sflag:s1], $0x1400  }
0x5a: {  	[sflag:s1] =	ssyncset.done $0x0  }
0x5b: {  	[sflag:s1] =	ssyncadd.s32 $0xFFFFEC00  }
0x5c: {  	_ =	swait.ge [sflag:s1], $0x1400  }
0x5d: {  	[sflag:s1] =	ssyncset.done $0x0  }
0x5e: {  	[sflag:s1] =	ssyncadd.s32 $0xFFFFEC00  }
0x5f: {  	_ =	swait.ge [sflag:s1], $0x1400  }
0x60: {  	[sflag:s1] =	ssyncset.done $0x0  }
0x61: {  	[sflag:s1] =	ssyncadd.s32 $0xFFFFEC00  }
0x62: {  	_ =	swait.ge [sflag:s1], $0x1400  }
0x63: {  	[sflag:s1] =	ssyncset.done $0x0  }
0x64: {  	s7 =	simm.s32 @!p0 $0x3;
	[sflag:s1] =	ssyncadd.s32 $0xFFFFEC00  }
0x65: {  	_ =	swait.ge @!p0 [sflag:s7], $0x1400  }
0x66: {  	[sflag:s7] =	ssyncset.done @!p0 $0x0  }
0x67: {  	[sflag:s7] =	ssyncadd.s32 @!p0 $0xFFFFEC00  }
0x68: {  	_ =	swait.ge @!p0 [sflag:s7], $0x1400  }
0x69: {  	[sflag:s7] =	ssyncset.done @!p0 $0x0  }
0x6a: {  	[sflag:s7] =	ssyncadd.s32 @!p0 $0xFFFFEC00  }
0x6b: {  	_ =	swait.ge @!p0 [sflag:s7], $0x1400  }
0x6c: {  	[sflag:s7] =	ssyncset.done @!p0 $0x0  }
0x6d: {  	[sflag:s7] =	ssyncadd.s32 @!p0 $0xFFFFEC00  }
0x6e: {  	_ =	swait.ge @!p0 [sflag:s7], $0x1400  }
0x6f: {  	[sflag:s7] =	ssyncset.done @!p0 $0x0  }
0x70: {  	[sflag:s7] =	ssyncadd.s32 @!p0 $0xFFFFEC00  }
0x71: {  	_ =	swait.ge @!p0 [sflag:s7], $0x1400  }
0x72: {  	[sflag:s7] =	ssyncset.done @!p0 $0x0  }
0x73: {  	[sflag:s7] =	ssyncadd.s32 @!p0 $0xFFFFEC00  }
0x74: {  	_ =	swait.ge @!p0 [sflag:s7], $0x1400  }
0x75: {  	s17 =	simm.s32 $0x80;
	[sflag:s7] =	ssyncset.done @!p0 $0x0  }
0x76: {  	s18 =	simm.s32 $0x14C80;
	p2 =	sle.u32 s6, $0x1;
	[sflag:s7] =	ssyncadd.s32 @!p0 $0xFFFFEC00  }
0x77: {  	p3 =	sle.u32 s6, $0x0;
	s9 =	simm.s32 @!p2 $0x18C80;
	[bflag:$0x0] =	sbarrier.arrive $0xFFFF  }
0x78: {  	[tilespmem:s18], [sflag:$0x1] =	stream.indirect.gather [hbm4b:s5+s17], $0x80, s0, s17, $0xb8;
	[tilespmem:$0x1F480] =	vst v63  }
0x79: {  	s11 =	simm.s32 @!p3 $0x1;
	s8 =	simm.s32 @!p2 $0x1CD00;
	s7 =	simm.s32 @!p2 $0x80  }
0x7a: {  	[tilespmem:s9], [sflag:$0x2] =	stream.indirect.gather @!p2 [hbm4b:s5+s7], $0x80, s8, s7, $0xb8;
	[tilespmem:$0x1F480] =	vst v63  }
0x7b: {  	_ =	swait.ge @!p3 [sflag:s11], $0x4000  }
0x7c: {  	s12 =	simm.s32 @!p3 $0x14C80;
	[sflag:s11] =	ssyncset.done @!p3 $0x0  }
0x7d: {  	s8 =	simm.s32 @!p3 $0x1E080;
	[sflag:s11] =	ssyncadd.s32 @!p3 $0xFFFFC000;
	s11 =	simm.s32 @!p3 $0x80  }
0x7e: {  	[spmem:s2] =	stream.indirect.scatter.add.f32 @!p3 [tilespmem:s12], [sflag:$0x5], $0x80, s8, s11, $0xb8;
	[tilespmem:$0x1F480] =	vst v63  }
0x7f: {  	s8 =	simm.s32 @!p3 $0x5  }
0x80: {  	p1 =	sle.u32 s6, $0x2;
	_ =	swait.ge @!p3 [sflag:s8], $0x4000  }
0x81: {  	s11 =	simm.s32 @!p1 $0x80;
	[sflag:s8] =	ssyncset.done @!p3 $0x0  }
0x82: {  	s12 =	simm.s32 @!p1 $0x14C80;
	[sflag:s8] =	ssyncadd.s32 @!p3 $0xFFFFC000;
	s8 =	simm.s32 @!p1 $0x1CD80  }
0x83: {  	[tilespmem:s12], [sflag:$0x1] =	stream.indirect.gather @!p1 [hbm4b:s5+s11], $0x80, s8, s11, $0xb8;
	[tilespmem:$0x1F480] =	vst v63  }
0x84: {  	s8 =	simm.s32 @!p2 $0x2  }
0x85: {  	p3 =	por p2, p2;
	_ =	swait.ge @!p2 [sflag:s8], $0x4000  }
0x86: {  	s14 =	simm.s32 $0x3;
	s11 =	simm.s32 @!p2 $0x1E100;
	[sflag:s8] =	ssyncset.done @!p3 $0x0  }
0x87: {  	s13 =	simm.s32 @!p3 $0x4;
	[sflag:s8] =	ssyncadd.s32 @!p3 $0xFFFFC000;
	s8 =	simm.s32 $0x400  }
0x88: {  	[spmem:s2] =	stream.indirect.scatter.add.f32 @!p3 [tilespmem:s9], [sflag:$0x4], $0x80, s11, s7, $0xb8;
	[tilespmem:$0x1F480] =	vst v63  }
0x89: {  	s7 =	simm.s32 $0x2;
	s9 =	simm.s32 $0x800;
	_ =	swait.ge @!p3 [sflag:s13], $0x4000  }
.LBB2_2:
0x8a: {  	p4 =	por p1, p1;
	s7 =	sadd.s32 $0x2, s7  }
0x8b: {  	p2 =	sge.u32 s14, s6;
	s14 =	smov.u32 s9;
	[sflag:s13] =	ssyncset.done @!p3 $0x0  }
0x8c: {  	s11 =	sshra.s32 @!p2 s8, $0x2;
	s15 =	simm.s32 @!p2 $0x80;
	[sflag:s13] =	ssyncadd.s32 @!p3 $0xFFFFC000  }
0x8d: {  	s16 =	simm.s32 @!p2 $0x18C80;
	s12 =	sadd.s32 @!p2 $0x1CD00, s11;
	s13 =	simm.s32 @!p1 $0x1  }
0x8e: {  	[tilespmem:s16], [sflag:$0x2] =	stream.indirect.gather @!p2 [hbm4b:s5+s15], $0x80, s12, s15, $0xb8;
	[tilespmem:$0x1F480] =	vst v63  }
0x8f: {  	s17 =	sadd.s32 @!p2 $0x1E100, s11;
	s12 =	sshra.s32 @!p1 s8, $0x2;
	_ =	swait.ge @!p1 [sflag:s13], $0x4000  }
0x90: {  	s11 =	sadd.s32 @!p1 $0x1E080, s12;
	s12 =	simm.s32 @!p1 $0x5;
	[sflag:s13] =	ssyncset.done @!p1 $0x0  }
0x91: {  	s18 =	simm.s32 @!p1 $0x14C80;
	[sflag:s13] =	ssyncadd.s32 @!p1 $0xFFFFC000;
	s13 =	simm.s32 @!p1 $0x80  }
0x92: {  	[spmem:s2] =	stream.indirect.scatter.add.f32 @!p1 [tilespmem:s18], [sflag:$0x5], $0x80, s11, s13, $0xb8;
	[tilespmem:$0x1F480] =	vst v63  }
0x93: {  	s9 =	sadd.s32 $0x400, s9;
	_ =	swait.ge @!p1 [sflag:s12], $0x4000;
	p1 =	sge.u32 s7, s6  }
0x94: {  	[sflag:s12] =	ssyncset.done @!p4 $0x0;
	s8 =	sshra.s32 @!p1 s8, $0x2;
	s11 =	simm.s32 @!p1 $0x80  }
0x95: {  	s18 =	simm.s32 @!p2 $0x2;
	[sflag:s12] =	ssyncadd.s32 @!p4 $0xFFFFC000;
	s13 =	sadd.s32 @!p1 $0x1CD80, s8  }
0x96: {  	p4 =	sne.s32 s9, $0x5000;
	s12 =	simm.s32 @!p1 $0x14C80;
	s8 =	smov.u32 s14  }
0x97: {  	[tilespmem:s12], [sflag:$0x1] =	stream.indirect.gather @!p1 [hbm4b:s5+s11], $0x80, s13, s11, $0xb8;
	[tilespmem:$0x1F480] =	vst v63  }
.Ltmp0:
0x98: {  	p3 =	por p2, p2;
	_ =	swait.ge @!p2 [sflag:s18], $0x4000;
	(pc) =	sbr.rel @p4 .LBB2_2-.Ltmp0, $4  }
0x99: {  	s13 =	simm.s32 @!p3 $0x4;
	[sflag:s18] =	ssyncset.done @!p3 $0x0  }
0x9a: {  	[sflag:s18] =	ssyncadd.s32 @!p3 $0xFFFFC000  }
0x9b: {  	[spmem:s2] =	stream.indirect.scatter.add.f32 @!p3 [tilespmem:s16], [sflag:$0x4], $0x80, s17, s15, $0xb8;
	[tilespmem:$0x1F480] =	vst v63  }
0x9c: {  	s14 =	sadd.s32 $0x1, s7;
	_ =	swait.ge @!p3 [sflag:s13], $0x4000  }
0x9d: {  	p2 =	sge.u32 s14, s6;
	[sflag:s13] =	ssyncset.done @!p3 $0x0  }
0x9e: {  	s16 =	simm.s32 @!p1 $0x1;
	s9 =	sshra.s32 @!p2 s8, $0x2;
	s14 =	simm.s32 @!p2 $0x80  }
0x9f: {  	[sflag:s13] =	ssyncadd.s32 @!p3 $0xFFFFC000;
	s15 =	simm.s32 @!p2 $0x18C80;
	s13 =	sadd.s32 @!p2 $0x1CD00, s9  }
0xa0: {  	[tilespmem:s15], [sflag:$0x2] =	stream.indirect.gather @!p2 [hbm4b:s5+s14], $0x80, s13, s14, $0xb8;
	[tilespmem:$0x1F480] =	vst v63  }
0xa1: {  	s17 =	simm.s32 @!p1 $0x5;
	_ =	swait.ge @!p1 [sflag:s16], $0x4000  }
0xa2: {  	s7 =	sadd.s32 $0x2, s7;
	s13 =	sshra.s32 @!p1 s8, $0x2;
	[sflag:s16] =	ssyncset.done @!p1 $0x0  }
0xa3: {  	p3 =	sge.u32 s7, s6;
	s13 =	sadd.s32 @!p1 $0x1E080, s13;
	[sflag:s16] =	ssyncadd.s32 @!p1 $0xFFFFC000  }
0xa4: {  	[spmem:s2] =	stream.indirect.scatter.add.f32 @!p1 [tilespmem:s12], [sflag:$0x5], $0x80, s13, s11, $0xb8;
	[tilespmem:$0x1F480] =	vst v63  }
0xa5: {  	s7 =	sshra.s32 @!p3 s8, $0x2;
	_ =	swait.ge @!p1 [sflag:s17], $0x4000  }
0xa6: {  	s8 =	simm.s32 @!p3 $0x80;
	s7 =	sadd.s32 @!p3 $0x1CD80, s7;
	[sflag:s17] =	ssyncset.done @!p1 $0x0  }
0xa7: {  	s11 =	simm.s32 @!p2 $0x2;
	s12 =	simm.s32 @!p3 $0x14C80;
	[sflag:s17] =	ssyncadd.s32 @!p1 $0xFFFFC000  }
0xa8: {  	[tilespmem:s12], [sflag:$0x1] =	stream.indirect.gather @!p3 [hbm4b:s5+s8], $0x80, s7, s8, $0xb8;
	[tilespmem:$0x1F480] =	vst v63  }
0xa9: {  	p1 =	por p2, p2;
	_ =	swait.ge @!p2 [sflag:s11], $0x4000  }
0xaa: {  	[sflag:s11] =	ssyncset.done @!p1 $0x0  }
0xab: {  	s7 =	sadd.s32 @!p2 $0x1E100, s9;
	s8 =	simm.s32 @!p1 $0x4;
	[sflag:s11] =	ssyncadd.s32 @!p1 $0xFFFFC000  }
0xac: {  	[spmem:s2] =	stream.indirect.scatter.add.f32 @!p1 [tilespmem:s15], [sflag:$0x4], $0x80, s7, s14, $0xb8;
	[tilespmem:$0x1F480] =	vst v63  }
0xad: {  	_ =	swait.ge @!p1 [sflag:s8], $0x4000  }
0xae: {  	[sflag:s8] =	ssyncset.done @!p1 $0x0  }
0xaf: {  	[sflag:s8] =	ssyncadd.s32 @!p1 $0xFFFFC000  }
0xb0: {  	[bflag:$0x0] =	sbarrier.arrive $0xFFFF  }
0xb1: {  	s7 =	simm.s32 @p0 $0x1FC4;
	s8 =	rddreg [dreg:$0x8]  }
0xb2: {  	[hbm:s8], [sflag:s7] =	dma.local @p0 [spmem:s25], $0x1900  }
0xb3: {  	s7 =	simm.s32 @p0 $0x4  }
0xb4: {  	s8 =	stileid.u32;
	_ =	swait.ge @p0 [sflag:s7], $0x1900  }
0xb5: {  	s8 =	sshll.u32 @!p0 s8, $0x6;
	[sflag:s7] =	ssyncset.done @p0 $0x0;
	s9 =	rddreg [dreg:$0x7]  }
0xb6: {  	[sflag:s7] =	ssyncadd.s32 @p0 $0xFFFFE700;
	s7 =	sor.u32 @!p0 $0x1C04, s8;
	s8 =	sshrl.u32 @!p0 s10, $0x3  }
0xb7: {  	[hbm:s9], [sflag:s7] =	dma.local @!p0 [spmem:s8], $0x2800  }
0xb8: {  	s7 =	simm.s32 @!p0 $0x4  }
0xb9: {  	_ =	swait.ge @!p0 [sflag:s7], $0x2800  }
0xba: {  	s4 =	sadd.s32 $0x1, s4;
	s18 =	rddreg [dreg:$0x9]  }
0xbb: {  	p1 =	sne.s32 s4, s18  }
.Ltmp1:
0xbc: {  	_ = 	snop;
	(pc) =	sbr.rel @p1 .LBB2_1-.Ltmp1, $3  }
0xbd: {  	_ =	sdelay $0x1  }
0xbe: {  	[sflag:s7] =	ssyncset.done @!p0 $0x0  }
0xbf: {  	[sflag:s7] =	ssyncadd.s32 @!p0 $0xFFFFD800  }
0xc0: {  	_ =	sfence.sel $0x180000  }
0xc1: {  	[bflag:$0x0] =	sbarrier.arrive $0xFFFF  }
0xc2: {  	_ =	strace $0x90000050  }
0xc3: {  	s0 =	stileid.u32;
	[bflag:$0x2] =	sbarrier.arrive $0xFFFF  }
0xc4: {  	p0 =	sne.s32 s0, $0x0;
	s0 =	rddreg [dreg:$0x3]  }
0xc5: {  	s0 =	sadd.s32 @!p0 $0x100000, s0  }
0xc6: {  	[sflag:s0] =	ssyncadd.tile.s32 @!p0 $0x1;
	_ =	shalt  }
.Lfunc_end2:
_tile_overlayer_lowered:
.L_overlay_start_2:
0xc7: {  	(tag) =	ssettag $0x2  }
0xc8: {  	s0 =	rddreg [dreg:$0x0];
	s2 =	stileid.u32  }
0xc9: {  	s1 =	rddreg [dreg:$0x1];
	p0 =	sne.s32 s2, $0x0  }
0xca: {  	s3 =	rddreg [dreg:$0x2];
	[bflag:$0x3] =	sbarrier.arrive $0xFFFF;
	s2 =	simm.s32 @!p0 $0x1C04  }
0xcb: {  	[timem:s3], [sflag:s2] =	dma.local @!p0 [hbm:s0], s1  }
0xcc: {  	s0 =	simm.s32 @!p0 $0x4  }
0xcd: {  	_ =	swait.ge @!p0 [sflag:s0], s1  }
0xce: {  	s1 =	ssub.s32 @!p0 $0x0, s1;
	[sflag:s0] =	ssyncset.done @!p0 $0x0  }
0xcf: {  	[sflag:s0] =	ssyncadd.s32 @!p0 s1  }
0xd0: {  	[bflag:$0x3] =	sbarrier.arrive $0xFFFF  }
0xd1: {  	_ =	shalt  }

</sc_bundles>
